<compile_context>
chip_gen: v7x
topology: tpu7x:2x2x1
jax: 0.10.2.dev20260603
libtpu: 0.0.44.dev20260713+nightly
codegen_flags: <defaults>
</compile_context>

<pallas_src>
import functools

import jax
import jax.numpy as jnp
from jax import lax
from jax.experimental import pallas as pl
from jax.experimental.pallas import tpu as pltpu
from jax.experimental.pallas import tpu_sc as plsc

NC, NP, DIM, H, D, F_RPE = 320000, 10000, 128, 4, 8, 16
DH = H * D
EW = 16
EPACK = 32
NR = 4
NCR = NC // NR
CHR = 25
GRP = 5
GCHR = GRP * CHR
NWORK = 32
ROWS_PER_W = NC // NWORK
PROWS_PER_W = (NC // NR) // NWORK
G_GROUPS = PROWS_PER_W // GCHR
IDXR_PER_REGION = NCR // CHR
IPW = PROWS_PER_W // CHR
CH_S = 20
GRP_S = 5
GCH_S = GRP_S * CH_S
CHUNKS_S = ROWS_PER_W // CH_S
GROUPS_S = CHUNKS_S // GRP_S
STRIPE = NP // 16
F32 = jnp.float32


def _qp_body(xp_ref, wq_ref, bq_ref, out_ref):
    scale = float(D) ** -0.5
    q = jnp.dot(xp_ref[...], wq_ref[...], preferred_element_type=F32)
    out_ref[...] = (q + bq_ref[...]) * scale


def _q_parent(x_parent, Wq, bq2d):
    return pl.pallas_call(
        _qp_body,
        out_shape=jax.ShapeDtypeStruct((NP, DH), F32),
    )(x_parent, Wq, bq2d)


def _make_gather():
    mesh = plsc.VectorSubcoreMesh(core_axis_name="c", subcore_axis_name="s")

    @functools.partial(
        pl.kernel,
        mesh=mesh,
        out_type=jax.ShapeDtypeStruct((NC // NR, 128), F32),
        compiler_params=pltpu.CompilerParams(use_tc_tiling_on_sc=False),
        scratch_types=[
            pltpu.VMEM((NR, IPW, CHR), jnp.int32),
            pltpu.VMEM((NR, GCHR, DH), F32),
            pltpu.VMEM((NR, GCHR, DH), F32),
            pltpu.VMEM((GCHR, 128), F32),
            pltpu.VMEM((GCHR, 128), F32),
            pltpu.SemaphoreType.DMA,
            pltpu.SemaphoreType.DMA,
            pltpu.SemaphoreType.DMA,
            pltpu.SemaphoreType.DMA,
            pltpu.SemaphoreType.DMA,
        ],
    )
    def gather_k(qp_hbm, idx2d_hbm, out_hbm, idxa, rows0, rows1, pk0, pk1,
                 semi, sg0, sg1, sw0, sw1):
        cid = lax.axis_index("c")
        sid = lax.axis_index("s")
        wid = sid * 2 + cid
        rows_b = (rows0, rows1)
        pk_b = (pk0, pk1)
        sg = (sg0, sg1)
        sw = (sw0, sw1)

        icps = [pltpu.async_copy(
            idx2d_hbm.at[pl.ds(c * IDXR_PER_REGION + wid * IPW, IPW)],
            idxa.at[c], semi) for c in range(NR)]
        for cp in icps:
            cp.wait()

        def g_descs(g, b):
            return [pltpu.make_async_copy(
                qp_hbm.at[idxa.at[c, g * GRP + j]],
                rows_b[b].at[c, pl.ds(j * CHR, CHR)], sg[b])
                for c in range(NR) for j in range(GRP)]

        def wb_desc(g, b):
            base = wid * PROWS_PER_W + g * GCHR
            return pltpu.make_async_copy(
                pk_b[b], out_hbm.at[pl.ds(base, GCHR)], sw[b])

        def pack(b):
            def pack_row(i, carry2):
                for c in range(NR):
                    for h in range(DH // 16):
                        pk_b[b][i, pl.ds(c * DH + h * 16, 16)] = (
                            rows_b[b][c, i, pl.ds(h * 16, 16)])
                return carry2
            lax.fori_loop(0, GCHR, pack_row, 0)

        for cp in g_descs(0, 0):
            cp.start()

        def body(s, carry):
            for b in range(2):
                g = 2 * s + b

                @pl.when(g + 1 < G_GROUPS)
                def _(g=g, b=b):
                    for cp in g_descs(g + 1, 1 - b):
                        cp.start()
                for cp in g_descs(g, b):
                    cp.wait()

                @pl.when(g >= 2)
                def _(g=g, b=b):
                    wb_desc(g - 2, b).wait()
                pack(b)
                wb_desc(g, b).start()
            return carry

        lax.fori_loop(0, G_GROUPS // 2, body, 0)
        wb_desc(G_GROUPS - 2, 0).wait()
        wb_desc(G_GROUPS - 1, 1).wait()

    return gather_k


_make_gather = functools.lru_cache(None)(_make_gather)


def _rpe_body(ea0, ea1, ea2, ea3, wr_ref, br_ref, out_ref):
    rs = [jnp.dot(ea[...], wr_ref[...], preferred_element_type=F32)
          + br_ref[...] for ea in (ea0, ea1, ea2, ea3)]
    out_ref[...] = jnp.concatenate(rs, axis=1)


def _rpe_pack(edge_attr, Wr, br2d):
    B = 4000
    G = NCR // B

    def _ea_spec(c):
        return pl.BlockSpec((B, F_RPE), lambda i, c=c: (c * G + i, 0))

    return pl.pallas_call(
        _rpe_body,
        grid=(G,),
        in_specs=[_ea_spec(0), _ea_spec(1), _ea_spec(2), _ea_spec(3),
                  pl.BlockSpec((F_RPE, DH), lambda i: (0, 0)),
                  pl.BlockSpec((1, DH), lambda i: (0, 0))],
        out_specs=pl.BlockSpec((B, NR * DH), lambda i: (i, 0)),
        out_shape=jax.ShapeDtypeStruct((NCR, NR * DH), F32),
    )(edge_attr, edge_attr, edge_attr, edge_attr, Wr, br2d)


def _fused_body(x0, x1, x2, x3, qp_ref, rpe_ref, wk_ref, wv_ref, bk_ref,
                bv_ref, w0, w1, w2, w3, e_ref):
    B = x0.shape[0]
    qp = qp_ref[...]
    rpe4 = rpe_ref[...]
    sel = (lax.broadcasted_iota(jnp.int32, (DH, H), 0) // D
           == lax.broadcasted_iota(jnp.int32, (DH, H), 1)).astype(F32)
    exp_mat = (lax.broadcasted_iota(jnp.int32, (H, DIM), 0)
               == lax.broadcasted_iota(jnp.int32, (H, DIM), 1) // DH
               ).astype(F32)
    e_parts = []
    for c, (x_ref, w_ref) in enumerate(((x0, w0), (x1, w1), (x2, w2),
                                        (x3, w3))):
        x = x_ref[...]
        k = (jnp.dot(x, wk_ref[...], preferred_element_type=F32)
             + bk_ref[...] + rpe4[:, c * DH:(c + 1) * DH])
        qk = qp[:, c * DH:(c + 1) * DH] * k
        e = jnp.exp(jnp.dot(qk, sel, preferred_element_type=F32))
        e_b = jnp.dot(e, exp_mat, preferred_element_type=F32)
        v = (jnp.dot(x, wv_ref[...], preferred_element_type=F32)
             + bv_ref[...])
        w_ref[...] = v * e_b
        e_parts.append(e)
        e_parts.append(jnp.zeros((B, EPACK - H), dtype=F32))
    e_ref[...] = jnp.concatenate(e_parts, axis=1)


def _fused(x_child, qp, rpe4, Wk, Wv, bk2d, bv2d):
    B = 2000
    G = NCR // B

    def _x_spec(c):
        return pl.BlockSpec((B, DIM), lambda i, c=c: (c * G + i, 0))

    w_spec = pl.BlockSpec((B, DIM), lambda i: (i, 0))
    return pl.pallas_call(
        _fused_body,
        grid=(G,),
        in_specs=[
            _x_spec(0), _x_spec(1), _x_spec(2), _x_spec(3),
            pl.BlockSpec((B, 128), lambda i: (i, 0)),
            pl.BlockSpec((B, 128), lambda i: (i, 0)),
            pl.BlockSpec((DIM, DH), lambda i: (0, 0)),
            pl.BlockSpec((DIM, DIM), lambda i: (0, 0)),
            pl.BlockSpec((1, DH), lambda i: (0, 0)),
            pl.BlockSpec((1, DIM), lambda i: (0, 0)),
        ],
        out_specs=[w_spec, w_spec, w_spec, w_spec,
                   pl.BlockSpec((B, NR * EPACK), lambda i: (i, 0))],
        out_shape=[jax.ShapeDtypeStruct((NCR, DIM), F32)] * NR
        + [jax.ShapeDtypeStruct((NCR, NR * EPACK), F32)],
    )(x_child, x_child, x_child, x_child, qp, rpe4, Wk, Wv, bk2d, bv2d)


def _make_scatter():
    mesh = plsc.VectorSubcoreMesh(core_axis_name="c", subcore_axis_name="s")
    @functools.partial(
        pl.kernel,
        mesh=mesh,
        out_type=[
            jax.ShapeDtypeStruct((2, NP, DIM), F32),
            jax.ShapeDtypeStruct((2, NP, EW), F32),
        ],
        compiler_params=pltpu.CompilerParams(use_tc_tiling_on_sc=False),
        scratch_types=[
            pltpu.VMEM((CHUNKS_S, CH_S), jnp.int32),
            pltpu.VMEM((GCH_S, DIM), F32),
            pltpu.VMEM((GCH_S, DIM), F32),
            pltpu.VMEM((GCH_S, EW), F32),
            pltpu.VMEM((GCH_S, EW), F32),
            pltpu.VMEM_SHARED((NP, DIM), F32),
            pltpu.VMEM_SHARED((NP, EW), F32),
            pltpu.SemaphoreType.DMA,
            pltpu.SemaphoreType.DMA,
            pltpu.SemaphoreType.DMA,
            pltpu.SemaphoreType.DMA,
            pltpu.SemaphoreType.DMA,
        ],
    )
    def scatter_k(w0_hbm, w1_hbm, w2_hbm, w3_hbm, e_hbm, idx2d_hbm,
                  zw_hbm, ze_hbm, outw_hbm, oute_hbm,
                  idxa, w0_v, w1_v, e0_v, e1_v, tw_sh, te_sh,
                  semi, sl0, sl1, ss0, ss1):
        cid = lax.axis_index("c")
        sid = lax.axis_index("s")
        wid = sid * 2 + cid
        region = wid // (NWORK // NR)
        w_hbms = (w0_hbm, w1_hbm, w2_hbm, w3_hbm)
        w_b = (w0_v, w1_v)
        e_b = (e0_v, e1_v)
        sl = (sl0, sl1)
        ss = (ss0, ss1)
        icp = pltpu.async_copy(idx2d_hbm.at[pl.ds(wid * CHUNKS_S, CHUNKS_S)],
                               idxa, semi)
        pltpu.sync_copy(zw_hbm.at[pl.ds(sid * STRIPE, STRIPE)],
                        tw_sh.at[pl.ds(sid * STRIPE, STRIPE)])
        pltpu.sync_copy(ze_hbm.at[pl.ds(sid * STRIPE, STRIPE)],
                        te_sh.at[pl.ds(sid * STRIPE, STRIPE)])
        icp.wait()
        plsc.subcore_barrier()

        def ld_descs(g, b):
            r = wid * CHUNKS_S + g * GRP_S
            out = []
            for creg in range(NR):
                lr = r * CH_S - creg * NCR
                out.append((creg,
                            pltpu.make_async_copy(
                                w_hbms[creg].at[pl.ds(lr, GCH_S)],
                                w_b[b], sl[b]),
                            pltpu.make_async_copy(
                                e_hbm.at[pl.ds(lr, GCH_S),
                                         pl.ds(creg * EPACK, EW)],
                                e_b[b], sl[b])))
            return out

        def issue_loads(g, b):
            for creg, cpw, cpe in ld_descs(g, b):
                @pl.when(region == creg)
                def _(cpw=cpw, cpe=cpe):
                    cpw.start()
                    cpe.start()

        def wait_loads(g, b):
            for creg, cpw, cpe in ld_descs(g, b):
                @pl.when(region == creg)
                def _(cpw=cpw, cpe=cpe):
                    cpw.wait()
                    cpe.wait()

        def sc_descs(g, b):
            return [pltpu.make_async_copy(
                w_b[b].at[pl.ds(j * CH_S, CH_S)],
                tw_sh.at[idxa.at[g * GRP_S + j]], ss[b])
                for j in range(GRP_S)
            ] + [pltpu.make_async_copy(
                e_b[b].at[pl.ds(j * CH_S, CH_S)],
                te_sh.at[idxa.at[g * GRP_S + j]], ss[b])
                for j in range(GRP_S)]

        issue_loads(0, 0)

        def body(s, carry):
            for b in range(2):
                g = 2 * s + b

                @pl.when(g + 1 < GROUPS_S)
                def _(g=g, b=b):
                    issue_loads(g + 1, 1 - b)
                wait_loads(g, b)
                for j in range(GRP_S):
                    pltpu.async_copy(
                        w_b[b].at[pl.ds(j * CH_S, CH_S)],
                        tw_sh.at[idxa.at[g * GRP_S + j]], ss[b], add=True)
                    pltpu.async_copy(
                        e_b[b].at[pl.ds(j * CH_S, CH_S)],
                        te_sh.at[idxa.at[g * GRP_S + j]], ss[b], add=True)
                for cp in sc_descs(g, b):
                    cp.wait()
            return carry

        lax.fori_loop(0, GROUPS_S // 2, body, 0)
        plsc.subcore_barrier()
        pltpu.sync_copy(tw_sh.at[pl.ds(sid * STRIPE, STRIPE)],
                        outw_hbm.at[cid, pl.ds(sid * STRIPE, STRIPE)])
        pltpu.sync_copy(te_sh.at[pl.ds(sid * STRIPE, STRIPE)],
                        oute_hbm.at[cid, pl.ds(sid * STRIPE, STRIPE)])

    return scatter_k


_make_scatter = functools.lru_cache(None)(_make_scatter)


def _fin_body(aw_ref, bw_ref, ae_ref, be_ref, out_ref):
    w = aw_ref[...] + bw_ref[...]
    s = ae_ref[...] + be_ref[...]
    exp_mat = (lax.broadcasted_iota(jnp.int32, (EW, DIM), 0)
               == lax.broadcasted_iota(jnp.int32, (EW, DIM), 1) // DH
               ).astype(F32)
    sb = jnp.dot(s, exp_mat, preferred_element_type=F32)
    out_ref[...] = w / (sb + 1e-16)


def _finish(tw, te):
    Bp = 2000
    return pl.pallas_call(
        _fin_body,
        grid=(NP // Bp,),
        in_specs=[
            pl.BlockSpec((Bp, DIM), lambda i: (i, 0)),
            pl.BlockSpec((Bp, DIM), lambda i: (i, 0)),
            pl.BlockSpec((Bp, EW), lambda i: (i, 0)),
            pl.BlockSpec((Bp, EW), lambda i: (i, 0)),
        ],
        out_specs=pl.BlockSpec((Bp, DIM), lambda i: (i, 0)),
        out_shape=jax.ShapeDtypeStruct((NP, DIM), F32),
    )(tw[0], tw[1], te[0], te[1])


def kernel(x_child, x_parent, index, edge_attr, Wq, bq, Wkv, bkv, Wk_rpe,
           bk_rpe):
    idx32 = index.astype(jnp.int32)
    idx2d = idx32.reshape(NC // CHR, CHR)
    idx2d_s = idx32.reshape(NC // CH_S, CH_S)
    Wk = Wkv[:, :DH]
    Wv = Wkv[:, DH:]
    rpe4 = _rpe_pack(edge_attr, Wk_rpe, bk_rpe.reshape(1, DH))
    q_parent = _q_parent(x_parent, Wq, bq.reshape(1, DH))
    qp = _make_gather()(q_parent, idx2d)
    w0, w1, w2, w3, epk = _fused(x_child, qp, rpe4, Wk, Wv,
                                 bkv[:DH].reshape(1, DH),
                                 bkv[DH:].reshape(1, DIM))
    zw = jnp.zeros((NP, DIM), dtype=F32)
    ze = jnp.zeros((NP, EW), dtype=F32)
    tw, te = _make_scatter()(w0, w1, w2, w3, epk, idx2d_s, zw, ze)
    return _finish(tw, te)

# --- scband reference (transcript-rebuilt; emitter-appended) ---
"""Pipeline reference for scband-base-attentive-pool-49263274885766 (READ-ONLY COPY).

The authoritative reference and input builder live on the scoring server;
editing this copy changes nothing except your own understanding.
"""

import jax, jax.numpy as jnp
import numpy as np

NC, NP, DIM, H, D, F_RPE = 320000, 10000, 128, 4, 8, 16
DH = H * D


def setup_inputs(seed: int = 0) -> dict:
    key = jax.random.key(seed)
    ks = jax.random.split(key, 10)
    x_child = jax.random.normal(ks[0], (NC, DIM), dtype=jnp.float32)
    x_parent = jax.random.normal(ks[1], (NP, DIM), dtype=jnp.float32)
    index = jnp.sort(jax.random.randint(ks[2], (NC,), 0, NP, dtype=jnp.int64))
    edge_attr = jax.random.normal(ks[3], (NC, F_RPE), dtype=jnp.float32)
    # Learned parameters (materialized like nn.Linear weights, stored as [in, out])
    Wq = jax.random.normal(ks[4], (DIM, DH), dtype=jnp.float32) * 0.02   # _get_query projection
    bq = jnp.zeros((DH,), dtype=jnp.float32)
    Wkv = jax.random.normal(ks[5], (DIM, DH + DIM), dtype=jnp.float32) * 0.02
    bkv = jnp.zeros((DH + DIM,), dtype=jnp.float32)
    Wk_rpe = jax.random.normal(ks[6], (F_RPE, DH), dtype=jnp.float32) * 0.02
    bk_rpe = jnp.zeros((DH,), dtype=jnp.float32)
    return {
        'x_child': x_child, 'x_parent': x_parent, 'index': index, 'edge_attr': edge_attr,
        'Wq': Wq, 'bq': bq, 'Wkv': Wkv, 'bkv': bkv, 'Wk_rpe': Wk_rpe, 'bk_rpe': bk_rpe,
    }


def _segment_softmax(compat, index, num_segments):
    m = jax.ops.segment_max(compat, index, num_segments=num_segments)
    m = jnp.where(jnp.isfinite(m), m, 0.0)
    e = jnp.exp(compat - m[index])
    s = jax.ops.segment_sum(e, index, num_segments=num_segments)
    return e / (s[index] + 1e-16)


def reference(x_child, x_parent, index, edge_attr, Wq, bq, Wkv, bkv, Wk_rpe, bk_rpe):
    Nc = x_child.shape[0]
    Np = x_parent.shape[0]
    scale = float(D) ** -0.5  # build_qk_scale_func(dim, num_heads, None) -> constant 1/sqrt(qk_dim)
    # _get_query: parent-node query projection
    q_parent = x_parent @ Wq + bq                      # (Np, DH)
    kv = x_child @ Wkv + bkv                           # (Nc, DH + DIM)
    q = jnp.take(q_parent, index, axis=0).reshape(Nc, H, D)  # gather q per child
    k = kv[:, :DH].reshape(Nc, H, D)
    v = kv[:, DH:].reshape(Nc, H, -1)
    q = q * scale
    # k_rpe relative pose encoding
    rpe = edge_attr @ Wk_rpe + bk_rpe                  # (Nc, DH), heads_share_rpe=False
    k = k + rpe.reshape(Nc, H, -1)
    compat = jnp.einsum('nhd,nhd->nh', q, k)           # (Nc, H)
    attn = _segment_softmax(compat, index, Np)         # softmax over children of each parent
    x = (v * attn[:, :, None]).reshape(Nc, DIM)
    out = jax.ops.segment_sum(x, index, num_segments=Np)  # scatter_sum -> (Np, DIM)
    return out

if __name__ == "__main__":
    import jax
    _d = setup_inputs()
    print(jax.jit(kernel)(*tuple(_d.values())))

</pallas_src>

<mosaic_0001>
#map = affine_map<(d0, d1) -> (0, 0)>
module attributes {stable_mosaic.version = 14 : i64} {
  func.func @gather_k(%arg0: i32, %arg1: i32, %arg2: memref<10000x32xf32, #tpu.memory_space<hbm>>, %arg3: memref<12800x25xi32, #tpu.memory_space<hbm>>, %arg4: memref<80000x128xf32, #tpu.memory_space<hbm>>, %arg5: memref<4x100x25xi32, #tpu.memory_space<vmem>>, %arg6: memref<4x125x32xf32, #tpu.memory_space<vmem>>, %arg7: memref<4x125x32xf32, #tpu.memory_space<vmem>>, %arg8: memref<125x128xf32, #tpu.memory_space<vmem>>, %arg9: memref<125x128xf32, #tpu.memory_space<vmem>>, %arg10: memref<!tpu.dma_semaphore, #tpu.memory_space<semaphore_mem>>, %arg11: memref<!tpu.dma_semaphore, #tpu.memory_space<semaphore_mem>>, %arg12: memref<!tpu.dma_semaphore, #tpu.memory_space<semaphore_mem>>, %arg13: memref<!tpu.dma_semaphore, #tpu.memory_space<semaphore_mem>>, %arg14: memref<!tpu.dma_semaphore, #tpu.memory_space<semaphore_mem>>) attributes {dimension_semantics = [#tpu.dimension_semantics<core_parallel>, #tpu.dimension_semantics<subcore_parallel>], iteration_bounds = array<i64: 2, 16>, scalar_prefetch = 0 : i64, scratch_operands = 10 : i64, tpu.core_type = #tpu.core_type<sc_vector_subcore>, window_params = [{transform_indices = #map}, {transform_indices = #map}, {transform_indices = #map}]} {
    %mul3A = arith.constant 2 : i32
    %mul3A_0 = arith.muli %arg1, %mul3A : i32
    %add3A = arith.addi %mul3A_0, %arg0 : i32
    %mul3A_1 = arith.constant 100 : i32
    %mul3A_2 = arith.muli %add3A, %mul3A_1 : i32
    %add3A_3 = arith.constant 0 : i32
    %add3A_4 = arith.addi %add3A_3, %mul3A_2 : i32
    %dma_start3A = arith.constant 0 : i32
    %dma_start3A_5 = arith.constant 0 : i32
    %dma_start3A_6 = arith.constant 0 : i32
    %dma_start3A_7 = tpu.memref_slice %arg5[%dma_start3A, %dma_start3A_5, %dma_start3A_6] : memref<4x100x25xi32, #tpu.memory_space<vmem>> -> memref<1x100x25xi32, #tpu.memory_space<vmem>>
    %dma_start3A_8 = tpu.memref_squeeze %dma_start3A_7 : memref<1x100x25xi32, #tpu.memory_space<vmem>> -> memref<100x25xi32, #tpu.memory_space<vmem>>
    %dma_start3A_9 = arith.constant 0 : i32
    %dma_start3A_10 = tpu.memref_slice %arg3[%add3A_4, %dma_start3A_9] : memref<12800x25xi32, #tpu.memory_space<hbm>> -> memref<100x25xi32, #tpu.memory_space<hbm>>
    %dma_start3A_11 = arith.constant 0 : i32
    %dma_start3A_12 = arith.constant 0 : i32
    %dma_start3A_13 = tpu.memref_slice %arg5[%dma_start3A, %dma_start3A_11, %dma_start3A_12] : memref<4x100x25xi32, #tpu.memory_space<vmem>> -> memref<1x100x25xi32, #tpu.memory_space<vmem>>
    %dma_start3A_14 = tpu.memref_squeeze %dma_start3A_13 : memref<1x100x25xi32, #tpu.memory_space<vmem>> -> memref<100x25xi32, #tpu.memory_space<vmem>>
    %dma_start3A_15 = arith.constant 0 : i32
    %dma_start3A_16 = tpu.memref_slice %arg3[%add3A_4, %dma_start3A_15] : memref<12800x25xi32, #tpu.memory_space<hbm>> -> memref<100x25xi32, #tpu.memory_space<hbm>>
    tpu.enqueue_dma source(%dma_start3A_16 : memref<100x25xi32, #tpu.memory_space<hbm>>) target(%dma_start3A_14 : memref<100x25xi32, #tpu.memory_space<vmem>>) target_semaphore(%arg10 : memref<!tpu.dma_semaphore, #tpu.memory_space<semaphore_mem>>)
    %mul3A_17 = arith.constant 100 : i32
    %mul3A_18 = arith.muli %add3A, %mul3A_17 : i32
    %add3A_19 = arith.constant 3200 : i32
    %add3A_20 = arith.addi %add3A_19, %mul3A_18 : i32
    %dma_start3A_21 = arith.constant 1 : i32
    %dma_start3A_22 = arith.constant 0 : i32
    %dma_start3A_23 = arith.constant 0 : i32
    %dma_start3A_24 = tpu.memref_slice %arg5[%dma_start3A_21, %dma_start3A_22, %dma_start3A_23] : memref<4x100x25xi32, #tpu.memory_space<vmem>> -> memref<1x100x25xi32, #tpu.memory_space<vmem>>
    %dma_start3A_25 = tpu.memref_squeeze %dma_start3A_24 : memref<1x100x25xi32, #tpu.memory_space<vmem>> -> memref<100x25xi32, #tpu.memory_space<vmem>>
    %dma_start3A_26 = arith.constant 0 : i32
    %dma_start3A_27 = tpu.memref_slice %arg3[%add3A_20, %dma_start3A_26] : memref<12800x25xi32, #tpu.memory_space<hbm>> -> memref<100x25xi32, #tpu.memory_space<hbm>>
    %dma_start3A_28 = arith.constant 0 : i32
    %dma_start3A_29 = arith.constant 0 : i32
    %dma_start3A_30 = tpu.memref_slice %arg5[%dma_start3A_21, %dma_start3A_28, %dma_start3A_29] : memref<4x100x25xi32, #tpu.memory_space<vmem>> -> memref<1x100x25xi32, #tpu.memory_space<vmem>>
    %dma_start3A_31 = tpu.memref_squeeze %dma_start3A_30 : memref<1x100x25xi32, #tpu.memory_space<vmem>> -> memref<100x25xi32, #tpu.memory_space<vmem>>
    %dma_start3A_32 = arith.constant 0 : i32
    %dma_start3A_33 = tpu.memref_slice %arg3[%add3A_20, %dma_start3A_32] : memref<12800x25xi32, #tpu.memory_space<hbm>> -> memref<100x25xi32, #tpu.memory_space<hbm>>
    tpu.enqueue_dma source(%dma_start3A_33 : memref<100x25xi32, #tpu.memory_space<hbm>>) target(%dma_start3A_31 : memref<100x25xi32, #tpu.memory_space<vmem>>) target_semaphore(%arg10 : memref<!tpu.dma_semaphore, #tpu.memory_space<semaphore_mem>>)
    %mul3A_34 = arith.constant 100 : i32
    %mul3A_35 = arith.muli %add3A, %mul3A_34 : i32
    %add3A_36 = arith.constant 6400 : i32
    %add3A_37 = arith.addi %add3A_36, %mul3A_35 : i32
    %dma_start3A_38 = arith.constant 2 : i32
    %dma_start3A_39 = arith.constant 0 : i32
    %dma_start3A_40 = arith.constant 0 : i32
    %dma_start3A_41 = tpu.memref_slice %arg5[%dma_start3A_38, %dma_start3A_39, %dma_start3A_40] : memref<4x100x25xi32, #tpu.memory_space<vmem>> -> memref<1x100x25xi32, #tpu.memory_space<vmem>>
    %dma_start3A_42 = tpu.memref_squeeze %dma_start3A_41 : memref<1x100x25xi32, #tpu.memory_space<vmem>> -> memref<100x25xi32, #tpu.memory_space<vmem>>
    %dma_start3A_43 = arith.constant 0 : i32
    %dma_start3A_44 = tpu.memref_slice %arg3[%add3A_37, %dma_start3A_43] : memref<12800x25xi32, #tpu.memory_space<hbm>> -> memref<100x25xi32, #tpu.memory_space<hbm>>
    %dma_start3A_45 = arith.constant 0 : i32
    %dma_start3A_46 = arith.constant 0 : i32
    %dma_start3A_47 = tpu.memref_slice %arg5[%dma_start3A_38, %dma_start3A_45, %dma_start3A_46] : memref<4x100x25xi32, #tpu.memory_space<vmem>> -> memref<1x100x25xi32, #tpu.memory_space<vmem>>
    %dma_start3A_48 = tpu.memref_squeeze %dma_start3A_47 : memref<1x100x25xi32, #tpu.memory_space<vmem>> -> memref<100x25xi32, #tpu.memory_space<vmem>>
    %dma_start3A_49 = arith.constant 0 : i32
    %dma_start3A_50 = tpu.memref_slice %arg3[%add3A_37, %dma_start3A_49] : memref<12800x25xi32, #tpu.memory_space<hbm>> -> memref<100x25xi32, #tpu.memory_space<hbm>>
    tpu.enqueue_dma source(%dma_start3A_50 : memref<100x25xi32, #tpu.memory_space<hbm>>) target(%dma_start3A_48 : memref<100x25xi32, #tpu.memory_space<vmem>>) target_semaphore(%arg10 : memref<!tpu.dma_semaphore, #tpu.memory_space<semaphore_mem>>)
    %mul3A_51 = arith.constant 100 : i32
    %mul3A_52 = arith.muli %add3A, %mul3A_51 : i32
    %add3A_53 = arith.constant 9600 : i32
    %add3A_54 = arith.addi %add3A_53, %mul3A_52 : i32
    %dma_start3A_55 = arith.constant 3 : i32
    %dma_start3A_56 = arith.constant 0 : i32
    %dma_start3A_57 = arith.constant 0 : i32
    %dma_start3A_58 = tpu.memref_slice %arg5[%dma_start3A_55, %dma_start3A_56, %dma_start3A_57] : memref<4x100x25xi32, #tpu.memory_space<vmem>> -> memref<1x100x25xi32, #tpu.memory_space<vmem>>
    %dma_start3A_59 = tpu.memref_squeeze %dma_start3A_58 : memref<1x100x25xi32, #tpu.memory_space<vmem>> -> memref<100x25xi32, #tpu.memory_space<vmem>>
    %dma_start3A_60 = arith.constant 0 : i32
    %dma_start3A_61 = tpu.memref_slice %arg3[%add3A_54, %dma_start3A_60] : memref<12800x25xi32, #tpu.memory_space<hbm>> -> memref<100x25xi32, #tpu.memory_space<hbm>>
    %dma_start3A_62 = arith.constant 0 : i32
    %dma_start3A_63 = arith.constant 0 : i32
    %dma_start3A_64 = tpu.memref_slice %arg5[%dma_start3A_55, %dma_start3A_62, %dma_start3A_63] : memref<4x100x25xi32, #tpu.memory_space<vmem>> -> memref<1x100x25xi32, #tpu.memory_space<vmem>>
    %dma_start3A_65 = tpu.memref_squeeze %dma_start3A_64 : memref<1x100x25xi32, #tpu.memory_space<vmem>> -> memref<100x25xi32, #tpu.memory_space<vmem>>
    %dma_start3A_66 = arith.constant 0 : i32
    %dma_start3A_67 = tpu.memref_slice %arg3[%add3A_54, %dma_start3A_66] : memref<12800x25xi32, #tpu.memory_space<hbm>> -> memref<100x25xi32, #tpu.memory_space<hbm>>
    tpu.enqueue_dma source(%dma_start3A_67 : memref<100x25xi32, #tpu.memory_space<hbm>>) target(%dma_start3A_65 : memref<100x25xi32, #tpu.memory_space<vmem>>) target_semaphore(%arg10 : memref<!tpu.dma_semaphore, #tpu.memory_space<semaphore_mem>>)
    %dma_wait3A = arith.constant 0 : i32
    %dma_wait3A_68 = arith.constant 0 : i32
    %dma_wait3A_69 = arith.constant 0 : i32
    %dma_wait3A_70 = tpu.memref_slice %arg5[%dma_wait3A, %dma_wait3A_68, %dma_wait3A_69] : memref<4x100x25xi32, #tpu.memory_space<vmem>> -> memref<1x100x25xi32, #tpu.memory_space<vmem>>
    %dma_wait3A_71 = tpu.memref_squeeze %dma_wait3A_70 : memref<1x100x25xi32, #tpu.memory_space<vmem>> -> memref<100x25xi32, #tpu.memory_space<vmem>>
    %dma_wait3A_72 = arith.constant 0 : i32
    %dma_wait3A_73 = tpu.memref_slice %arg3[%add3A_4, %dma_wait3A_72] : memref<12800x25xi32, #tpu.memory_space<hbm>> -> memref<100x25xi32, #tpu.memory_space<hbm>>
    %dma_wait3A_74 = arith.constant 0 : i32
    %dma_wait3A_75 = arith.constant 0 : i32
    %dma_wait3A_76 = tpu.memref_slice %arg5[%dma_wait3A, %dma_wait3A_74, %dma_wait3A_75] : memref<4x100x25xi32, #tpu.memory_space<vmem>> -> memref<1x100x25xi32, #tpu.memory_space<vmem>>
    %dma_wait3A_77 = tpu.memref_squeeze %dma_wait3A_76 : memref<1x100x25xi32, #tpu.memory_space<vmem>> -> memref<100x25xi32, #tpu.memory_space<vmem>>
    %dma_wait3A_78 = arith.constant 0 : i32
    %dma_wait3A_79 = tpu.memref_slice %arg3[%add3A_4, %dma_wait3A_78] : memref<12800x25xi32, #tpu.memory_space<hbm>> -> memref<100x25xi32, #tpu.memory_space<hbm>>
    tpu.wait_dma2 semaphore(%arg10 : memref<!tpu.dma_semaphore, #tpu.memory_space<semaphore_mem>>) src(%dma_wait3A_79 : memref<100x25xi32, #tpu.memory_space<hbm>>) dst(%dma_wait3A_77 : memref<100x25xi32, #tpu.memory_space<vmem>>)
    %dma_wait3A_80 = arith.constant 1 : i32
    %dma_wait3A_81 = arith.constant 0 : i32
    %dma_wait3A_82 = arith.constant 0 : i32
    %dma_wait3A_83 = tpu.memref_slice %arg5[%dma_wait3A_80, %dma_wait3A_81, %dma_wait3A_82] : memref<4x100x25xi32, #tpu.memory_space<vmem>> -> memref<1x100x25xi32, #tpu.memory_space<vmem>>
    %dma_wait3A_84 = tpu.memref_squeeze %dma_wait3A_83 : memref<1x100x25xi32, #tpu.memory_space<vmem>> -> memref<100x25xi32, #tpu.memory_space<vmem>>
    %dma_wait3A_85 = arith.constant 0 : i32
    %dma_wait3A_86 = tpu.memref_slice %arg3[%add3A_20, %dma_wait3A_85] : memref<12800x25xi32, #tpu.memory_space<hbm>> -> memref<100x25xi32, #tpu.memory_space<hbm>>
    %dma_wait3A_87 = arith.constant 0 : i32
    %dma_wait3A_88 = arith.constant 0 : i32
    %dma_wait3A_89 = tpu.memref_slice %arg5[%dma_wait3A_80, %dma_wait3A_87, %dma_wait3A_88] : memref<4x100x25xi32, #tpu.memory_space<vmem>> -> memref<1x100x25xi32, #tpu.memory_space<vmem>>
    %dma_wait3A_90 = tpu.memref_squeeze %dma_wait3A_89 : memref<1x100x25xi32, #tpu.memory_space<vmem>> -> memref<100x25xi32, #tpu.memory_space<vmem>>
    %dma_wait3A_91 = arith.constant 0 : i32
    %dma_wait3A_92 = tpu.memref_slice %arg3[%add3A_20, %dma_wait3A_91] : memref<12800x25xi32, #tpu.memory_space<hbm>> -> memref<100x25xi32, #tpu.memory_space<hbm>>
    tpu.wait_dma2 semaphore(%arg10 : memref<!tpu.dma_semaphore, #tpu.memory_space<semaphore_mem>>) src(%dma_wait3A_92 : memref<100x25xi32, #tpu.memory_space<hbm>>) dst(%dma_wait3A_90 : memref<100x25xi32, #tpu.memory_space<vmem>>)
    %dma_wait3A_93 = arith.constant 2 : i32
    %dma_wait3A_94 = arith.constant 0 : i32
    %dma_wait3A_95 = arith.constant 0 : i32
    %dma_wait3A_96 = tpu.memref_slice %arg5[%dma_wait3A_93, %dma_wait3A_94, %dma_wait3A_95] : memref<4x100x25xi32, #tpu.memory_space<vmem>> -> memref<1x100x25xi32, #tpu.memory_space<vmem>>
    %dma_wait3A_97 = tpu.memref_squeeze %dma_wait3A_96 : memref<1x100x25xi32, #tpu.memory_space<vmem>> -> memref<100x25xi32, #tpu.memory_space<vmem>>
    %dma_wait3A_98 = arith.constant 0 : i32
    %dma_wait3A_99 = tpu.memref_slice %arg3[%add3A_37, %dma_wait3A_98] : memref<12800x25xi32, #tpu.memory_space<hbm>> -> memref<100x25xi32, #tpu.memory_space<hbm>>
    %dma_wait3A_100 = arith.constant 0 : i32
    %dma_wait3A_101 = arith.constant 0 : i32
    %dma_wait3A_102 = tpu.memref_slice %arg5[%dma_wait3A_93, %dma_wait3A_100, %dma_wait3A_101] : memref<4x100x25xi32, #tpu.memory_space<vmem>> -> memref<1x100x25xi32, #tpu.memory_space<vmem>>
    %dma_wait3A_103 = tpu.memref_squeeze %dma_wait3A_102 : memref<1x100x25xi32, #tpu.memory_space<vmem>> -> memref<100x25xi32, #tpu.memory_space<vmem>>
    %dma_wait3A_104 = arith.constant 0 : i32
    %dma_wait3A_105 = tpu.memref_slice %arg3[%add3A_37, %dma_wait3A_104] : memref<12800x25xi32, #tpu.memory_space<hbm>> -> memref<100x25xi32, #tpu.memory_space<hbm>>
    tpu.wait_dma2 semaphore(%arg10 : memref<!tpu.dma_semaphore, #tpu.memory_space<semaphore_mem>>) src(%dma_wait3A_105 : memref<100x25xi32, #tpu.memory_space<hbm>>) dst(%dma_wait3A_103 : memref<100x25xi32, #tpu.memory_space<vmem>>)
    %dma_wait3A_106 = arith.constant 3 : i32
    %dma_wait3A_107 = arith.constant 0 : i32
    %dma_wait3A_108 = arith.constant 0 : i32
    %dma_wait3A_109 = tpu.memref_slice %arg5[%dma_wait3A_106, %dma_wait3A_107, %dma_wait3A_108] : memref<4x100x25xi32, #tpu.memory_space<vmem>> -> memref<1x100x25xi32, #tpu.memory_space<vmem>>
    %dma_wait3A_110 = tpu.memref_squeeze %dma_wait3A_109 : memref<1x100x25xi32, #tpu.memory_space<vmem>> -> memref<100x25xi32, #tpu.memory_space<vmem>>
    %dma_wait3A_111 = arith.constant 0 : i32
    %dma_wait3A_112 = tpu.memref_slice %arg3[%add3A_54, %dma_wait3A_111] : memref<12800x25xi32, #tpu.memory_space<hbm>> -> memref<100x25xi32, #tpu.memory_space<hbm>>
    %dma_wait3A_113 = arith.constant 0 : i32
    %dma_wait3A_114 = arith.constant 0 : i32
    %dma_wait3A_115 = tpu.memref_slice %arg5[%dma_wait3A_106, %dma_wait3A_113, %dma_wait3A_114] : memref<4x100x25xi32, #tpu.memory_space<vmem>> -> memref<1x100x25xi32, #tpu.memory_space<vmem>>
    %dma_wait3A_116 = tpu.memref_squeeze %dma_wait3A_115 : memref<1x100x25xi32, #tpu.memory_space<vmem>> -> memref<100x25xi32, #tpu.memory_space<vmem>>
    %dma_wait3A_117 = arith.constant 0 : i32
    %dma_wait3A_118 = tpu.memref_slice %arg3[%add3A_54, %dma_wait3A_117] : memref<12800x25xi32, #tpu.memory_space<hbm>> -> memref<100x25xi32, #tpu.memory_space<hbm>>
    tpu.wait_dma2 semaphore(%arg10 : memref<!tpu.dma_semaphore, #tpu.memory_space<semaphore_mem>>) src(%dma_wait3A_118 : memref<100x25xi32, #tpu.memory_space<hbm>>) dst(%dma_wait3A_116 : memref<100x25xi32, #tpu.memory_space<vmem>>)
    %dma_start3A_119 = arith.constant 0 : i32
    %dma_start3A_120 = arith.constant 0 : i32
    %dma_start3A_121 = arith.constant 0 : i32
    %dma_start3A_122 = arith.constant 0 : i32
    %dma_start3A_123 = arith.constant 0 : i32
    %dma_start3A_124 = tpu.memref_slice %arg6[%dma_start3A_121, %dma_start3A_122, %dma_start3A_123] : memref<4x125x32xf32, #tpu.memory_space<vmem>> -> memref<1x25x32xf32, #tpu.memory_space<vmem>>
    %dma_start3A_125 = tpu.memref_squeeze %dma_start3A_124 : memref<1x25x32xf32, #tpu.memory_space<vmem>> -> memref<25x32xf32, #tpu.memory_space<vmem>>
    %dma_start3A_126 = arith.constant 0 : i32
    %dma_start3A_127 = tpu.memref_slice %arg5[%dma_start3A_119, %dma_start3A_120, %dma_start3A_126] : memref<4x100x25xi32, #tpu.memory_space<vmem>> -> memref<1x1x25xi32, #tpu.memory_space<vmem>>
    %dma_start3A_128 = tpu.memref_squeeze %dma_start3A_127 : memref<1x1x25xi32, #tpu.memory_space<vmem>> -> memref<25xi32, #tpu.memory_space<vmem>>
    %dma_start3A_129 = arith.constant 0 : i32
    %dma_start3A_130 = arith.constant 0 : i32
    %dma_start3A_131 = tpu.memref_slice %arg2[%dma_start3A_129, %dma_start3A_130] : memref<10000x32xf32, #tpu.memory_space<hbm>> -> memref<10000x32xf32, #tpu.memory_space<hbm>>
    tpu.enqueue_indirect_dma source(%dma_start3A_131 : memref<10000x32xf32, #tpu.memory_space<hbm>>) target(%dma_start3A_125 : memref<25x32xf32, #tpu.memory_space<vmem>>) offsets(%dma_start3A_128 : memref<25xi32, #tpu.memory_space<vmem>>) semaphore(%arg11 : memref<!tpu.dma_semaphore, #tpu.memory_space<semaphore_mem>>)
    %dma_start3A_132 = arith.constant 0 : i32
    %dma_start3A_133 = arith.constant 1 : i32
    %dma_start3A_134 = arith.constant 0 : i32
    %dma_start3A_135 = arith.constant 25 : i32
    %dma_start3A_136 = arith.constant 0 : i32
    %dma_start3A_137 = tpu.memref_slice %arg6[%dma_start3A_134, %dma_start3A_135, %dma_start3A_136] : memref<4x125x32xf32, #tpu.memory_space<vmem>> -> memref<1x25x32xf32, #tpu.memory_space<vmem>>
    %dma_start3A_138 = tpu.memref_squeeze %dma_start3A_137 : memref<1x25x32xf32, #tpu.memory_space<vmem>> -> memref<25x32xf32, #tpu.memory_space<vmem>>
    %dma_start3A_139 = arith.constant 0 : i32
    %dma_start3A_140 = tpu.memref_slice %arg5[%dma_start3A_132, %dma_start3A_133, %dma_start3A_139] : memref<4x100x25xi32, #tpu.memory_space<vmem>> -> memref<1x1x25xi32, #tpu.memory_space<vmem>>
    %dma_start3A_141 = tpu.memref_squeeze %dma_start3A_140 : memref<1x1x25xi32, #tpu.memory_space<vmem>> -> memref<25xi32, #tpu.memory_space<vmem>>
    %dma_start3A_142 = arith.constant 0 : i32
    %dma_start3A_143 = arith.constant 0 : i32
    %dma_start3A_144 = tpu.memref_slice %arg2[%dma_start3A_142, %dma_start3A_143] : memref<10000x32xf32, #tpu.memory_space<hbm>> -> memref<10000x32xf32, #tpu.memory_space<hbm>>
    tpu.enqueue_indirect_dma source(%dma_start3A_144 : memref<10000x32xf32, #tpu.memory_space<hbm>>) target(%dma_start3A_138 : memref<25x32xf32, #tpu.memory_space<vmem>>) offsets(%dma_start3A_141 : memref<25xi32, #tpu.memory_space<vmem>>) semaphore(%arg11 : memref<!tpu.dma_semaphore, #tpu.memory_space<semaphore_mem>>)
    %dma_start3A_145 = arith.constant 0 : i32
    %dma_start3A_146 = arith.constant 2 : i32
    %dma_start3A_147 = arith.constant 0 : i32
    %dma_start3A_148 = arith.constant 50 : i32
    %dma_start3A_149 = arith.constant 0 : i32
    %dma_start3A_150 = tpu.memref_slice %arg6[%dma_start3A_147, %dma_start3A_148, %dma_start3A_149] : memref<4x125x32xf32, #tpu.memory_space<vmem>> -> memref<1x25x32xf32, #tpu.memory_space<vmem>>
    %dma_start3A_151 = tpu.memref_squeeze %dma_start3A_150 : memref<1x25x32xf32, #tpu.memory_space<vmem>> -> memref<25x32xf32, #tpu.memory_space<vmem>>
    %dma_start3A_152 = arith.constant 0 : i32
    %dma_start3A_153 = tpu.memref_slice %arg5[%dma_start3A_145, %dma_start3A_146, %dma_start3A_152] : memref<4x100x25xi32, #tpu.memory_space<vmem>> -> memref<1x1x25xi32, #tpu.memory_space<vmem>>
    %dma_start3A_154 = tpu.memref_squeeze %dma_start3A_153 : memref<1x1x25xi32, #tpu.memory_space<vmem>> -> memref<25xi32, #tpu.memory_space<vmem>>
    %dma_start3A_155 = arith.constant 0 : i32
    %dma_start3A_156 = arith.constant 0 : i32
    %dma_start3A_157 = tpu.memref_slice %arg2[%dma_start3A_155, %dma_start3A_156] : memref<10000x32xf32, #tpu.memory_space<hbm>> -> memref<10000x32xf32, #tpu.memory_space<hbm>>
    tpu.enqueue_indirect_dma source(%dma_start3A_157 : memref<10000x32xf32, #tpu.memory_space<hbm>>) target(%dma_start3A_151 : memref<25x32xf32, #tpu.memory_space<vmem>>) offsets(%dma_start3A_154 : memref<25xi32, #tpu.memory_space<vmem>>) semaphore(%arg11 : memref<!tpu.dma_semaphore, #tpu.memory_space<semaphore_mem>>)
    %dma_start3A_158 = arith.constant 0 : i32
    %dma_start3A_159 = arith.constant 3 : i32
    %dma_start3A_160 = arith.constant 0 : i32
    %dma_start3A_161 = arith.constant 75 : i32
    %dma_start3A_162 = arith.constant 0 : i32
    %dma_start3A_163 = tpu.memref_slice %arg6[%dma_start3A_160, %dma_start3A_161, %dma_start3A_162] : memref<4x125x32xf32, #tpu.memory_space<vmem>> -> memref<1x25x32xf32, #tpu.memory_space<vmem>>
    %dma_start3A_164 = tpu.memref_squeeze %dma_start3A_163 : memref<1x25x32xf32, #tpu.memory_space<vmem>> -> memref<25x32xf32, #tpu.memory_space<vmem>>
    %dma_start3A_165 = arith.constant 0 : i32
    %dma_start3A_166 = tpu.memref_slice %arg5[%dma_start3A_158, %dma_start3A_159, %dma_start3A_165] : memref<4x100x25xi32, #tpu.memory_space<vmem>> -> memref<1x1x25xi32, #tpu.memory_space<vmem>>
    %dma_start3A_167 = tpu.memref_squeeze %dma_start3A_166 : memref<1x1x25xi32, #tpu.memory_space<vmem>> -> memref<25xi32, #tpu.memory_space<vmem>>
    %dma_start3A_168 = arith.constant 0 : i32
    %dma_start3A_169 = arith.constant 0 : i32
    %dma_start3A_170 = tpu.memref_slice %arg2[%dma_start3A_168, %dma_start3A_169] : memref<10000x32xf32, #tpu.memory_space<hbm>> -> memref<10000x32xf32, #tpu.memory_space<hbm>>
    tpu.enqueue_indirect_dma source(%dma_start3A_170 : memref<10000x32xf32, #tpu.memory_space<hbm>>) target(%dma_start3A_164 : memref<25x32xf32, #tpu.memory_space<vmem>>) offsets(%dma_start3A_167 : memref<25xi32, #tpu.memory_space<vmem>>) semaphore(%arg11 : memref<!tpu.dma_semaphore, #tpu.memory_space<semaphore_mem>>)
    %dma_start3A_171 = arith.constant 0 : i32
    %dma_start3A_172 = arith.constant 4 : i32
    %dma_start3A_173 = arith.constant 0 : i32
    %dma_start3A_174 = arith.constant 100 : i32
    %dma_start3A_175 = arith.constant 0 : i32
    %dma_start3A_176 = tpu.memref_slice %arg6[%dma_start3A_173, %dma_start3A_174, %dma_start3A_175] : memref<4x125x32xf32, #tpu.memory_space<vmem>> -> memref<1x25x32xf32, #tpu.memory_space<vmem>>
    %dma_start3A_177 = tpu.memref_squeeze %dma_start3A_176 : memref<1x25x32xf32, #tpu.memory_space<vmem>> -> memref<25x32xf32, #tpu.memory_space<vmem>>
    %dma_start3A_178 = arith.constant 0 : i32
    %dma_start3A_179 = tpu.memref_slice %arg5[%dma_start3A_171, %dma_start3A_172, %dma_start3A_178] : memref<4x100x25xi32, #tpu.memory_space<vmem>> -> memref<1x1x25xi32, #tpu.memory_space<vmem>>
    %dma_start3A_180 = tpu.memref_squeeze %dma_start3A_179 : memref<1x1x25xi32, #tpu.memory_space<vmem>> -> memref<25xi32, #tpu.memory_space<vmem>>
    %dma_start3A_181 = arith.constant 0 : i32
    %dma_start3A_182 = arith.constant 0 : i32
    %dma_start3A_183 = tpu.memref_slice %arg2[%dma_start3A_181, %dma_start3A_182] : memref<10000x32xf32, #tpu.memory_space<hbm>> -> memref<10000x32xf32, #tpu.memory_space<hbm>>
    tpu.enqueue_indirect_dma source(%dma_start3A_183 : memref<10000x32xf32, #tpu.memory_space<hbm>>) target(%dma_start3A_177 : memref<25x32xf32, #tpu.memory_space<vmem>>) offsets(%dma_start3A_180 : memref<25xi32, #tpu.memory_space<vmem>>) semaphore(%arg11 : memref<!tpu.dma_semaphore, #tpu.memory_space<semaphore_mem>>)
    %dma_start3A_184 = arith.constant 1 : i32
    %dma_start3A_185 = arith.constant 0 : i32
    %dma_start3A_186 = arith.constant 1 : i32
    %dma_start3A_187 = arith.constant 0 : i32
    %dma_start3A_188 = arith.constant 0 : i32
    %dma_start3A_189 = tpu.memref_slice %arg6[%dma_start3A_186, %dma_start3A_187, %dma_start3A_188] : memref<4x125x32xf32, #tpu.memory_space<vmem>> -> memref<1x25x32xf32, #tpu.memory_space<vmem>>
    %dma_start3A_190 = tpu.memref_squeeze %dma_start3A_189 : memref<1x25x32xf32, #tpu.memory_space<vmem>> -> memref<25x32xf32, #tpu.memory_space<vmem>>
    %dma_start3A_191 = arith.constant 0 : i32
    %dma_start3A_192 = tpu.memref_slice %arg5[%dma_start3A_184, %dma_start3A_185, %dma_start3A_191] : memref<4x100x25xi32, #tpu.memory_space<vmem>> -> memref<1x1x25xi32, #tpu.memory_space<vmem>>
    %dma_start3A_193 = tpu.memref_squeeze %dma_start3A_192 : memref<1x1x25xi32, #tpu.memory_space<vmem>> -> memref<25xi32, #tpu.memory_space<vmem>>
    %dma_start3A_194 = arith.constant 0 : i32
    %dma_start3A_195 = arith.constant 0 : i32
    %dma_start3A_196 = tpu.memref_slice %arg2[%dma_start3A_194, %dma_start3A_195] : memref<10000x32xf32, #tpu.memory_space<hbm>> -> memref<10000x32xf32, #tpu.memory_space<hbm>>
    tpu.enqueue_indirect_dma source(%dma_start3A_196 : memref<10000x32xf32, #tpu.memory_space<hbm>>) target(%dma_start3A_190 : memref<25x32xf32, #tpu.memory_space<vmem>>) offsets(%dma_start3A_193 : memref<25xi32, #tpu.memory_space<vmem>>) semaphore(%arg11 : memref<!tpu.dma_semaphore, #tpu.memory_space<semaphore_mem>>)
    %dma_start3A_197 = arith.constant 1 : i32
    %dma_start3A_198 = arith.constant 1 : i32
    %dma_start3A_199 = arith.constant 1 : i32
    %dma_start3A_200 = arith.constant 25 : i32
    %dma_start3A_201 = arith.constant 0 : i32
    %dma_start3A_202 = tpu.memref_slice %arg6[%dma_start3A_199, %dma_start3A_200, %dma_start3A_201] : memref<4x125x32xf32, #tpu.memory_space<vmem>> -> memref<1x25x32xf32, #tpu.memory_space<vmem>>
    %dma_start3A_203 = tpu.memref_squeeze %dma_start3A_202 : memref<1x25x32xf32, #tpu.memory_space<vmem>> -> memref<25x32xf32, #tpu.memory_space<vmem>>
    %dma_start3A_204 = arith.constant 0 : i32
    %dma_start3A_205 = tpu.memref_slice %arg5[%dma_start3A_197, %dma_start3A_198, %dma_start3A_204] : memref<4x100x25xi32, #tpu.memory_space<vmem>> -> memref<1x1x25xi32, #tpu.memory_space<vmem>>
    %dma_start3A_206 = tpu.memref_squeeze %dma_start3A_205 : memref<1x1x25xi32, #tpu.memory_space<vmem>> -> memref<25xi32, #tpu.memory_space<vmem>>
    %dma_start3A_207 = arith.constant 0 : i32
    %dma_start3A_208 = arith.constant 0 : i32
    %dma_start3A_209 = tpu.memref_slice %arg2[%dma_start3A_207, %dma_start3A_208] : memref<10000x32xf32, #tpu.memory_space<hbm>> -> memref<10000x32xf32, #tpu.memory_space<hbm>>
    tpu.enqueue_indirect_dma source(%dma_start3A_209 : memref<10000x32xf32, #tpu.memory_space<hbm>>) target(%dma_start3A_203 : memref<25x32xf32, #tpu.memory_space<vmem>>) offsets(%dma_start3A_206 : memref<25xi32, #tpu.memory_space<vmem>>) semaphore(%arg11 : memref<!tpu.dma_semaphore, #tpu.memory_space<semaphore_mem>>)
    %dma_start3A_210 = arith.constant 1 : i32
    %dma_start3A_211 = arith.constant 2 : i32
    %dma_start3A_212 = arith.constant 1 : i32
    %dma_start3A_213 = arith.constant 50 : i32
    %dma_start3A_214 = arith.constant 0 : i32
    %dma_start3A_215 = tpu.memref_slice %arg6[%dma_start3A_212, %dma_start3A_213, %dma_start3A_214] : memref<4x125x32xf32, #tpu.memory_space<vmem>> -> memref<1x25x32xf32, #tpu.memory_space<vmem>>
    %dma_start3A_216 = tpu.memref_squeeze %dma_start3A_215 : memref<1x25x32xf32, #tpu.memory_space<vmem>> -> memref<25x32xf32, #tpu.memory_space<vmem>>
    %dma_start3A_217 = arith.constant 0 : i32
    %dma_start3A_218 = tpu.memref_slice %arg5[%dma_start3A_210, %dma_start3A_211, %dma_start3A_217] : memref<4x100x25xi32, #tpu.memory_space<vmem>> -> memref<1x1x25xi32, #tpu.memory_space<vmem>>
    %dma_start3A_219 = tpu.memref_squeeze %dma_start3A_218 : memref<1x1x25xi32, #tpu.memory_space<vmem>> -> memref<25xi32, #tpu.memory_space<vmem>>
    %dma_start3A_220 = arith.constant 0 : i32
    %dma_start3A_221 = arith.constant 0 : i32
    %dma_start3A_222 = tpu.memref_slice %arg2[%dma_start3A_220, %dma_start3A_221] : memref<10000x32xf32, #tpu.memory_space<hbm>> -> memref<10000x32xf32, #tpu.memory_space<hbm>>
    tpu.enqueue_indirect_dma source(%dma_start3A_222 : memref<10000x32xf32, #tpu.memory_space<hbm>>) target(%dma_start3A_216 : memref<25x32xf32, #tpu.memory_space<vmem>>) offsets(%dma_start3A_219 : memref<25xi32, #tpu.memory_space<vmem>>) semaphore(%arg11 : memref<!tpu.dma_semaphore, #tpu.memory_space<semaphore_mem>>)
    %dma_start3A_223 = arith.constant 1 : i32
    %dma_start3A_224 = arith.constant 3 : i32
    %dma_start3A_225 = arith.constant 1 : i32
    %dma_start3A_226 = arith.constant 75 : i32
    %dma_start3A_227 = arith.constant 0 : i32
    %dma_start3A_228 = tpu.memref_slice %arg6[%dma_start3A_225, %dma_start3A_226, %dma_start3A_227] : memref<4x125x32xf32, #tpu.memory_space<vmem>> -> memref<1x25x32xf32, #tpu.memory_space<vmem>>
    %dma_start3A_229 = tpu.memref_squeeze %dma_start3A_228 : memref<1x25x32xf32, #tpu.memory_space<vmem>> -> memref<25x32xf32, #tpu.memory_space<vmem>>
    %dma_start3A_230 = arith.constant 0 : i32
    %dma_start3A_231 = tpu.memref_slice %arg5[%dma_start3A_223, %dma_start3A_224, %dma_start3A_230] : memref<4x100x25xi32, #tpu.memory_space<vmem>> -> memref<1x1x25xi32, #tpu.memory_space<vmem>>
    %dma_start3A_232 = tpu.memref_squeeze %dma_start3A_231 : memref<1x1x25xi32, #tpu.memory_space<vmem>> -> memref<25xi32, #tpu.memory_space<vmem>>
    %dma_start3A_233 = arith.constant 0 : i32
    %dma_start3A_234 = arith.constant 0 : i32
    %dma_start3A_235 = tpu.memref_slice %arg2[%dma_start3A_233, %dma_start3A_234] : memref<10000x32xf32, #tpu.memory_space<hbm>> -> memref<10000x32xf32, #tpu.memory_space<hbm>>
    tpu.enqueue_indirect_dma source(%dma_start3A_235 : memref<10000x32xf32, #tpu.memory_space<hbm>>) target(%dma_start3A_229 : memref<25x32xf32, #tpu.memory_space<vmem>>) offsets(%dma_start3A_232 : memref<25xi32, #tpu.memory_space<vmem>>) semaphore(%arg11 : memref<!tpu.dma_semaphore, #tpu.memory_space<semaphore_mem>>)
    %dma_start3A_236 = arith.constant 1 : i32
    %dma_start3A_237 = arith.constant 4 : i32
    %dma_start3A_238 = arith.constant 1 : i32
    %dma_start3A_239 = arith.constant 100 : i32
    %dma_start3A_240 = arith.constant 0 : i32
    %dma_start3A_241 = tpu.memref_slice %arg6[%dma_start3A_238, %dma_start3A_239, %dma_start3A_240] : memref<4x125x32xf32, #tpu.memory_space<vmem>> -> memref<1x25x32xf32, #tpu.memory_space<vmem>>
    %dma_start3A_242 = tpu.memref_squeeze %dma_start3A_241 : memref<1x25x32xf32, #tpu.memory_space<vmem>> -> memref<25x32xf32, #tpu.memory_space<vmem>>
    %dma_start3A_243 = arith.constant 0 : i32
    %dma_start3A_244 = tpu.memref_slice %arg5[%dma_start3A_236, %dma_start3A_237, %dma_start3A_243] : memref<4x100x25xi32, #tpu.memory_space<vmem>> -> memref<1x1x25xi32, #tpu.memory_space<vmem>>
    %dma_start3A_245 = tpu.memref_squeeze %dma_start3A_244 : memref<1x1x25xi32, #tpu.memory_space<vmem>> -> memref<25xi32, #tpu.memory_space<vmem>>
    %dma_start3A_246 = arith.constant 0 : i32
    %dma_start3A_247 = arith.constant 0 : i32
    %dma_start3A_248 = tpu.memref_slice %arg2[%dma_start3A_246, %dma_start3A_247] : memref<10000x32xf32, #tpu.memory_space<hbm>> -> memref<10000x32xf32, #tpu.memory_space<hbm>>
    tpu.enqueue_indirect_dma source(%dma_start3A_248 : memref<10000x32xf32, #tpu.memory_space<hbm>>) target(%dma_start3A_242 : memref<25x32xf32, #tpu.memory_space<vmem>>) offsets(%dma_start3A_245 : memref<25xi32, #tpu.memory_space<vmem>>) semaphore(%arg11 : memref<!tpu.dma_semaphore, #tpu.memory_space<semaphore_mem>>)
    %dma_start3A_249 = arith.constant 2 : i32
    %dma_start3A_250 = arith.constant 0 : i32
    %dma_start3A_251 = arith.constant 2 : i32
    %dma_start3A_252 = arith.constant 0 : i32
    %dma_start3A_253 = arith.constant 0 : i32
    %dma_start3A_254 = tpu.memref_slice %arg6[%dma_start3A_251, %dma_start3A_252, %dma_start3A_253] : memref<4x125x32xf32, #tpu.memory_space<vmem>> -> memref<1x25x32xf32, #tpu.memory_space<vmem>>
    %dma_start3A_255 = tpu.memref_squeeze %dma_start3A_254 : memref<1x25x32xf32, #tpu.memory_space<vmem>> -> memref<25x32xf32, #tpu.memory_space<vmem>>
    %dma_start3A_256 = arith.constant 0 : i32
    %dma_start3A_257 = tpu.memref_slice %arg5[%dma_start3A_249, %dma_start3A_250, %dma_start3A_256] : memref<4x100x25xi32, #tpu.memory_space<vmem>> -> memref<1x1x25xi32, #tpu.memory_space<vmem>>
    %dma_start3A_258 = tpu.memref_squeeze %dma_start3A_257 : memref<1x1x25xi32, #tpu.memory_space<vmem>> -> memref<25xi32, #tpu.memory_space<vmem>>
    %dma_start3A_259 = arith.constant 0 : i32
    %dma_start3A_260 = arith.constant 0 : i32
    %dma_start3A_261 = tpu.memref_slice %arg2[%dma_start3A_259, %dma_start3A_260] : memref<10000x32xf32, #tpu.memory_space<hbm>> -> memref<10000x32xf32, #tpu.memory_space<hbm>>
    tpu.enqueue_indirect_dma source(%dma_start3A_261 : memref<10000x32xf32, #tpu.memory_space<hbm>>) target(%dma_start3A_255 : memref<25x32xf32, #tpu.memory_space<vmem>>) offsets(%dma_start3A_258 : memref<25xi32, #tpu.memory_space<vmem>>) semaphore(%arg11 : memref<!tpu.dma_semaphore, #tpu.memory_space<semaphore_mem>>)
    %dma_start3A_262 = arith.constant 2 : i32
    %dma_start3A_263 = arith.constant 1 : i32
    %dma_start3A_264 = arith.constant 2 : i32
    %dma_start3A_265 = arith.constant 25 : i32
    %dma_start3A_266 = arith.constant 0 : i32
    %dma_start3A_267 = tpu.memref_slice %arg6[%dma_start3A_264, %dma_start3A_265, %dma_start3A_266] : memref<4x125x32xf32, #tpu.memory_space<vmem>> -> memref<1x25x32xf32, #tpu.memory_space<vmem>>
    %dma_start3A_268 = tpu.memref_squeeze %dma_start3A_267 : memref<1x25x32xf32, #tpu.memory_space<vmem>> -> memref<25x32xf32, #tpu.memory_space<vmem>>
    %dma_start3A_269 = arith.constant 0 : i32
    %dma_start3A_270 = tpu.memref_slice %arg5[%dma_start3A_262, %dma_start3A_263, %dma_start3A_269] : memref<4x100x25xi32, #tpu.memory_space<vmem>> -> memref<1x1x25xi32, #tpu.memory_space<vmem>>
    %dma_start3A_271 = tpu.memref_squeeze %dma_start3A_270 : memref<1x1x25xi32, #tpu.memory_space<vmem>> -> memref<25xi32, #tpu.memory_space<vmem>>
    %dma_start3A_272 = arith.constant 0 : i32
    %dma_start3A_273 = arith.constant 0 : i32
    %dma_start3A_274 = tpu.memref_slice %arg2[%dma_start3A_272, %dma_start3A_273] : memref<10000x32xf32, #tpu.memory_space<hbm>> -> memref<10000x32xf32, #tpu.memory_space<hbm>>
    tpu.enqueue_indirect_dma source(%dma_start3A_274 : memref<10000x32xf32, #tpu.memory_space<hbm>>) target(%dma_start3A_268 : memref<25x32xf32, #tpu.memory_space<vmem>>) offsets(%dma_start3A_271 : memref<25xi32, #tpu.memory_space<vmem>>) semaphore(%arg11 : memref<!tpu.dma_semaphore, #tpu.memory_space<semaphore_mem>>)
    %dma_start3A_275 = arith.constant 2 : i32
    %dma_start3A_276 = arith.constant 2 : i32
    %dma_start3A_277 = arith.constant 2 : i32
    %dma_start3A_278 = arith.constant 50 : i32
    %dma_start3A_279 = arith.constant 0 : i32
    %dma_start3A_280 = tpu.memref_slice %arg6[%dma_start3A_277, %dma_start3A_278, %dma_start3A_279] : memref<4x125x32xf32, #tpu.memory_space<vmem>> -> memref<1x25x32xf32, #tpu.memory_space<vmem>>
    %dma_start3A_281 = tpu.memref_squeeze %dma_start3A_280 : memref<1x25x32xf32, #tpu.memory_space<vmem>> -> memref<25x32xf32, #tpu.memory_space<vmem>>
    %dma_start3A_282 = arith.constant 0 : i32
    %dma_start3A_283 = tpu.memref_slice %arg5[%dma_start3A_275, %dma_start3A_276, %dma_start3A_282] : memref<4x100x25xi32, #tpu.memory_space<vmem>> -> memref<1x1x25xi32, #tpu.memory_space<vmem>>
    %dma_start3A_284 = tpu.memref_squeeze %dma_start3A_283 : memref<1x1x25xi32, #tpu.memory_space<vmem>> -> memref<25xi32, #tpu.memory_space<vmem>>
    %dma_start3A_285 = arith.constant 0 : i32
    %dma_start3A_286 = arith.constant 0 : i32
    %dma_start3A_287 = tpu.memref_slice %arg2[%dma_start3A_285, %dma_start3A_286] : memref<10000x32xf32, #tpu.memory_space<hbm>> -> memref<10000x32xf32, #tpu.memory_space<hbm>>
    tpu.enqueue_indirect_dma source(%dma_start3A_287 : memref<10000x32xf32, #tpu.memory_space<hbm>>) target(%dma_start3A_281 : memref<25x32xf32, #tpu.memory_space<vmem>>) offsets(%dma_start3A_284 : memref<25xi32, #tpu.memory_space<vmem>>) semaphore(%arg11 : memref<!tpu.dma_semaphore, #tpu.memory_space<semaphore_mem>>)
    %dma_start3A_288 = arith.constant 2 : i32
    %dma_start3A_289 = arith.constant 3 : i32
    %dma_start3A_290 = arith.constant 2 : i32
    %dma_start3A_291 = arith.constant 75 : i32
    %dma_start3A_292 = arith.constant 0 : i32
    %dma_start3A_293 = tpu.memref_slice %arg6[%dma_start3A_290, %dma_start3A_291, %dma_start3A_292] : memref<4x125x32xf32, #tpu.memory_space<vmem>> -> memref<1x25x32xf32, #tpu.memory_space<vmem>>
    %dma_start3A_294 = tpu.memref_squeeze %dma_start3A_293 : memref<1x25x32xf32, #tpu.memory_space<vmem>> -> memref<25x32xf32, #tpu.memory_space<vmem>>
    %dma_start3A_295 = arith.constant 0 : i32
    %dma_start3A_296 = tpu.memref_slice %arg5[%dma_start3A_288, %dma_start3A_289, %dma_start3A_295] : memref<4x100x25xi32, #tpu.memory_space<vmem>> -> memref<1x1x25xi32, #tpu.memory_space<vmem>>
    %dma_start3A_297 = tpu.memref_squeeze %dma_start3A_296 : memref<1x1x25xi32, #tpu.memory_space<vmem>> -> memref<25xi32, #tpu.memory_space<vmem>>
    %dma_start3A_298 = arith.constant 0 : i32
    %dma_start3A_299 = arith.constant 0 : i32
    %dma_start3A_300 = tpu.memref_slice %arg2[%dma_start3A_298, %dma_start3A_299] : memref<10000x32xf32, #tpu.memory_space<hbm>> -> memref<10000x32xf32, #tpu.memory_space<hbm>>
    tpu.enqueue_indirect_dma source(%dma_start3A_300 : memref<10000x32xf32, #tpu.memory_space<hbm>>) target(%dma_start3A_294 : memref<25x32xf32, #tpu.memory_space<vmem>>) offsets(%dma_start3A_297 : memref<25xi32, #tpu.memory_space<vmem>>) semaphore(%arg11 : memref<!tpu.dma_semaphore, #tpu.memory_space<semaphore_mem>>)
    %dma_start3A_301 = arith.constant 2 : i32
    %dma_start3A_302 = arith.constant 4 : i32
    %dma_start3A_303 = arith.constant 2 : i32
    %dma_start3A_304 = arith.constant 100 : i32
    %dma_start3A_305 = arith.constant 0 : i32
    %dma_start3A_306 = tpu.memref_slice %arg6[%dma_start3A_303, %dma_start3A_304, %dma_start3A_305] : memref<4x125x32xf32, #tpu.memory_space<vmem>> -> memref<1x25x32xf32, #tpu.memory_space<vmem>>
    %dma_start3A_307 = tpu.memref_squeeze %dma_start3A_306 : memref<1x25x32xf32, #tpu.memory_space<vmem>> -> memref<25x32xf32, #tpu.memory_space<vmem>>
    %dma_start3A_308 = arith.constant 0 : i32
    %dma_start3A_309 = tpu.memref_slice %arg5[%dma_start3A_301, %dma_start3A_302, %dma_start3A_308] : memref<4x100x25xi32, #tpu.memory_space<vmem>> -> memref<1x1x25xi32, #tpu.memory_space<vmem>>
    %dma_start3A_310 = tpu.memref_squeeze %dma_start3A_309 : memref<1x1x25xi32, #tpu.memory_space<vmem>> -> memref<25xi32, #tpu.memory_space<vmem>>
    %dma_start3A_311 = arith.constant 0 : i32
    %dma_start3A_312 = arith.constant 0 : i32
    %dma_start3A_313 = tpu.memref_slice %arg2[%dma_start3A_311, %dma_start3A_312] : memref<10000x32xf32, #tpu.memory_space<hbm>> -> memref<10000x32xf32, #tpu.memory_space<hbm>>
    tpu.enqueue_indirect_dma source(%dma_start3A_313 : memref<10000x32xf32, #tpu.memory_space<hbm>>) target(%dma_start3A_307 : memref<25x32xf32, #tpu.memory_space<vmem>>) offsets(%dma_start3A_310 : memref<25xi32, #tpu.memory_space<vmem>>) semaphore(%arg11 : memref<!tpu.dma_semaphore, #tpu.memory_space<semaphore_mem>>)
    %dma_start3A_314 = arith.constant 3 : i32
    %dma_start3A_315 = arith.constant 0 : i32
    %dma_start3A_316 = arith.constant 3 : i32
    %dma_start3A_317 = arith.constant 0 : i32
    %dma_start3A_318 = arith.constant 0 : i32
    %dma_start3A_319 = tpu.memref_slice %arg6[%dma_start3A_316, %dma_start3A_317, %dma_start3A_318] : memref<4x125x32xf32, #tpu.memory_space<vmem>> -> memref<1x25x32xf32, #tpu.memory_space<vmem>>
    %dma_start3A_320 = tpu.memref_squeeze %dma_start3A_319 : memref<1x25x32xf32, #tpu.memory_space<vmem>> -> memref<25x32xf32, #tpu.memory_space<vmem>>
    %dma_start3A_321 = arith.constant 0 : i32
    %dma_start3A_322 = tpu.memref_slice %arg5[%dma_start3A_314, %dma_start3A_315, %dma_start3A_321] : memref<4x100x25xi32, #tpu.memory_space<vmem>> -> memref<1x1x25xi32, #tpu.memory_space<vmem>>
    %dma_start3A_323 = tpu.memref_squeeze %dma_start3A_322 : memref<1x1x25xi32, #tpu.memory_space<vmem>> -> memref<25xi32, #tpu.memory_space<vmem>>
    %dma_start3A_324 = arith.constant 0 : i32
    %dma_start3A_325 = arith.constant 0 : i32
    %dma_start3A_326 = tpu.memref_slice %arg2[%dma_start3A_324, %dma_start3A_325] : memref<10000x32xf32, #tpu.memory_space<hbm>> -> memref<10000x32xf32, #tpu.memory_space<hbm>>
    tpu.enqueue_indirect_dma source(%dma_start3A_326 : memref<10000x32xf32, #tpu.memory_space<hbm>>) target(%dma_start3A_320 : memref<25x32xf32, #tpu.memory_space<vmem>>) offsets(%dma_start3A_323 : memref<25xi32, #tpu.memory_space<vmem>>) semaphore(%arg11 : memref<!tpu.dma_semaphore, #tpu.memory_space<semaphore_mem>>)
    %dma_start3A_327 = arith.constant 3 : i32
    %dma_start3A_328 = arith.constant 1 : i32
    %dma_start3A_329 = arith.constant 3 : i32
    %dma_start3A_330 = arith.constant 25 : i32
    %dma_start3A_331 = arith.constant 0 : i32
    %dma_start3A_332 = tpu.memref_slice %arg6[%dma_start3A_329, %dma_start3A_330, %dma_start3A_331] : memref<4x125x32xf32, #tpu.memory_space<vmem>> -> memref<1x25x32xf32, #tpu.memory_space<vmem>>
    %dma_start3A_333 = tpu.memref_squeeze %dma_start3A_332 : memref<1x25x32xf32, #tpu.memory_space<vmem>> -> memref<25x32xf32, #tpu.memory_space<vmem>>
    %dma_start3A_334 = arith.constant 0 : i32
    %dma_start3A_335 = tpu.memref_slice %arg5[%dma_start3A_327, %dma_start3A_328, %dma_start3A_334] : memref<4x100x25xi32, #tpu.memory_space<vmem>> -> memref<1x1x25xi32, #tpu.memory_space<vmem>>
    %dma_start3A_336 = tpu.memref_squeeze %dma_start3A_335 : memref<1x1x25xi32, #tpu.memory_space<vmem>> -> memref<25xi32, #tpu.memory_space<vmem>>
    %dma_start3A_337 = arith.constant 0 : i32
    %dma_start3A_338 = arith.constant 0 : i32
    %dma_start3A_339 = tpu.memref_slice %arg2[%dma_start3A_337, %dma_start3A_338] : memref<10000x32xf32, #tpu.memory_space<hbm>> -> memref<10000x32xf32, #tpu.memory_space<hbm>>
    tpu.enqueue_indirect_dma source(%dma_start3A_339 : memref<10000x32xf32, #tpu.memory_space<hbm>>) target(%dma_start3A_333 : memref<25x32xf32, #tpu.memory_space<vmem>>) offsets(%dma_start3A_336 : memref<25xi32, #tpu.memory_space<vmem>>) semaphore(%arg11 : memref<!tpu.dma_semaphore, #tpu.memory_space<semaphore_mem>>)
    %dma_start3A_340 = arith.constant 3 : i32
    %dma_start3A_341 = arith.constant 2 : i32
    %dma_start3A_342 = arith.constant 3 : i32
    %dma_start3A_343 = arith.constant 50 : i32
    %dma_start3A_344 = arith.constant 0 : i32
    %dma_start3A_345 = tpu.memref_slice %arg6[%dma_start3A_342, %dma_start3A_343, %dma_start3A_344] : memref<4x125x32xf32, #tpu.memory_space<vmem>> -> memref<1x25x32xf32, #tpu.memory_space<vmem>>
    %dma_start3A_346 = tpu.memref_squeeze %dma_start3A_345 : memref<1x25x32xf32, #tpu.memory_space<vmem>> -> memref<25x32xf32, #tpu.memory_space<vmem>>
    %dma_start3A_347 = arith.constant 0 : i32
    %dma_start3A_348 = tpu.memref_slice %arg5[%dma_start3A_340, %dma_start3A_341, %dma_start3A_347] : memref<4x100x25xi32, #tpu.memory_space<vmem>> -> memref<1x1x25xi32, #tpu.memory_space<vmem>>
    %dma_start3A_349 = tpu.memref_squeeze %dma_start3A_348 : memref<1x1x25xi32, #tpu.memory_space<vmem>> -> memref<25xi32, #tpu.memory_space<vmem>>
    %dma_start3A_350 = arith.constant 0 : i32
    %dma_start3A_351 = arith.constant 0 : i32
    %dma_start3A_352 = tpu.memref_slice %arg2[%dma_start3A_350, %dma_start3A_351] : memref<10000x32xf32, #tpu.memory_space<hbm>> -> memref<10000x32xf32, #tpu.memory_space<hbm>>
    tpu.enqueue_indirect_dma source(%dma_start3A_352 : memref<10000x32xf32, #tpu.memory_space<hbm>>) target(%dma_start3A_346 : memref<25x32xf32, #tpu.memory_space<vmem>>) offsets(%dma_start3A_349 : memref<25xi32, #tpu.memory_space<vmem>>) semaphore(%arg11 : memref<!tpu.dma_semaphore, #tpu.memory_space<semaphore_mem>>)
    %dma_start3A_353 = arith.constant 3 : i32
    %dma_start3A_354 = arith.constant 3 : i32
    %dma_start3A_355 = arith.constant 3 : i32
    %dma_start3A_356 = arith.constant 75 : i32
    %dma_start3A_357 = arith.constant 0 : i32
    %dma_start3A_358 = tpu.memref_slice %arg6[%dma_start3A_355, %dma_start3A_356, %dma_start3A_357] : memref<4x125x32xf32, #tpu.memory_space<vmem>> -> memref<1x25x32xf32, #tpu.memory_space<vmem>>
    %dma_start3A_359 = tpu.memref_squeeze %dma_start3A_358 : memref<1x25x32xf32, #tpu.memory_space<vmem>> -> memref<25x32xf32, #tpu.memory_space<vmem>>
    %dma_start3A_360 = arith.constant 0 : i32
    %dma_start3A_361 = tpu.memref_slice %arg5[%dma_start3A_353, %dma_start3A_354, %dma_start3A_360] : memref<4x100x25xi32, #tpu.memory_space<vmem>> -> memref<1x1x25xi32, #tpu.memory_space<vmem>>
    %dma_start3A_362 = tpu.memref_squeeze %dma_start3A_361 : memref<1x1x25xi32, #tpu.memory_space<vmem>> -> memref<25xi32, #tpu.memory_space<vmem>>
    %dma_start3A_363 = arith.constant 0 : i32
    %dma_start3A_364 = arith.constant 0 : i32
    %dma_start3A_365 = tpu.memref_slice %arg2[%dma_start3A_363, %dma_start3A_364] : memref<10000x32xf32, #tpu.memory_space<hbm>> -> memref<10000x32xf32, #tpu.memory_space<hbm>>
    tpu.enqueue_indirect_dma source(%dma_start3A_365 : memref<10000x32xf32, #tpu.memory_space<hbm>>) target(%dma_start3A_359 : memref<25x32xf32, #tpu.memory_space<vmem>>) offsets(%dma_start3A_362 : memref<25xi32, #tpu.memory_space<vmem>>) semaphore(%arg11 : memref<!tpu.dma_semaphore, #tpu.memory_space<semaphore_mem>>)
    %dma_start3A_366 = arith.constant 3 : i32
    %dma_start3A_367 = arith.constant 4 : i32
    %dma_start3A_368 = arith.constant 3 : i32
    %dma_start3A_369 = arith.constant 100 : i32
    %dma_start3A_370 = arith.constant 0 : i32
    %dma_start3A_371 = tpu.memref_slice %arg6[%dma_start3A_368, %dma_start3A_369, %dma_start3A_370] : memref<4x125x32xf32, #tpu.memory_space<vmem>> -> memref<1x25x32xf32, #tpu.memory_space<vmem>>
    %dma_start3A_372 = tpu.memref_squeeze %dma_start3A_371 : memref<1x25x32xf32, #tpu.memory_space<vmem>> -> memref<25x32xf32, #tpu.memory_space<vmem>>
    %dma_start3A_373 = arith.constant 0 : i32
    %dma_start3A_374 = tpu.memref_slice %arg5[%dma_start3A_366, %dma_start3A_367, %dma_start3A_373] : memref<4x100x25xi32, #tpu.memory_space<vmem>> -> memref<1x1x25xi32, #tpu.memory_space<vmem>>
    %dma_start3A_375 = tpu.memref_squeeze %dma_start3A_374 : memref<1x1x25xi32, #tpu.memory_space<vmem>> -> memref<25xi32, #tpu.memory_space<vmem>>
    %dma_start3A_376 = arith.constant 0 : i32
    %dma_start3A_377 = arith.constant 0 : i32
    %dma_start3A_378 = tpu.memref_slice %arg2[%dma_start3A_376, %dma_start3A_377] : memref<10000x32xf32, #tpu.memory_space<hbm>> -> memref<10000x32xf32, #tpu.memory_space<hbm>>
    tpu.enqueue_indirect_dma source(%dma_start3A_378 : memref<10000x32xf32, #tpu.memory_space<hbm>>) target(%dma_start3A_372 : memref<25x32xf32, #tpu.memory_space<vmem>>) offsets(%dma_start3A_375 : memref<25xi32, #tpu.memory_space<vmem>>) semaphore(%arg11 : memref<!tpu.dma_semaphore, #tpu.memory_space<semaphore_mem>>)
    %scan3A = arith.constant 0 : i32
    %scan3A_379 = arith.constant 0 : i32
    %scan3A_380 = arith.constant 10 : i32
    %scan3A_381 = arith.addi %scan3A_379, %scan3A_380 : i32
    %scan3A_382 = arith.constant 1 : i32
    scf.for %scan3A_400 = %scan3A_379 to %scan3A_381 step %scan3A_382  : i32 {
      %mul3A_401 = arith.constant 2 : i32
      %mul3A_402 = arith.muli %mul3A_401, %scan3A_400 : i32
      %add3A_403 = arith.constant 0 : i32
      %add3A_404 = arith.addi %mul3A_402, %add3A_403 : i32
      %add3A_405 = arith.constant 1 : i32
      %add3A_406 = arith.addi %add3A_404, %add3A_405 : i32
      %lt3A = arith.constant 20 : i32
      %lt3A_407 = arith.cmpi slt, %add3A_406, %lt3A : i32
      %convert_element_type3A = arith.extui %lt3A_407 : i1 to i32
      %cond3A = arith.constant 0 : i32
      %cond3A_408 = arith.cmpi ne, %convert_element_type3A, %cond3A : i32
      scf.if %cond3A_408 {
        %add3A_1099 = arith.constant 1 : i32
        %add3A_1100 = arith.addi %add3A_404, %add3A_1099 : i32
        %mul3A_1101 = arith.constant 5 : i32
        %mul3A_1102 = arith.muli %add3A_1100, %mul3A_1101 : i32
        %add3A_1103 = arith.constant 0 : i32
        %add3A_1104 = arith.addi %mul3A_1102, %add3A_1103 : i32
        %mul3A_1105 = arith.constant 5 : i32
        %mul3A_1106 = arith.muli %add3A_1100, %mul3A_1105 : i32
        %add3A_1107 = arith.constant 1 : i32
        %add3A_1108 = arith.addi %mul3A_1106, %add3A_1107 : i32
        %mul3A_1109 = arith.constant 5 : i32
        %mul3A_1110 = arith.muli %add3A_1100, %mul3A_1109 : i32
        %add3A_1111 = arith.constant 2 : i32
        %add3A_1112 = arith.addi %mul3A_1110, %add3A_1111 : i32
        %mul3A_1113 = arith.constant 5 : i32
        %mul3A_1114 = arith.muli %add3A_1100, %mul3A_1113 : i32
        %add3A_1115 = arith.constant 3 : i32
        %add3A_1116 = arith.addi %mul3A_1114, %add3A_1115 : i32
        %mul3A_1117 = arith.constant 5 : i32
        %mul3A_1118 = arith.muli %add3A_1100, %mul3A_1117 : i32
        %add3A_1119 = arith.constant 4 : i32
        %add3A_1120 = arith.addi %mul3A_1118, %add3A_1119 : i32
        %mul3A_1121 = arith.constant 5 : i32
        %mul3A_1122 = arith.muli %add3A_1100, %mul3A_1121 : i32
        %add3A_1123 = arith.constant 0 : i32
        %add3A_1124 = arith.addi %mul3A_1122, %add3A_1123 : i32
        %mul3A_1125 = arith.constant 5 : i32
        %mul3A_1126 = arith.muli %add3A_1100, %mul3A_1125 : i32
        %add3A_1127 = arith.constant 1 : i32
        %add3A_1128 = arith.addi %mul3A_1126, %add3A_1127 : i32
        %mul3A_1129 = arith.constant 5 : i32
        %mul3A_1130 = arith.muli %add3A_1100, %mul3A_1129 : i32
        %add3A_1131 = arith.constant 2 : i32
        %add3A_1132 = arith.addi %mul3A_1130, %add3A_1131 : i32
        %mul3A_1133 = arith.constant 5 : i32
        %mul3A_1134 = arith.muli %add3A_1100, %mul3A_1133 : i32
        %add3A_1135 = arith.constant 3 : i32
        %add3A_1136 = arith.addi %mul3A_1134, %add3A_1135 : i32
        %mul3A_1137 = arith.constant 5 : i32
        %mul3A_1138 = arith.muli %add3A_1100, %mul3A_1137 : i32
        %add3A_1139 = arith.constant 4 : i32
        %add3A_1140 = arith.addi %mul3A_1138, %add3A_1139 : i32
        %mul3A_1141 = arith.constant 5 : i32
        %mul3A_1142 = arith.muli %add3A_1100, %mul3A_1141 : i32
        %add3A_1143 = arith.constant 0 : i32
        %add3A_1144 = arith.addi %mul3A_1142, %add3A_1143 : i32
        %mul3A_1145 = arith.constant 5 : i32
        %mul3A_1146 = arith.muli %add3A_1100, %mul3A_1145 : i32
        %add3A_1147 = arith.constant 1 : i32
        %add3A_1148 = arith.addi %mul3A_1146, %add3A_1147 : i32
        %mul3A_1149 = arith.constant 5 : i32
        %mul3A_1150 = arith.muli %add3A_1100, %mul3A_1149 : i32
        %add3A_1151 = arith.constant 2 : i32
        %add3A_1152 = arith.addi %mul3A_1150, %add3A_1151 : i32
        %mul3A_1153 = arith.constant 5 : i32
        %mul3A_1154 = arith.muli %add3A_1100, %mul3A_1153 : i32
        %add3A_1155 = arith.constant 3 : i32
        %add3A_1156 = arith.addi %mul3A_1154, %add3A_1155 : i32
        %mul3A_1157 = arith.constant 5 : i32
        %mul3A_1158 = arith.muli %add3A_1100, %mul3A_1157 : i32
        %add3A_1159 = arith.constant 4 : i32
        %add3A_1160 = arith.addi %mul3A_1158, %add3A_1159 : i32
        %mul3A_1161 = arith.constant 5 : i32
        %mul3A_1162 = arith.muli %add3A_1100, %mul3A_1161 : i32
        %add3A_1163 = arith.constant 0 : i32
        %add3A_1164 = arith.addi %mul3A_1162, %add3A_1163 : i32
        %mul3A_1165 = arith.constant 5 : i32
        %mul3A_1166 = arith.muli %add3A_1100, %mul3A_1165 : i32
        %add3A_1167 = arith.constant 1 : i32
        %add3A_1168 = arith.addi %mul3A_1166, %add3A_1167 : i32
        %mul3A_1169 = arith.constant 5 : i32
        %mul3A_1170 = arith.muli %add3A_1100, %mul3A_1169 : i32
        %add3A_1171 = arith.constant 2 : i32
        %add3A_1172 = arith.addi %mul3A_1170, %add3A_1171 : i32
        %mul3A_1173 = arith.constant 5 : i32
        %mul3A_1174 = arith.muli %add3A_1100, %mul3A_1173 : i32
        %add3A_1175 = arith.constant 3 : i32
        %add3A_1176 = arith.addi %mul3A_1174, %add3A_1175 : i32
        %mul3A_1177 = arith.constant 5 : i32
        %mul3A_1178 = arith.muli %add3A_1100, %mul3A_1177 : i32
        %add3A_1179 = arith.constant 4 : i32
        %add3A_1180 = arith.addi %mul3A_1178, %add3A_1179 : i32
        %dma_start3A_1181 = arith.constant 0 : i32
        %dma_start3A_1182 = arith.constant 0 : i32
        %dma_start3A_1183 = arith.constant 0 : i32
        %dma_start3A_1184 = arith.constant 0 : i32
        %dma_start3A_1185 = tpu.memref_slice %arg7[%dma_start3A_1182, %dma_start3A_1183, %dma_start3A_1184] : memref<4x125x32xf32, #tpu.memory_space<vmem>> -> memref<1x25x32xf32, #tpu.memory_space<vmem>>
        %dma_start3A_1186 = tpu.memref_squeeze %dma_start3A_1185 : memref<1x25x32xf32, #tpu.memory_space<vmem>> -> memref<25x32xf32, #tpu.memory_space<vmem>>
        %dma_start3A_1187 = arith.constant 0 : i32
        %dma_start3A_1188 = tpu.memref_slice %arg5[%dma_start3A_1181, %add3A_1104, %dma_start3A_1187] : memref<4x100x25xi32, #tpu.memory_space<vmem>> -> memref<1x1x25xi32, #tpu.memory_space<vmem>>
        %dma_start3A_1189 = tpu.memref_squeeze %dma_start3A_1188 : memref<1x1x25xi32, #tpu.memory_space<vmem>> -> memref<25xi32, #tpu.memory_space<vmem>>
        %dma_start3A_1190 = arith.constant 0 : i32
        %dma_start3A_1191 = arith.constant 0 : i32
        %dma_start3A_1192 = tpu.memref_slice %arg2[%dma_start3A_1190, %dma_start3A_1191] : memref<10000x32xf32, #tpu.memory_space<hbm>> -> memref<10000x32xf32, #tpu.memory_space<hbm>>
        tpu.enqueue_indirect_dma source(%dma_start3A_1192 : memref<10000x32xf32, #tpu.memory_space<hbm>>) target(%dma_start3A_1186 : memref<25x32xf32, #tpu.memory_space<vmem>>) offsets(%dma_start3A_1189 : memref<25xi32, #tpu.memory_space<vmem>>) semaphore(%arg12 : memref<!tpu.dma_semaphore, #tpu.memory_space<semaphore_mem>>)
        %dma_start3A_1193 = arith.constant 0 : i32
        %dma_start3A_1194 = arith.constant 0 : i32
        %dma_start3A_1195 = arith.constant 25 : i32
        %dma_start3A_1196 = arith.constant 0 : i32
        %dma_start3A_1197 = tpu.memref_slice %arg7[%dma_start3A_1194, %dma_start3A_1195, %dma_start3A_1196] : memref<4x125x32xf32, #tpu.memory_space<vmem>> -> memref<1x25x32xf32, #tpu.memory_space<vmem>>
        %dma_start3A_1198 = tpu.memref_squeeze %dma_start3A_1197 : memref<1x25x32xf32, #tpu.memory_space<vmem>> -> memref<25x32xf32, #tpu.memory_space<vmem>>
        %dma_start3A_1199 = arith.constant 0 : i32
        %dma_start3A_1200 = tpu.memref_slice %arg5[%dma_start3A_1193, %add3A_1108, %dma_start3A_1199] : memref<4x100x25xi32, #tpu.memory_space<vmem>> -> memref<1x1x25xi32, #tpu.memory_space<vmem>>
        %dma_start3A_1201 = tpu.memref_squeeze %dma_start3A_1200 : memref<1x1x25xi32, #tpu.memory_space<vmem>> -> memref<25xi32, #tpu.memory_space<vmem>>
        %dma_start3A_1202 = arith.constant 0 : i32
        %dma_start3A_1203 = arith.constant 0 : i32
        %dma_start3A_1204 = tpu.memref_slice %arg2[%dma_start3A_1202, %dma_start3A_1203] : memref<10000x32xf32, #tpu.memory_space<hbm>> -> memref<10000x32xf32, #tpu.memory_space<hbm>>
        tpu.enqueue_indirect_dma source(%dma_start3A_1204 : memref<10000x32xf32, #tpu.memory_space<hbm>>) target(%dma_start3A_1198 : memref<25x32xf32, #tpu.memory_space<vmem>>) offsets(%dma_start3A_1201 : memref<25xi32, #tpu.memory_space<vmem>>) semaphore(%arg12 : memref<!tpu.dma_semaphore, #tpu.memory_space<semaphore_mem>>)
        %dma_start3A_1205 = arith.constant 0 : i32
        %dma_start3A_1206 = arith.constant 0 : i32
        %dma_start3A_1207 = arith.constant 50 : i32
        %dma_start3A_1208 = arith.constant 0 : i32
        %dma_start3A_1209 = tpu.memref_slice %arg7[%dma_start3A_1206, %dma_start3A_1207, %dma_start3A_1208] : memref<4x125x32xf32, #tpu.memory_space<vmem>> -> memref<1x25x32xf32, #tpu.memory_space<vmem>>
        %dma_start3A_1210 = tpu.memref_squeeze %dma_start3A_1209 : memref<1x25x32xf32, #tpu.memory_space<vmem>> -> memref<25x32xf32, #tpu.memory_space<vmem>>
        %dma_start3A_1211 = arith.constant 0 : i32
        %dma_start3A_1212 = tpu.memref_slice %arg5[%dma_start3A_1205, %add3A_1112, %dma_start3A_1211] : memref<4x100x25xi32, #tpu.memory_space<vmem>> -> memref<1x1x25xi32, #tpu.memory_space<vmem>>
        %dma_start3A_1213 = tpu.memref_squeeze %dma_start3A_1212 : memref<1x1x25xi32, #tpu.memory_space<vmem>> -> memref<25xi32, #tpu.memory_space<vmem>>
        %dma_start3A_1214 = arith.constant 0 : i32
        %dma_start3A_1215 = arith.constant 0 : i32
        %dma_start3A_1216 = tpu.memref_slice %arg2[%dma_start3A_1214, %dma_start3A_1215] : memref<10000x32xf32, #tpu.memory_space<hbm>> -> memref<10000x32xf32, #tpu.memory_space<hbm>>
        tpu.enqueue_indirect_dma source(%dma_start3A_1216 : memref<10000x32xf32, #tpu.memory_space<hbm>>) target(%dma_start3A_1210 : memref<25x32xf32, #tpu.memory_space<vmem>>) offsets(%dma_start3A_1213 : memref<25xi32, #tpu.memory_space<vmem>>) semaphore(%arg12 : memref<!tpu.dma_semaphore, #tpu.memory_space<semaphore_mem>>)
        %dma_start3A_1217 = arith.constant 0 : i32
        %dma_start3A_1218 = arith.constant 0 : i32
        %dma_start3A_1219 = arith.constant 75 : i32
        %dma_start3A_1220 = arith.constant 0 : i32
        %dma_start3A_1221 = tpu.memref_slice %arg7[%dma_start3A_1218, %dma_start3A_1219, %dma_start3A_1220] : memref<4x125x32xf32, #tpu.memory_space<vmem>> -> memref<1x25x32xf32, #tpu.memory_space<vmem>>
        %dma_start3A_1222 = tpu.memref_squeeze %dma_start3A_1221 : memref<1x25x32xf32, #tpu.memory_space<vmem>> -> memref<25x32xf32, #tpu.memory_space<vmem>>
        %dma_start3A_1223 = arith.constant 0 : i32
        %dma_start3A_1224 = tpu.memref_slice %arg5[%dma_start3A_1217, %add3A_1116, %dma_start3A_1223] : memref<4x100x25xi32, #tpu.memory_space<vmem>> -> memref<1x1x25xi32, #tpu.memory_space<vmem>>
        %dma_start3A_1225 = tpu.memref_squeeze %dma_start3A_1224 : memref<1x1x25xi32, #tpu.memory_space<vmem>> -> memref<25xi32, #tpu.memory_space<vmem>>
        %dma_start3A_1226 = arith.constant 0 : i32
        %dma_start3A_1227 = arith.constant 0 : i32
        %dma_start3A_1228 = tpu.memref_slice %arg2[%dma_start3A_1226, %dma_start3A_1227] : memref<10000x32xf32, #tpu.memory_space<hbm>> -> memref<10000x32xf32, #tpu.memory_space<hbm>>
        tpu.enqueue_indirect_dma source(%dma_start3A_1228 : memref<10000x32xf32, #tpu.memory_space<hbm>>) target(%dma_start3A_1222 : memref<25x32xf32, #tpu.memory_space<vmem>>) offsets(%dma_start3A_1225 : memref<25xi32, #tpu.memory_space<vmem>>) semaphore(%arg12 : memref<!tpu.dma_semaphore, #tpu.memory_space<semaphore_mem>>)
        %dma_start3A_1229 = arith.constant 0 : i32
        %dma_start3A_1230 = arith.constant 0 : i32
        %dma_start3A_1231 = arith.constant 100 : i32
        %dma_start3A_1232 = arith.constant 0 : i32
        %dma_start3A_1233 = tpu.memref_slice %arg7[%dma_start3A_1230, %dma_start3A_1231, %dma_start3A_1232] : memref<4x125x32xf32, #tpu.memory_space<vmem>> -> memref<1x25x32xf32, #tpu.memory_space<vmem>>
        %dma_start3A_1234 = tpu.memref_squeeze %dma_start3A_1233 : memref<1x25x32xf32, #tpu.memory_space<vmem>> -> memref<25x32xf32, #tpu.memory_space<vmem>>
        %dma_start3A_1235 = arith.constant 0 : i32
        %dma_start3A_1236 = tpu.memref_slice %arg5[%dma_start3A_1229, %add3A_1120, %dma_start3A_1235] : memref<4x100x25xi32, #tpu.memory_space<vmem>> -> memref<1x1x25xi32, #tpu.memory_space<vmem>>
        %dma_start3A_1237 = tpu.memref_squeeze %dma_start3A_1236 : memref<1x1x25xi32, #tpu.memory_space<vmem>> -> memref<25xi32, #tpu.memory_space<vmem>>
        %dma_start3A_1238 = arith.constant 0 : i32
        %dma_start3A_1239 = arith.constant 0 : i32
        %dma_start3A_1240 = tpu.memref_slice %arg2[%dma_start3A_1238, %dma_start3A_1239] : memref<10000x32xf32, #tpu.memory_space<hbm>> -> memref<10000x32xf32, #tpu.memory_space<hbm>>
        tpu.enqueue_indirect_dma source(%dma_start3A_1240 : memref<10000x32xf32, #tpu.memory_space<hbm>>) target(%dma_start3A_1234 : memref<25x32xf32, #tpu.memory_space<vmem>>) offsets(%dma_start3A_1237 : memref<25xi32, #tpu.memory_space<vmem>>) semaphore(%arg12 : memref<!tpu.dma_semaphore, #tpu.memory_space<semaphore_mem>>)
        %dma_start3A_1241 = arith.constant 1 : i32
        %dma_start3A_1242 = arith.constant 1 : i32
        %dma_start3A_1243 = arith.constant 0 : i32
        %dma_start3A_1244 = arith.constant 0 : i32
        %dma_start3A_1245 = tpu.memref_slice %arg7[%dma_start3A_1242, %dma_start3A_1243, %dma_start3A_1244] : memref<4x125x32xf32, #tpu.memory_space<vmem>> -> memref<1x25x32xf32, #tpu.memory_space<vmem>>
        %dma_start3A_1246 = tpu.memref_squeeze %dma_start3A_1245 : memref<1x25x32xf32, #tpu.memory_space<vmem>> -> memref<25x32xf32, #tpu.memory_space<vmem>>
        %dma_start3A_1247 = arith.constant 0 : i32
        %dma_start3A_1248 = tpu.memref_slice %arg5[%dma_start3A_1241, %add3A_1124, %dma_start3A_1247] : memref<4x100x25xi32, #tpu.memory_space<vmem>> -> memref<1x1x25xi32, #tpu.memory_space<vmem>>
        %dma_start3A_1249 = tpu.memref_squeeze %dma_start3A_1248 : memref<1x1x25xi32, #tpu.memory_space<vmem>> -> memref<25xi32, #tpu.memory_space<vmem>>
        %dma_start3A_1250 = arith.constant 0 : i32
        %dma_start3A_1251 = arith.constant 0 : i32
        %dma_start3A_1252 = tpu.memref_slice %arg2[%dma_start3A_1250, %dma_start3A_1251] : memref<10000x32xf32, #tpu.memory_space<hbm>> -> memref<10000x32xf32, #tpu.memory_space<hbm>>
        tpu.enqueue_indirect_dma source(%dma_start3A_1252 : memref<10000x32xf32, #tpu.memory_space<hbm>>) target(%dma_start3A_1246 : memref<25x32xf32, #tpu.memory_space<vmem>>) offsets(%dma_start3A_1249 : memref<25xi32, #tpu.memory_space<vmem>>) semaphore(%arg12 : memref<!tpu.dma_semaphore, #tpu.memory_space<semaphore_mem>>)
        %dma_start3A_1253 = arith.constant 1 : i32
        %dma_start3A_1254 = arith.constant 1 : i32
        %dma_start3A_1255 = arith.constant 25 : i32
        %dma_start3A_1256 = arith.constant 0 : i32
        %dma_start3A_1257 = tpu.memref_slice %arg7[%dma_start3A_1254, %dma_start3A_1255, %dma_start3A_1256] : memref<4x125x32xf32, #tpu.memory_space<vmem>> -> memref<1x25x32xf32, #tpu.memory_space<vmem>>
        %dma_start3A_1258 = tpu.memref_squeeze %dma_start3A_1257 : memref<1x25x32xf32, #tpu.memory_space<vmem>> -> memref<25x32xf32, #tpu.memory_space<vmem>>
        %dma_start3A_1259 = arith.constant 0 : i32
        %dma_start3A_1260 = tpu.memref_slice %arg5[%dma_start3A_1253, %add3A_1128, %dma_start3A_1259] : memref<4x100x25xi32, #tpu.memory_space<vmem>> -> memref<1x1x25xi32, #tpu.memory_space<vmem>>
        %dma_start3A_1261 = tpu.memref_squeeze %dma_start3A_1260 : memref<1x1x25xi32, #tpu.memory_space<vmem>> -> memref<25xi32, #tpu.memory_space<vmem>>
        %dma_start3A_1262 = arith.constant 0 : i32
        %dma_start3A_1263 = arith.constant 0 : i32
        %dma_start3A_1264 = tpu.memref_slice %arg2[%dma_start3A_1262, %dma_start3A_1263] : memref<10000x32xf32, #tpu.memory_space<hbm>> -> memref<10000x32xf32, #tpu.memory_space<hbm>>
        tpu.enqueue_indirect_dma source(%dma_start3A_1264 : memref<10000x32xf32, #tpu.memory_space<hbm>>) target(%dma_start3A_1258 : memref<25x32xf32, #tpu.memory_space<vmem>>) offsets(%dma_start3A_1261 : memref<25xi32, #tpu.memory_space<vmem>>) semaphore(%arg12 : memref<!tpu.dma_semaphore, #tpu.memory_space<semaphore_mem>>)
        %dma_start3A_1265 = arith.constant 1 : i32
        %dma_start3A_1266 = arith.constant 1 : i32
        %dma_start3A_1267 = arith.constant 50 : i32
        %dma_start3A_1268 = arith.constant 0 : i32
        %dma_start3A_1269 = tpu.memref_slice %arg7[%dma_start3A_1266, %dma_start3A_1267, %dma_start3A_1268] : memref<4x125x32xf32, #tpu.memory_space<vmem>> -> memref<1x25x32xf32, #tpu.memory_space<vmem>>
        %dma_start3A_1270 = tpu.memref_squeeze %dma_start3A_1269 : memref<1x25x32xf32, #tpu.memory_space<vmem>> -> memref<25x32xf32, #tpu.memory_space<vmem>>
        %dma_start3A_1271 = arith.constant 0 : i32
        %dma_start3A_1272 = tpu.memref_slice %arg5[%dma_start3A_1265, %add3A_1132, %dma_start3A_1271] : memref<4x100x25xi32, #tpu.memory_space<vmem>> -> memref<1x1x25xi32, #tpu.memory_space<vmem>>
        %dma_start3A_1273 = tpu.memref_squeeze %dma_start3A_1272 : memref<1x1x25xi32, #tpu.memory_space<vmem>> -> memref<25xi32, #tpu.memory_space<vmem>>
        %dma_start3A_1274 = arith.constant 0 : i32
        %dma_start3A_1275 = arith.constant 0 : i32
        %dma_start3A_1276 = tpu.memref_slice %arg2[%dma_start3A_1274, %dma_start3A_1275] : memref<10000x32xf32, #tpu.memory_space<hbm>> -> memref<10000x32xf32, #tpu.memory_space<hbm>>
        tpu.enqueue_indirect_dma source(%dma_start3A_1276 : memref<10000x32xf32, #tpu.memory_space<hbm>>) target(%dma_start3A_1270 : memref<25x32xf32, #tpu.memory_space<vmem>>) offsets(%dma_start3A_1273 : memref<25xi32, #tpu.memory_space<vmem>>) semaphore(%arg12 : memref<!tpu.dma_semaphore, #tpu.memory_space<semaphore_mem>>)
        %dma_start3A_1277 = arith.constant 1 : i32
        %dma_start3A_1278 = arith.constant 1 : i32
        %dma_start3A_1279 = arith.constant 75 : i32
        %dma_start3A_1280 = arith.constant 0 : i32
        %dma_start3A_1281 = tpu.memref_slice %arg7[%dma_start3A_1278, %dma_start3A_1279, %dma_start3A_1280] : memref<4x125x32xf32, #tpu.memory_space<vmem>> -> memref<1x25x32xf32, #tpu.memory_space<vmem>>
        %dma_start3A_1282 = tpu.memref_squeeze %dma_start3A_1281 : memref<1x25x32xf32, #tpu.memory_space<vmem>> -> memref<25x32xf32, #tpu.memory_space<vmem>>
        %dma_start3A_1283 = arith.constant 0 : i32
        %dma_start3A_1284 = tpu.memref_slice %arg5[%dma_start3A_1277, %add3A_1136, %dma_start3A_1283] : memref<4x100x25xi32, #tpu.memory_space<vmem>> -> memref<1x1x25xi32, #tpu.memory_space<vmem>>
        %dma_start3A_1285 = tpu.memref_squeeze %dma_start3A_1284 : memref<1x1x25xi32, #tpu.memory_space<vmem>> -> memref<25xi32, #tpu.memory_space<vmem>>
        %dma_start3A_1286 = arith.constant 0 : i32
        %dma_start3A_1287 = arith.constant 0 : i32
        %dma_start3A_1288 = tpu.memref_slice %arg2[%dma_start3A_1286, %dma_start3A_1287] : memref<10000x32xf32, #tpu.memory_space<hbm>> -> memref<10000x32xf32, #tpu.memory_space<hbm>>
        tpu.enqueue_indirect_dma source(%dma_start3A_1288 : memref<10000x32xf32, #tpu.memory_space<hbm>>) target(%dma_start3A_1282 : memref<25x32xf32, #tpu.memory_space<vmem>>) offsets(%dma_start3A_1285 : memref<25xi32, #tpu.memory_space<vmem>>) semaphore(%arg12 : memref<!tpu.dma_semaphore, #tpu.memory_space<semaphore_mem>>)
        %dma_start3A_1289 = arith.constant 1 : i32
        %dma_start3A_1290 = arith.constant 1 : i32
        %dma_start3A_1291 = arith.constant 100 : i32
        %dma_start3A_1292 = arith.constant 0 : i32
        %dma_start3A_1293 = tpu.memref_slice %arg7[%dma_start3A_1290, %dma_start3A_1291, %dma_start3A_1292] : memref<4x125x32xf32, #tpu.memory_space<vmem>> -> memref<1x25x32xf32, #tpu.memory_space<vmem>>
        %dma_start3A_1294 = tpu.memref_squeeze %dma_start3A_1293 : memref<1x25x32xf32, #tpu.memory_space<vmem>> -> memref<25x32xf32, #tpu.memory_space<vmem>>
        %dma_start3A_1295 = arith.constant 0 : i32
        %dma_start3A_1296 = tpu.memref_slice %arg5[%dma_start3A_1289, %add3A_1140, %dma_start3A_1295] : memref<4x100x25xi32, #tpu.memory_space<vmem>> -> memref<1x1x25xi32, #tpu.memory_space<vmem>>
        %dma_start3A_1297 = tpu.memref_squeeze %dma_start3A_1296 : memref<1x1x25xi32, #tpu.memory_space<vmem>> -> memref<25xi32, #tpu.memory_space<vmem>>
        %dma_start3A_1298 = arith.constant 0 : i32
        %dma_start3A_1299 = arith.constant 0 : i32
        %dma_start3A_1300 = tpu.memref_slice %arg2[%dma_start3A_1298, %dma_start3A_1299] : memref<10000x32xf32, #tpu.memory_space<hbm>> -> memref<10000x32xf32, #tpu.memory_space<hbm>>
        tpu.enqueue_indirect_dma source(%dma_start3A_1300 : memref<10000x32xf32, #tpu.memory_space<hbm>>) target(%dma_start3A_1294 : memref<25x32xf32, #tpu.memory_space<vmem>>) offsets(%dma_start3A_1297 : memref<25xi32, #tpu.memory_space<vmem>>) semaphore(%arg12 : memref<!tpu.dma_semaphore, #tpu.memory_space<semaphore_mem>>)
        %dma_start3A_1301 = arith.constant 2 : i32
        %dma_start3A_1302 = arith.constant 2 : i32
        %dma_start3A_1303 = arith.constant 0 : i32
        %dma_start3A_1304 = arith.constant 0 : i32
        %dma_start3A_1305 = tpu.memref_slice %arg7[%dma_start3A_1302, %dma_start3A_1303, %dma_start3A_1304] : memref<4x125x32xf32, #tpu.memory_space<vmem>> -> memref<1x25x32xf32, #tpu.memory_space<vmem>>
        %dma_start3A_1306 = tpu.memref_squeeze %dma_start3A_1305 : memref<1x25x32xf32, #tpu.memory_space<vmem>> -> memref<25x32xf32, #tpu.memory_space<vmem>>
        %dma_start3A_1307 = arith.constant 0 : i32
        %dma_start3A_1308 = tpu.memref_slice %arg5[%dma_start3A_1301, %add3A_1144, %dma_start3A_1307] : memref<4x100x25xi32, #tpu.memory_space<vmem>> -> memref<1x1x25xi32, #tpu.memory_space<vmem>>
        %dma_start3A_1309 = tpu.memref_squeeze %dma_start3A_1308 : memref<1x1x25xi32, #tpu.memory_space<vmem>> -> memref<25xi32, #tpu.memory_space<vmem>>
        %dma_start3A_1310 = arith.constant 0 : i32
        %dma_start3A_1311 = arith.constant 0 : i32
        %dma_start3A_1312 = tpu.memref_slice %arg2[%dma_start3A_1310, %dma_start3A_1311] : memref<10000x32xf32, #tpu.memory_space<hbm>> -> memref<10000x32xf32, #tpu.memory_space<hbm>>
        tpu.enqueue_indirect_dma source(%dma_start3A_1312 : memref<10000x32xf32, #tpu.memory_space<hbm>>) target(%dma_start3A_1306 : memref<25x32xf32, #tpu.memory_space<vmem>>) offsets(%dma_start3A_1309 : memref<25xi32, #tpu.memory_space<vmem>>) semaphore(%arg12 : memref<!tpu.dma_semaphore, #tpu.memory_space<semaphore_mem>>)
        %dma_start3A_1313 = arith.constant 2 : i32
        %dma_start3A_1314 = arith.constant 2 : i32
        %dma_start3A_1315 = arith.constant 25 : i32
        %dma_start3A_1316 = arith.constant 0 : i32
        %dma_start3A_1317 = tpu.memref_slice %arg7[%dma_start3A_1314, %dma_start3A_1315, %dma_start3A_1316] : memref<4x125x32xf32, #tpu.memory_space<vmem>> -> memref<1x25x32xf32, #tpu.memory_space<vmem>>
        %dma_start3A_1318 = tpu.memref_squeeze %dma_start3A_1317 : memref<1x25x32xf32, #tpu.memory_space<vmem>> -> memref<25x32xf32, #tpu.memory_space<vmem>>
        %dma_start3A_1319 = arith.constant 0 : i32
        %dma_start3A_1320 = tpu.memref_slice %arg5[%dma_start3A_1313, %add3A_1148, %dma_start3A_1319] : memref<4x100x25xi32, #tpu.memory_space<vmem>> -> memref<1x1x25xi32, #tpu.memory_space<vmem>>
        %dma_start3A_1321 = tpu.memref_squeeze %dma_start3A_1320 : memref<1x1x25xi32, #tpu.memory_space<vmem>> -> memref<25xi32, #tpu.memory_space<vmem>>
        %dma_start3A_1322 = arith.constant 0 : i32
        %dma_start3A_1323 = arith.constant 0 : i32
        %dma_start3A_1324 = tpu.memref_slice %arg2[%dma_start3A_1322, %dma_start3A_1323] : memref<10000x32xf32, #tpu.memory_space<hbm>> -> memref<10000x32xf32, #tpu.memory_space<hbm>>
        tpu.enqueue_indirect_dma source(%dma_start3A_1324 : memref<10000x32xf32, #tpu.memory_space<hbm>>) target(%dma_start3A_1318 : memref<25x32xf32, #tpu.memory_space<vmem>>) offsets(%dma_start3A_1321 : memref<25xi32, #tpu.memory_space<vmem>>) semaphore(%arg12 : memref<!tpu.dma_semaphore, #tpu.memory_space<semaphore_mem>>)
        %dma_start3A_1325 = arith.constant 2 : i32
        %dma_start3A_1326 = arith.constant 2 : i32
        %dma_start3A_1327 = arith.constant 50 : i32
        %dma_start3A_1328 = arith.constant 0 : i32
        %dma_start3A_1329 = tpu.memref_slice %arg7[%dma_start3A_1326, %dma_start3A_1327, %dma_start3A_1328] : memref<4x125x32xf32, #tpu.memory_space<vmem>> -> memref<1x25x32xf32, #tpu.memory_space<vmem>>
        %dma_start3A_1330 = tpu.memref_squeeze %dma_start3A_1329 : memref<1x25x32xf32, #tpu.memory_space<vmem>> -> memref<25x32xf32, #tpu.memory_space<vmem>>
        %dma_start3A_1331 = arith.constant 0 : i32
        %dma_start3A_1332 = tpu.memref_slice %arg5[%dma_start3A_1325, %add3A_1152, %dma_start3A_1331] : memref<4x100x25xi32, #tpu.memory_space<vmem>> -> memref<1x1x25xi32, #tpu.memory_space<vmem>>
        %dma_start3A_1333 = tpu.memref_squeeze %dma_start3A_1332 : memref<1x1x25xi32, #tpu.memory_space<vmem>> -> memref<25xi32, #tpu.memory_space<vmem>>
        %dma_start3A_1334 = arith.constant 0 : i32
        %dma_start3A_1335 = arith.constant 0 : i32
        %dma_start3A_1336 = tpu.memref_slice %arg2[%dma_start3A_1334, %dma_start3A_1335] : memref<10000x32xf32, #tpu.memory_space<hbm>> -> memref<10000x32xf32, #tpu.memory_space<hbm>>
        tpu.enqueue_indirect_dma source(%dma_start3A_1336 : memref<10000x32xf32, #tpu.memory_space<hbm>>) target(%dma_start3A_1330 : memref<25x32xf32, #tpu.memory_space<vmem>>) offsets(%dma_start3A_1333 : memref<25xi32, #tpu.memory_space<vmem>>) semaphore(%arg12 : memref<!tpu.dma_semaphore, #tpu.memory_space<semaphore_mem>>)
        %dma_start3A_1337 = arith.constant 2 : i32
        %dma_start3A_1338 = arith.constant 2 : i32
        %dma_start3A_1339 = arith.constant 75 : i32
        %dma_start3A_1340 = arith.constant 0 : i32
        %dma_start3A_1341 = tpu.memref_slice %arg7[%dma_start3A_1338, %dma_start3A_1339, %dma_start3A_1340] : memref<4x125x32xf32, #tpu.memory_space<vmem>> -> memref<1x25x32xf32, #tpu.memory_space<vmem>>
        %dma_start3A_1342 = tpu.memref_squeeze %dma_start3A_1341 : memref<1x25x32xf32, #tpu.memory_space<vmem>> -> memref<25x32xf32, #tpu.memory_space<vmem>>
        %dma_start3A_1343 = arith.constant 0 : i32
        %dma_start3A_1344 = tpu.memref_slice %arg5[%dma_start3A_1337, %add3A_1156, %dma_start3A_1343] : memref<4x100x25xi32, #tpu.memory_space<vmem>> -> memref<1x1x25xi32, #tpu.memory_space<vmem>>
        %dma_start3A_1345 = tpu.memref_squeeze %dma_start3A_1344 : memref<1x1x25xi32, #tpu.memory_space<vmem>> -> memref<25xi32, #tpu.memory_space<vmem>>
        %dma_start3A_1346 = arith.constant 0 : i32
        %dma_start3A_1347 = arith.constant 0 : i32
        %dma_start3A_1348 = tpu.memref_slice %arg2[%dma_start3A_1346, %dma_start3A_1347] : memref<10000x32xf32, #tpu.memory_space<hbm>> -> memref<10000x32xf32, #tpu.memory_space<hbm>>
        tpu.enqueue_indirect_dma source(%dma_start3A_1348 : memref<10000x32xf32, #tpu.memory_space<hbm>>) target(%dma_start3A_1342 : memref<25x32xf32, #tpu.memory_space<vmem>>) offsets(%dma_start3A_1345 : memref<25xi32, #tpu.memory_space<vmem>>) semaphore(%arg12 : memref<!tpu.dma_semaphore, #tpu.memory_space<semaphore_mem>>)
        %dma_start3A_1349 = arith.constant 2 : i32
        %dma_start3A_1350 = arith.constant 2 : i32
        %dma_start3A_1351 = arith.constant 100 : i32
        %dma_start3A_1352 = arith.constant 0 : i32
        %dma_start3A_1353 = tpu.memref_slice %arg7[%dma_start3A_1350, %dma_start3A_1351, %dma_start3A_1352] : memref<4x125x32xf32, #tpu.memory_space<vmem>> -> memref<1x25x32xf32, #tpu.memory_space<vmem>>
        %dma_start3A_1354 = tpu.memref_squeeze %dma_start3A_1353 : memref<1x25x32xf32, #tpu.memory_space<vmem>> -> memref<25x32xf32, #tpu.memory_space<vmem>>
        %dma_start3A_1355 = arith.constant 0 : i32
        %dma_start3A_1356 = tpu.memref_slice %arg5[%dma_start3A_1349, %add3A_1160, %dma_start3A_1355] : memref<4x100x25xi32, #tpu.memory_space<vmem>> -> memref<1x1x25xi32, #tpu.memory_space<vmem>>
        %dma_start3A_1357 = tpu.memref_squeeze %dma_start3A_1356 : memref<1x1x25xi32, #tpu.memory_space<vmem>> -> memref<25xi32, #tpu.memory_space<vmem>>
        %dma_start3A_1358 = arith.constant 0 : i32
        %dma_start3A_1359 = arith.constant 0 : i32
        %dma_start3A_1360 = tpu.memref_slice %arg2[%dma_start3A_1358, %dma_start3A_1359] : memref<10000x32xf32, #tpu.memory_space<hbm>> -> memref<10000x32xf32, #tpu.memory_space<hbm>>
        tpu.enqueue_indirect_dma source(%dma_start3A_1360 : memref<10000x32xf32, #tpu.memory_space<hbm>>) target(%dma_start3A_1354 : memref<25x32xf32, #tpu.memory_space<vmem>>) offsets(%dma_start3A_1357 : memref<25xi32, #tpu.memory_space<vmem>>) semaphore(%arg12 : memref<!tpu.dma_semaphore, #tpu.memory_space<semaphore_mem>>)
        %dma_start3A_1361 = arith.constant 3 : i32
        %dma_start3A_1362 = arith.constant 3 : i32
        %dma_start3A_1363 = arith.constant 0 : i32
        %dma_start3A_1364 = arith.constant 0 : i32
        %dma_start3A_1365 = tpu.memref_slice %arg7[%dma_start3A_1362, %dma_start3A_1363, %dma_start3A_1364] : memref<4x125x32xf32, #tpu.memory_space<vmem>> -> memref<1x25x32xf32, #tpu.memory_space<vmem>>
        %dma_start3A_1366 = tpu.memref_squeeze %dma_start3A_1365 : memref<1x25x32xf32, #tpu.memory_space<vmem>> -> memref<25x32xf32, #tpu.memory_space<vmem>>
        %dma_start3A_1367 = arith.constant 0 : i32
        %dma_start3A_1368 = tpu.memref_slice %arg5[%dma_start3A_1361, %add3A_1164, %dma_start3A_1367] : memref<4x100x25xi32, #tpu.memory_space<vmem>> -> memref<1x1x25xi32, #tpu.memory_space<vmem>>
        %dma_start3A_1369 = tpu.memref_squeeze %dma_start3A_1368 : memref<1x1x25xi32, #tpu.memory_space<vmem>> -> memref<25xi32, #tpu.memory_space<vmem>>
        %dma_start3A_1370 = arith.constant 0 : i32
        %dma_start3A_1371 = arith.constant 0 : i32
        %dma_start3A_1372 = tpu.memref_slice %arg2[%dma_start3A_1370, %dma_start3A_1371] : memref<10000x32xf32, #tpu.memory_space<hbm>> -> memref<10000x32xf32, #tpu.memory_space<hbm>>
        tpu.enqueue_indirect_dma source(%dma_start3A_1372 : memref<10000x32xf32, #tpu.memory_space<hbm>>) target(%dma_start3A_1366 : memref<25x32xf32, #tpu.memory_space<vmem>>) offsets(%dma_start3A_1369 : memref<25xi32, #tpu.memory_space<vmem>>) semaphore(%arg12 : memref<!tpu.dma_semaphore, #tpu.memory_space<semaphore_mem>>)
        %dma_start3A_1373 = arith.constant 3 : i32
        %dma_start3A_1374 = arith.constant 3 : i32
        %dma_start3A_1375 = arith.constant 25 : i32
        %dma_start3A_1376 = arith.constant 0 : i32
        %dma_start3A_1377 = tpu.memref_slice %arg7[%dma_start3A_1374, %dma_start3A_1375, %dma_start3A_1376] : memref<4x125x32xf32, #tpu.memory_space<vmem>> -> memref<1x25x32xf32, #tpu.memory_space<vmem>>
        %dma_start3A_1378 = tpu.memref_squeeze %dma_start3A_1377 : memref<1x25x32xf32, #tpu.memory_space<vmem>> -> memref<25x32xf32, #tpu.memory_space<vmem>>
        %dma_start3A_1379 = arith.constant 0 : i32
        %dma_start3A_1380 = tpu.memref_slice %arg5[%dma_start3A_1373, %add3A_1168, %dma_start3A_1379] : memref<4x100x25xi32, #tpu.memory_space<vmem>> -> memref<1x1x25xi32, #tpu.memory_space<vmem>>
        %dma_start3A_1381 = tpu.memref_squeeze %dma_start3A_1380 : memref<1x1x25xi32, #tpu.memory_space<vmem>> -> memref<25xi32, #tpu.memory_space<vmem>>
        %dma_start3A_1382 = arith.constant 0 : i32
        %dma_start3A_1383 = arith.constant 0 : i32
        %dma_start3A_1384 = tpu.memref_slice %arg2[%dma_start3A_1382, %dma_start3A_1383] : memref<10000x32xf32, #tpu.memory_space<hbm>> -> memref<10000x32xf32, #tpu.memory_space<hbm>>
        tpu.enqueue_indirect_dma source(%dma_start3A_1384 : memref<10000x32xf32, #tpu.memory_space<hbm>>) target(%dma_start3A_1378 : memref<25x32xf32, #tpu.memory_space<vmem>>) offsets(%dma_start3A_1381 : memref<25xi32, #tpu.memory_space<vmem>>) semaphore(%arg12 : memref<!tpu.dma_semaphore, #tpu.memory_space<semaphore_mem>>)
        %dma_start3A_1385 = arith.constant 3 : i32
        %dma_start3A_1386 = arith.constant 3 : i32
        %dma_start3A_1387 = arith.constant 50 : i32
        %dma_start3A_1388 = arith.constant 0 : i32
        %dma_start3A_1389 = tpu.memref_slice %arg7[%dma_start3A_1386, %dma_start3A_1387, %dma_start3A_1388] : memref<4x125x32xf32, #tpu.memory_space<vmem>> -> memref<1x25x32xf32, #tpu.memory_space<vmem>>
        %dma_start3A_1390 = tpu.memref_squeeze %dma_start3A_1389 : memref<1x25x32xf32, #tpu.memory_space<vmem>> -> memref<25x32xf32, #tpu.memory_space<vmem>>
        %dma_start3A_1391 = arith.constant 0 : i32
        %dma_start3A_1392 = tpu.memref_slice %arg5[%dma_start3A_1385, %add3A_1172, %dma_start3A_1391] : memref<4x100x25xi32, #tpu.memory_space<vmem>> -> memref<1x1x25xi32, #tpu.memory_space<vmem>>
        %dma_start3A_1393 = tpu.memref_squeeze %dma_start3A_1392 : memref<1x1x25xi32, #tpu.memory_space<vmem>> -> memref<25xi32, #tpu.memory_space<vmem>>
        %dma_start3A_1394 = arith.constant 0 : i32
        %dma_start3A_1395 = arith.constant 0 : i32
        %dma_start3A_1396 = tpu.memref_slice %arg2[%dma_start3A_1394, %dma_start3A_1395] : memref<10000x32xf32, #tpu.memory_space<hbm>> -> memref<10000x32xf32, #tpu.memory_space<hbm>>
        tpu.enqueue_indirect_dma source(%dma_start3A_1396 : memref<10000x32xf32, #tpu.memory_space<hbm>>) target(%dma_start3A_1390 : memref<25x32xf32, #tpu.memory_space<vmem>>) offsets(%dma_start3A_1393 : memref<25xi32, #tpu.memory_space<vmem>>) semaphore(%arg12 : memref<!tpu.dma_semaphore, #tpu.memory_space<semaphore_mem>>)
        %dma_start3A_1397 = arith.constant 3 : i32
        %dma_start3A_1398 = arith.constant 3 : i32
        %dma_start3A_1399 = arith.constant 75 : i32
        %dma_start3A_1400 = arith.constant 0 : i32
        %dma_start3A_1401 = tpu.memref_slice %arg7[%dma_start3A_1398, %dma_start3A_1399, %dma_start3A_1400] : memref<4x125x32xf32, #tpu.memory_space<vmem>> -> memref<1x25x32xf32, #tpu.memory_space<vmem>>
        %dma_start3A_1402 = tpu.memref_squeeze %dma_start3A_1401 : memref<1x25x32xf32, #tpu.memory_space<vmem>> -> memref<25x32xf32, #tpu.memory_space<vmem>>
        %dma_start3A_1403 = arith.constant 0 : i32
        %dma_start3A_1404 = tpu.memref_slice %arg5[%dma_start3A_1397, %add3A_1176, %dma_start3A_1403] : memref<4x100x25xi32, #tpu.memory_space<vmem>> -> memref<1x1x25xi32, #tpu.memory_space<vmem>>
        %dma_start3A_1405 = tpu.memref_squeeze %dma_start3A_1404 : memref<1x1x25xi32, #tpu.memory_space<vmem>> -> memref<25xi32, #tpu.memory_space<vmem>>
        %dma_start3A_1406 = arith.constant 0 : i32
        %dma_start3A_1407 = arith.constant 0 : i32
        %dma_start3A_1408 = tpu.memref_slice %arg2[%dma_start3A_1406, %dma_start3A_1407] : memref<10000x32xf32, #tpu.memory_space<hbm>> -> memref<10000x32xf32, #tpu.memory_space<hbm>>
        tpu.enqueue_indirect_dma source(%dma_start3A_1408 : memref<10000x32xf32, #tpu.memory_space<hbm>>) target(%dma_start3A_1402 : memref<25x32xf32, #tpu.memory_space<vmem>>) offsets(%dma_start3A_1405 : memref<25xi32, #tpu.memory_space<vmem>>) semaphore(%arg12 : memref<!tpu.dma_semaphore, #tpu.memory_space<semaphore_mem>>)
        %dma_start3A_1409 = arith.constant 3 : i32
        %dma_start3A_1410 = arith.constant 3 : i32
        %dma_start3A_1411 = arith.constant 100 : i32
        %dma_start3A_1412 = arith.constant 0 : i32
        %dma_start3A_1413 = tpu.memref_slice %arg7[%dma_start3A_1410, %dma_start3A_1411, %dma_start3A_1412] : memref<4x125x32xf32, #tpu.memory_space<vmem>> -> memref<1x25x32xf32, #tpu.memory_space<vmem>>
        %dma_start3A_1414 = tpu.memref_squeeze %dma_start3A_1413 : memref<1x25x32xf32, #tpu.memory_space<vmem>> -> memref<25x32xf32, #tpu.memory_space<vmem>>
        %dma_start3A_1415 = arith.constant 0 : i32
        %dma_start3A_1416 = tpu.memref_slice %arg5[%dma_start3A_1409, %add3A_1180, %dma_start3A_1415] : memref<4x100x25xi32, #tpu.memory_space<vmem>> -> memref<1x1x25xi32, #tpu.memory_space<vmem>>
        %dma_start3A_1417 = tpu.memref_squeeze %dma_start3A_1416 : memref<1x1x25xi32, #tpu.memory_space<vmem>> -> memref<25xi32, #tpu.memory_space<vmem>>
        %dma_start3A_1418 = arith.constant 0 : i32
        %dma_start3A_1419 = arith.constant 0 : i32
        %dma_start3A_1420 = tpu.memref_slice %arg2[%dma_start3A_1418, %dma_start3A_1419] : memref<10000x32xf32, #tpu.memory_space<hbm>> -> memref<10000x32xf32, #tpu.memory_space<hbm>>
        tpu.enqueue_indirect_dma source(%dma_start3A_1420 : memref<10000x32xf32, #tpu.memory_space<hbm>>) target(%dma_start3A_1414 : memref<25x32xf32, #tpu.memory_space<vmem>>) offsets(%dma_start3A_1417 : memref<25xi32, #tpu.memory_space<vmem>>) semaphore(%arg12 : memref<!tpu.dma_semaphore, #tpu.memory_space<semaphore_mem>>)
      } else {
      }
      %mul3A_409 = arith.constant 5 : i32
      %mul3A_410 = arith.muli %add3A_404, %mul3A_409 : i32
      %add3A_411 = arith.constant 0 : i32
      %add3A_412 = arith.addi %mul3A_410, %add3A_411 : i32
      %mul3A_413 = arith.constant 5 : i32
      %mul3A_414 = arith.muli %add3A_404, %mul3A_413 : i32
      %add3A_415 = arith.constant 1 : i32
      %add3A_416 = arith.addi %mul3A_414, %add3A_415 : i32
      %mul3A_417 = arith.constant 5 : i32
      %mul3A_418 = arith.muli %add3A_404, %mul3A_417 : i32
      %add3A_419 = arith.constant 2 : i32
      %add3A_420 = arith.addi %mul3A_418, %add3A_419 : i32
      %mul3A_421 = arith.constant 5 : i32
      %mul3A_422 = arith.muli %add3A_404, %mul3A_421 : i32
      %add3A_423 = arith.constant 3 : i32
      %add3A_424 = arith.addi %mul3A_422, %add3A_423 : i32
      %mul3A_425 = arith.constant 5 : i32
      %mul3A_426 = arith.muli %add3A_404, %mul3A_425 : i32
      %add3A_427 = arith.constant 4 : i32
      %add3A_428 = arith.addi %mul3A_426, %add3A_427 : i32
      %mul3A_429 = arith.constant 5 : i32
      %mul3A_430 = arith.muli %add3A_404, %mul3A_429 : i32
      %add3A_431 = arith.constant 0 : i32
      %add3A_432 = arith.addi %mul3A_430, %add3A_431 : i32
      %mul3A_433 = arith.constant 5 : i32
      %mul3A_434 = arith.muli %add3A_404, %mul3A_433 : i32
      %add3A_435 = arith.constant 1 : i32
      %add3A_436 = arith.addi %mul3A_434, %add3A_435 : i32
      %mul3A_437 = arith.constant 5 : i32
      %mul3A_438 = arith.muli %add3A_404, %mul3A_437 : i32
      %add3A_439 = arith.constant 2 : i32
      %add3A_440 = arith.addi %mul3A_438, %add3A_439 : i32
      %mul3A_441 = arith.constant 5 : i32
      %mul3A_442 = arith.muli %add3A_404, %mul3A_441 : i32
      %add3A_443 = arith.constant 3 : i32
      %add3A_444 = arith.addi %mul3A_442, %add3A_443 : i32
      %mul3A_445 = arith.constant 5 : i32
      %mul3A_446 = arith.muli %add3A_404, %mul3A_445 : i32
      %add3A_447 = arith.constant 4 : i32
      %add3A_448 = arith.addi %mul3A_446, %add3A_447 : i32
      %mul3A_449 = arith.constant 5 : i32
      %mul3A_450 = arith.muli %add3A_404, %mul3A_449 : i32
      %add3A_451 = arith.constant 0 : i32
      %add3A_452 = arith.addi %mul3A_450, %add3A_451 : i32
      %mul3A_453 = arith.constant 5 : i32
      %mul3A_454 = arith.muli %add3A_404, %mul3A_453 : i32
      %add3A_455 = arith.constant 1 : i32
      %add3A_456 = arith.addi %mul3A_454, %add3A_455 : i32
      %mul3A_457 = arith.constant 5 : i32
      %mul3A_458 = arith.muli %add3A_404, %mul3A_457 : i32
      %add3A_459 = arith.constant 2 : i32
      %add3A_460 = arith.addi %mul3A_458, %add3A_459 : i32
      %mul3A_461 = arith.constant 5 : i32
      %mul3A_462 = arith.muli %add3A_404, %mul3A_461 : i32
      %add3A_463 = arith.constant 3 : i32
      %add3A_464 = arith.addi %mul3A_462, %add3A_463 : i32
      %mul3A_465 = arith.constant 5 : i32
      %mul3A_466 = arith.muli %add3A_404, %mul3A_465 : i32
      %add3A_467 = arith.constant 4 : i32
      %add3A_468 = arith.addi %mul3A_466, %add3A_467 : i32
      %mul3A_469 = arith.constant 5 : i32
      %mul3A_470 = arith.muli %add3A_404, %mul3A_469 : i32
      %add3A_471 = arith.constant 0 : i32
      %add3A_472 = arith.addi %mul3A_470, %add3A_471 : i32
      %mul3A_473 = arith.constant 5 : i32
      %mul3A_474 = arith.muli %add3A_404, %mul3A_473 : i32
      %add3A_475 = arith.constant 1 : i32
      %add3A_476 = arith.addi %mul3A_474, %add3A_475 : i32
      %mul3A_477 = arith.constant 5 : i32
      %mul3A_478 = arith.muli %add3A_404, %mul3A_477 : i32
      %add3A_479 = arith.constant 2 : i32
      %add3A_480 = arith.addi %mul3A_478, %add3A_479 : i32
      %mul3A_481 = arith.constant 5 : i32
      %mul3A_482 = arith.muli %add3A_404, %mul3A_481 : i32
      %add3A_483 = arith.constant 3 : i32
      %add3A_484 = arith.addi %mul3A_482, %add3A_483 : i32
      %mul3A_485 = arith.constant 5 : i32
      %mul3A_486 = arith.muli %add3A_404, %mul3A_485 : i32
      %add3A_487 = arith.constant 4 : i32
      %add3A_488 = arith.addi %mul3A_486, %add3A_487 : i32
      %dma_wait3A_489 = arith.constant 0 : i32
      %dma_wait3A_490 = arith.constant 0 : i32
      %dma_wait3A_491 = arith.constant 0 : i32
      %dma_wait3A_492 = arith.constant 0 : i32
      %dma_wait3A_493 = tpu.memref_slice %arg6[%dma_wait3A_490, %dma_wait3A_491, %dma_wait3A_492] : memref<4x125x32xf32, #tpu.memory_space<vmem>> -> memref<1x25x32xf32, #tpu.memory_space<vmem>>
      %dma_wait3A_494 = tpu.memref_squeeze %dma_wait3A_493 : memref<1x25x32xf32, #tpu.memory_space<vmem>> -> memref<25x32xf32, #tpu.memory_space<vmem>>
      %dma_wait3A_495 = arith.constant 0 : i32
      %dma_wait3A_496 = tpu.memref_slice %arg5[%dma_wait3A_489, %add3A_412, %dma_wait3A_495] : memref<4x100x25xi32, #tpu.memory_space<vmem>> -> memref<1x1x25xi32, #tpu.memory_space<vmem>>
      %dma_wait3A_497 = tpu.memref_squeeze %dma_wait3A_496 : memref<1x1x25xi32, #tpu.memory_space<vmem>> -> memref<25xi32, #tpu.memory_space<vmem>>
      %dma_wait3A_498 = arith.constant 0 : i32
      %dma_wait3A_499 = arith.constant 0 : i32
      %dma_wait3A_500 = tpu.memref_slice %arg2[%dma_wait3A_498, %dma_wait3A_499] : memref<10000x32xf32, #tpu.memory_space<hbm>> -> memref<10000x32xf32, #tpu.memory_space<hbm>>
      tpu.wait_indirect_dma semaphore(%arg11 : memref<!tpu.dma_semaphore, #tpu.memory_space<semaphore_mem>>) src(%dma_wait3A_500 : memref<10000x32xf32, #tpu.memory_space<hbm>>) dst(%dma_wait3A_494 : memref<25x32xf32, #tpu.memory_space<vmem>>)
      %dma_wait3A_501 = arith.constant 0 : i32
      %dma_wait3A_502 = arith.constant 0 : i32
      %dma_wait3A_503 = arith.constant 25 : i32
      %dma_wait3A_504 = arith.constant 0 : i32
      %dma_wait3A_505 = tpu.memref_slice %arg6[%dma_wait3A_502, %dma_wait3A_503, %dma_wait3A_504] : memref<4x125x32xf32, #tpu.memory_space<vmem>> -> memref<1x25x32xf32, #tpu.memory_space<vmem>>
      %dma_wait3A_506 = tpu.memref_squeeze %dma_wait3A_505 : memref<1x25x32xf32, #tpu.memory_space<vmem>> -> memref<25x32xf32, #tpu.memory_space<vmem>>
      %dma_wait3A_507 = arith.constant 0 : i32
      %dma_wait3A_508 = tpu.memref_slice %arg5[%dma_wait3A_501, %add3A_416, %dma_wait3A_507] : memref<4x100x25xi32, #tpu.memory_space<vmem>> -> memref<1x1x25xi32, #tpu.memory_space<vmem>>
      %dma_wait3A_509 = tpu.memref_squeeze %dma_wait3A_508 : memref<1x1x25xi32, #tpu.memory_space<vmem>> -> memref<25xi32, #tpu.memory_space<vmem>>
      %dma_wait3A_510 = arith.constant 0 : i32
      %dma_wait3A_511 = arith.constant 0 : i32
      %dma_wait3A_512 = tpu.memref_slice %arg2[%dma_wait3A_510, %dma_wait3A_511] : memref<10000x32xf32, #tpu.memory_space<hbm>> -> memref<10000x32xf32, #tpu.memory_space<hbm>>
      tpu.wait_indirect_dma semaphore(%arg11 : memref<!tpu.dma_semaphore, #tpu.memory_space<semaphore_mem>>) src(%dma_wait3A_512 : memref<10000x32xf32, #tpu.memory_space<hbm>>) dst(%dma_wait3A_506 : memref<25x32xf32, #tpu.memory_space<vmem>>)
      %dma_wait3A_513 = arith.constant 0 : i32
      %dma_wait3A_514 = arith.constant 0 : i32
      %dma_wait3A_515 = arith.constant 50 : i32
      %dma_wait3A_516 = arith.constant 0 : i32
      %dma_wait3A_517 = tpu.memref_slice %arg6[%dma_wait3A_514, %dma_wait3A_515, %dma_wait3A_516] : memref<4x125x32xf32, #tpu.memory_space<vmem>> -> memref<1x25x32xf32, #tpu.memory_space<vmem>>
      %dma_wait3A_518 = tpu.memref_squeeze %dma_wait3A_517 : memref<1x25x32xf32, #tpu.memory_space<vmem>> -> memref<25x32xf32, #tpu.memory_space<vmem>>
      %dma_wait3A_519 = arith.constant 0 : i32
      %dma_wait3A_520 = tpu.memref_slice %arg5[%dma_wait3A_513, %add3A_420, %dma_wait3A_519] : memref<4x100x25xi32, #tpu.memory_space<vmem>> -> memref<1x1x25xi32, #tpu.memory_space<vmem>>
      %dma_wait3A_521 = tpu.memref_squeeze %dma_wait3A_520 : memref<1x1x25xi32, #tpu.memory_space<vmem>> -> memref<25xi32, #tpu.memory_space<vmem>>
      %dma_wait3A_522 = arith.constant 0 : i32
      %dma_wait3A_523 = arith.constant 0 : i32
      %dma_wait3A_524 = tpu.memref_slice %arg2[%dma_wait3A_522, %dma_wait3A_523] : memref<10000x32xf32, #tpu.memory_space<hbm>> -> memref<10000x32xf32, #tpu.memory_space<hbm>>
      tpu.wait_indirect_dma semaphore(%arg11 : memref<!tpu.dma_semaphore, #tpu.memory_space<semaphore_mem>>) src(%dma_wait3A_524 : memref<10000x32xf32, #tpu.memory_space<hbm>>) dst(%dma_wait3A_518 : memref<25x32xf32, #tpu.memory_space<vmem>>)
      %dma_wait3A_525 = arith.constant 0 : i32
      %dma_wait3A_526 = arith.constant 0 : i32
      %dma_wait3A_527 = arith.constant 75 : i32
      %dma_wait3A_528 = arith.constant 0 : i32
      %dma_wait3A_529 = tpu.memref_slice %arg6[%dma_wait3A_526, %dma_wait3A_527, %dma_wait3A_528] : memref<4x125x32xf32, #tpu.memory_space<vmem>> -> memref<1x25x32xf32, #tpu.memory_space<vmem>>
      %dma_wait3A_530 = tpu.memref_squeeze %dma_wait3A_529 : memref<1x25x32xf32, #tpu.memory_space<vmem>> -> memref<25x32xf32, #tpu.memory_space<vmem>>
      %dma_wait3A_531 = arith.constant 0 : i32
      %dma_wait3A_532 = tpu.memref_slice %arg5[%dma_wait3A_525, %add3A_424, %dma_wait3A_531] : memref<4x100x25xi32, #tpu.memory_space<vmem>> -> memref<1x1x25xi32, #tpu.memory_space<vmem>>
      %dma_wait3A_533 = tpu.memref_squeeze %dma_wait3A_532 : memref<1x1x25xi32, #tpu.memory_space<vmem>> -> memref<25xi32, #tpu.memory_space<vmem>>
      %dma_wait3A_534 = arith.constant 0 : i32
      %dma_wait3A_535 = arith.constant 0 : i32
      %dma_wait3A_536 = tpu.memref_slice %arg2[%dma_wait3A_534, %dma_wait3A_535] : memref<10000x32xf32, #tpu.memory_space<hbm>> -> memref<10000x32xf32, #tpu.memory_space<hbm>>
      tpu.wait_indirect_dma semaphore(%arg11 : memref<!tpu.dma_semaphore, #tpu.memory_space<semaphore_mem>>) src(%dma_wait3A_536 : memref<10000x32xf32, #tpu.memory_space<hbm>>) dst(%dma_wait3A_530 : memref<25x32xf32, #tpu.memory_space<vmem>>)
      %dma_wait3A_537 = arith.constant 0 : i32
      %dma_wait3A_538 = arith.constant 0 : i32
      %dma_wait3A_539 = arith.constant 100 : i32
      %dma_wait3A_540 = arith.constant 0 : i32
      %dma_wait3A_541 = tpu.memref_slice %arg6[%dma_wait3A_538, %dma_wait3A_539, %dma_wait3A_540] : memref<4x125x32xf32, #tpu.memory_space<vmem>> -> memref<1x25x32xf32, #tpu.memory_space<vmem>>
      %dma_wait3A_542 = tpu.memref_squeeze %dma_wait3A_541 : memref<1x25x32xf32, #tpu.memory_space<vmem>> -> memref<25x32xf32, #tpu.memory_space<vmem>>
      %dma_wait3A_543 = arith.constant 0 : i32
      %dma_wait3A_544 = tpu.memref_slice %arg5[%dma_wait3A_537, %add3A_428, %dma_wait3A_543] : memref<4x100x25xi32, #tpu.memory_space<vmem>> -> memref<1x1x25xi32, #tpu.memory_space<vmem>>
      %dma_wait3A_545 = tpu.memref_squeeze %dma_wait3A_544 : memref<1x1x25xi32, #tpu.memory_space<vmem>> -> memref<25xi32, #tpu.memory_space<vmem>>
      %dma_wait3A_546 = arith.constant 0 : i32
      %dma_wait3A_547 = arith.constant 0 : i32
      %dma_wait3A_548 = tpu.memref_slice %arg2[%dma_wait3A_546, %dma_wait3A_547] : memref<10000x32xf32, #tpu.memory_space<hbm>> -> memref<10000x32xf32, #tpu.memory_space<hbm>>
      tpu.wait_indirect_dma semaphore(%arg11 : memref<!tpu.dma_semaphore, #tpu.memory_space<semaphore_mem>>) src(%dma_wait3A_548 : memref<10000x32xf32, #tpu.memory_space<hbm>>) dst(%dma_wait3A_542 : memref<25x32xf32, #tpu.memory_space<vmem>>)
      %dma_wait3A_549 = arith.constant 1 : i32
      %dma_wait3A_550 = arith.constant 1 : i32
      %dma_wait3A_551 = arith.constant 0 : i32
      %dma_wait3A_552 = arith.constant 0 : i32
      %dma_wait3A_553 = tpu.memref_slice %arg6[%dma_wait3A_550, %dma_wait3A_551, %dma_wait3A_552] : memref<4x125x32xf32, #tpu.memory_space<vmem>> -> memref<1x25x32xf32, #tpu.memory_space<vmem>>
      %dma_wait3A_554 = tpu.memref_squeeze %dma_wait3A_553 : memref<1x25x32xf32, #tpu.memory_space<vmem>> -> memref<25x32xf32, #tpu.memory_space<vmem>>
      %dma_wait3A_555 = arith.constant 0 : i32
      %dma_wait3A_556 = tpu.memref_slice %arg5[%dma_wait3A_549, %add3A_432, %dma_wait3A_555] : memref<4x100x25xi32, #tpu.memory_space<vmem>> -> memref<1x1x25xi32, #tpu.memory_space<vmem>>
      %dma_wait3A_557 = tpu.memref_squeeze %dma_wait3A_556 : memref<1x1x25xi32, #tpu.memory_space<vmem>> -> memref<25xi32, #tpu.memory_space<vmem>>
      %dma_wait3A_558 = arith.constant 0 : i32
      %dma_wait3A_559 = arith.constant 0 : i32
      %dma_wait3A_560 = tpu.memref_slice %arg2[%dma_wait3A_558, %dma_wait3A_559] : memref<10000x32xf32, #tpu.memory_space<hbm>> -> memref<10000x32xf32, #tpu.memory_space<hbm>>
      tpu.wait_indirect_dma semaphore(%arg11 : memref<!tpu.dma_semaphore, #tpu.memory_space<semaphore_mem>>) src(%dma_wait3A_560 : memref<10000x32xf32, #tpu.memory_space<hbm>>) dst(%dma_wait3A_554 : memref<25x32xf32, #tpu.memory_space<vmem>>)
      %dma_wait3A_561 = arith.constant 1 : i32
      %dma_wait3A_562 = arith.constant 1 : i32
      %dma_wait3A_563 = arith.constant 25 : i32
      %dma_wait3A_564 = arith.constant 0 : i32
      %dma_wait3A_565 = tpu.memref_slice %arg6[%dma_wait3A_562, %dma_wait3A_563, %dma_wait3A_564] : memref<4x125x32xf32, #tpu.memory_space<vmem>> -> memref<1x25x32xf32, #tpu.memory_space<vmem>>
      %dma_wait3A_566 = tpu.memref_squeeze %dma_wait3A_565 : memref<1x25x32xf32, #tpu.memory_space<vmem>> -> memref<25x32xf32, #tpu.memory_space<vmem>>
      %dma_wait3A_567 = arith.constant 0 : i32
      %dma_wait3A_568 = tpu.memref_slice %arg5[%dma_wait3A_561, %add3A_436, %dma_wait3A_567] : memref<4x100x25xi32, #tpu.memory_space<vmem>> -> memref<1x1x25xi32, #tpu.memory_space<vmem>>
      %dma_wait3A_569 = tpu.memref_squeeze %dma_wait3A_568 : memref<1x1x25xi32, #tpu.memory_space<vmem>> -> memref<25xi32, #tpu.memory_space<vmem>>
      %dma_wait3A_570 = arith.constant 0 : i32
      %dma_wait3A_571 = arith.constant 0 : i32
      %dma_wait3A_572 = tpu.memref_slice %arg2[%dma_wait3A_570, %dma_wait3A_571] : memref<10000x32xf32, #tpu.memory_space<hbm>> -> memref<10000x32xf32, #tpu.memory_space<hbm>>
      tpu.wait_indirect_dma semaphore(%arg11 : memref<!tpu.dma_semaphore, #tpu.memory_space<semaphore_mem>>) src(%dma_wait3A_572 : memref<10000x32xf32, #tpu.memory_space<hbm>>) dst(%dma_wait3A_566 : memref<25x32xf32, #tpu.memory_space<vmem>>)
      %dma_wait3A_573 = arith.constant 1 : i32
      %dma_wait3A_574 = arith.constant 1 : i32
      %dma_wait3A_575 = arith.constant 50 : i32
      %dma_wait3A_576 = arith.constant 0 : i32
      %dma_wait3A_577 = tpu.memref_slice %arg6[%dma_wait3A_574, %dma_wait3A_575, %dma_wait3A_576] : memref<4x125x32xf32, #tpu.memory_space<vmem>> -> memref<1x25x32xf32, #tpu.memory_space<vmem>>
      %dma_wait3A_578 = tpu.memref_squeeze %dma_wait3A_577 : memref<1x25x32xf32, #tpu.memory_space<vmem>> -> memref<25x32xf32, #tpu.memory_space<vmem>>
      %dma_wait3A_579 = arith.constant 0 : i32
      %dma_wait3A_580 = tpu.memref_slice %arg5[%dma_wait3A_573, %add3A_440, %dma_wait3A_579] : memref<4x100x25xi32, #tpu.memory_space<vmem>> -> memref<1x1x25xi32, #tpu.memory_space<vmem>>
      %dma_wait3A_581 = tpu.memref_squeeze %dma_wait3A_580 : memref<1x1x25xi32, #tpu.memory_space<vmem>> -> memref<25xi32, #tpu.memory_space<vmem>>
      %dma_wait3A_582 = arith.constant 0 : i32
      %dma_wait3A_583 = arith.constant 0 : i32
      %dma_wait3A_584 = tpu.memref_slice %arg2[%dma_wait3A_582, %dma_wait3A_583] : memref<10000x32xf32, #tpu.memory_space<hbm>> -> memref<10000x32xf32, #tpu.memory_space<hbm>>
      tpu.wait_indirect_dma semaphore(%arg11 : memref<!tpu.dma_semaphore, #tpu.memory_space<semaphore_mem>>) src(%dma_wait3A_584 : memref<10000x32xf32, #tpu.memory_space<hbm>>) dst(%dma_wait3A_578 : memref<25x32xf32, #tpu.memory_space<vmem>>)
      %dma_wait3A_585 = arith.constant 1 : i32
      %dma_wait3A_586 = arith.constant 1 : i32
      %dma_wait3A_587 = arith.constant 75 : i32
      %dma_wait3A_588 = arith.constant 0 : i32
      %dma_wait3A_589 = tpu.memref_slice %arg6[%dma_wait3A_586, %dma_wait3A_587, %dma_wait3A_588] : memref<4x125x32xf32, #tpu.memory_space<vmem>> -> memref<1x25x32xf32, #tpu.memory_space<vmem>>
      %dma_wait3A_590 = tpu.memref_squeeze %dma_wait3A_589 : memref<1x25x32xf32, #tpu.memory_space<vmem>> -> memref<25x32xf32, #tpu.memory_space<vmem>>
      %dma_wait3A_591 = arith.constant 0 : i32
      %dma_wait3A_592 = tpu.memref_slice %arg5[%dma_wait3A_585, %add3A_444, %dma_wait3A_591] : memref<4x100x25xi32, #tpu.memory_space<vmem>> -> memref<1x1x25xi32, #tpu.memory_space<vmem>>
      %dma_wait3A_593 = tpu.memref_squeeze %dma_wait3A_592 : memref<1x1x25xi32, #tpu.memory_space<vmem>> -> memref<25xi32, #tpu.memory_space<vmem>>
      %dma_wait3A_594 = arith.constant 0 : i32
      %dma_wait3A_595 = arith.constant 0 : i32
      %dma_wait3A_596 = tpu.memref_slice %arg2[%dma_wait3A_594, %dma_wait3A_595] : memref<10000x32xf32, #tpu.memory_space<hbm>> -> memref<10000x32xf32, #tpu.memory_space<hbm>>
      tpu.wait_indirect_dma semaphore(%arg11 : memref<!tpu.dma_semaphore, #tpu.memory_space<semaphore_mem>>) src(%dma_wait3A_596 : memref<10000x32xf32, #tpu.memory_space<hbm>>) dst(%dma_wait3A_590 : memref<25x32xf32, #tpu.memory_space<vmem>>)
      %dma_wait3A_597 = arith.constant 1 : i32
      %dma_wait3A_598 = arith.constant 1 : i32
      %dma_wait3A_599 = arith.constant 100 : i32
      %dma_wait3A_600 = arith.constant 0 : i32
      %dma_wait3A_601 = tpu.memref_slice %arg6[%dma_wait3A_598, %dma_wait3A_599, %dma_wait3A_600] : memref<4x125x32xf32, #tpu.memory_space<vmem>> -> memref<1x25x32xf32, #tpu.memory_space<vmem>>
      %dma_wait3A_602 = tpu.memref_squeeze %dma_wait3A_601 : memref<1x25x32xf32, #tpu.memory_space<vmem>> -> memref<25x32xf32, #tpu.memory_space<vmem>>
      %dma_wait3A_603 = arith.constant 0 : i32
      %dma_wait3A_604 = tpu.memref_slice %arg5[%dma_wait3A_597, %add3A_448, %dma_wait3A_603] : memref<4x100x25xi32, #tpu.memory_space<vmem>> -> memref<1x1x25xi32, #tpu.memory_space<vmem>>
      %dma_wait3A_605 = tpu.memref_squeeze %dma_wait3A_604 : memref<1x1x25xi32, #tpu.memory_space<vmem>> -> memref<25xi32, #tpu.memory_space<vmem>>
      %dma_wait3A_606 = arith.constant 0 : i32
      %dma_wait3A_607 = arith.constant 0 : i32
      %dma_wait3A_608 = tpu.memref_slice %arg2[%dma_wait3A_606, %dma_wait3A_607] : memref<10000x32xf32, #tpu.memory_space<hbm>> -> memref<10000x32xf32, #tpu.memory_space<hbm>>
      tpu.wait_indirect_dma semaphore(%arg11 : memref<!tpu.dma_semaphore, #tpu.memory_space<semaphore_mem>>) src(%dma_wait3A_608 : memref<10000x32xf32, #tpu.memory_space<hbm>>) dst(%dma_wait3A_602 : memref<25x32xf32, #tpu.memory_space<vmem>>)
      %dma_wait3A_609 = arith.constant 2 : i32
      %dma_wait3A_610 = arith.constant 2 : i32
      %dma_wait3A_611 = arith.constant 0 : i32
      %dma_wait3A_612 = arith.constant 0 : i32
      %dma_wait3A_613 = tpu.memref_slice %arg6[%dma_wait3A_610, %dma_wait3A_611, %dma_wait3A_612] : memref<4x125x32xf32, #tpu.memory_space<vmem>> -> memref<1x25x32xf32, #tpu.memory_space<vmem>>
      %dma_wait3A_614 = tpu.memref_squeeze %dma_wait3A_613 : memref<1x25x32xf32, #tpu.memory_space<vmem>> -> memref<25x32xf32, #tpu.memory_space<vmem>>
      %dma_wait3A_615 = arith.constant 0 : i32
      %dma_wait3A_616 = tpu.memref_slice %arg5[%dma_wait3A_609, %add3A_452, %dma_wait3A_615] : memref<4x100x25xi32, #tpu.memory_space<vmem>> -> memref<1x1x25xi32, #tpu.memory_space<vmem>>
      %dma_wait3A_617 = tpu.memref_squeeze %dma_wait3A_616 : memref<1x1x25xi32, #tpu.memory_space<vmem>> -> memref<25xi32, #tpu.memory_space<vmem>>
      %dma_wait3A_618 = arith.constant 0 : i32
      %dma_wait3A_619 = arith.constant 0 : i32
      %dma_wait3A_620 = tpu.memref_slice %arg2[%dma_wait3A_618, %dma_wait3A_619] : memref<10000x32xf32, #tpu.memory_space<hbm>> -> memref<10000x32xf32, #tpu.memory_space<hbm>>
      tpu.wait_indirect_dma semaphore(%arg11 : memref<!tpu.dma_semaphore, #tpu.memory_space<semaphore_mem>>) src(%dma_wait3A_620 : memref<10000x32xf32, #tpu.memory_space<hbm>>) dst(%dma_wait3A_614 : memref<25x32xf32, #tpu.memory_space<vmem>>)
      %dma_wait3A_621 = arith.constant 2 : i32
      %dma_wait3A_622 = arith.constant 2 : i32
      %dma_wait3A_623 = arith.constant 25 : i32
      %dma_wait3A_624 = arith.constant 0 : i32
      %dma_wait3A_625 = tpu.memref_slice %arg6[%dma_wait3A_622, %dma_wait3A_623, %dma_wait3A_624] : memref<4x125x32xf32, #tpu.memory_space<vmem>> -> memref<1x25x32xf32, #tpu.memory_space<vmem>>
      %dma_wait3A_626 = tpu.memref_squeeze %dma_wait3A_625 : memref<1x25x32xf32, #tpu.memory_space<vmem>> -> memref<25x32xf32, #tpu.memory_space<vmem>>
      %dma_wait3A_627 = arith.constant 0 : i32
      %dma_wait3A_628 = tpu.memref_slice %arg5[%dma_wait3A_621, %add3A_456, %dma_wait3A_627] : memref<4x100x25xi32, #tpu.memory_space<vmem>> -> memref<1x1x25xi32, #tpu.memory_space<vmem>>
      %dma_wait3A_629 = tpu.memref_squeeze %dma_wait3A_628 : memref<1x1x25xi32, #tpu.memory_space<vmem>> -> memref<25xi32, #tpu.memory_space<vmem>>
      %dma_wait3A_630 = arith.constant 0 : i32
      %dma_wait3A_631 = arith.constant 0 : i32
      %dma_wait3A_632 = tpu.memref_slice %arg2[%dma_wait3A_630, %dma_wait3A_631] : memref<10000x32xf32, #tpu.memory_space<hbm>> -> memref<10000x32xf32, #tpu.memory_space<hbm>>
      tpu.wait_indirect_dma semaphore(%arg11 : memref<!tpu.dma_semaphore, #tpu.memory_space<semaphore_mem>>) src(%dma_wait3A_632 : memref<10000x32xf32, #tpu.memory_space<hbm>>) dst(%dma_wait3A_626 : memref<25x32xf32, #tpu.memory_space<vmem>>)
      %dma_wait3A_633 = arith.constant 2 : i32
      %dma_wait3A_634 = arith.constant 2 : i32
      %dma_wait3A_635 = arith.constant 50 : i32
      %dma_wait3A_636 = arith.constant 0 : i32
      %dma_wait3A_637 = tpu.memref_slice %arg6[%dma_wait3A_634, %dma_wait3A_635, %dma_wait3A_636] : memref<4x125x32xf32, #tpu.memory_space<vmem>> -> memref<1x25x32xf32, #tpu.memory_space<vmem>>
      %dma_wait3A_638 = tpu.memref_squeeze %dma_wait3A_637 : memref<1x25x32xf32, #tpu.memory_space<vmem>> -> memref<25x32xf32, #tpu.memory_space<vmem>>
      %dma_wait3A_639 = arith.constant 0 : i32
      %dma_wait3A_640 = tpu.memref_slice %arg5[%dma_wait3A_633, %add3A_460, %dma_wait3A_639] : memref<4x100x25xi32, #tpu.memory_space<vmem>> -> memref<1x1x25xi32, #tpu.memory_space<vmem>>
      %dma_wait3A_641 = tpu.memref_squeeze %dma_wait3A_640 : memref<1x1x25xi32, #tpu.memory_space<vmem>> -> memref<25xi32, #tpu.memory_space<vmem>>
      %dma_wait3A_642 = arith.constant 0 : i32
      %dma_wait3A_643 = arith.constant 0 : i32
      %dma_wait3A_644 = tpu.memref_slice %arg2[%dma_wait3A_642, %dma_wait3A_643] : memref<10000x32xf32, #tpu.memory_space<hbm>> -> memref<10000x32xf32, #tpu.memory_space<hbm>>
      tpu.wait_indirect_dma semaphore(%arg11 : memref<!tpu.dma_semaphore, #tpu.memory_space<semaphore_mem>>) src(%dma_wait3A_644 : memref<10000x32xf32, #tpu.memory_space<hbm>>) dst(%dma_wait3A_638 : memref<25x32xf32, #tpu.memory_space<vmem>>)
      %dma_wait3A_645 = arith.constant 2 : i32
      %dma_wait3A_646 = arith.constant 2 : i32
      %dma_wait3A_647 = arith.constant 75 : i32
      %dma_wait3A_648 = arith.constant 0 : i32
      %dma_wait3A_649 = tpu.memref_slice %arg6[%dma_wait3A_646, %dma_wait3A_647, %dma_wait3A_648] : memref<4x125x32xf32, #tpu.memory_space<vmem>> -> memref<1x25x32xf32, #tpu.memory_space<vmem>>
      %dma_wait3A_650 = tpu.memref_squeeze %dma_wait3A_649 : memref<1x25x32xf32, #tpu.memory_space<vmem>> -> memref<25x32xf32, #tpu.memory_space<vmem>>
      %dma_wait3A_651 = arith.constant 0 : i32
      %dma_wait3A_652 = tpu.memref_slice %arg5[%dma_wait3A_645, %add3A_464, %dma_wait3A_651] : memref<4x100x25xi32, #tpu.memory_space<vmem>> -> memref<1x1x25xi32, #tpu.memory_space<vmem>>
      %dma_wait3A_653 = tpu.memref_squeeze %dma_wait3A_652 : memref<1x1x25xi32, #tpu.memory_space<vmem>> -> memref<25xi32, #tpu.memory_space<vmem>>
      %dma_wait3A_654 = arith.constant 0 : i32
      %dma_wait3A_655 = arith.constant 0 : i32
      %dma_wait3A_656 = tpu.memref_slice %arg2[%dma_wait3A_654, %dma_wait3A_655] : memref<10000x32xf32, #tpu.memory_space<hbm>> -> memref<10000x32xf32, #tpu.memory_space<hbm>>
      tpu.wait_indirect_dma semaphore(%arg11 : memref<!tpu.dma_semaphore, #tpu.memory_space<semaphore_mem>>) src(%dma_wait3A_656 : memref<10000x32xf32, #tpu.memory_space<hbm>>) dst(%dma_wait3A_650 : memref<25x32xf32, #tpu.memory_space<vmem>>)
      %dma_wait3A_657 = arith.constant 2 : i32
      %dma_wait3A_658 = arith.constant 2 : i32
      %dma_wait3A_659 = arith.constant 100 : i32
      %dma_wait3A_660 = arith.constant 0 : i32
      %dma_wait3A_661 = tpu.memref_slice %arg6[%dma_wait3A_658, %dma_wait3A_659, %dma_wait3A_660] : memref<4x125x32xf32, #tpu.memory_space<vmem>> -> memref<1x25x32xf32, #tpu.memory_space<vmem>>
      %dma_wait3A_662 = tpu.memref_squeeze %dma_wait3A_661 : memref<1x25x32xf32, #tpu.memory_space<vmem>> -> memref<25x32xf32, #tpu.memory_space<vmem>>
      %dma_wait3A_663 = arith.constant 0 : i32
      %dma_wait3A_664 = tpu.memref_slice %arg5[%dma_wait3A_657, %add3A_468, %dma_wait3A_663] : memref<4x100x25xi32, #tpu.memory_space<vmem>> -> memref<1x1x25xi32, #tpu.memory_space<vmem>>
      %dma_wait3A_665 = tpu.memref_squeeze %dma_wait3A_664 : memref<1x1x25xi32, #tpu.memory_space<vmem>> -> memref<25xi32, #tpu.memory_space<vmem>>
      %dma_wait3A_666 = arith.constant 0 : i32
      %dma_wait3A_667 = arith.constant 0 : i32
      %dma_wait3A_668 = tpu.memref_slice %arg2[%dma_wait3A_666, %dma_wait3A_667] : memref<10000x32xf32, #tpu.memory_space<hbm>> -> memref<10000x32xf32, #tpu.memory_space<hbm>>
      tpu.wait_indirect_dma semaphore(%arg11 : memref<!tpu.dma_semaphore, #tpu.memory_space<semaphore_mem>>) src(%dma_wait3A_668 : memref<10000x32xf32, #tpu.memory_space<hbm>>) dst(%dma_wait3A_662 : memref<25x32xf32, #tpu.memory_space<vmem>>)
      %dma_wait3A_669 = arith.constant 3 : i32
      %dma_wait3A_670 = arith.constant 3 : i32
      %dma_wait3A_671 = arith.constant 0 : i32
      %dma_wait3A_672 = arith.constant 0 : i32
      %dma_wait3A_673 = tpu.memref_slice %arg6[%dma_wait3A_670, %dma_wait3A_671, %dma_wait3A_672] : memref<4x125x32xf32, #tpu.memory_space<vmem>> -> memref<1x25x32xf32, #tpu.memory_space<vmem>>
      %dma_wait3A_674 = tpu.memref_squeeze %dma_wait3A_673 : memref<1x25x32xf32, #tpu.memory_space<vmem>> -> memref<25x32xf32, #tpu.memory_space<vmem>>
      %dma_wait3A_675 = arith.constant 0 : i32
      %dma_wait3A_676 = tpu.memref_slice %arg5[%dma_wait3A_669, %add3A_472, %dma_wait3A_675] : memref<4x100x25xi32, #tpu.memory_space<vmem>> -> memref<1x1x25xi32, #tpu.memory_space<vmem>>
      %dma_wait3A_677 = tpu.memref_squeeze %dma_wait3A_676 : memref<1x1x25xi32, #tpu.memory_space<vmem>> -> memref<25xi32, #tpu.memory_space<vmem>>
      %dma_wait3A_678 = arith.constant 0 : i32
      %dma_wait3A_679 = arith.constant 0 : i32
      %dma_wait3A_680 = tpu.memref_slice %arg2[%dma_wait3A_678, %dma_wait3A_679] : memref<10000x32xf32, #tpu.memory_space<hbm>> -> memref<10000x32xf32, #tpu.memory_space<hbm>>
      tpu.wait_indirect_dma semaphore(%arg11 : memref<!tpu.dma_semaphore, #tpu.memory_space<semaphore_mem>>) src(%dma_wait3A_680 : memref<10000x32xf32, #tpu.memory_space<hbm>>) dst(%dma_wait3A_674 : memref<25x32xf32, #tpu.memory_space<vmem>>)
      %dma_wait3A_681 = arith.constant 3 : i32
      %dma_wait3A_682 = arith.constant 3 : i32
      %dma_wait3A_683 = arith.constant 25 : i32
      %dma_wait3A_684 = arith.constant 0 : i32
      %dma_wait3A_685 = tpu.memref_slice %arg6[%dma_wait3A_682, %dma_wait3A_683, %dma_wait3A_684] : memref<4x125x32xf32, #tpu.memory_space<vmem>> -> memref<1x25x32xf32, #tpu.memory_space<vmem>>
      %dma_wait3A_686 = tpu.memref_squeeze %dma_wait3A_685 : memref<1x25x32xf32, #tpu.memory_space<vmem>> -> memref<25x32xf32, #tpu.memory_space<vmem>>
      %dma_wait3A_687 = arith.constant 0 : i32
      %dma_wait3A_688 = tpu.memref_slice %arg5[%dma_wait3A_681, %add3A_476, %dma_wait3A_687] : memref<4x100x25xi32, #tpu.memory_space<vmem>> -> memref<1x1x25xi32, #tpu.memory_space<vmem>>
      %dma_wait3A_689 = tpu.memref_squeeze %dma_wait3A_688 : memref<1x1x25xi32, #tpu.memory_space<vmem>> -> memref<25xi32, #tpu.memory_space<vmem>>
      %dma_wait3A_690 = arith.constant 0 : i32
      %dma_wait3A_691 = arith.constant 0 : i32
      %dma_wait3A_692 = tpu.memref_slice %arg2[%dma_wait3A_690, %dma_wait3A_691] : memref<10000x32xf32, #tpu.memory_space<hbm>> -> memref<10000x32xf32, #tpu.memory_space<hbm>>
      tpu.wait_indirect_dma semaphore(%arg11 : memref<!tpu.dma_semaphore, #tpu.memory_space<semaphore_mem>>) src(%dma_wait3A_692 : memref<10000x32xf32, #tpu.memory_space<hbm>>) dst(%dma_wait3A_686 : memref<25x32xf32, #tpu.memory_space<vmem>>)
      %dma_wait3A_693 = arith.constant 3 : i32
      %dma_wait3A_694 = arith.constant 3 : i32
      %dma_wait3A_695 = arith.constant 50 : i32
      %dma_wait3A_696 = arith.constant 0 : i32
      %dma_wait3A_697 = tpu.memref_slice %arg6[%dma_wait3A_694, %dma_wait3A_695, %dma_wait3A_696] : memref<4x125x32xf32, #tpu.memory_space<vmem>> -> memref<1x25x32xf32, #tpu.memory_space<vmem>>
      %dma_wait3A_698 = tpu.memref_squeeze %dma_wait3A_697 : memref<1x25x32xf32, #tpu.memory_space<vmem>> -> memref<25x32xf32, #tpu.memory_space<vmem>>
      %dma_wait3A_699 = arith.constant 0 : i32
      %dma_wait3A_700 = tpu.memref_slice %arg5[%dma_wait3A_693, %add3A_480, %dma_wait3A_699] : memref<4x100x25xi32, #tpu.memory_space<vmem>> -> memref<1x1x25xi32, #tpu.memory_space<vmem>>
      %dma_wait3A_701 = tpu.memref_squeeze %dma_wait3A_700 : memref<1x1x25xi32, #tpu.memory_space<vmem>> -> memref<25xi32, #tpu.memory_space<vmem>>
      %dma_wait3A_702 = arith.constant 0 : i32
      %dma_wait3A_703 = arith.constant 0 : i32
      %dma_wait3A_704 = tpu.memref_slice %arg2[%dma_wait3A_702, %dma_wait3A_703] : memref<10000x32xf32, #tpu.memory_space<hbm>> -> memref<10000x32xf32, #tpu.memory_space<hbm>>
      tpu.wait_indirect_dma semaphore(%arg11 : memref<!tpu.dma_semaphore, #tpu.memory_space<semaphore_mem>>) src(%dma_wait3A_704 : memref<10000x32xf32, #tpu.memory_space<hbm>>) dst(%dma_wait3A_698 : memref<25x32xf32, #tpu.memory_space<vmem>>)
      %dma_wait3A_705 = arith.constant 3 : i32
      %dma_wait3A_706 = arith.constant 3 : i32
      %dma_wait3A_707 = arith.constant 75 : i32
      %dma_wait3A_708 = arith.constant 0 : i32
      %dma_wait3A_709 = tpu.memref_slice %arg6[%dma_wait3A_706, %dma_wait3A_707, %dma_wait3A_708] : memref<4x125x32xf32, #tpu.memory_space<vmem>> -> memref<1x25x32xf32, #tpu.memory_space<vmem>>
      %dma_wait3A_710 = tpu.memref_squeeze %dma_wait3A_709 : memref<1x25x32xf32, #tpu.memory_space<vmem>> -> memref<25x32xf32, #tpu.memory_space<vmem>>
      %dma_wait3A_711 = arith.constant 0 : i32
      %dma_wait3A_712 = tpu.memref_slice %arg5[%dma_wait3A_705, %add3A_484, %dma_wait3A_711] : memref<4x100x25xi32, #tpu.memory_space<vmem>> -> memref<1x1x25xi32, #tpu.memory_space<vmem>>
      %dma_wait3A_713 = tpu.memref_squeeze %dma_wait3A_712 : memref<1x1x25xi32, #tpu.memory_space<vmem>> -> memref<25xi32, #tpu.memory_space<vmem>>
      %dma_wait3A_714 = arith.constant 0 : i32
      %dma_wait3A_715 = arith.constant 0 : i32
      %dma_wait3A_716 = tpu.memref_slice %arg2[%dma_wait3A_714, %dma_wait3A_715] : memref<10000x32xf32, #tpu.memory_space<hbm>> -> memref<10000x32xf32, #tpu.memory_space<hbm>>
      tpu.wait_indirect_dma semaphore(%arg11 : memref<!tpu.dma_semaphore, #tpu.memory_space<semaphore_mem>>) src(%dma_wait3A_716 : memref<10000x32xf32, #tpu.memory_space<hbm>>) dst(%dma_wait3A_710 : memref<25x32xf32, #tpu.memory_space<vmem>>)
      %dma_wait3A_717 = arith.constant 3 : i32
      %dma_wait3A_718 = arith.constant 3 : i32
      %dma_wait3A_719 = arith.constant 100 : i32
      %dma_wait3A_720 = arith.constant 0 : i32
      %dma_wait3A_721 = tpu.memref_slice %arg6[%dma_wait3A_718, %dma_wait3A_719, %dma_wait3A_720] : memref<4x125x32xf32, #tpu.memory_space<vmem>> -> memref<1x25x32xf32, #tpu.memory_space<vmem>>
      %dma_wait3A_722 = tpu.memref_squeeze %dma_wait3A_721 : memref<1x25x32xf32, #tpu.memory_space<vmem>> -> memref<25x32xf32, #tpu.memory_space<vmem>>
      %dma_wait3A_723 = arith.constant 0 : i32
      %dma_wait3A_724 = tpu.memref_slice %arg5[%dma_wait3A_717, %add3A_488, %dma_wait3A_723] : memref<4x100x25xi32, #tpu.memory_space<vmem>> -> memref<1x1x25xi32, #tpu.memory_space<vmem>>
      %dma_wait3A_725 = tpu.memref_squeeze %dma_wait3A_724 : memref<1x1x25xi32, #tpu.memory_space<vmem>> -> memref<25xi32, #tpu.memory_space<vmem>>
      %dma_wait3A_726 = arith.constant 0 : i32
      %dma_wait3A_727 = arith.constant 0 : i32
      %dma_wait3A_728 = tpu.memref_slice %arg2[%dma_wait3A_726, %dma_wait3A_727] : memref<10000x32xf32, #tpu.memory_space<hbm>> -> memref<10000x32xf32, #tpu.memory_space<hbm>>
      tpu.wait_indirect_dma semaphore(%arg11 : memref<!tpu.dma_semaphore, #tpu.memory_space<semaphore_mem>>) src(%dma_wait3A_728 : memref<10000x32xf32, #tpu.memory_space<hbm>>) dst(%dma_wait3A_722 : memref<25x32xf32, #tpu.memory_space<vmem>>)
      %ge3A = arith.constant 2 : i32
      %ge3A_729 = arith.cmpi sge, %add3A_404, %ge3A : i32
      %convert_element_type3A_730 = arith.extui %ge3A_729 : i1 to i32
      %cond3A_731 = arith.constant 0 : i32
      %cond3A_732 = arith.cmpi ne, %convert_element_type3A_730, %cond3A_731 : i32
      scf.if %cond3A_732 {
        %sub3A = arith.constant 2 : i32
        %sub3A_1099 = arith.subi %add3A_404, %sub3A : i32
        %mul3A_1100 = arith.constant 2500 : i32
        %mul3A_1101 = arith.muli %add3A, %mul3A_1100 : i32
        %mul3A_1102 = arith.constant 125 : i32
        %mul3A_1103 = arith.muli %sub3A_1099, %mul3A_1102 : i32
        %add3A_1104 = arith.addi %mul3A_1101, %mul3A_1103 : i32
        %dma_wait3A_1105 = arith.constant 0 : i32
        %dma_wait3A_1106 = tpu.memref_slice %arg4[%add3A_1104, %dma_wait3A_1105] : memref<80000x128xf32, #tpu.memory_space<hbm>> -> memref<125x128xf32, #tpu.memory_space<hbm>>
        %dma_wait3A_1107 = arith.constant 0 : i32
        %dma_wait3A_1108 = tpu.memref_slice %arg4[%add3A_1104, %dma_wait3A_1107] : memref<80000x128xf32, #tpu.memory_space<hbm>> -> memref<125x128xf32, #tpu.memory_space<hbm>>
        tpu.wait_dma2 semaphore(%arg13 : memref<!tpu.dma_semaphore, #tpu.memory_space<semaphore_mem>>) src(%arg8 : memref<125x128xf32, #tpu.memory_space<vmem>>) dst(%dma_wait3A_1108 : memref<125x128xf32, #tpu.memory_space<hbm>>)
      } else {
      }
      %scan3A_733 = arith.constant 0 : i32
      %scan3A_734 = arith.constant 0 : i32
      %scan3A_735 = arith.constant 125 : i32
      %scan3A_736 = arith.addi %scan3A_734, %scan3A_735 : i32
      %scan3A_737 = arith.constant 1 : i32
      scf.for %scan3A_1099 = %scan3A_734 to %scan3A_736 step %scan3A_737  : i32 {
        %get3A = arith.constant 0 : i32
        %get3A_1100 = arith.index_cast %get3A : i32 to index
        %get3A_1101 = arith.index_cast %scan3A_1099 : i32 to index
        %get3A_1102 = arith.constant 0 : index
        %get3A_1103 = tpu.vector_load %arg6[%get3A_1100, %get3A_1101, %get3A_1102] {strides = array<i32>} : memref<4x125x32xf32, #tpu.memory_space<vmem>>, vector<1x1x16xf32>,
        %get3A_1104 = vector.shape_cast %get3A_1103 : vector<1x1x16xf32> to vector<16xf32>
        %swap3A = arith.index_cast %scan3A_1099 : i32 to index
        %swap3A_1105 = arith.constant 0 : index
        %swap3A_1106 = tpu.vector_load %arg8[%swap3A, %swap3A_1105] {strides = array<i32>} : memref<125x128xf32, #tpu.memory_space<vmem>>, vector<1x16xf32>,
        %swap3A_1107 = vector.shape_cast %swap3A_1106 : vector<1x16xf32> to vector<16xf32>
        %swap3A_1108 = vector.shape_cast %get3A_1104 : vector<16xf32> to vector<1x16xf32>
        tpu.vector_store %arg8[%swap3A, %swap3A_1105], %swap3A_1108 {strides = array<i32>} : memref<125x128xf32, #tpu.memory_space<vmem>>, vector<1x16xf32>,
        %get3A_1109 = arith.constant 0 : i32
        %get3A_1110 = arith.index_cast %get3A_1109 : i32 to index
        %get3A_1111 = arith.index_cast %scan3A_1099 : i32 to index
        %get3A_1112 = arith.constant 16 : index
        %get3A_1113 = tpu.vector_load %arg6[%get3A_1110, %get3A_1111, %get3A_1112] {strides = array<i32>} : memref<4x125x32xf32, #tpu.memory_space<vmem>>, vector<1x1x16xf32>,
        %get3A_1114 = vector.shape_cast %get3A_1113 : vector<1x1x16xf32> to vector<16xf32>
        %swap3A_1115 = arith.index_cast %scan3A_1099 : i32 to index
        %swap3A_1116 = arith.constant 16 : index
        %swap3A_1117 = tpu.vector_load %arg8[%swap3A_1115, %swap3A_1116] {strides = array<i32>} : memref<125x128xf32, #tpu.memory_space<vmem>>, vector<1x16xf32>,
        %swap3A_1118 = vector.shape_cast %swap3A_1117 : vector<1x16xf32> to vector<16xf32>
        %swap3A_1119 = vector.shape_cast %get3A_1114 : vector<16xf32> to vector<1x16xf32>
        tpu.vector_store %arg8[%swap3A_1115, %swap3A_1116], %swap3A_1119 {strides = array<i32>} : memref<125x128xf32, #tpu.memory_space<vmem>>, vector<1x16xf32>,
        %get3A_1120 = arith.constant 1 : i32
        %get3A_1121 = arith.index_cast %get3A_1120 : i32 to index
        %get3A_1122 = arith.index_cast %scan3A_1099 : i32 to index
        %get3A_1123 = arith.constant 0 : index
        %get3A_1124 = tpu.vector_load %arg6[%get3A_1121, %get3A_1122, %get3A_1123] {strides = array<i32>} : memref<4x125x32xf32, #tpu.memory_space<vmem>>, vector<1x1x16xf32>,
        %get3A_1125 = vector.shape_cast %get3A_1124 : vector<1x1x16xf32> to vector<16xf32>
        %swap3A_1126 = arith.index_cast %scan3A_1099 : i32 to index
        %swap3A_1127 = arith.constant 32 : index
        %swap3A_1128 = tpu.vector_load %arg8[%swap3A_1126, %swap3A_1127] {strides = array<i32>} : memref<125x128xf32, #tpu.memory_space<vmem>>, vector<1x16xf32>,
        %swap3A_1129 = vector.shape_cast %swap3A_1128 : vector<1x16xf32> to vector<16xf32>
        %swap3A_1130 = vector.shape_cast %get3A_1125 : vector<16xf32> to vector<1x16xf32>
        tpu.vector_store %arg8[%swap3A_1126, %swap3A_1127], %swap3A_1130 {strides = array<i32>} : memref<125x128xf32, #tpu.memory_space<vmem>>, vector<1x16xf32>,
        %get3A_1131 = arith.constant 1 : i32
        %get3A_1132 = arith.index_cast %get3A_1131 : i32 to index
        %get3A_1133 = arith.index_cast %scan3A_1099 : i32 to index
        %get3A_1134 = arith.constant 16 : index
        %get3A_1135 = tpu.vector_load %arg6[%get3A_1132, %get3A_1133, %get3A_1134] {strides = array<i32>} : memref<4x125x32xf32, #tpu.memory_space<vmem>>, vector<1x1x16xf32>,
        %get3A_1136 = vector.shape_cast %get3A_1135 : vector<1x1x16xf32> to vector<16xf32>
        %swap3A_1137 = arith.index_cast %scan3A_1099 : i32 to index
        %swap3A_1138 = arith.constant 48 : index
        %swap3A_1139 = tpu.vector_load %arg8[%swap3A_1137, %swap3A_1138] {strides = array<i32>} : memref<125x128xf32, #tpu.memory_space<vmem>>, vector<1x16xf32>,
        %swap3A_1140 = vector.shape_cast %swap3A_1139 : vector<1x16xf32> to vector<16xf32>
        %swap3A_1141 = vector.shape_cast %get3A_1136 : vector<16xf32> to vector<1x16xf32>
        tpu.vector_store %arg8[%swap3A_1137, %swap3A_1138], %swap3A_1141 {strides = array<i32>} : memref<125x128xf32, #tpu.memory_space<vmem>>, vector<1x16xf32>,
        %get3A_1142 = arith.constant 2 : i32
        %get3A_1143 = arith.index_cast %get3A_1142 : i32 to index
        %get3A_1144 = arith.index_cast %scan3A_1099 : i32 to index
        %get3A_1145 = arith.constant 0 : index
        %get3A_1146 = tpu.vector_load %arg6[%get3A_1143, %get3A_1144, %get3A_1145] {strides = array<i32>} : memref<4x125x32xf32, #tpu.memory_space<vmem>>, vector<1x1x16xf32>,
        %get3A_1147 = vector.shape_cast %get3A_1146 : vector<1x1x16xf32> to vector<16xf32>
        %swap3A_1148 = arith.index_cast %scan3A_1099 : i32 to index
        %swap3A_1149 = arith.constant 64 : index
        %swap3A_1150 = tpu.vector_load %arg8[%swap3A_1148, %swap3A_1149] {strides = array<i32>} : memref<125x128xf32, #tpu.memory_space<vmem>>, vector<1x16xf32>,
        %swap3A_1151 = vector.shape_cast %swap3A_1150 : vector<1x16xf32> to vector<16xf32>
        %swap3A_1152 = vector.shape_cast %get3A_1147 : vector<16xf32> to vector<1x16xf32>
        tpu.vector_store %arg8[%swap3A_1148, %swap3A_1149], %swap3A_1152 {strides = array<i32>} : memref<125x128xf32, #tpu.memory_space<vmem>>, vector<1x16xf32>,
        %get3A_1153 = arith.constant 2 : i32
        %get3A_1154 = arith.index_cast %get3A_1153 : i32 to index
        %get3A_1155 = arith.index_cast %scan3A_1099 : i32 to index
        %get3A_1156 = arith.constant 16 : index
        %get3A_1157 = tpu.vector_load %arg6[%get3A_1154, %get3A_1155, %get3A_1156] {strides = array<i32>} : memref<4x125x32xf32, #tpu.memory_space<vmem>>, vector<1x1x16xf32>,
        %get3A_1158 = vector.shape_cast %get3A_1157 : vector<1x1x16xf32> to vector<16xf32>
        %swap3A_1159 = arith.index_cast %scan3A_1099 : i32 to index
        %swap3A_1160 = arith.constant 80 : index
        %swap3A_1161 = tpu.vector_load %arg8[%swap3A_1159, %swap3A_1160] {strides = array<i32>} : memref<125x128xf32, #tpu.memory_space<vmem>>, vector<1x16xf32>,
        %swap3A_1162 = vector.shape_cast %swap3A_1161 : vector<1x16xf32> to vector<16xf32>
        %swap3A_1163 = vector.shape_cast %get3A_1158 : vector<16xf32> to vector<1x16xf32>
        tpu.vector_store %arg8[%swap3A_1159, %swap3A_1160], %swap3A_1163 {strides = array<i32>} : memref<125x128xf32, #tpu.memory_space<vmem>>, vector<1x16xf32>,
        %get3A_1164 = arith.constant 3 : i32
        %get3A_1165 = arith.index_cast %get3A_1164 : i32 to index
        %get3A_1166 = arith.index_cast %scan3A_1099 : i32 to index
        %get3A_1167 = arith.constant 0 : index
        %get3A_1168 = tpu.vector_load %arg6[%get3A_1165, %get3A_1166, %get3A_1167] {strides = array<i32>} : memref<4x125x32xf32, #tpu.memory_space<vmem>>, vector<1x1x16xf32>,
        %get3A_1169 = vector.shape_cast %get3A_1168 : vector<1x1x16xf32> to vector<16xf32>
        %swap3A_1170 = arith.index_cast %scan3A_1099 : i32 to index
        %swap3A_1171 = arith.constant 96 : index
        %swap3A_1172 = tpu.vector_load %arg8[%swap3A_1170, %swap3A_1171] {strides = array<i32>} : memref<125x128xf32, #tpu.memory_space<vmem>>, vector<1x16xf32>,
        %swap3A_1173 = vector.shape_cast %swap3A_1172 : vector<1x16xf32> to vector<16xf32>
        %swap3A_1174 = vector.shape_cast %get3A_1169 : vector<16xf32> to vector<1x16xf32>
        tpu.vector_store %arg8[%swap3A_1170, %swap3A_1171], %swap3A_1174 {strides = array<i32>} : memref<125x128xf32, #tpu.memory_space<vmem>>, vector<1x16xf32>,
        %get3A_1175 = arith.constant 3 : i32
        %get3A_1176 = arith.index_cast %get3A_1175 : i32 to index
        %get3A_1177 = arith.index_cast %scan3A_1099 : i32 to index
        %get3A_1178 = arith.constant 16 : index
        %get3A_1179 = tpu.vector_load %arg6[%get3A_1176, %get3A_1177, %get3A_1178] {strides = array<i32>} : memref<4x125x32xf32, #tpu.memory_space<vmem>>, vector<1x1x16xf32>,
        %get3A_1180 = vector.shape_cast %get3A_1179 : vector<1x1x16xf32> to vector<16xf32>
        %swap3A_1181 = arith.index_cast %scan3A_1099 : i32 to index
        %swap3A_1182 = arith.constant 112 : index
        %swap3A_1183 = tpu.vector_load %arg8[%swap3A_1181, %swap3A_1182] {strides = array<i32>} : memref<125x128xf32, #tpu.memory_space<vmem>>, vector<1x16xf32>,
        %swap3A_1184 = vector.shape_cast %swap3A_1183 : vector<1x16xf32> to vector<16xf32>
        %swap3A_1185 = vector.shape_cast %get3A_1180 : vector<16xf32> to vector<1x16xf32>
        tpu.vector_store %arg8[%swap3A_1181, %swap3A_1182], %swap3A_1185 {strides = array<i32>} : memref<125x128xf32, #tpu.memory_space<vmem>>, vector<1x16xf32>,
      }
      %scan3A_738 = arith.constant 125 : i32
      %mul3A_739 = arith.constant 2500 : i32
      %mul3A_740 = arith.muli %add3A, %mul3A_739 : i32
      %mul3A_741 = arith.constant 125 : i32
      %mul3A_742 = arith.muli %add3A_404, %mul3A_741 : i32
      %add3A_743 = arith.addi %mul3A_740, %mul3A_742 : i32
      %dma_start3A_744 = arith.constant 0 : i32
      %dma_start3A_745 = tpu.memref_slice %arg4[%add3A_743, %dma_start3A_744] : memref<80000x128xf32, #tpu.memory_space<hbm>> -> memref<125x128xf32, #tpu.memory_space<hbm>>
      %dma_start3A_746 = arith.constant 0 : i32
      %dma_start3A_747 = tpu.memref_slice %arg4[%add3A_743, %dma_start3A_746] : memref<80000x128xf32, #tpu.memory_space<hbm>> -> memref<125x128xf32, #tpu.memory_space<hbm>>
      tpu.enqueue_dma source(%arg8 : memref<125x128xf32, #tpu.memory_space<vmem>>) target(%dma_start3A_747 : memref<125x128xf32, #tpu.memory_space<hbm>>) target_semaphore(%arg13 : memref<!tpu.dma_semaphore, #tpu.memory_space<semaphore_mem>>)
      %mul3A_748 = arith.constant 2 : i32
      %mul3A_749 = arith.muli %mul3A_748, %scan3A_400 : i32
      %add3A_750 = arith.constant 1 : i32
      %add3A_751 = arith.addi %mul3A_749, %add3A_750 : i32
      %add3A_752 = arith.constant 1 : i32
      %add3A_753 = arith.addi %add3A_751, %add3A_752 : i32
      %lt3A_754 = arith.constant 20 : i32
      %lt3A_755 = arith.cmpi slt, %add3A_753, %lt3A_754 : i32
      %convert_element_type3A_756 = arith.extui %lt3A_755 : i1 to i32
      %cond3A_757 = arith.constant 0 : i32
      %cond3A_758 = arith.cmpi ne, %convert_element_type3A_756, %cond3A_757 : i32
      scf.if %cond3A_758 {
        %add3A_1099 = arith.constant 1 : i32
        %add3A_1100 = arith.addi %add3A_751, %add3A_1099 : i32
        %mul3A_1101 = arith.constant 5 : i32
        %mul3A_1102 = arith.muli %add3A_1100, %mul3A_1101 : i32
        %add3A_1103 = arith.constant 0 : i32
        %add3A_1104 = arith.addi %mul3A_1102, %add3A_1103 : i32
        %mul3A_1105 = arith.constant 5 : i32
        %mul3A_1106 = arith.muli %add3A_1100, %mul3A_1105 : i32
        %add3A_1107 = arith.constant 1 : i32
        %add3A_1108 = arith.addi %mul3A_1106, %add3A_1107 : i32
        %mul3A_1109 = arith.constant 5 : i32
        %mul3A_1110 = arith.muli %add3A_1100, %mul3A_1109 : i32
        %add3A_1111 = arith.constant 2 : i32
        %add3A_1112 = arith.addi %mul3A_1110, %add3A_1111 : i32
        %mul3A_1113 = arith.constant 5 : i32
        %mul3A_1114 = arith.muli %add3A_1100, %mul3A_1113 : i32
        %add3A_1115 = arith.constant 3 : i32
        %add3A_1116 = arith.addi %mul3A_1114, %add3A_1115 : i32
        %mul3A_1117 = arith.constant 5 : i32
        %mul3A_1118 = arith.muli %add3A_1100, %mul3A_1117 : i32
        %add3A_1119 = arith.constant 4 : i32
        %add3A_1120 = arith.addi %mul3A_1118, %add3A_1119 : i32
        %mul3A_1121 = arith.constant 5 : i32
        %mul3A_1122 = arith.muli %add3A_1100, %mul3A_1121 : i32
        %add3A_1123 = arith.constant 0 : i32
        %add3A_1124 = arith.addi %mul3A_1122, %add3A_1123 : i32
        %mul3A_1125 = arith.constant 5 : i32
        %mul3A_1126 = arith.muli %add3A_1100, %mul3A_1125 : i32
        %add3A_1127 = arith.constant 1 : i32
        %add3A_1128 = arith.addi %mul3A_1126, %add3A_1127 : i32
        %mul3A_1129 = arith.constant 5 : i32
        %mul3A_1130 = arith.muli %add3A_1100, %mul3A_1129 : i32
        %add3A_1131 = arith.constant 2 : i32
        %add3A_1132 = arith.addi %mul3A_1130, %add3A_1131 : i32
        %mul3A_1133 = arith.constant 5 : i32
        %mul3A_1134 = arith.muli %add3A_1100, %mul3A_1133 : i32
        %add3A_1135 = arith.constant 3 : i32
        %add3A_1136 = arith.addi %mul3A_1134, %add3A_1135 : i32
        %mul3A_1137 = arith.constant 5 : i32
        %mul3A_1138 = arith.muli %add3A_1100, %mul3A_1137 : i32
        %add3A_1139 = arith.constant 4 : i32
        %add3A_1140 = arith.addi %mul3A_1138, %add3A_1139 : i32
        %mul3A_1141 = arith.constant 5 : i32
        %mul3A_1142 = arith.muli %add3A_1100, %mul3A_1141 : i32
        %add3A_1143 = arith.constant 0 : i32
        %add3A_1144 = arith.addi %mul3A_1142, %add3A_1143 : i32
        %mul3A_1145 = arith.constant 5 : i32
        %mul3A_1146 = arith.muli %add3A_1100, %mul3A_1145 : i32
        %add3A_1147 = arith.constant 1 : i32
        %add3A_1148 = arith.addi %mul3A_1146, %add3A_1147 : i32
        %mul3A_1149 = arith.constant 5 : i32
        %mul3A_1150 = arith.muli %add3A_1100, %mul3A_1149 : i32
        %add3A_1151 = arith.constant 2 : i32
        %add3A_1152 = arith.addi %mul3A_1150, %add3A_1151 : i32
        %mul3A_1153 = arith.constant 5 : i32
        %mul3A_1154 = arith.muli %add3A_1100, %mul3A_1153 : i32
        %add3A_1155 = arith.constant 3 : i32
        %add3A_1156 = arith.addi %mul3A_1154, %add3A_1155 : i32
        %mul3A_1157 = arith.constant 5 : i32
        %mul3A_1158 = arith.muli %add3A_1100, %mul3A_1157 : i32
        %add3A_1159 = arith.constant 4 : i32
        %add3A_1160 = arith.addi %mul3A_1158, %add3A_1159 : i32
        %mul3A_1161 = arith.constant 5 : i32
        %mul3A_1162 = arith.muli %add3A_1100, %mul3A_1161 : i32
        %add3A_1163 = arith.constant 0 : i32
        %add3A_1164 = arith.addi %mul3A_1162, %add3A_1163 : i32
        %mul3A_1165 = arith.constant 5 : i32
        %mul3A_1166 = arith.muli %add3A_1100, %mul3A_1165 : i32
        %add3A_1167 = arith.constant 1 : i32
        %add3A_1168 = arith.addi %mul3A_1166, %add3A_1167 : i32
        %mul3A_1169 = arith.constant 5 : i32
        %mul3A_1170 = arith.muli %add3A_1100, %mul3A_1169 : i32
        %add3A_1171 = arith.constant 2 : i32
        %add3A_1172 = arith.addi %mul3A_1170, %add3A_1171 : i32
        %mul3A_1173 = arith.constant 5 : i32
        %mul3A_1174 = arith.muli %add3A_1100, %mul3A_1173 : i32
        %add3A_1175 = arith.constant 3 : i32
        %add3A_1176 = arith.addi %mul3A_1174, %add3A_1175 : i32
        %mul3A_1177 = arith.constant 5 : i32
        %mul3A_1178 = arith.muli %add3A_1100, %mul3A_1177 : i32
        %add3A_1179 = arith.constant 4 : i32
        %add3A_1180 = arith.addi %mul3A_1178, %add3A_1179 : i32
        %dma_start3A_1181 = arith.constant 0 : i32
        %dma_start3A_1182 = arith.constant 0 : i32
        %dma_start3A_1183 = arith.constant 0 : i32
        %dma_start3A_1184 = arith.constant 0 : i32
        %dma_start3A_1185 = tpu.memref_slice %arg6[%dma_start3A_1182, %dma_start3A_1183, %dma_start3A_1184] : memref<4x125x32xf32, #tpu.memory_space<vmem>> -> memref<1x25x32xf32, #tpu.memory_space<vmem>>
        %dma_start3A_1186 = tpu.memref_squeeze %dma_start3A_1185 : memref<1x25x32xf32, #tpu.memory_space<vmem>> -> memref<25x32xf32, #tpu.memory_space<vmem>>
        %dma_start3A_1187 = arith.constant 0 : i32
        %dma_start3A_1188 = tpu.memref_slice %arg5[%dma_start3A_1181, %add3A_1104, %dma_start3A_1187] : memref<4x100x25xi32, #tpu.memory_space<vmem>> -> memref<1x1x25xi32, #tpu.memory_space<vmem>>
        %dma_start3A_1189 = tpu.memref_squeeze %dma_start3A_1188 : memref<1x1x25xi32, #tpu.memory_space<vmem>> -> memref<25xi32, #tpu.memory_space<vmem>>
        %dma_start3A_1190 = arith.constant 0 : i32
        %dma_start3A_1191 = arith.constant 0 : i32
        %dma_start3A_1192 = tpu.memref_slice %arg2[%dma_start3A_1190, %dma_start3A_1191] : memref<10000x32xf32, #tpu.memory_space<hbm>> -> memref<10000x32xf32, #tpu.memory_space<hbm>>
        tpu.enqueue_indirect_dma source(%dma_start3A_1192 : memref<10000x32xf32, #tpu.memory_space<hbm>>) target(%dma_start3A_1186 : memref<25x32xf32, #tpu.memory_space<vmem>>) offsets(%dma_start3A_1189 : memref<25xi32, #tpu.memory_space<vmem>>) semaphore(%arg11 : memref<!tpu.dma_semaphore, #tpu.memory_space<semaphore_mem>>)
        %dma_start3A_1193 = arith.constant 0 : i32
        %dma_start3A_1194 = arith.constant 0 : i32
        %dma_start3A_1195 = arith.constant 25 : i32
        %dma_start3A_1196 = arith.constant 0 : i32
        %dma_start3A_1197 = tpu.memref_slice %arg6[%dma_start3A_1194, %dma_start3A_1195, %dma_start3A_1196] : memref<4x125x32xf32, #tpu.memory_space<vmem>> -> memref<1x25x32xf32, #tpu.memory_space<vmem>>
        %dma_start3A_1198 = tpu.memref_squeeze %dma_start3A_1197 : memref<1x25x32xf32, #tpu.memory_space<vmem>> -> memref<25x32xf32, #tpu.memory_space<vmem>>
        %dma_start3A_1199 = arith.constant 0 : i32
        %dma_start3A_1200 = tpu.memref_slice %arg5[%dma_start3A_1193, %add3A_1108, %dma_start3A_1199] : memref<4x100x25xi32, #tpu.memory_space<vmem>> -> memref<1x1x25xi32, #tpu.memory_space<vmem>>
        %dma_start3A_1201 = tpu.memref_squeeze %dma_start3A_1200 : memref<1x1x25xi32, #tpu.memory_space<vmem>> -> memref<25xi32, #tpu.memory_space<vmem>>
        %dma_start3A_1202 = arith.constant 0 : i32
        %dma_start3A_1203 = arith.constant 0 : i32
        %dma_start3A_1204 = tpu.memref_slice %arg2[%dma_start3A_1202, %dma_start3A_1203] : memref<10000x32xf32, #tpu.memory_space<hbm>> -> memref<10000x32xf32, #tpu.memory_space<hbm>>
        tpu.enqueue_indirect_dma source(%dma_start3A_1204 : memref<10000x32xf32, #tpu.memory_space<hbm>>) target(%dma_start3A_1198 : memref<25x32xf32, #tpu.memory_space<vmem>>) offsets(%dma_start3A_1201 : memref<25xi32, #tpu.memory_space<vmem>>) semaphore(%arg11 : memref<!tpu.dma_semaphore, #tpu.memory_space<semaphore_mem>>)
        %dma_start3A_1205 = arith.constant 0 : i32
        %dma_start3A_1206 = arith.constant 0 : i32
        %dma_start3A_1207 = arith.constant 50 : i32
        %dma_start3A_1208 = arith.constant 0 : i32
        %dma_start3A_1209 = tpu.memref_slice %arg6[%dma_start3A_1206, %dma_start3A_1207, %dma_start3A_1208] : memref<4x125x32xf32, #tpu.memory_space<vmem>> -> memref<1x25x32xf32, #tpu.memory_space<vmem>>
        %dma_start3A_1210 = tpu.memref_squeeze %dma_start3A_1209 : memref<1x25x32xf32, #tpu.memory_space<vmem>> -> memref<25x32xf32, #tpu.memory_space<vmem>>
        %dma_start3A_1211 = arith.constant 0 : i32
        %dma_start3A_1212 = tpu.memref_slice %arg5[%dma_start3A_1205, %add3A_1112, %dma_start3A_1211] : memref<4x100x25xi32, #tpu.memory_space<vmem>> -> memref<1x1x25xi32, #tpu.memory_space<vmem>>
        %dma_start3A_1213 = tpu.memref_squeeze %dma_start3A_1212 : memref<1x1x25xi32, #tpu.memory_space<vmem>> -> memref<25xi32, #tpu.memory_space<vmem>>
        %dma_start3A_1214 = arith.constant 0 : i32
        %dma_start3A_1215 = arith.constant 0 : i32
        %dma_start3A_1216 = tpu.memref_slice %arg2[%dma_start3A_1214, %dma_start3A_1215] : memref<10000x32xf32, #tpu.memory_space<hbm>> -> memref<10000x32xf32, #tpu.memory_space<hbm>>
        tpu.enqueue_indirect_dma source(%dma_start3A_1216 : memref<10000x32xf32, #tpu.memory_space<hbm>>) target(%dma_start3A_1210 : memref<25x32xf32, #tpu.memory_space<vmem>>) offsets(%dma_start3A_1213 : memref<25xi32, #tpu.memory_space<vmem>>) semaphore(%arg11 : memref<!tpu.dma_semaphore, #tpu.memory_space<semaphore_mem>>)
        %dma_start3A_1217 = arith.constant 0 : i32
        %dma_start3A_1218 = arith.constant 0 : i32
        %dma_start3A_1219 = arith.constant 75 : i32
        %dma_start3A_1220 = arith.constant 0 : i32
        %dma_start3A_1221 = tpu.memref_slice %arg6[%dma_start3A_1218, %dma_start3A_1219, %dma_start3A_1220] : memref<4x125x32xf32, #tpu.memory_space<vmem>> -> memref<1x25x32xf32, #tpu.memory_space<vmem>>
        %dma_start3A_1222 = tpu.memref_squeeze %dma_start3A_1221 : memref<1x25x32xf32, #tpu.memory_space<vmem>> -> memref<25x32xf32, #tpu.memory_space<vmem>>
        %dma_start3A_1223 = arith.constant 0 : i32
        %dma_start3A_1224 = tpu.memref_slice %arg5[%dma_start3A_1217, %add3A_1116, %dma_start3A_1223] : memref<4x100x25xi32, #tpu.memory_space<vmem>> -> memref<1x1x25xi32, #tpu.memory_space<vmem>>
        %dma_start3A_1225 = tpu.memref_squeeze %dma_start3A_1224 : memref<1x1x25xi32, #tpu.memory_space<vmem>> -> memref<25xi32, #tpu.memory_space<vmem>>
        %dma_start3A_1226 = arith.constant 0 : i32
        %dma_start3A_1227 = arith.constant 0 : i32
        %dma_start3A_1228 = tpu.memref_slice %arg2[%dma_start3A_1226, %dma_start3A_1227] : memref<10000x32xf32, #tpu.memory_space<hbm>> -> memref<10000x32xf32, #tpu.memory_space<hbm>>
        tpu.enqueue_indirect_dma source(%dma_start3A_1228 : memref<10000x32xf32, #tpu.memory_space<hbm>>) target(%dma_start3A_1222 : memref<25x32xf32, #tpu.memory_space<vmem>>) offsets(%dma_start3A_1225 : memref<25xi32, #tpu.memory_space<vmem>>) semaphore(%arg11 : memref<!tpu.dma_semaphore, #tpu.memory_space<semaphore_mem>>)
        %dma_start3A_1229 = arith.constant 0 : i32
        %dma_start3A_1230 = arith.constant 0 : i32
        %dma_start3A_1231 = arith.constant 100 : i32
        %dma_start3A_1232 = arith.constant 0 : i32
        %dma_start3A_1233 = tpu.memref_slice %arg6[%dma_start3A_1230, %dma_start3A_1231, %dma_start3A_1232] : memref<4x125x32xf32, #tpu.memory_space<vmem>> -> memref<1x25x32xf32, #tpu.memory_space<vmem>>
        %dma_start3A_1234 = tpu.memref_squeeze %dma_start3A_1233 : memref<1x25x32xf32, #tpu.memory_space<vmem>> -> memref<25x32xf32, #tpu.memory_space<vmem>>
        %dma_start3A_1235 = arith.constant 0 : i32
        %dma_start3A_1236 = tpu.memref_slice %arg5[%dma_start3A_1229, %add3A_1120, %dma_start3A_1235] : memref<4x100x25xi32, #tpu.memory_space<vmem>> -> memref<1x1x25xi32, #tpu.memory_space<vmem>>
        %dma_start3A_1237 = tpu.memref_squeeze %dma_start3A_1236 : memref<1x1x25xi32, #tpu.memory_space<vmem>> -> memref<25xi32, #tpu.memory_space<vmem>>
        %dma_start3A_1238 = arith.constant 0 : i32
        %dma_start3A_1239 = arith.constant 0 : i32
        %dma_start3A_1240 = tpu.memref_slice %arg2[%dma_start3A_1238, %dma_start3A_1239] : memref<10000x32xf32, #tpu.memory_space<hbm>> -> memref<10000x32xf32, #tpu.memory_space<hbm>>
        tpu.enqueue_indirect_dma source(%dma_start3A_1240 : memref<10000x32xf32, #tpu.memory_space<hbm>>) target(%dma_start3A_1234 : memref<25x32xf32, #tpu.memory_space<vmem>>) offsets(%dma_start3A_1237 : memref<25xi32, #tpu.memory_space<vmem>>) semaphore(%arg11 : memref<!tpu.dma_semaphore, #tpu.memory_space<semaphore_mem>>)
        %dma_start3A_1241 = arith.constant 1 : i32
        %dma_start3A_1242 = arith.constant 1 : i32
        %dma_start3A_1243 = arith.constant 0 : i32
        %dma_start3A_1244 = arith.constant 0 : i32
        %dma_start3A_1245 = tpu.memref_slice %arg6[%dma_start3A_1242, %dma_start3A_1243, %dma_start3A_1244] : memref<4x125x32xf32, #tpu.memory_space<vmem>> -> memref<1x25x32xf32, #tpu.memory_space<vmem>>
        %dma_start3A_1246 = tpu.memref_squeeze %dma_start3A_1245 : memref<1x25x32xf32, #tpu.memory_space<vmem>> -> memref<25x32xf32, #tpu.memory_space<vmem>>
        %dma_start3A_1247 = arith.constant 0 : i32
        %dma_start3A_1248 = tpu.memref_slice %arg5[%dma_start3A_1241, %add3A_1124, %dma_start3A_1247] : memref<4x100x25xi32, #tpu.memory_space<vmem>> -> memref<1x1x25xi32, #tpu.memory_space<vmem>>
        %dma_start3A_1249 = tpu.memref_squeeze %dma_start3A_1248 : memref<1x1x25xi32, #tpu.memory_space<vmem>> -> memref<25xi32, #tpu.memory_space<vmem>>
        %dma_start3A_1250 = arith.constant 0 : i32
        %dma_start3A_1251 = arith.constant 0 : i32
        %dma_start3A_1252 = tpu.memref_slice %arg2[%dma_start3A_1250, %dma_start3A_1251] : memref<10000x32xf32, #tpu.memory_space<hbm>> -> memref<10000x32xf32, #tpu.memory_space<hbm>>
        tpu.enqueue_indirect_dma source(%dma_start3A_1252 : memref<10000x32xf32, #tpu.memory_space<hbm>>) target(%dma_start3A_1246 : memref<25x32xf32, #tpu.memory_space<vmem>>) offsets(%dma_start3A_1249 : memref<25xi32, #tpu.memory_space<vmem>>) semaphore(%arg11 : memref<!tpu.dma_semaphore, #tpu.memory_space<semaphore_mem>>)
        %dma_start3A_1253 = arith.constant 1 : i32
        %dma_start3A_1254 = arith.constant 1 : i32
        %dma_start3A_1255 = arith.constant 25 : i32
        %dma_start3A_1256 = arith.constant 0 : i32
        %dma_start3A_1257 = tpu.memref_slice %arg6[%dma_start3A_1254, %dma_start3A_1255, %dma_start3A_1256] : memref<4x125x32xf32, #tpu.memory_space<vmem>> -> memref<1x25x32xf32, #tpu.memory_space<vmem>>
        %dma_start3A_1258 = tpu.memref_squeeze %dma_start3A_1257 : memref<1x25x32xf32, #tpu.memory_space<vmem>> -> memref<25x32xf32, #tpu.memory_space<vmem>>
        %dma_start3A_1259 = arith.constant 0 : i32
        %dma_start3A_1260 = tpu.memref_slice %arg5[%dma_start3A_1253, %add3A_1128, %dma_start3A_1259] : memref<4x100x25xi32, #tpu.memory_space<vmem>> -> memref<1x1x25xi32, #tpu.memory_space<vmem>>
        %dma_start3A_1261 = tpu.memref_squeeze %dma_start3A_1260 : memref<1x1x25xi32, #tpu.memory_space<vmem>> -> memref<25xi32, #tpu.memory_space<vmem>>
        %dma_start3A_1262 = arith.constant 0 : i32
        %dma_start3A_1263 = arith.constant 0 : i32
        %dma_start3A_1264 = tpu.memref_slice %arg2[%dma_start3A_1262, %dma_start3A_1263] : memref<10000x32xf32, #tpu.memory_space<hbm>> -> memref<10000x32xf32, #tpu.memory_space<hbm>>
        tpu.enqueue_indirect_dma source(%dma_start3A_1264 : memref<10000x32xf32, #tpu.memory_space<hbm>>) target(%dma_start3A_1258 : memref<25x32xf32, #tpu.memory_space<vmem>>) offsets(%dma_start3A_1261 : memref<25xi32, #tpu.memory_space<vmem>>) semaphore(%arg11 : memref<!tpu.dma_semaphore, #tpu.memory_space<semaphore_mem>>)
        %dma_start3A_1265 = arith.constant 1 : i32
        %dma_start3A_1266 = arith.constant 1 : i32
        %dma_start3A_1267 = arith.constant 50 : i32
        %dma_start3A_1268 = arith.constant 0 : i32
        %dma_start3A_1269 = tpu.memref_slice %arg6[%dma_start3A_1266, %dma_start3A_1267, %dma_start3A_1268] : memref<4x125x32xf32, #tpu.memory_space<vmem>> -> memref<1x25x32xf32, #tpu.memory_space<vmem>>
        %dma_start3A_1270 = tpu.memref_squeeze %dma_start3A_1269 : memref<1x25x32xf32, #tpu.memory_space<vmem>> -> memref<25x32xf32, #tpu.memory_space<vmem>>
        %dma_start3A_1271 = arith.constant 0 : i32
        %dma_start3A_1272 = tpu.memref_slice %arg5[%dma_start3A_1265, %add3A_1132, %dma_start3A_1271] : memref<4x100x25xi32, #tpu.memory_space<vmem>> -> memref<1x1x25xi32, #tpu.memory_space<vmem>>
        %dma_start3A_1273 = tpu.memref_squeeze %dma_start3A_1272 : memref<1x1x25xi32, #tpu.memory_space<vmem>> -> memref<25xi32, #tpu.memory_space<vmem>>
        %dma_start3A_1274 = arith.constant 0 : i32
        %dma_start3A_1275 = arith.constant 0 : i32
        %dma_start3A_1276 = tpu.memref_slice %arg2[%dma_start3A_1274, %dma_start3A_1275] : memref<10000x32xf32, #tpu.memory_space<hbm>> -> memref<10000x32xf32, #tpu.memory_space<hbm>>
        tpu.enqueue_indirect_dma source(%dma_start3A_1276 : memref<10000x32xf32, #tpu.memory_space<hbm>>) target(%dma_start3A_1270 : memref<25x32xf32, #tpu.memory_space<vmem>>) offsets(%dma_start3A_1273 : memref<25xi32, #tpu.memory_space<vmem>>) semaphore(%arg11 : memref<!tpu.dma_semaphore, #tpu.memory_space<semaphore_mem>>)
        %dma_start3A_1277 = arith.constant 1 : i32
        %dma_start3A_1278 = arith.constant 1 : i32
        %dma_start3A_1279 = arith.constant 75 : i32
        %dma_start3A_1280 = arith.constant 0 : i32
        %dma_start3A_1281 = tpu.memref_slice %arg6[%dma_start3A_1278, %dma_start3A_1279, %dma_start3A_1280] : memref<4x125x32xf32, #tpu.memory_space<vmem>> -> memref<1x25x32xf32, #tpu.memory_space<vmem>>
        %dma_start3A_1282 = tpu.memref_squeeze %dma_start3A_1281 : memref<1x25x32xf32, #tpu.memory_space<vmem>> -> memref<25x32xf32, #tpu.memory_space<vmem>>
        %dma_start3A_1283 = arith.constant 0 : i32
        %dma_start3A_1284 = tpu.memref_slice %arg5[%dma_start3A_1277, %add3A_1136, %dma_start3A_1283] : memref<4x100x25xi32, #tpu.memory_space<vmem>> -> memref<1x1x25xi32, #tpu.memory_space<vmem>>
        %dma_start3A_1285 = tpu.memref_squeeze %dma_start3A_1284 : memref<1x1x25xi32, #tpu.memory_space<vmem>> -> memref<25xi32, #tpu.memory_space<vmem>>
        %dma_start3A_1286 = arith.constant 0 : i32
        %dma_start3A_1287 = arith.constant 0 : i32
        %dma_start3A_1288 = tpu.memref_slice %arg2[%dma_start3A_1286, %dma_start3A_1287] : memref<10000x32xf32, #tpu.memory_space<hbm>> -> memref<10000x32xf32, #tpu.memory_space<hbm>>
        tpu.enqueue_indirect_dma source(%dma_start3A_1288 : memref<10000x32xf32, #tpu.memory_space<hbm>>) target(%dma_start3A_1282 : memref<25x32xf32, #tpu.memory_space<vmem>>) offsets(%dma_start3A_1285 : memref<25xi32, #tpu.memory_space<vmem>>) semaphore(%arg11 : memref<!tpu.dma_semaphore, #tpu.memory_space<semaphore_mem>>)
        %dma_start3A_1289 = arith.constant 1 : i32
        %dma_start3A_1290 = arith.constant 1 : i32
        %dma_start3A_1291 = arith.constant 100 : i32
        %dma_start3A_1292 = arith.constant 0 : i32
        %dma_start3A_1293 = tpu.memref_slice %arg6[%dma_start3A_1290, %dma_start3A_1291, %dma_start3A_1292] : memref<4x125x32xf32, #tpu.memory_space<vmem>> -> memref<1x25x32xf32, #tpu.memory_space<vmem>>
        %dma_start3A_1294 = tpu.memref_squeeze %dma_start3A_1293 : memref<1x25x32xf32, #tpu.memory_space<vmem>> -> memref<25x32xf32, #tpu.memory_space<vmem>>
        %dma_start3A_1295 = arith.constant 0 : i32
        %dma_start3A_1296 = tpu.memref_slice %arg5[%dma_start3A_1289, %add3A_1140, %dma_start3A_1295] : memref<4x100x25xi32, #tpu.memory_space<vmem>> -> memref<1x1x25xi32, #tpu.memory_space<vmem>>
        %dma_start3A_1297 = tpu.memref_squeeze %dma_start3A_1296 : memref<1x1x25xi32, #tpu.memory_space<vmem>> -> memref<25xi32, #tpu.memory_space<vmem>>
        %dma_start3A_1298 = arith.constant 0 : i32
        %dma_start3A_1299 = arith.constant 0 : i32
        %dma_start3A_1300 = tpu.memref_slice %arg2[%dma_start3A_1298, %dma_start3A_1299] : memref<10000x32xf32, #tpu.memory_space<hbm>> -> memref<10000x32xf32, #tpu.memory_space<hbm>>
        tpu.enqueue_indirect_dma source(%dma_start3A_1300 : memref<10000x32xf32, #tpu.memory_space<hbm>>) target(%dma_start3A_1294 : memref<25x32xf32, #tpu.memory_space<vmem>>) offsets(%dma_start3A_1297 : memref<25xi32, #tpu.memory_space<vmem>>) semaphore(%arg11 : memref<!tpu.dma_semaphore, #tpu.memory_space<semaphore_mem>>)
        %dma_start3A_1301 = arith.constant 2 : i32
        %dma_start3A_1302 = arith.constant 2 : i32
        %dma_start3A_1303 = arith.constant 0 : i32
        %dma_start3A_1304 = arith.constant 0 : i32
        %dma_start3A_1305 = tpu.memref_slice %arg6[%dma_start3A_1302, %dma_start3A_1303, %dma_start3A_1304] : memref<4x125x32xf32, #tpu.memory_space<vmem>> -> memref<1x25x32xf32, #tpu.memory_space<vmem>>
        %dma_start3A_1306 = tpu.memref_squeeze %dma_start3A_1305 : memref<1x25x32xf32, #tpu.memory_space<vmem>> -> memref<25x32xf32, #tpu.memory_space<vmem>>
        %dma_start3A_1307 = arith.constant 0 : i32
        %dma_start3A_1308 = tpu.memref_slice %arg5[%dma_start3A_1301, %add3A_1144, %dma_start3A_1307] : memref<4x100x25xi32, #tpu.memory_space<vmem>> -> memref<1x1x25xi32, #tpu.memory_space<vmem>>
        %dma_start3A_1309 = tpu.memref_squeeze %dma_start3A_1308 : memref<1x1x25xi32, #tpu.memory_space<vmem>> -> memref<25xi32, #tpu.memory_space<vmem>>
        %dma_start3A_1310 = arith.constant 0 : i32
        %dma_start3A_1311 = arith.constant 0 : i32
        %dma_start3A_1312 = tpu.memref_slice %arg2[%dma_start3A_1310, %dma_start3A_1311] : memref<10000x32xf32, #tpu.memory_space<hbm>> -> memref<10000x32xf32, #tpu.memory_space<hbm>>
        tpu.enqueue_indirect_dma source(%dma_start3A_1312 : memref<10000x32xf32, #tpu.memory_space<hbm>>) target(%dma_start3A_1306 : memref<25x32xf32, #tpu.memory_space<vmem>>) offsets(%dma_start3A_1309 : memref<25xi32, #tpu.memory_space<vmem>>) semaphore(%arg11 : memref<!tpu.dma_semaphore, #tpu.memory_space<semaphore_mem>>)
        %dma_start3A_1313 = arith.constant 2 : i32
        %dma_start3A_1314 = arith.constant 2 : i32
        %dma_start3A_1315 = arith.constant 25 : i32
        %dma_start3A_1316 = arith.constant 0 : i32
        %dma_start3A_1317 = tpu.memref_slice %arg6[%dma_start3A_1314, %dma_start3A_1315, %dma_start3A_1316] : memref<4x125x32xf32, #tpu.memory_space<vmem>> -> memref<1x25x32xf32, #tpu.memory_space<vmem>>
        %dma_start3A_1318 = tpu.memref_squeeze %dma_start3A_1317 : memref<1x25x32xf32, #tpu.memory_space<vmem>> -> memref<25x32xf32, #tpu.memory_space<vmem>>
        %dma_start3A_1319 = arith.constant 0 : i32
        %dma_start3A_1320 = tpu.memref_slice %arg5[%dma_start3A_1313, %add3A_1148, %dma_start3A_1319] : memref<4x100x25xi32, #tpu.memory_space<vmem>> -> memref<1x1x25xi32, #tpu.memory_space<vmem>>
        %dma_start3A_1321 = tpu.memref_squeeze %dma_start3A_1320 : memref<1x1x25xi32, #tpu.memory_space<vmem>> -> memref<25xi32, #tpu.memory_space<vmem>>
        %dma_start3A_1322 = arith.constant 0 : i32
        %dma_start3A_1323 = arith.constant 0 : i32
        %dma_start3A_1324 = tpu.memref_slice %arg2[%dma_start3A_1322, %dma_start3A_1323] : memref<10000x32xf32, #tpu.memory_space<hbm>> -> memref<10000x32xf32, #tpu.memory_space<hbm>>
        tpu.enqueue_indirect_dma source(%dma_start3A_1324 : memref<10000x32xf32, #tpu.memory_space<hbm>>) target(%dma_start3A_1318 : memref<25x32xf32, #tpu.memory_space<vmem>>) offsets(%dma_start3A_1321 : memref<25xi32, #tpu.memory_space<vmem>>) semaphore(%arg11 : memref<!tpu.dma_semaphore, #tpu.memory_space<semaphore_mem>>)
        %dma_start3A_1325 = arith.constant 2 : i32
        %dma_start3A_1326 = arith.constant 2 : i32
        %dma_start3A_1327 = arith.constant 50 : i32
        %dma_start3A_1328 = arith.constant 0 : i32
        %dma_start3A_1329 = tpu.memref_slice %arg6[%dma_start3A_1326, %dma_start3A_1327, %dma_start3A_1328] : memref<4x125x32xf32, #tpu.memory_space<vmem>> -> memref<1x25x32xf32, #tpu.memory_space<vmem>>
        %dma_start3A_1330 = tpu.memref_squeeze %dma_start3A_1329 : memref<1x25x32xf32, #tpu.memory_space<vmem>> -> memref<25x32xf32, #tpu.memory_space<vmem>>
        %dma_start3A_1331 = arith.constant 0 : i32
        %dma_start3A_1332 = tpu.memref_slice %arg5[%dma_start3A_1325, %add3A_1152, %dma_start3A_1331] : memref<4x100x25xi32, #tpu.memory_space<vmem>> -> memref<1x1x25xi32, #tpu.memory_space<vmem>>
        %dma_start3A_1333 = tpu.memref_squeeze %dma_start3A_1332 : memref<1x1x25xi32, #tpu.memory_space<vmem>> -> memref<25xi32, #tpu.memory_space<vmem>>
        %dma_start3A_1334 = arith.constant 0 : i32
        %dma_start3A_1335 = arith.constant 0 : i32
        %dma_start3A_1336 = tpu.memref_slice %arg2[%dma_start3A_1334, %dma_start3A_1335] : memref<10000x32xf32, #tpu.memory_space<hbm>> -> memref<10000x32xf32, #tpu.memory_space<hbm>>
        tpu.enqueue_indirect_dma source(%dma_start3A_1336 : memref<10000x32xf32, #tpu.memory_space<hbm>>) target(%dma_start3A_1330 : memref<25x32xf32, #tpu.memory_space<vmem>>) offsets(%dma_start3A_1333 : memref<25xi32, #tpu.memory_space<vmem>>) semaphore(%arg11 : memref<!tpu.dma_semaphore, #tpu.memory_space<semaphore_mem>>)
        %dma_start3A_1337 = arith.constant 2 : i32
        %dma_start3A_1338 = arith.constant 2 : i32
        %dma_start3A_1339 = arith.constant 75 : i32
        %dma_start3A_1340 = arith.constant 0 : i32
        %dma_start3A_1341 = tpu.memref_slice %arg6[%dma_start3A_1338, %dma_start3A_1339, %dma_start3A_1340] : memref<4x125x32xf32, #tpu.memory_space<vmem>> -> memref<1x25x32xf32, #tpu.memory_space<vmem>>
        %dma_start3A_1342 = tpu.memref_squeeze %dma_start3A_1341 : memref<1x25x32xf32, #tpu.memory_space<vmem>> -> memref<25x32xf32, #tpu.memory_space<vmem>>
        %dma_start3A_1343 = arith.constant 0 : i32
        %dma_start3A_1344 = tpu.memref_slice %arg5[%dma_start3A_1337, %add3A_1156, %dma_start3A_1343] : memref<4x100x25xi32, #tpu.memory_space<vmem>> -> memref<1x1x25xi32, #tpu.memory_space<vmem>>
        %dma_start3A_1345 = tpu.memref_squeeze %dma_start3A_1344 : memref<1x1x25xi32, #tpu.memory_space<vmem>> -> memref<25xi32, #tpu.memory_space<vmem>>
        %dma_start3A_1346 = arith.constant 0 : i32
        %dma_start3A_1347 = arith.constant 0 : i32
        %dma_start3A_1348 = tpu.memref_slice %arg2[%dma_start3A_1346, %dma_start3A_1347] : memref<10000x32xf32, #tpu.memory_space<hbm>> -> memref<10000x32xf32, #tpu.memory_space<hbm>>
        tpu.enqueue_indirect_dma source(%dma_start3A_1348 : memref<10000x32xf32, #tpu.memory_space<hbm>>) target(%dma_start3A_1342 : memref<25x32xf32, #tpu.memory_space<vmem>>) offsets(%dma_start3A_1345 : memref<25xi32, #tpu.memory_space<vmem>>) semaphore(%arg11 : memref<!tpu.dma_semaphore, #tpu.memory_space<semaphore_mem>>)
        %dma_start3A_1349 = arith.constant 2 : i32
        %dma_start3A_1350 = arith.constant 2 : i32
        %dma_start3A_1351 = arith.constant 100 : i32
        %dma_start3A_1352 = arith.constant 0 : i32
        %dma_start3A_1353 = tpu.memref_slice %arg6[%dma_start3A_1350, %dma_start3A_1351, %dma_start3A_1352] : memref<4x125x32xf32, #tpu.memory_space<vmem>> -> memref<1x25x32xf32, #tpu.memory_space<vmem>>
        %dma_start3A_1354 = tpu.memref_squeeze %dma_start3A_1353 : memref<1x25x32xf32, #tpu.memory_space<vmem>> -> memref<25x32xf32, #tpu.memory_space<vmem>>
        %dma_start3A_1355 = arith.constant 0 : i32
        %dma_start3A_1356 = tpu.memref_slice %arg5[%dma_start3A_1349, %add3A_1160, %dma_start3A_1355] : memref<4x100x25xi32, #tpu.memory_space<vmem>> -> memref<1x1x25xi32, #tpu.memory_space<vmem>>
        %dma_start3A_1357 = tpu.memref_squeeze %dma_start3A_1356 : memref<1x1x25xi32, #tpu.memory_space<vmem>> -> memref<25xi32, #tpu.memory_space<vmem>>
        %dma_start3A_1358 = arith.constant 0 : i32
        %dma_start3A_1359 = arith.constant 0 : i32
        %dma_start3A_1360 = tpu.memref_slice %arg2[%dma_start3A_1358, %dma_start3A_1359] : memref<10000x32xf32, #tpu.memory_space<hbm>> -> memref<10000x32xf32, #tpu.memory_space<hbm>>
        tpu.enqueue_indirect_dma source(%dma_start3A_1360 : memref<10000x32xf32, #tpu.memory_space<hbm>>) target(%dma_start3A_1354 : memref<25x32xf32, #tpu.memory_space<vmem>>) offsets(%dma_start3A_1357 : memref<25xi32, #tpu.memory_space<vmem>>) semaphore(%arg11 : memref<!tpu.dma_semaphore, #tpu.memory_space<semaphore_mem>>)
        %dma_start3A_1361 = arith.constant 3 : i32
        %dma_start3A_1362 = arith.constant 3 : i32
        %dma_start3A_1363 = arith.constant 0 : i32
        %dma_start3A_1364 = arith.constant 0 : i32
        %dma_start3A_1365 = tpu.memref_slice %arg6[%dma_start3A_1362, %dma_start3A_1363, %dma_start3A_1364] : memref<4x125x32xf32, #tpu.memory_space<vmem>> -> memref<1x25x32xf32, #tpu.memory_space<vmem>>
        %dma_start3A_1366 = tpu.memref_squeeze %dma_start3A_1365 : memref<1x25x32xf32, #tpu.memory_space<vmem>> -> memref<25x32xf32, #tpu.memory_space<vmem>>
        %dma_start3A_1367 = arith.constant 0 : i32
        %dma_start3A_1368 = tpu.memref_slice %arg5[%dma_start3A_1361, %add3A_1164, %dma_start3A_1367] : memref<4x100x25xi32, #tpu.memory_space<vmem>> -> memref<1x1x25xi32, #tpu.memory_space<vmem>>
        %dma_start3A_1369 = tpu.memref_squeeze %dma_start3A_1368 : memref<1x1x25xi32, #tpu.memory_space<vmem>> -> memref<25xi32, #tpu.memory_space<vmem>>
        %dma_start3A_1370 = arith.constant 0 : i32
        %dma_start3A_1371 = arith.constant 0 : i32
        %dma_start3A_1372 = tpu.memref_slice %arg2[%dma_start3A_1370, %dma_start3A_1371] : memref<10000x32xf32, #tpu.memory_space<hbm>> -> memref<10000x32xf32, #tpu.memory_space<hbm>>
        tpu.enqueue_indirect_dma source(%dma_start3A_1372 : memref<10000x32xf32, #tpu.memory_space<hbm>>) target(%dma_start3A_1366 : memref<25x32xf32, #tpu.memory_space<vmem>>) offsets(%dma_start3A_1369 : memref<25xi32, #tpu.memory_space<vmem>>) semaphore(%arg11 : memref<!tpu.dma_semaphore, #tpu.memory_space<semaphore_mem>>)
        %dma_start3A_1373 = arith.constant 3 : i32
        %dma_start3A_1374 = arith.constant 3 : i32
        %dma_start3A_1375 = arith.constant 25 : i32
        %dma_start3A_1376 = arith.constant 0 : i32
        %dma_start3A_1377 = tpu.memref_slice %arg6[%dma_start3A_1374, %dma_start3A_1375, %dma_start3A_1376] : memref<4x125x32xf32, #tpu.memory_space<vmem>> -> memref<1x25x32xf32, #tpu.memory_space<vmem>>
        %dma_start3A_1378 = tpu.memref_squeeze %dma_start3A_1377 : memref<1x25x32xf32, #tpu.memory_space<vmem>> -> memref<25x32xf32, #tpu.memory_space<vmem>>
        %dma_start3A_1379 = arith.constant 0 : i32
        %dma_start3A_1380 = tpu.memref_slice %arg5[%dma_start3A_1373, %add3A_1168, %dma_start3A_1379] : memref<4x100x25xi32, #tpu.memory_space<vmem>> -> memref<1x1x25xi32, #tpu.memory_space<vmem>>
        %dma_start3A_1381 = tpu.memref_squeeze %dma_start3A_1380 : memref<1x1x25xi32, #tpu.memory_space<vmem>> -> memref<25xi32, #tpu.memory_space<vmem>>
        %dma_start3A_1382 = arith.constant 0 : i32
        %dma_start3A_1383 = arith.constant 0 : i32
        %dma_start3A_1384 = tpu.memref_slice %arg2[%dma_start3A_1382, %dma_start3A_1383] : memref<10000x32xf32, #tpu.memory_space<hbm>> -> memref<10000x32xf32, #tpu.memory_space<hbm>>
        tpu.enqueue_indirect_dma source(%dma_start3A_1384 : memref<10000x32xf32, #tpu.memory_space<hbm>>) target(%dma_start3A_1378 : memref<25x32xf32, #tpu.memory_space<vmem>>) offsets(%dma_start3A_1381 : memref<25xi32, #tpu.memory_space<vmem>>) semaphore(%arg11 : memref<!tpu.dma_semaphore, #tpu.memory_space<semaphore_mem>>)
        %dma_start3A_1385 = arith.constant 3 : i32
        %dma_start3A_1386 = arith.constant 3 : i32
        %dma_start3A_1387 = arith.constant 50 : i32
        %dma_start3A_1388 = arith.constant 0 : i32
        %dma_start3A_1389 = tpu.memref_slice %arg6[%dma_start3A_1386, %dma_start3A_1387, %dma_start3A_1388] : memref<4x125x32xf32, #tpu.memory_space<vmem>> -> memref<1x25x32xf32, #tpu.memory_space<vmem>>
        %dma_start3A_1390 = tpu.memref_squeeze %dma_start3A_1389 : memref<1x25x32xf32, #tpu.memory_space<vmem>> -> memref<25x32xf32, #tpu.memory_space<vmem>>
        %dma_start3A_1391 = arith.constant 0 : i32
        %dma_start3A_1392 = tpu.memref_slice %arg5[%dma_start3A_1385, %add3A_1172, %dma_start3A_1391] : memref<4x100x25xi32, #tpu.memory_space<vmem>> -> memref<1x1x25xi32, #tpu.memory_space<vmem>>
        %dma_start3A_1393 = tpu.memref_squeeze %dma_start3A_1392 : memref<1x1x25xi32, #tpu.memory_space<vmem>> -> memref<25xi32, #tpu.memory_space<vmem>>
        %dma_start3A_1394 = arith.constant 0 : i32
        %dma_start3A_1395 = arith.constant 0 : i32
        %dma_start3A_1396 = tpu.memref_slice %arg2[%dma_start3A_1394, %dma_start3A_1395] : memref<10000x32xf32, #tpu.memory_space<hbm>> -> memref<10000x32xf32, #tpu.memory_space<hbm>>
        tpu.enqueue_indirect_dma source(%dma_start3A_1396 : memref<10000x32xf32, #tpu.memory_space<hbm>>) target(%dma_start3A_1390 : memref<25x32xf32, #tpu.memory_space<vmem>>) offsets(%dma_start3A_1393 : memref<25xi32, #tpu.memory_space<vmem>>) semaphore(%arg11 : memref<!tpu.dma_semaphore, #tpu.memory_space<semaphore_mem>>)
        %dma_start3A_1397 = arith.constant 3 : i32
        %dma_start3A_1398 = arith.constant 3 : i32
        %dma_start3A_1399 = arith.constant 75 : i32
        %dma_start3A_1400 = arith.constant 0 : i32
        %dma_start3A_1401 = tpu.memref_slice %arg6[%dma_start3A_1398, %dma_start3A_1399, %dma_start3A_1400] : memref<4x125x32xf32, #tpu.memory_space<vmem>> -> memref<1x25x32xf32, #tpu.memory_space<vmem>>
        %dma_start3A_1402 = tpu.memref_squeeze %dma_start3A_1401 : memref<1x25x32xf32, #tpu.memory_space<vmem>> -> memref<25x32xf32, #tpu.memory_space<vmem>>
        %dma_start3A_1403 = arith.constant 0 : i32
        %dma_start3A_1404 = tpu.memref_slice %arg5[%dma_start3A_1397, %add3A_1176, %dma_start3A_1403] : memref<4x100x25xi32, #tpu.memory_space<vmem>> -> memref<1x1x25xi32, #tpu.memory_space<vmem>>
        %dma_start3A_1405 = tpu.memref_squeeze %dma_start3A_1404 : memref<1x1x25xi32, #tpu.memory_space<vmem>> -> memref<25xi32, #tpu.memory_space<vmem>>
        %dma_start3A_1406 = arith.constant 0 : i32
        %dma_start3A_1407 = arith.constant 0 : i32
        %dma_start3A_1408 = tpu.memref_slice %arg2[%dma_start3A_1406, %dma_start3A_1407] : memref<10000x32xf32, #tpu.memory_space<hbm>> -> memref<10000x32xf32, #tpu.memory_space<hbm>>
        tpu.enqueue_indirect_dma source(%dma_start3A_1408 : memref<10000x32xf32, #tpu.memory_space<hbm>>) target(%dma_start3A_1402 : memref<25x32xf32, #tpu.memory_space<vmem>>) offsets(%dma_start3A_1405 : memref<25xi32, #tpu.memory_space<vmem>>) semaphore(%arg11 : memref<!tpu.dma_semaphore, #tpu.memory_space<semaphore_mem>>)
        %dma_start3A_1409 = arith.constant 3 : i32
        %dma_start3A_1410 = arith.constant 3 : i32
        %dma_start3A_1411 = arith.constant 100 : i32
        %dma_start3A_1412 = arith.constant 0 : i32
        %dma_start3A_1413 = tpu.memref_slice %arg6[%dma_start3A_1410, %dma_start3A_1411, %dma_start3A_1412] : memref<4x125x32xf32, #tpu.memory_space<vmem>> -> memref<1x25x32xf32, #tpu.memory_space<vmem>>
        %dma_start3A_1414 = tpu.memref_squeeze %dma_start3A_1413 : memref<1x25x32xf32, #tpu.memory_space<vmem>> -> memref<25x32xf32, #tpu.memory_space<vmem>>
        %dma_start3A_1415 = arith.constant 0 : i32
        %dma_start3A_1416 = tpu.memref_slice %arg5[%dma_start3A_1409, %add3A_1180, %dma_start3A_1415] : memref<4x100x25xi32, #tpu.memory_space<vmem>> -> memref<1x1x25xi32, #tpu.memory_space<vmem>>
        %dma_start3A_1417 = tpu.memref_squeeze %dma_start3A_1416 : memref<1x1x25xi32, #tpu.memory_space<vmem>> -> memref<25xi32, #tpu.memory_space<vmem>>
        %dma_start3A_1418 = arith.constant 0 : i32
        %dma_start3A_1419 = arith.constant 0 : i32
        %dma_start3A_1420 = tpu.memref_slice %arg2[%dma_start3A_1418, %dma_start3A_1419] : memref<10000x32xf32, #tpu.memory_space<hbm>> -> memref<10000x32xf32, #tpu.memory_space<hbm>>
        tpu.enqueue_indirect_dma source(%dma_start3A_1420 : memref<10000x32xf32, #tpu.memory_space<hbm>>) target(%dma_start3A_1414 : memref<25x32xf32, #tpu.memory_space<vmem>>) offsets(%dma_start3A_1417 : memref<25xi32, #tpu.memory_space<vmem>>) semaphore(%arg11 : memref<!tpu.dma_semaphore, #tpu.memory_space<semaphore_mem>>)
      } else {
      }
      %mul3A_759 = arith.constant 5 : i32
      %mul3A_760 = arith.muli %add3A_751, %mul3A_759 : i32
      %add3A_761 = arith.constant 0 : i32
      %add3A_762 = arith.addi %mul3A_760, %add3A_761 : i32
      %mul3A_763 = arith.constant 5 : i32
      %mul3A_764 = arith.muli %add3A_751, %mul3A_763 : i32
      %add3A_765 = arith.constant 1 : i32
      %add3A_766 = arith.addi %mul3A_764, %add3A_765 : i32
      %mul3A_767 = arith.constant 5 : i32
      %mul3A_768 = arith.muli %add3A_751, %mul3A_767 : i32
      %add3A_769 = arith.constant 2 : i32
      %add3A_770 = arith.addi %mul3A_768, %add3A_769 : i32
      %mul3A_771 = arith.constant 5 : i32
      %mul3A_772 = arith.muli %add3A_751, %mul3A_771 : i32
      %add3A_773 = arith.constant 3 : i32
      %add3A_774 = arith.addi %mul3A_772, %add3A_773 : i32
      %mul3A_775 = arith.constant 5 : i32
      %mul3A_776 = arith.muli %add3A_751, %mul3A_775 : i32
      %add3A_777 = arith.constant 4 : i32
      %add3A_778 = arith.addi %mul3A_776, %add3A_777 : i32
      %mul3A_779 = arith.constant 5 : i32
      %mul3A_780 = arith.muli %add3A_751, %mul3A_779 : i32
      %add3A_781 = arith.constant 0 : i32
      %add3A_782 = arith.addi %mul3A_780, %add3A_781 : i32
      %mul3A_783 = arith.constant 5 : i32
      %mul3A_784 = arith.muli %add3A_751, %mul3A_783 : i32
      %add3A_785 = arith.constant 1 : i32
      %add3A_786 = arith.addi %mul3A_784, %add3A_785 : i32
      %mul3A_787 = arith.constant 5 : i32
      %mul3A_788 = arith.muli %add3A_751, %mul3A_787 : i32
      %add3A_789 = arith.constant 2 : i32
      %add3A_790 = arith.addi %mul3A_788, %add3A_789 : i32
      %mul3A_791 = arith.constant 5 : i32
      %mul3A_792 = arith.muli %add3A_751, %mul3A_791 : i32
      %add3A_793 = arith.constant 3 : i32
      %add3A_794 = arith.addi %mul3A_792, %add3A_793 : i32
      %mul3A_795 = arith.constant 5 : i32
      %mul3A_796 = arith.muli %add3A_751, %mul3A_795 : i32
      %add3A_797 = arith.constant 4 : i32
      %add3A_798 = arith.addi %mul3A_796, %add3A_797 : i32
      %mul3A_799 = arith.constant 5 : i32
      %mul3A_800 = arith.muli %add3A_751, %mul3A_799 : i32
      %add3A_801 = arith.constant 0 : i32
      %add3A_802 = arith.addi %mul3A_800, %add3A_801 : i32
      %mul3A_803 = arith.constant 5 : i32
      %mul3A_804 = arith.muli %add3A_751, %mul3A_803 : i32
      %add3A_805 = arith.constant 1 : i32
      %add3A_806 = arith.addi %mul3A_804, %add3A_805 : i32
      %mul3A_807 = arith.constant 5 : i32
      %mul3A_808 = arith.muli %add3A_751, %mul3A_807 : i32
      %add3A_809 = arith.constant 2 : i32
      %add3A_810 = arith.addi %mul3A_808, %add3A_809 : i32
      %mul3A_811 = arith.constant 5 : i32
      %mul3A_812 = arith.muli %add3A_751, %mul3A_811 : i32
      %add3A_813 = arith.constant 3 : i32
      %add3A_814 = arith.addi %mul3A_812, %add3A_813 : i32
      %mul3A_815 = arith.constant 5 : i32
      %mul3A_816 = arith.muli %add3A_751, %mul3A_815 : i32
      %add3A_817 = arith.constant 4 : i32
      %add3A_818 = arith.addi %mul3A_816, %add3A_817 : i32
      %mul3A_819 = arith.constant 5 : i32
      %mul3A_820 = arith.muli %add3A_751, %mul3A_819 : i32
      %add3A_821 = arith.constant 0 : i32
      %add3A_822 = arith.addi %mul3A_820, %add3A_821 : i32
      %mul3A_823 = arith.constant 5 : i32
      %mul3A_824 = arith.muli %add3A_751, %mul3A_823 : i32
      %add3A_825 = arith.constant 1 : i32
      %add3A_826 = arith.addi %mul3A_824, %add3A_825 : i32
      %mul3A_827 = arith.constant 5 : i32
      %mul3A_828 = arith.muli %add3A_751, %mul3A_827 : i32
      %add3A_829 = arith.constant 2 : i32
      %add3A_830 = arith.addi %mul3A_828, %add3A_829 : i32
      %mul3A_831 = arith.constant 5 : i32
      %mul3A_832 = arith.muli %add3A_751, %mul3A_831 : i32
      %add3A_833 = arith.constant 3 : i32
      %add3A_834 = arith.addi %mul3A_832, %add3A_833 : i32
      %mul3A_835 = arith.constant 5 : i32
      %mul3A_836 = arith.muli %add3A_751, %mul3A_835 : i32
      %add3A_837 = arith.constant 4 : i32
      %add3A_838 = arith.addi %mul3A_836, %add3A_837 : i32
      %dma_wait3A_839 = arith.constant 0 : i32
      %dma_wait3A_840 = arith.constant 0 : i32
      %dma_wait3A_841 = arith.constant 0 : i32
      %dma_wait3A_842 = arith.constant 0 : i32
      %dma_wait3A_843 = tpu.memref_slice %arg7[%dma_wait3A_840, %dma_wait3A_841, %dma_wait3A_842] : memref<4x125x32xf32, #tpu.memory_space<vmem>> -> memref<1x25x32xf32, #tpu.memory_space<vmem>>
      %dma_wait3A_844 = tpu.memref_squeeze %dma_wait3A_843 : memref<1x25x32xf32, #tpu.memory_space<vmem>> -> memref<25x32xf32, #tpu.memory_space<vmem>>
      %dma_wait3A_845 = arith.constant 0 : i32
      %dma_wait3A_846 = tpu.memref_slice %arg5[%dma_wait3A_839, %add3A_762, %dma_wait3A_845] : memref<4x100x25xi32, #tpu.memory_space<vmem>> -> memref<1x1x25xi32, #tpu.memory_space<vmem>>
      %dma_wait3A_847 = tpu.memref_squeeze %dma_wait3A_846 : memref<1x1x25xi32, #tpu.memory_space<vmem>> -> memref<25xi32, #tpu.memory_space<vmem>>
      %dma_wait3A_848 = arith.constant 0 : i32
      %dma_wait3A_849 = arith.constant 0 : i32
      %dma_wait3A_850 = tpu.memref_slice %arg2[%dma_wait3A_848, %dma_wait3A_849] : memref<10000x32xf32, #tpu.memory_space<hbm>> -> memref<10000x32xf32, #tpu.memory_space<hbm>>
      tpu.wait_indirect_dma semaphore(%arg12 : memref<!tpu.dma_semaphore, #tpu.memory_space<semaphore_mem>>) src(%dma_wait3A_850 : memref<10000x32xf32, #tpu.memory_space<hbm>>) dst(%dma_wait3A_844 : memref<25x32xf32, #tpu.memory_space<vmem>>)
      %dma_wait3A_851 = arith.constant 0 : i32
      %dma_wait3A_852 = arith.constant 0 : i32
      %dma_wait3A_853 = arith.constant 25 : i32
      %dma_wait3A_854 = arith.constant 0 : i32
      %dma_wait3A_855 = tpu.memref_slice %arg7[%dma_wait3A_852, %dma_wait3A_853, %dma_wait3A_854] : memref<4x125x32xf32, #tpu.memory_space<vmem>> -> memref<1x25x32xf32, #tpu.memory_space<vmem>>
      %dma_wait3A_856 = tpu.memref_squeeze %dma_wait3A_855 : memref<1x25x32xf32, #tpu.memory_space<vmem>> -> memref<25x32xf32, #tpu.memory_space<vmem>>
      %dma_wait3A_857 = arith.constant 0 : i32
      %dma_wait3A_858 = tpu.memref_slice %arg5[%dma_wait3A_851, %add3A_766, %dma_wait3A_857] : memref<4x100x25xi32, #tpu.memory_space<vmem>> -> memref<1x1x25xi32, #tpu.memory_space<vmem>>
      %dma_wait3A_859 = tpu.memref_squeeze %dma_wait3A_858 : memref<1x1x25xi32, #tpu.memory_space<vmem>> -> memref<25xi32, #tpu.memory_space<vmem>>
      %dma_wait3A_860 = arith.constant 0 : i32
      %dma_wait3A_861 = arith.constant 0 : i32
      %dma_wait3A_862 = tpu.memref_slice %arg2[%dma_wait3A_860, %dma_wait3A_861] : memref<10000x32xf32, #tpu.memory_space<hbm>> -> memref<10000x32xf32, #tpu.memory_space<hbm>>
      tpu.wait_indirect_dma semaphore(%arg12 : memref<!tpu.dma_semaphore, #tpu.memory_space<semaphore_mem>>) src(%dma_wait3A_862 : memref<10000x32xf32, #tpu.memory_space<hbm>>) dst(%dma_wait3A_856 : memref<25x32xf32, #tpu.memory_space<vmem>>)
      %dma_wait3A_863 = arith.constant 0 : i32
      %dma_wait3A_864 = arith.constant 0 : i32
      %dma_wait3A_865 = arith.constant 50 : i32
      %dma_wait3A_866 = arith.constant 0 : i32
      %dma_wait3A_867 = tpu.memref_slice %arg7[%dma_wait3A_864, %dma_wait3A_865, %dma_wait3A_866] : memref<4x125x32xf32, #tpu.memory_space<vmem>> -> memref<1x25x32xf32, #tpu.memory_space<vmem>>
      %dma_wait3A_868 = tpu.memref_squeeze %dma_wait3A_867 : memref<1x25x32xf32, #tpu.memory_space<vmem>> -> memref<25x32xf32, #tpu.memory_space<vmem>>
      %dma_wait3A_869 = arith.constant 0 : i32
      %dma_wait3A_870 = tpu.memref_slice %arg5[%dma_wait3A_863, %add3A_770, %dma_wait3A_869] : memref<4x100x25xi32, #tpu.memory_space<vmem>> -> memref<1x1x25xi32, #tpu.memory_space<vmem>>
      %dma_wait3A_871 = tpu.memref_squeeze %dma_wait3A_870 : memref<1x1x25xi32, #tpu.memory_space<vmem>> -> memref<25xi32, #tpu.memory_space<vmem>>
      %dma_wait3A_872 = arith.constant 0 : i32
      %dma_wait3A_873 = arith.constant 0 : i32
      %dma_wait3A_874 = tpu.memref_slice %arg2[%dma_wait3A_872, %dma_wait3A_873] : memref<10000x32xf32, #tpu.memory_space<hbm>> -> memref<10000x32xf32, #tpu.memory_space<hbm>>
      tpu.wait_indirect_dma semaphore(%arg12 : memref<!tpu.dma_semaphore, #tpu.memory_space<semaphore_mem>>) src(%dma_wait3A_874 : memref<10000x32xf32, #tpu.memory_space<hbm>>) dst(%dma_wait3A_868 : memref<25x32xf32, #tpu.memory_space<vmem>>)
      %dma_wait3A_875 = arith.constant 0 : i32
      %dma_wait3A_876 = arith.constant 0 : i32
      %dma_wait3A_877 = arith.constant 75 : i32
      %dma_wait3A_878 = arith.constant 0 : i32
      %dma_wait3A_879 = tpu.memref_slice %arg7[%dma_wait3A_876, %dma_wait3A_877, %dma_wait3A_878] : memref<4x125x32xf32, #tpu.memory_space<vmem>> -> memref<1x25x32xf32, #tpu.memory_space<vmem>>
      %dma_wait3A_880 = tpu.memref_squeeze %dma_wait3A_879 : memref<1x25x32xf32, #tpu.memory_space<vmem>> -> memref<25x32xf32, #tpu.memory_space<vmem>>
      %dma_wait3A_881 = arith.constant 0 : i32
      %dma_wait3A_882 = tpu.memref_slice %arg5[%dma_wait3A_875, %add3A_774, %dma_wait3A_881] : memref<4x100x25xi32, #tpu.memory_space<vmem>> -> memref<1x1x25xi32, #tpu.memory_space<vmem>>
      %dma_wait3A_883 = tpu.memref_squeeze %dma_wait3A_882 : memref<1x1x25xi32, #tpu.memory_space<vmem>> -> memref<25xi32, #tpu.memory_space<vmem>>
      %dma_wait3A_884 = arith.constant 0 : i32
      %dma_wait3A_885 = arith.constant 0 : i32
      %dma_wait3A_886 = tpu.memref_slice %arg2[%dma_wait3A_884, %dma_wait3A_885] : memref<10000x32xf32, #tpu.memory_space<hbm>> -> memref<10000x32xf32, #tpu.memory_space<hbm>>
      tpu.wait_indirect_dma semaphore(%arg12 : memref<!tpu.dma_semaphore, #tpu.memory_space<semaphore_mem>>) src(%dma_wait3A_886 : memref<10000x32xf32, #tpu.memory_space<hbm>>) dst(%dma_wait3A_880 : memref<25x32xf32, #tpu.memory_space<vmem>>)
      %dma_wait3A_887 = arith.constant 0 : i32
      %dma_wait3A_888 = arith.constant 0 : i32
      %dma_wait3A_889 = arith.constant 100 : i32
      %dma_wait3A_890 = arith.constant 0 : i32
      %dma_wait3A_891 = tpu.memref_slice %arg7[%dma_wait3A_888, %dma_wait3A_889, %dma_wait3A_890] : memref<4x125x32xf32, #tpu.memory_space<vmem>> -> memref<1x25x32xf32, #tpu.memory_space<vmem>>
      %dma_wait3A_892 = tpu.memref_squeeze %dma_wait3A_891 : memref<1x25x32xf32, #tpu.memory_space<vmem>> -> memref<25x32xf32, #tpu.memory_space<vmem>>
      %dma_wait3A_893 = arith.constant 0 : i32
      %dma_wait3A_894 = tpu.memref_slice %arg5[%dma_wait3A_887, %add3A_778, %dma_wait3A_893] : memref<4x100x25xi32, #tpu.memory_space<vmem>> -> memref<1x1x25xi32, #tpu.memory_space<vmem>>
      %dma_wait3A_895 = tpu.memref_squeeze %dma_wait3A_894 : memref<1x1x25xi32, #tpu.memory_space<vmem>> -> memref<25xi32, #tpu.memory_space<vmem>>
      %dma_wait3A_896 = arith.constant 0 : i32
      %dma_wait3A_897 = arith.constant 0 : i32
      %dma_wait3A_898 = tpu.memref_slice %arg2[%dma_wait3A_896, %dma_wait3A_897] : memref<10000x32xf32, #tpu.memory_space<hbm>> -> memref<10000x32xf32, #tpu.memory_space<hbm>>
      tpu.wait_indirect_dma semaphore(%arg12 : memref<!tpu.dma_semaphore, #tpu.memory_space<semaphore_mem>>) src(%dma_wait3A_898 : memref<10000x32xf32, #tpu.memory_space<hbm>>) dst(%dma_wait3A_892 : memref<25x32xf32, #tpu.memory_space<vmem>>)
      %dma_wait3A_899 = arith.constant 1 : i32
      %dma_wait3A_900 = arith.constant 1 : i32
      %dma_wait3A_901 = arith.constant 0 : i32
      %dma_wait3A_902 = arith.constant 0 : i32
      %dma_wait3A_903 = tpu.memref_slice %arg7[%dma_wait3A_900, %dma_wait3A_901, %dma_wait3A_902] : memref<4x125x32xf32, #tpu.memory_space<vmem>> -> memref<1x25x32xf32, #tpu.memory_space<vmem>>
      %dma_wait3A_904 = tpu.memref_squeeze %dma_wait3A_903 : memref<1x25x32xf32, #tpu.memory_space<vmem>> -> memref<25x32xf32, #tpu.memory_space<vmem>>
      %dma_wait3A_905 = arith.constant 0 : i32
      %dma_wait3A_906 = tpu.memref_slice %arg5[%dma_wait3A_899, %add3A_782, %dma_wait3A_905] : memref<4x100x25xi32, #tpu.memory_space<vmem>> -> memref<1x1x25xi32, #tpu.memory_space<vmem>>
      %dma_wait3A_907 = tpu.memref_squeeze %dma_wait3A_906 : memref<1x1x25xi32, #tpu.memory_space<vmem>> -> memref<25xi32, #tpu.memory_space<vmem>>
      %dma_wait3A_908 = arith.constant 0 : i32
      %dma_wait3A_909 = arith.constant 0 : i32
      %dma_wait3A_910 = tpu.memref_slice %arg2[%dma_wait3A_908, %dma_wait3A_909] : memref<10000x32xf32, #tpu.memory_space<hbm>> -> memref<10000x32xf32, #tpu.memory_space<hbm>>
      tpu.wait_indirect_dma semaphore(%arg12 : memref<!tpu.dma_semaphore, #tpu.memory_space<semaphore_mem>>) src(%dma_wait3A_910 : memref<10000x32xf32, #tpu.memory_space<hbm>>) dst(%dma_wait3A_904 : memref<25x32xf32, #tpu.memory_space<vmem>>)
      %dma_wait3A_911 = arith.constant 1 : i32
      %dma_wait3A_912 = arith.constant 1 : i32
      %dma_wait3A_913 = arith.constant 25 : i32
      %dma_wait3A_914 = arith.constant 0 : i32
      %dma_wait3A_915 = tpu.memref_slice %arg7[%dma_wait3A_912, %dma_wait3A_913, %dma_wait3A_914] : memref<4x125x32xf32, #tpu.memory_space<vmem>> -> memref<1x25x32xf32, #tpu.memory_space<vmem>>
      %dma_wait3A_916 = tpu.memref_squeeze %dma_wait3A_915 : memref<1x25x32xf32, #tpu.memory_space<vmem>> -> memref<25x32xf32, #tpu.memory_space<vmem>>
      %dma_wait3A_917 = arith.constant 0 : i32
      %dma_wait3A_918 = tpu.memref_slice %arg5[%dma_wait3A_911, %add3A_786, %dma_wait3A_917] : memref<4x100x25xi32, #tpu.memory_space<vmem>> -> memref<1x1x25xi32, #tpu.memory_space<vmem>>
      %dma_wait3A_919 = tpu.memref_squeeze %dma_wait3A_918 : memref<1x1x25xi32, #tpu.memory_space<vmem>> -> memref<25xi32, #tpu.memory_space<vmem>>
      %dma_wait3A_920 = arith.constant 0 : i32
      %dma_wait3A_921 = arith.constant 0 : i32
      %dma_wait3A_922 = tpu.memref_slice %arg2[%dma_wait3A_920, %dma_wait3A_921] : memref<10000x32xf32, #tpu.memory_space<hbm>> -> memref<10000x32xf32, #tpu.memory_space<hbm>>
      tpu.wait_indirect_dma semaphore(%arg12 : memref<!tpu.dma_semaphore, #tpu.memory_space<semaphore_mem>>) src(%dma_wait3A_922 : memref<10000x32xf32, #tpu.memory_space<hbm>>) dst(%dma_wait3A_916 : memref<25x32xf32, #tpu.memory_space<vmem>>)
      %dma_wait3A_923 = arith.constant 1 : i32
      %dma_wait3A_924 = arith.constant 1 : i32
      %dma_wait3A_925 = arith.constant 50 : i32
      %dma_wait3A_926 = arith.constant 0 : i32
      %dma_wait3A_927 = tpu.memref_slice %arg7[%dma_wait3A_924, %dma_wait3A_925, %dma_wait3A_926] : memref<4x125x32xf32, #tpu.memory_space<vmem>> -> memref<1x25x32xf32, #tpu.memory_space<vmem>>
      %dma_wait3A_928 = tpu.memref_squeeze %dma_wait3A_927 : memref<1x25x32xf32, #tpu.memory_space<vmem>> -> memref<25x32xf32, #tpu.memory_space<vmem>>
      %dma_wait3A_929 = arith.constant 0 : i32
      %dma_wait3A_930 = tpu.memref_slice %arg5[%dma_wait3A_923, %add3A_790, %dma_wait3A_929] : memref<4x100x25xi32, #tpu.memory_space<vmem>> -> memref<1x1x25xi32, #tpu.memory_space<vmem>>
      %dma_wait3A_931 = tpu.memref_squeeze %dma_wait3A_930 : memref<1x1x25xi32, #tpu.memory_space<vmem>> -> memref<25xi32, #tpu.memory_space<vmem>>
      %dma_wait3A_932 = arith.constant 0 : i32
      %dma_wait3A_933 = arith.constant 0 : i32
      %dma_wait3A_934 = tpu.memref_slice %arg2[%dma_wait3A_932, %dma_wait3A_933] : memref<10000x32xf32, #tpu.memory_space<hbm>> -> memref<10000x32xf32, #tpu.memory_space<hbm>>
      tpu.wait_indirect_dma semaphore(%arg12 : memref<!tpu.dma_semaphore, #tpu.memory_space<semaphore_mem>>) src(%dma_wait3A_934 : memref<10000x32xf32, #tpu.memory_space<hbm>>) dst(%dma_wait3A_928 : memref<25x32xf32, #tpu.memory_space<vmem>>)
      %dma_wait3A_935 = arith.constant 1 : i32
      %dma_wait3A_936 = arith.constant 1 : i32
      %dma_wait3A_937 = arith.constant 75 : i32
      %dma_wait3A_938 = arith.constant 0 : i32
      %dma_wait3A_939 = tpu.memref_slice %arg7[%dma_wait3A_936, %dma_wait3A_937, %dma_wait3A_938] : memref<4x125x32xf32, #tpu.memory_space<vmem>> -> memref<1x25x32xf32, #tpu.memory_space<vmem>>
      %dma_wait3A_940 = tpu.memref_squeeze %dma_wait3A_939 : memref<1x25x32xf32, #tpu.memory_space<vmem>> -> memref<25x32xf32, #tpu.memory_space<vmem>>
      %dma_wait3A_941 = arith.constant 0 : i32
      %dma_wait3A_942 = tpu.memref_slice %arg5[%dma_wait3A_935, %add3A_794, %dma_wait3A_941] : memref<4x100x25xi32, #tpu.memory_space<vmem>> -> memref<1x1x25xi32, #tpu.memory_space<vmem>>
      %dma_wait3A_943 = tpu.memref_squeeze %dma_wait3A_942 : memref<1x1x25xi32, #tpu.memory_space<vmem>> -> memref<25xi32, #tpu.memory_space<vmem>>
      %dma_wait3A_944 = arith.constant 0 : i32
      %dma_wait3A_945 = arith.constant 0 : i32
      %dma_wait3A_946 = tpu.memref_slice %arg2[%dma_wait3A_944, %dma_wait3A_945] : memref<10000x32xf32, #tpu.memory_space<hbm>> -> memref<10000x32xf32, #tpu.memory_space<hbm>>
      tpu.wait_indirect_dma semaphore(%arg12 : memref<!tpu.dma_semaphore, #tpu.memory_space<semaphore_mem>>) src(%dma_wait3A_946 : memref<10000x32xf32, #tpu.memory_space<hbm>>) dst(%dma_wait3A_940 : memref<25x32xf32, #tpu.memory_space<vmem>>)
      %dma_wait3A_947 = arith.constant 1 : i32
      %dma_wait3A_948 = arith.constant 1 : i32
      %dma_wait3A_949 = arith.constant 100 : i32
      %dma_wait3A_950 = arith.constant 0 : i32
      %dma_wait3A_951 = tpu.memref_slice %arg7[%dma_wait3A_948, %dma_wait3A_949, %dma_wait3A_950] : memref<4x125x32xf32, #tpu.memory_space<vmem>> -> memref<1x25x32xf32, #tpu.memory_space<vmem>>
      %dma_wait3A_952 = tpu.memref_squeeze %dma_wait3A_951 : memref<1x25x32xf32, #tpu.memory_space<vmem>> -> memref<25x32xf32, #tpu.memory_space<vmem>>
      %dma_wait3A_953 = arith.constant 0 : i32
      %dma_wait3A_954 = tpu.memref_slice %arg5[%dma_wait3A_947, %add3A_798, %dma_wait3A_953] : memref<4x100x25xi32, #tpu.memory_space<vmem>> -> memref<1x1x25xi32, #tpu.memory_space<vmem>>
      %dma_wait3A_955 = tpu.memref_squeeze %dma_wait3A_954 : memref<1x1x25xi32, #tpu.memory_space<vmem>> -> memref<25xi32, #tpu.memory_space<vmem>>
      %dma_wait3A_956 = arith.constant 0 : i32
      %dma_wait3A_957 = arith.constant 0 : i32
      %dma_wait3A_958 = tpu.memref_slice %arg2[%dma_wait3A_956, %dma_wait3A_957] : memref<10000x32xf32, #tpu.memory_space<hbm>> -> memref<10000x32xf32, #tpu.memory_space<hbm>>
      tpu.wait_indirect_dma semaphore(%arg12 : memref<!tpu.dma_semaphore, #tpu.memory_space<semaphore_mem>>) src(%dma_wait3A_958 : memref<10000x32xf32, #tpu.memory_space<hbm>>) dst(%dma_wait3A_952 : memref<25x32xf32, #tpu.memory_space<vmem>>)
      %dma_wait3A_959 = arith.constant 2 : i32
      %dma_wait3A_960 = arith.constant 2 : i32
      %dma_wait3A_961 = arith.constant 0 : i32
      %dma_wait3A_962 = arith.constant 0 : i32
      %dma_wait3A_963 = tpu.memref_slice %arg7[%dma_wait3A_960, %dma_wait3A_961, %dma_wait3A_962] : memref<4x125x32xf32, #tpu.memory_space<vmem>> -> memref<1x25x32xf32, #tpu.memory_space<vmem>>
      %dma_wait3A_964 = tpu.memref_squeeze %dma_wait3A_963 : memref<1x25x32xf32, #tpu.memory_space<vmem>> -> memref<25x32xf32, #tpu.memory_space<vmem>>
      %dma_wait3A_965 = arith.constant 0 : i32
      %dma_wait3A_966 = tpu.memref_slice %arg5[%dma_wait3A_959, %add3A_802, %dma_wait3A_965] : memref<4x100x25xi32, #tpu.memory_space<vmem>> -> memref<1x1x25xi32, #tpu.memory_space<vmem>>
      %dma_wait3A_967 = tpu.memref_squeeze %dma_wait3A_966 : memref<1x1x25xi32, #tpu.memory_space<vmem>> -> memref<25xi32, #tpu.memory_space<vmem>>
      %dma_wait3A_968 = arith.constant 0 : i32
      %dma_wait3A_969 = arith.constant 0 : i32
      %dma_wait3A_970 = tpu.memref_slice %arg2[%dma_wait3A_968, %dma_wait3A_969] : memref<10000x32xf32, #tpu.memory_space<hbm>> -> memref<10000x32xf32, #tpu.memory_space<hbm>>
      tpu.wait_indirect_dma semaphore(%arg12 : memref<!tpu.dma_semaphore, #tpu.memory_space<semaphore_mem>>) src(%dma_wait3A_970 : memref<10000x32xf32, #tpu.memory_space<hbm>>) dst(%dma_wait3A_964 : memref<25x32xf32, #tpu.memory_space<vmem>>)
      %dma_wait3A_971 = arith.constant 2 : i32
      %dma_wait3A_972 = arith.constant 2 : i32
      %dma_wait3A_973 = arith.constant 25 : i32
      %dma_wait3A_974 = arith.constant 0 : i32
      %dma_wait3A_975 = tpu.memref_slice %arg7[%dma_wait3A_972, %dma_wait3A_973, %dma_wait3A_974] : memref<4x125x32xf32, #tpu.memory_space<vmem>> -> memref<1x25x32xf32, #tpu.memory_space<vmem>>
      %dma_wait3A_976 = tpu.memref_squeeze %dma_wait3A_975 : memref<1x25x32xf32, #tpu.memory_space<vmem>> -> memref<25x32xf32, #tpu.memory_space<vmem>>
      %dma_wait3A_977 = arith.constant 0 : i32
      %dma_wait3A_978 = tpu.memref_slice %arg5[%dma_wait3A_971, %add3A_806, %dma_wait3A_977] : memref<4x100x25xi32, #tpu.memory_space<vmem>> -> memref<1x1x25xi32, #tpu.memory_space<vmem>>
      %dma_wait3A_979 = tpu.memref_squeeze %dma_wait3A_978 : memref<1x1x25xi32, #tpu.memory_space<vmem>> -> memref<25xi32, #tpu.memory_space<vmem>>
      %dma_wait3A_980 = arith.constant 0 : i32
      %dma_wait3A_981 = arith.constant 0 : i32
      %dma_wait3A_982 = tpu.memref_slice %arg2[%dma_wait3A_980, %dma_wait3A_981] : memref<10000x32xf32, #tpu.memory_space<hbm>> -> memref<10000x32xf32, #tpu.memory_space<hbm>>
      tpu.wait_indirect_dma semaphore(%arg12 : memref<!tpu.dma_semaphore, #tpu.memory_space<semaphore_mem>>) src(%dma_wait3A_982 : memref<10000x32xf32, #tpu.memory_space<hbm>>) dst(%dma_wait3A_976 : memref<25x32xf32, #tpu.memory_space<vmem>>)
      %dma_wait3A_983 = arith.constant 2 : i32
      %dma_wait3A_984 = arith.constant 2 : i32
      %dma_wait3A_985 = arith.constant 50 : i32
      %dma_wait3A_986 = arith.constant 0 : i32
      %dma_wait3A_987 = tpu.memref_slice %arg7[%dma_wait3A_984, %dma_wait3A_985, %dma_wait3A_986] : memref<4x125x32xf32, #tpu.memory_space<vmem>> -> memref<1x25x32xf32, #tpu.memory_space<vmem>>
      %dma_wait3A_988 = tpu.memref_squeeze %dma_wait3A_987 : memref<1x25x32xf32, #tpu.memory_space<vmem>> -> memref<25x32xf32, #tpu.memory_space<vmem>>
      %dma_wait3A_989 = arith.constant 0 : i32
      %dma_wait3A_990 = tpu.memref_slice %arg5[%dma_wait3A_983, %add3A_810, %dma_wait3A_989] : memref<4x100x25xi32, #tpu.memory_space<vmem>> -> memref<1x1x25xi32, #tpu.memory_space<vmem>>
      %dma_wait3A_991 = tpu.memref_squeeze %dma_wait3A_990 : memref<1x1x25xi32, #tpu.memory_space<vmem>> -> memref<25xi32, #tpu.memory_space<vmem>>
      %dma_wait3A_992 = arith.constant 0 : i32
      %dma_wait3A_993 = arith.constant 0 : i32
      %dma_wait3A_994 = tpu.memref_slice %arg2[%dma_wait3A_992, %dma_wait3A_993] : memref<10000x32xf32, #tpu.memory_space<hbm>> -> memref<10000x32xf32, #tpu.memory_space<hbm>>
      tpu.wait_indirect_dma semaphore(%arg12 : memref<!tpu.dma_semaphore, #tpu.memory_space<semaphore_mem>>) src(%dma_wait3A_994 : memref<10000x32xf32, #tpu.memory_space<hbm>>) dst(%dma_wait3A_988 : memref<25x32xf32, #tpu.memory_space<vmem>>)
      %dma_wait3A_995 = arith.constant 2 : i32
      %dma_wait3A_996 = arith.constant 2 : i32
      %dma_wait3A_997 = arith.constant 75 : i32
      %dma_wait3A_998 = arith.constant 0 : i32
      %dma_wait3A_999 = tpu.memref_slice %arg7[%dma_wait3A_996, %dma_wait3A_997, %dma_wait3A_998] : memref<4x125x32xf32, #tpu.memory_space<vmem>> -> memref<1x25x32xf32, #tpu.memory_space<vmem>>
      %dma_wait3A_1000 = tpu.memref_squeeze %dma_wait3A_999 : memref<1x25x32xf32, #tpu.memory_space<vmem>> -> memref<25x32xf32, #tpu.memory_space<vmem>>
      %dma_wait3A_1001 = arith.constant 0 : i32
      %dma_wait3A_1002 = tpu.memref_slice %arg5[%dma_wait3A_995, %add3A_814, %dma_wait3A_1001] : memref<4x100x25xi32, #tpu.memory_space<vmem>> -> memref<1x1x25xi32, #tpu.memory_space<vmem>>
      %dma_wait3A_1003 = tpu.memref_squeeze %dma_wait3A_1002 : memref<1x1x25xi32, #tpu.memory_space<vmem>> -> memref<25xi32, #tpu.memory_space<vmem>>
      %dma_wait3A_1004 = arith.constant 0 : i32
      %dma_wait3A_1005 = arith.constant 0 : i32
      %dma_wait3A_1006 = tpu.memref_slice %arg2[%dma_wait3A_1004, %dma_wait3A_1005] : memref<10000x32xf32, #tpu.memory_space<hbm>> -> memref<10000x32xf32, #tpu.memory_space<hbm>>
      tpu.wait_indirect_dma semaphore(%arg12 : memref<!tpu.dma_semaphore, #tpu.memory_space<semaphore_mem>>) src(%dma_wait3A_1006 : memref<10000x32xf32, #tpu.memory_space<hbm>>) dst(%dma_wait3A_1000 : memref<25x32xf32, #tpu.memory_space<vmem>>)
      %dma_wait3A_1007 = arith.constant 2 : i32
      %dma_wait3A_1008 = arith.constant 2 : i32
      %dma_wait3A_1009 = arith.constant 100 : i32
      %dma_wait3A_1010 = arith.constant 0 : i32
      %dma_wait3A_1011 = tpu.memref_slice %arg7[%dma_wait3A_1008, %dma_wait3A_1009, %dma_wait3A_1010] : memref<4x125x32xf32, #tpu.memory_space<vmem>> -> memref<1x25x32xf32, #tpu.memory_space<vmem>>
      %dma_wait3A_1012 = tpu.memref_squeeze %dma_wait3A_1011 : memref<1x25x32xf32, #tpu.memory_space<vmem>> -> memref<25x32xf32, #tpu.memory_space<vmem>>
      %dma_wait3A_1013 = arith.constant 0 : i32
      %dma_wait3A_1014 = tpu.memref_slice %arg5[%dma_wait3A_1007, %add3A_818, %dma_wait3A_1013] : memref<4x100x25xi32, #tpu.memory_space<vmem>> -> memref<1x1x25xi32, #tpu.memory_space<vmem>>
      %dma_wait3A_1015 = tpu.memref_squeeze %dma_wait3A_1014 : memref<1x1x25xi32, #tpu.memory_space<vmem>> -> memref<25xi32, #tpu.memory_space<vmem>>
      %dma_wait3A_1016 = arith.constant 0 : i32
      %dma_wait3A_1017 = arith.constant 0 : i32
      %dma_wait3A_1018 = tpu.memref_slice %arg2[%dma_wait3A_1016, %dma_wait3A_1017] : memref<10000x32xf32, #tpu.memory_space<hbm>> -> memref<10000x32xf32, #tpu.memory_space<hbm>>
      tpu.wait_indirect_dma semaphore(%arg12 : memref<!tpu.dma_semaphore, #tpu.memory_space<semaphore_mem>>) src(%dma_wait3A_1018 : memref<10000x32xf32, #tpu.memory_space<hbm>>) dst(%dma_wait3A_1012 : memref<25x32xf32, #tpu.memory_space<vmem>>)
      %dma_wait3A_1019 = arith.constant 3 : i32
      %dma_wait3A_1020 = arith.constant 3 : i32
      %dma_wait3A_1021 = arith.constant 0 : i32
      %dma_wait3A_1022 = arith.constant 0 : i32
      %dma_wait3A_1023 = tpu.memref_slice %arg7[%dma_wait3A_1020, %dma_wait3A_1021, %dma_wait3A_1022] : memref<4x125x32xf32, #tpu.memory_space<vmem>> -> memref<1x25x32xf32, #tpu.memory_space<vmem>>
      %dma_wait3A_1024 = tpu.memref_squeeze %dma_wait3A_1023 : memref<1x25x32xf32, #tpu.memory_space<vmem>> -> memref<25x32xf32, #tpu.memory_space<vmem>>
      %dma_wait3A_1025 = arith.constant 0 : i32
      %dma_wait3A_1026 = tpu.memref_slice %arg5[%dma_wait3A_1019, %add3A_822, %dma_wait3A_1025] : memref<4x100x25xi32, #tpu.memory_space<vmem>> -> memref<1x1x25xi32, #tpu.memory_space<vmem>>
      %dma_wait3A_1027 = tpu.memref_squeeze %dma_wait3A_1026 : memref<1x1x25xi32, #tpu.memory_space<vmem>> -> memref<25xi32, #tpu.memory_space<vmem>>
      %dma_wait3A_1028 = arith.constant 0 : i32
      %dma_wait3A_1029 = arith.constant 0 : i32
      %dma_wait3A_1030 = tpu.memref_slice %arg2[%dma_wait3A_1028, %dma_wait3A_1029] : memref<10000x32xf32, #tpu.memory_space<hbm>> -> memref<10000x32xf32, #tpu.memory_space<hbm>>
      tpu.wait_indirect_dma semaphore(%arg12 : memref<!tpu.dma_semaphore, #tpu.memory_space<semaphore_mem>>) src(%dma_wait3A_1030 : memref<10000x32xf32, #tpu.memory_space<hbm>>) dst(%dma_wait3A_1024 : memref<25x32xf32, #tpu.memory_space<vmem>>)
      %dma_wait3A_1031 = arith.constant 3 : i32
      %dma_wait3A_1032 = arith.constant 3 : i32
      %dma_wait3A_1033 = arith.constant 25 : i32
      %dma_wait3A_1034 = arith.constant 0 : i32
      %dma_wait3A_1035 = tpu.memref_slice %arg7[%dma_wait3A_1032, %dma_wait3A_1033, %dma_wait3A_1034] : memref<4x125x32xf32, #tpu.memory_space<vmem>> -> memref<1x25x32xf32, #tpu.memory_space<vmem>>
      %dma_wait3A_1036 = tpu.memref_squeeze %dma_wait3A_1035 : memref<1x25x32xf32, #tpu.memory_space<vmem>> -> memref<25x32xf32, #tpu.memory_space<vmem>>
      %dma_wait3A_1037 = arith.constant 0 : i32
      %dma_wait3A_1038 = tpu.memref_slice %arg5[%dma_wait3A_1031, %add3A_826, %dma_wait3A_1037] : memref<4x100x25xi32, #tpu.memory_space<vmem>> -> memref<1x1x25xi32, #tpu.memory_space<vmem>>
      %dma_wait3A_1039 = tpu.memref_squeeze %dma_wait3A_1038 : memref<1x1x25xi32, #tpu.memory_space<vmem>> -> memref<25xi32, #tpu.memory_space<vmem>>
      %dma_wait3A_1040 = arith.constant 0 : i32
      %dma_wait3A_1041 = arith.constant 0 : i32
      %dma_wait3A_1042 = tpu.memref_slice %arg2[%dma_wait3A_1040, %dma_wait3A_1041] : memref<10000x32xf32, #tpu.memory_space<hbm>> -> memref<10000x32xf32, #tpu.memory_space<hbm>>
      tpu.wait_indirect_dma semaphore(%arg12 : memref<!tpu.dma_semaphore, #tpu.memory_space<semaphore_mem>>) src(%dma_wait3A_1042 : memref<10000x32xf32, #tpu.memory_space<hbm>>) dst(%dma_wait3A_1036 : memref<25x32xf32, #tpu.memory_space<vmem>>)
      %dma_wait3A_1043 = arith.constant 3 : i32
      %dma_wait3A_1044 = arith.constant 3 : i32
      %dma_wait3A_1045 = arith.constant 50 : i32
      %dma_wait3A_1046 = arith.constant 0 : i32
      %dma_wait3A_1047 = tpu.memref_slice %arg7[%dma_wait3A_1044, %dma_wait3A_1045, %dma_wait3A_1046] : memref<4x125x32xf32, #tpu.memory_space<vmem>> -> memref<1x25x32xf32, #tpu.memory_space<vmem>>
      %dma_wait3A_1048 = tpu.memref_squeeze %dma_wait3A_1047 : memref<1x25x32xf32, #tpu.memory_space<vmem>> -> memref<25x32xf32, #tpu.memory_space<vmem>>
      %dma_wait3A_1049 = arith.constant 0 : i32
      %dma_wait3A_1050 = tpu.memref_slice %arg5[%dma_wait3A_1043, %add3A_830, %dma_wait3A_1049] : memref<4x100x25xi32, #tpu.memory_space<vmem>> -> memref<1x1x25xi32, #tpu.memory_space<vmem>>
      %dma_wait3A_1051 = tpu.memref_squeeze %dma_wait3A_1050 : memref<1x1x25xi32, #tpu.memory_space<vmem>> -> memref<25xi32, #tpu.memory_space<vmem>>
      %dma_wait3A_1052 = arith.constant 0 : i32
      %dma_wait3A_1053 = arith.constant 0 : i32
      %dma_wait3A_1054 = tpu.memref_slice %arg2[%dma_wait3A_1052, %dma_wait3A_1053] : memref<10000x32xf32, #tpu.memory_space<hbm>> -> memref<10000x32xf32, #tpu.memory_space<hbm>>
      tpu.wait_indirect_dma semaphore(%arg12 : memref<!tpu.dma_semaphore, #tpu.memory_space<semaphore_mem>>) src(%dma_wait3A_1054 : memref<10000x32xf32, #tpu.memory_space<hbm>>) dst(%dma_wait3A_1048 : memref<25x32xf32, #tpu.memory_space<vmem>>)
      %dma_wait3A_1055 = arith.constant 3 : i32
      %dma_wait3A_1056 = arith.constant 3 : i32
      %dma_wait3A_1057 = arith.constant 75 : i32
      %dma_wait3A_1058 = arith.constant 0 : i32
      %dma_wait3A_1059 = tpu.memref_slice %arg7[%dma_wait3A_1056, %dma_wait3A_1057, %dma_wait3A_1058] : memref<4x125x32xf32, #tpu.memory_space<vmem>> -> memref<1x25x32xf32, #tpu.memory_space<vmem>>
      %dma_wait3A_1060 = tpu.memref_squeeze %dma_wait3A_1059 : memref<1x25x32xf32, #tpu.memory_space<vmem>> -> memref<25x32xf32, #tpu.memory_space<vmem>>
      %dma_wait3A_1061 = arith.constant 0 : i32
      %dma_wait3A_1062 = tpu.memref_slice %arg5[%dma_wait3A_1055, %add3A_834, %dma_wait3A_1061] : memref<4x100x25xi32, #tpu.memory_space<vmem>> -> memref<1x1x25xi32, #tpu.memory_space<vmem>>
      %dma_wait3A_1063 = tpu.memref_squeeze %dma_wait3A_1062 : memref<1x1x25xi32, #tpu.memory_space<vmem>> -> memref<25xi32, #tpu.memory_space<vmem>>
      %dma_wait3A_1064 = arith.constant 0 : i32
      %dma_wait3A_1065 = arith.constant 0 : i32
      %dma_wait3A_1066 = tpu.memref_slice %arg2[%dma_wait3A_1064, %dma_wait3A_1065] : memref<10000x32xf32, #tpu.memory_space<hbm>> -> memref<10000x32xf32, #tpu.memory_space<hbm>>
      tpu.wait_indirect_dma semaphore(%arg12 : memref<!tpu.dma_semaphore, #tpu.memory_space<semaphore_mem>>) src(%dma_wait3A_1066 : memref<10000x32xf32, #tpu.memory_space<hbm>>) dst(%dma_wait3A_1060 : memref<25x32xf32, #tpu.memory_space<vmem>>)
      %dma_wait3A_1067 = arith.constant 3 : i32
      %dma_wait3A_1068 = arith.constant 3 : i32
      %dma_wait3A_1069 = arith.constant 100 : i32
      %dma_wait3A_1070 = arith.constant 0 : i32
      %dma_wait3A_1071 = tpu.memref_slice %arg7[%dma_wait3A_1068, %dma_wait3A_1069, %dma_wait3A_1070] : memref<4x125x32xf32, #tpu.memory_space<vmem>> -> memref<1x25x32xf32, #tpu.memory_space<vmem>>
      %dma_wait3A_1072 = tpu.memref_squeeze %dma_wait3A_1071 : memref<1x25x32xf32, #tpu.memory_space<vmem>> -> memref<25x32xf32, #tpu.memory_space<vmem>>
      %dma_wait3A_1073 = arith.constant 0 : i32
      %dma_wait3A_1074 = tpu.memref_slice %arg5[%dma_wait3A_1067, %add3A_838, %dma_wait3A_1073] : memref<4x100x25xi32, #tpu.memory_space<vmem>> -> memref<1x1x25xi32, #tpu.memory_space<vmem>>
      %dma_wait3A_1075 = tpu.memref_squeeze %dma_wait3A_1074 : memref<1x1x25xi32, #tpu.memory_space<vmem>> -> memref<25xi32, #tpu.memory_space<vmem>>
      %dma_wait3A_1076 = arith.constant 0 : i32
      %dma_wait3A_1077 = arith.constant 0 : i32
      %dma_wait3A_1078 = tpu.memref_slice %arg2[%dma_wait3A_1076, %dma_wait3A_1077] : memref<10000x32xf32, #tpu.memory_space<hbm>> -> memref<10000x32xf32, #tpu.memory_space<hbm>>
      tpu.wait_indirect_dma semaphore(%arg12 : memref<!tpu.dma_semaphore, #tpu.memory_space<semaphore_mem>>) src(%dma_wait3A_1078 : memref<10000x32xf32, #tpu.memory_space<hbm>>) dst(%dma_wait3A_1072 : memref<25x32xf32, #tpu.memory_space<vmem>>)
      %ge3A_1079 = arith.constant 2 : i32
      %ge3A_1080 = arith.cmpi sge, %add3A_751, %ge3A_1079 : i32
      %convert_element_type3A_1081 = arith.extui %ge3A_1080 : i1 to i32
      %cond3A_1082 = arith.constant 0 : i32
      %cond3A_1083 = arith.cmpi ne, %convert_element_type3A_1081, %cond3A_1082 : i32
      scf.if %cond3A_1083 {
        %sub3A = arith.constant 2 : i32
        %sub3A_1099 = arith.subi %add3A_751, %sub3A : i32
        %mul3A_1100 = arith.constant 2500 : i32
        %mul3A_1101 = arith.muli %add3A, %mul3A_1100 : i32
        %mul3A_1102 = arith.constant 125 : i32
        %mul3A_1103 = arith.muli %sub3A_1099, %mul3A_1102 : i32
        %add3A_1104 = arith.addi %mul3A_1101, %mul3A_1103 : i32
        %dma_wait3A_1105 = arith.constant 0 : i32
        %dma_wait3A_1106 = tpu.memref_slice %arg4[%add3A_1104, %dma_wait3A_1105] : memref<80000x128xf32, #tpu.memory_space<hbm>> -> memref<125x128xf32, #tpu.memory_space<hbm>>
        %dma_wait3A_1107 = arith.constant 0 : i32
        %dma_wait3A_1108 = tpu.memref_slice %arg4[%add3A_1104, %dma_wait3A_1107] : memref<80000x128xf32, #tpu.memory_space<hbm>> -> memref<125x128xf32, #tpu.memory_space<hbm>>
        tpu.wait_dma2 semaphore(%arg14 : memref<!tpu.dma_semaphore, #tpu.memory_space<semaphore_mem>>) src(%arg9 : memref<125x128xf32, #tpu.memory_space<vmem>>) dst(%dma_wait3A_1108 : memref<125x128xf32, #tpu.memory_space<hbm>>)
      } else {
      }
      %scan3A_1084 = arith.constant 0 : i32
      %scan3A_1085 = arith.constant 0 : i32
      %scan3A_1086 = arith.constant 125 : i32
      %scan3A_1087 = arith.addi %scan3A_1085, %scan3A_1086 : i32
      %scan3A_1088 = arith.constant 1 : i32
      scf.for %scan3A_1099 = %scan3A_1085 to %scan3A_1087 step %scan3A_1088  : i32 {
        %get3A = arith.constant 0 : i32
        %get3A_1100 = arith.index_cast %get3A : i32 to index
        %get3A_1101 = arith.index_cast %scan3A_1099 : i32 to index
        %get3A_1102 = arith.constant 0 : index
        %get3A_1103 = tpu.vector_load %arg7[%get3A_1100, %get3A_1101, %get3A_1102] {strides = array<i32>} : memref<4x125x32xf32, #tpu.memory_space<vmem>>, vector<1x1x16xf32>,
        %get3A_1104 = vector.shape_cast %get3A_1103 : vector<1x1x16xf32> to vector<16xf32>
        %swap3A = arith.index_cast %scan3A_1099 : i32 to index
        %swap3A_1105 = arith.constant 0 : index
        %swap3A_1106 = tpu.vector_load %arg9[%swap3A, %swap3A_1105] {strides = array<i32>} : memref<125x128xf32, #tpu.memory_space<vmem>>, vector<1x16xf32>,
        %swap3A_1107 = vector.shape_cast %swap3A_1106 : vector<1x16xf32> to vector<16xf32>
        %swap3A_1108 = vector.shape_cast %get3A_1104 : vector<16xf32> to vector<1x16xf32>
        tpu.vector_store %arg9[%swap3A, %swap3A_1105], %swap3A_1108 {strides = array<i32>} : memref<125x128xf32, #tpu.memory_space<vmem>>, vector<1x16xf32>,
        %get3A_1109 = arith.constant 0 : i32
        %get3A_1110 = arith.index_cast %get3A_1109 : i32 to index
        %get3A_1111 = arith.index_cast %scan3A_1099 : i32 to index
        %get3A_1112 = arith.constant 16 : index
        %get3A_1113 = tpu.vector_load %arg7[%get3A_1110, %get3A_1111, %get3A_1112] {strides = array<i32>} : memref<4x125x32xf32, #tpu.memory_space<vmem>>, vector<1x1x16xf32>,
        %get3A_1114 = vector.shape_cast %get3A_1113 : vector<1x1x16xf32> to vector<16xf32>
        %swap3A_1115 = arith.index_cast %scan3A_1099 : i32 to index
        %swap3A_1116 = arith.constant 16 : index
        %swap3A_1117 = tpu.vector_load %arg9[%swap3A_1115, %swap3A_1116] {strides = array<i32>} : memref<125x128xf32, #tpu.memory_space<vmem>>, vector<1x16xf32>,
        %swap3A_1118 = vector.shape_cast %swap3A_1117 : vector<1x16xf32> to vector<16xf32>
        %swap3A_1119 = vector.shape_cast %get3A_1114 : vector<16xf32> to vector<1x16xf32>
        tpu.vector_store %arg9[%swap3A_1115, %swap3A_1116], %swap3A_1119 {strides = array<i32>} : memref<125x128xf32, #tpu.memory_space<vmem>>, vector<1x16xf32>,
        %get3A_1120 = arith.constant 1 : i32
        %get3A_1121 = arith.index_cast %get3A_1120 : i32 to index
        %get3A_1122 = arith.index_cast %scan3A_1099 : i32 to index
        %get3A_1123 = arith.constant 0 : index
        %get3A_1124 = tpu.vector_load %arg7[%get3A_1121, %get3A_1122, %get3A_1123] {strides = array<i32>} : memref<4x125x32xf32, #tpu.memory_space<vmem>>, vector<1x1x16xf32>,
        %get3A_1125 = vector.shape_cast %get3A_1124 : vector<1x1x16xf32> to vector<16xf32>
        %swap3A_1126 = arith.index_cast %scan3A_1099 : i32 to index
        %swap3A_1127 = arith.constant 32 : index
        %swap3A_1128 = tpu.vector_load %arg9[%swap3A_1126, %swap3A_1127] {strides = array<i32>} : memref<125x128xf32, #tpu.memory_space<vmem>>, vector<1x16xf32>,
        %swap3A_1129 = vector.shape_cast %swap3A_1128 : vector<1x16xf32> to vector<16xf32>
        %swap3A_1130 = vector.shape_cast %get3A_1125 : vector<16xf32> to vector<1x16xf32>
        tpu.vector_store %arg9[%swap3A_1126, %swap3A_1127], %swap3A_1130 {strides = array<i32>} : memref<125x128xf32, #tpu.memory_space<vmem>>, vector<1x16xf32>,
        %get3A_1131 = arith.constant 1 : i32
        %get3A_1132 = arith.index_cast %get3A_1131 : i32 to index
        %get3A_1133 = arith.index_cast %scan3A_1099 : i32 to index
        %get3A_1134 = arith.constant 16 : index
        %get3A_1135 = tpu.vector_load %arg7[%get3A_1132, %get3A_1133, %get3A_1134] {strides = array<i32>} : memref<4x125x32xf32, #tpu.memory_space<vmem>>, vector<1x1x16xf32>,
        %get3A_1136 = vector.shape_cast %get3A_1135 : vector<1x1x16xf32> to vector<16xf32>
        %swap3A_1137 = arith.index_cast %scan3A_1099 : i32 to index
        %swap3A_1138 = arith.constant 48 : index
        %swap3A_1139 = tpu.vector_load %arg9[%swap3A_1137, %swap3A_1138] {strides = array<i32>} : memref<125x128xf32, #tpu.memory_space<vmem>>, vector<1x16xf32>,
        %swap3A_1140 = vector.shape_cast %swap3A_1139 : vector<1x16xf32> to vector<16xf32>
        %swap3A_1141 = vector.shape_cast %get3A_1136 : vector<16xf32> to vector<1x16xf32>
        tpu.vector_store %arg9[%swap3A_1137, %swap3A_1138], %swap3A_1141 {strides = array<i32>} : memref<125x128xf32, #tpu.memory_space<vmem>>, vector<1x16xf32>,
        %get3A_1142 = arith.constant 2 : i32
        %get3A_1143 = arith.index_cast %get3A_1142 : i32 to index
        %get3A_1144 = arith.index_cast %scan3A_1099 : i32 to index
        %get3A_1145 = arith.constant 0 : index
        %get3A_1146 = tpu.vector_load %arg7[%get3A_1143, %get3A_1144, %get3A_1145] {strides = array<i32>} : memref<4x125x32xf32, #tpu.memory_space<vmem>>, vector<1x1x16xf32>,
        %get3A_1147 = vector.shape_cast %get3A_1146 : vector<1x1x16xf32> to vector<16xf32>
        %swap3A_1148 = arith.index_cast %scan3A_1099 : i32 to index
        %swap3A_1149 = arith.constant 64 : index
        %swap3A_1150 = tpu.vector_load %arg9[%swap3A_1148, %swap3A_1149] {strides = array<i32>} : memref<125x128xf32, #tpu.memory_space<vmem>>, vector<1x16xf32>,
        %swap3A_1151 = vector.shape_cast %swap3A_1150 : vector<1x16xf32> to vector<16xf32>
        %swap3A_1152 = vector.shape_cast %get3A_1147 : vector<16xf32> to vector<1x16xf32>
        tpu.vector_store %arg9[%swap3A_1148, %swap3A_1149], %swap3A_1152 {strides = array<i32>} : memref<125x128xf32, #tpu.memory_space<vmem>>, vector<1x16xf32>,
        %get3A_1153 = arith.constant 2 : i32
        %get3A_1154 = arith.index_cast %get3A_1153 : i32 to index
        %get3A_1155 = arith.index_cast %scan3A_1099 : i32 to index
        %get3A_1156 = arith.constant 16 : index
        %get3A_1157 = tpu.vector_load %arg7[%get3A_1154, %get3A_1155, %get3A_1156] {strides = array<i32>} : memref<4x125x32xf32, #tpu.memory_space<vmem>>, vector<1x1x16xf32>,
        %get3A_1158 = vector.shape_cast %get3A_1157 : vector<1x1x16xf32> to vector<16xf32>
        %swap3A_1159 = arith.index_cast %scan3A_1099 : i32 to index
        %swap3A_1160 = arith.constant 80 : index
        %swap3A_1161 = tpu.vector_load %arg9[%swap3A_1159, %swap3A_1160] {strides = array<i32>} : memref<125x128xf32, #tpu.memory_space<vmem>>, vector<1x16xf32>,
        %swap3A_1162 = vector.shape_cast %swap3A_1161 : vector<1x16xf32> to vector<16xf32>
        %swap3A_1163 = vector.shape_cast %get3A_1158 : vector<16xf32> to vector<1x16xf32>
        tpu.vector_store %arg9[%swap3A_1159, %swap3A_1160], %swap3A_1163 {strides = array<i32>} : memref<125x128xf32, #tpu.memory_space<vmem>>, vector<1x16xf32>,
        %get3A_1164 = arith.constant 3 : i32
        %get3A_1165 = arith.index_cast %get3A_1164 : i32 to index
        %get3A_1166 = arith.index_cast %scan3A_1099 : i32 to index
        %get3A_1167 = arith.constant 0 : index
        %get3A_1168 = tpu.vector_load %arg7[%get3A_1165, %get3A_1166, %get3A_1167] {strides = array<i32>} : memref<4x125x32xf32, #tpu.memory_space<vmem>>, vector<1x1x16xf32>,
        %get3A_1169 = vector.shape_cast %get3A_1168 : vector<1x1x16xf32> to vector<16xf32>
        %swap3A_1170 = arith.index_cast %scan3A_1099 : i32 to index
        %swap3A_1171 = arith.constant 96 : index
        %swap3A_1172 = tpu.vector_load %arg9[%swap3A_1170, %swap3A_1171] {strides = array<i32>} : memref<125x128xf32, #tpu.memory_space<vmem>>, vector<1x16xf32>,
        %swap3A_1173 = vector.shape_cast %swap3A_1172 : vector<1x16xf32> to vector<16xf32>
        %swap3A_1174 = vector.shape_cast %get3A_1169 : vector<16xf32> to vector<1x16xf32>
        tpu.vector_store %arg9[%swap3A_1170, %swap3A_1171], %swap3A_1174 {strides = array<i32>} : memref<125x128xf32, #tpu.memory_space<vmem>>, vector<1x16xf32>,
        %get3A_1175 = arith.constant 3 : i32
        %get3A_1176 = arith.index_cast %get3A_1175 : i32 to index
        %get3A_1177 = arith.index_cast %scan3A_1099 : i32 to index
        %get3A_1178 = arith.constant 16 : index
        %get3A_1179 = tpu.vector_load %arg7[%get3A_1176, %get3A_1177, %get3A_1178] {strides = array<i32>} : memref<4x125x32xf32, #tpu.memory_space<vmem>>, vector<1x1x16xf32>,
        %get3A_1180 = vector.shape_cast %get3A_1179 : vector<1x1x16xf32> to vector<16xf32>
        %swap3A_1181 = arith.index_cast %scan3A_1099 : i32 to index
        %swap3A_1182 = arith.constant 112 : index
        %swap3A_1183 = tpu.vector_load %arg9[%swap3A_1181, %swap3A_1182] {strides = array<i32>} : memref<125x128xf32, #tpu.memory_space<vmem>>, vector<1x16xf32>,
        %swap3A_1184 = vector.shape_cast %swap3A_1183 : vector<1x16xf32> to vector<16xf32>
        %swap3A_1185 = vector.shape_cast %get3A_1180 : vector<16xf32> to vector<1x16xf32>
        tpu.vector_store %arg9[%swap3A_1181, %swap3A_1182], %swap3A_1185 {strides = array<i32>} : memref<125x128xf32, #tpu.memory_space<vmem>>, vector<1x16xf32>,
      }
      %scan3A_1089 = arith.constant 125 : i32
      %mul3A_1090 = arith.constant 2500 : i32
      %mul3A_1091 = arith.muli %add3A, %mul3A_1090 : i32
      %mul3A_1092 = arith.constant 125 : i32
      %mul3A_1093 = arith.muli %add3A_751, %mul3A_1092 : i32
      %add3A_1094 = arith.addi %mul3A_1091, %mul3A_1093 : i32
      %dma_start3A_1095 = arith.constant 0 : i32
      %dma_start3A_1096 = tpu.memref_slice %arg4[%add3A_1094, %dma_start3A_1095] : memref<80000x128xf32, #tpu.memory_space<hbm>> -> memref<125x128xf32, #tpu.memory_space<hbm>>
      %dma_start3A_1097 = arith.constant 0 : i32
      %dma_start3A_1098 = tpu.memref_slice %arg4[%add3A_1094, %dma_start3A_1097] : memref<80000x128xf32, #tpu.memory_space<hbm>> -> memref<125x128xf32, #tpu.memory_space<hbm>>
      tpu.enqueue_dma source(%arg9 : memref<125x128xf32, #tpu.memory_space<vmem>>) target(%dma_start3A_1098 : memref<125x128xf32, #tpu.memory_space<hbm>>) target_semaphore(%arg14 : memref<!tpu.dma_semaphore, #tpu.memory_space<semaphore_mem>>)
    }
    %scan3A_383 = arith.constant 10 : i32
    %mul3A_384 = arith.constant 2500 : i32
    %mul3A_385 = arith.muli %add3A, %mul3A_384 : i32
    %add3A_386 = arith.constant 2250 : i32
    %add3A_387 = arith.addi %mul3A_385, %add3A_386 : i32
    %dma_wait3A_388 = arith.constant 0 : i32
    %dma_wait3A_389 = tpu.memref_slice %arg4[%add3A_387, %dma_wait3A_388] : memref<80000x128xf32, #tpu.memory_space<hbm>> -> memref<125x128xf32, #tpu.memory_space<hbm>>
    %dma_wait3A_390 = arith.constant 0 : i32
    %dma_wait3A_391 = tpu.memref_slice %arg4[%add3A_387, %dma_wait3A_390] : memref<80000x128xf32, #tpu.memory_space<hbm>> -> memref<125x128xf32, #tpu.memory_space<hbm>>
    tpu.wait_dma2 semaphore(%arg13 : memref<!tpu.dma_semaphore, #tpu.memory_space<semaphore_mem>>) src(%arg8 : memref<125x128xf32, #tpu.memory_space<vmem>>) dst(%dma_wait3A_391 : memref<125x128xf32, #tpu.memory_space<hbm>>)
    %mul3A_392 = arith.constant 2500 : i32
    %mul3A_393 = arith.muli %add3A, %mul3A_392 : i32
    %add3A_394 = arith.constant 2375 : i32
    %add3A_395 = arith.addi %mul3A_393, %add3A_394 : i32
    %dma_wait3A_396 = arith.constant 0 : i32
    %dma_wait3A_397 = tpu.memref_slice %arg4[%add3A_395, %dma_wait3A_396] : memref<80000x128xf32, #tpu.memory_space<hbm>> -> memref<125x128xf32, #tpu.memory_space<hbm>>
    %dma_wait3A_398 = arith.constant 0 : i32
    %dma_wait3A_399 = tpu.memref_slice %arg4[%add3A_395, %dma_wait3A_398] : memref<80000x128xf32, #tpu.memory_space<hbm>> -> memref<125x128xf32, #tpu.memory_space<hbm>>
    tpu.wait_dma2 semaphore(%arg14 : memref<!tpu.dma_semaphore, #tpu.memory_space<semaphore_mem>>) src(%arg9 : memref<125x128xf32, #tpu.memory_space<vmem>>) dst(%dma_wait3A_399 : memref<125x128xf32, #tpu.memory_space<hbm>>)
    return
  }
}

#map = affine_map<(d0, d1) -> (0, 0)>
#map1 = affine_map<(d0, d1) -> (0, 0, 0)>
module attributes {stable_mosaic.version = 14 : i64} {
  func.func @scatter_k(%arg0: i32, %arg1: i32, %arg2: memref<80000x128xf32, #tpu.memory_space<hbm>>, %arg3: memref<80000x128xf32, #tpu.memory_space<hbm>>, %arg4: memref<80000x128xf32, #tpu.memory_space<hbm>>, %arg5: memref<80000x128xf32, #tpu.memory_space<hbm>>, %arg6: memref<80000x128xf32, #tpu.memory_space<hbm>>, %arg7: memref<16000x20xi32, #tpu.memory_space<hbm>>, %arg8: memref<10000x128xf32, #tpu.memory_space<hbm>>, %arg9: memref<10000x16xf32, #tpu.memory_space<hbm>>, %arg10: memref<2x10000x128xf32, #tpu.memory_space<hbm>>, %arg11: memref<2x10000x16xf32, #tpu.memory_space<hbm>>, %arg12: memref<500x20xi32, #tpu.memory_space<vmem>>, %arg13: memref<100x128xf32, #tpu.memory_space<vmem>>, %arg14: memref<100x128xf32, #tpu.memory_space<vmem>>, %arg15: memref<100x16xf32, #tpu.memory_space<vmem>>, %arg16: memref<100x16xf32, #tpu.memory_space<vmem>>, %arg17: memref<10000x128xf32, #tpu.memory_space<vmem_shared>>, %arg18: memref<10000x16xf32, #tpu.memory_space<vmem_shared>>, %arg19: memref<!tpu.dma_semaphore, #tpu.memory_space<semaphore_mem>>, %arg20: memref<!tpu.dma_semaphore, #tpu.memory_space<semaphore_mem>>, %arg21: memref<!tpu.dma_semaphore, #tpu.memory_space<semaphore_mem>>, %arg22: memref<!tpu.dma_semaphore, #tpu.memory_space<semaphore_mem>>, %arg23: memref<!tpu.dma_semaphore, #tpu.memory_space<semaphore_mem>>) attributes {dimension_semantics = [#tpu.dimension_semantics<core_parallel>, #tpu.dimension_semantics<subcore_parallel>], iteration_bounds = array<i64: 2, 16>, scalar_prefetch = 0 : i64, scratch_operands = 12 : i64, tpu.core_type = #tpu.core_type<sc_vector_subcore>, window_params = [{transform_indices = #map}, {transform_indices = #map}, {transform_indices = #map}, {transform_indices = #map}, {transform_indices = #map}, {transform_indices = #map}, {transform_indices = #map}, {transform_indices = #map}, {transform_indices = #map1}, {transform_indices = #map1}]} {
    %mul3A = arith.constant 2 : i32
    %mul3A_0 = arith.muli %arg1, %mul3A : i32
    %add3A = arith.addi %mul3A_0, %arg0 : i32
    %jit3A = arith.constant 8 : i32
    %div3A = arith.divsi %add3A, %jit3A : i32
    %sign3A = arith.constant 0 : i32
    %sign3A_1 = arith.cmpi sgt, %add3A, %sign3A : i32
    %sign3A_2 = arith.extui %sign3A_1 : i1 to i32
    %sign3A_3 = arith.constant 0 : i32
    %sign3A_4 = arith.cmpi slt, %add3A, %sign3A_3 : i32
    %sign3A_5 = arith.extui %sign3A_4 : i1 to i32
    %sign3A_6 = arith.subi %sign3A_2, %sign3A_5 : i32
    %sign3A_7 = arith.constant 0 : i32
    %sign3A_8 = arith.cmpi sgt, %jit3A, %sign3A_7 : i32
    %sign3A_9 = arith.extui %sign3A_8 : i1 to i32
    %sign3A_10 = arith.constant 0 : i32
    %sign3A_11 = arith.cmpi slt, %jit3A, %sign3A_10 : i32
    %sign3A_12 = arith.extui %sign3A_11 : i1 to i32
    %sign3A_13 = arith.subi %sign3A_9, %sign3A_12 : i32
    %ne3A = arith.cmpi ne, %sign3A_6, %sign3A_13 : i32
    %rem3A = arith.remsi %add3A, %jit3A : i32
    %ne3A_14 = arith.constant 0 : i32
    %ne3A_15 = arith.cmpi ne, %rem3A, %ne3A_14 : i32
    %and3A = arith.andi %ne3A, %ne3A_15 : i1
    %sub3A = arith.constant 1 : i32
    %sub3A_16 = arith.subi %div3A, %sub3A : i32
    %select_n3A = arith.select %and3A, %sub3A_16, %div3A : i32
    %mul3A_17 = arith.constant 500 : i32
    %mul3A_18 = arith.muli %add3A, %mul3A_17 : i32
    %dma_start3A = arith.constant 0 : i32
    %dma_start3A_19 = tpu.memref_slice %arg7[%mul3A_18, %dma_start3A] : memref<16000x20xi32, #tpu.memory_space<hbm>> -> memref<500x20xi32, #tpu.memory_space<hbm>>
    %dma_start3A_20 = arith.constant 0 : i32
    %dma_start3A_21 = tpu.memref_slice %arg7[%mul3A_18, %dma_start3A_20] : memref<16000x20xi32, #tpu.memory_space<hbm>> -> memref<500x20xi32, #tpu.memory_space<hbm>>
    tpu.enqueue_dma source(%dma_start3A_21 : memref<500x20xi32, #tpu.memory_space<hbm>>) target(%arg12 : memref<500x20xi32, #tpu.memory_space<vmem>>) target_semaphore(%arg19 : memref<!tpu.dma_semaphore, #tpu.memory_space<semaphore_mem>>)
    %mul3A_22 = arith.constant 625 : i32
    %mul3A_23 = arith.muli %arg1, %mul3A_22 : i32
    %mul3A_24 = arith.constant 625 : i32
    %mul3A_25 = arith.muli %arg1, %mul3A_24 : i32
    "tpu.region"() ({
      %run_scoped3A = tpu.sem_alloc : memref<!tpu.dma_semaphore, #tpu.memory_space<semaphore_mem>>
      %dma_start3A_84 = arith.constant 0 : i32
      %dma_start3A_85 = tpu.memref_slice %arg17[%mul3A_25, %dma_start3A_84] : memref<10000x128xf32, #tpu.memory_space<vmem_shared>> -> memref<625x128xf32, #tpu.memory_space<vmem_shared>>
      %dma_start3A_86 = arith.constant 0 : i32
      %dma_start3A_87 = tpu.memref_slice %arg8[%mul3A_23, %dma_start3A_86] : memref<10000x128xf32, #tpu.memory_space<hbm>> -> memref<625x128xf32, #tpu.memory_space<hbm>>
      tpu.enqueue_dma source(%dma_start3A_87 : memref<625x128xf32, #tpu.memory_space<hbm>>) target(%dma_start3A_85 : memref<625x128xf32, #tpu.memory_space<vmem_shared>>) target_semaphore(%run_scoped3A : memref<!tpu.dma_semaphore, #tpu.memory_space<semaphore_mem>>)
      %dma_wait3A_88 = arith.constant 0 : i32
      %dma_wait3A_89 = tpu.memref_slice %arg17[%mul3A_25, %dma_wait3A_88] : memref<10000x128xf32, #tpu.memory_space<vmem_shared>> -> memref<625x128xf32, #tpu.memory_space<vmem_shared>>
      %dma_wait3A_90 = arith.constant 0 : i32
      %dma_wait3A_91 = tpu.memref_slice %arg8[%mul3A_23, %dma_wait3A_90] : memref<10000x128xf32, #tpu.memory_space<hbm>> -> memref<625x128xf32, #tpu.memory_space<hbm>>
      tpu.wait_dma2 semaphore(%run_scoped3A : memref<!tpu.dma_semaphore, #tpu.memory_space<semaphore_mem>>) src(%dma_wait3A_91 : memref<625x128xf32, #tpu.memory_space<hbm>>) dst(%dma_wait3A_89 : memref<625x128xf32, #tpu.memory_space<vmem_shared>>)
      tpu.yield
    }) : () -> ()
    %mul3A_26 = arith.constant 625 : i32
    %mul3A_27 = arith.muli %arg1, %mul3A_26 : i32
    %mul3A_28 = arith.constant 625 : i32
    %mul3A_29 = arith.muli %arg1, %mul3A_28 : i32
    "tpu.region"() ({
      %run_scoped3A = tpu.sem_alloc : memref<!tpu.dma_semaphore, #tpu.memory_space<semaphore_mem>>
      %dma_start3A_84 = arith.constant 0 : i32
      %dma_start3A_85 = tpu.memref_slice %arg18[%mul3A_29, %dma_start3A_84] : memref<10000x16xf32, #tpu.memory_space<vmem_shared>> -> memref<625x16xf32, #tpu.memory_space<vmem_shared>>
      %dma_start3A_86 = arith.constant 0 : i32
      %dma_start3A_87 = tpu.memref_slice %arg9[%mul3A_27, %dma_start3A_86] : memref<10000x16xf32, #tpu.memory_space<hbm>> -> memref<625x16xf32, #tpu.memory_space<hbm>>
      tpu.enqueue_dma source(%dma_start3A_87 : memref<625x16xf32, #tpu.memory_space<hbm>>) target(%dma_start3A_85 : memref<625x16xf32, #tpu.memory_space<vmem_shared>>) target_semaphore(%run_scoped3A : memref<!tpu.dma_semaphore, #tpu.memory_space<semaphore_mem>>)
      %dma_wait3A_88 = arith.constant 0 : i32
      %dma_wait3A_89 = tpu.memref_slice %arg18[%mul3A_29, %dma_wait3A_88] : memref<10000x16xf32, #tpu.memory_space<vmem_shared>> -> memref<625x16xf32, #tpu.memory_space<vmem_shared>>
      %dma_wait3A_90 = arith.constant 0 : i32
      %dma_wait3A_91 = tpu.memref_slice %arg9[%mul3A_27, %dma_wait3A_90] : memref<10000x16xf32, #tpu.memory_space<hbm>> -> memref<625x16xf32, #tpu.memory_space<hbm>>
      tpu.wait_dma2 semaphore(%run_scoped3A : memref<!tpu.dma_semaphore, #tpu.memory_space<semaphore_mem>>) src(%dma_wait3A_91 : memref<625x16xf32, #tpu.memory_space<hbm>>) dst(%dma_wait3A_89 : memref<625x16xf32, #tpu.memory_space<vmem_shared>>)
      tpu.yield
    }) : () -> ()
    %dma_wait3A = arith.constant 0 : i32
    %dma_wait3A_30 = tpu.memref_slice %arg7[%mul3A_18, %dma_wait3A] : memref<16000x20xi32, #tpu.memory_space<hbm>> -> memref<500x20xi32, #tpu.memory_space<hbm>>
    %dma_wait3A_31 = arith.constant 0 : i32
    %dma_wait3A_32 = tpu.memref_slice %arg7[%mul3A_18, %dma_wait3A_31] : memref<16000x20xi32, #tpu.memory_space<hbm>> -> memref<500x20xi32, #tpu.memory_space<hbm>>
    tpu.wait_dma2 semaphore(%arg19 : memref<!tpu.dma_semaphore, #tpu.memory_space<semaphore_mem>>) src(%dma_wait3A_32 : memref<500x20xi32, #tpu.memory_space<hbm>>) dst(%arg12 : memref<500x20xi32, #tpu.memory_space<vmem>>)
    %barrier3A = arith.constant 0 : index
    tpu.barrier barrier_id(%barrier3A)
    %mul3A_33 = arith.constant 500 : i32
    %mul3A_34 = arith.muli %add3A, %mul3A_33 : i32
    %add3A_35 = arith.constant 0 : i32
    %add3A_36 = arith.addi %mul3A_34, %add3A_35 : i32
    %mul3A_37 = arith.constant 20 : i32
    %mul3A_38 = arith.muli %add3A_36, %mul3A_37 : i32
    %sub3A_39 = arith.constant 0 : i32
    %sub3A_40 = arith.subi %mul3A_38, %sub3A_39 : i32
    %mul3A_41 = arith.constant 20 : i32
    %mul3A_42 = arith.muli %add3A_36, %mul3A_41 : i32
    %sub3A_43 = arith.constant 80000 : i32
    %sub3A_44 = arith.subi %mul3A_42, %sub3A_43 : i32
    %mul3A_45 = arith.constant 20 : i32
    %mul3A_46 = arith.muli %add3A_36, %mul3A_45 : i32
    %sub3A_47 = arith.constant 160000 : i32
    %sub3A_48 = arith.subi %mul3A_46, %sub3A_47 : i32
    %mul3A_49 = arith.constant 20 : i32
    %mul3A_50 = arith.muli %add3A_36, %mul3A_49 : i32
    %sub3A_51 = arith.constant 240000 : i32
    %sub3A_52 = arith.subi %mul3A_50, %sub3A_51 : i32
    %eq3A = arith.constant 0 : i32
    %eq3A_53 = arith.cmpi eq, %select_n3A, %eq3A : i32
    %convert_element_type3A = arith.extui %eq3A_53 : i1 to i32
    %cond3A = arith.constant 0 : i32
    %cond3A_54 = arith.cmpi ne, %convert_element_type3A, %cond3A : i32
    scf.if %cond3A_54 {
      %dma_start3A_84 = arith.constant 0 : i32
      %dma_start3A_85 = tpu.memref_slice %arg2[%sub3A_40, %dma_start3A_84] : memref<80000x128xf32, #tpu.memory_space<hbm>> -> memref<100x128xf32, #tpu.memory_space<hbm>>
      %dma_start3A_86 = arith.constant 0 : i32
      %dma_start3A_87 = tpu.memref_slice %arg2[%sub3A_40, %dma_start3A_86] : memref<80000x128xf32, #tpu.memory_space<hbm>> -> memref<100x128xf32, #tpu.memory_space<hbm>>
      tpu.enqueue_dma source(%dma_start3A_87 : memref<100x128xf32, #tpu.memory_space<hbm>>) target(%arg13 : memref<100x128xf32, #tpu.memory_space<vmem>>) target_semaphore(%arg20 : memref<!tpu.dma_semaphore, #tpu.memory_space<semaphore_mem>>)
      %dma_start3A_88 = arith.constant 0 : i32
      %dma_start3A_89 = tpu.memref_slice %arg6[%sub3A_40, %dma_start3A_88] : memref<80000x128xf32, #tpu.memory_space<hbm>> -> memref<100x16xf32, #tpu.memory_space<hbm>>
      %dma_start3A_90 = arith.constant 0 : i32
      %dma_start3A_91 = tpu.memref_slice %arg6[%sub3A_40, %dma_start3A_90] : memref<80000x128xf32, #tpu.memory_space<hbm>> -> memref<100x16xf32, #tpu.memory_space<hbm>>
      tpu.enqueue_dma source(%dma_start3A_91 : memref<100x16xf32, #tpu.memory_space<hbm>>) target(%arg15 : memref<100x16xf32, #tpu.memory_space<vmem>>) target_semaphore(%arg20 : memref<!tpu.dma_semaphore, #tpu.memory_space<semaphore_mem>>)
    } else {
    }
    %eq3A_55 = arith.constant 1 : i32
    %eq3A_56 = arith.cmpi eq, %select_n3A, %eq3A_55 : i32
    %convert_element_type3A_57 = arith.extui %eq3A_56 : i1 to i32
    %cond3A_58 = arith.constant 0 : i32
    %cond3A_59 = arith.cmpi ne, %convert_element_type3A_57, %cond3A_58 : i32
    scf.if %cond3A_59 {
      %dma_start3A_84 = arith.constant 0 : i32
      %dma_start3A_85 = tpu.memref_slice %arg3[%sub3A_44, %dma_start3A_84] : memref<80000x128xf32, #tpu.memory_space<hbm>> -> memref<100x128xf32, #tpu.memory_space<hbm>>
      %dma_start3A_86 = arith.constant 0 : i32
      %dma_start3A_87 = tpu.memref_slice %arg3[%sub3A_44, %dma_start3A_86] : memref<80000x128xf32, #tpu.memory_space<hbm>> -> memref<100x128xf32, #tpu.memory_space<hbm>>
      tpu.enqueue_dma source(%dma_start3A_87 : memref<100x128xf32, #tpu.memory_space<hbm>>) target(%arg13 : memref<100x128xf32, #tpu.memory_space<vmem>>) target_semaphore(%arg20 : memref<!tpu.dma_semaphore, #tpu.memory_space<semaphore_mem>>)
      %dma_start3A_88 = arith.constant 32 : i32
      %dma_start3A_89 = tpu.memref_slice %arg6[%sub3A_44, %dma_start3A_88] : memref<80000x128xf32, #tpu.memory_space<hbm>> -> memref<100x16xf32, #tpu.memory_space<hbm>>
      %dma_start3A_90 = arith.constant 32 : i32
      %dma_start3A_91 = tpu.memref_slice %arg6[%sub3A_44, %dma_start3A_90] : memref<80000x128xf32, #tpu.memory_space<hbm>> -> memref<100x16xf32, #tpu.memory_space<hbm>>
      tpu.enqueue_dma source(%dma_start3A_91 : memref<100x16xf32, #tpu.memory_space<hbm>>) target(%arg15 : memref<100x16xf32, #tpu.memory_space<vmem>>) target_semaphore(%arg20 : memref<!tpu.dma_semaphore, #tpu.memory_space<semaphore_mem>>)
    } else {
    }
    %eq3A_60 = arith.constant 2 : i32
    %eq3A_61 = arith.cmpi eq, %select_n3A, %eq3A_60 : i32
    %convert_element_type3A_62 = arith.extui %eq3A_61 : i1 to i32
    %cond3A_63 = arith.constant 0 : i32
    %cond3A_64 = arith.cmpi ne, %convert_element_type3A_62, %cond3A_63 : i32
    scf.if %cond3A_64 {
      %dma_start3A_84 = arith.constant 0 : i32
      %dma_start3A_85 = tpu.memref_slice %arg4[%sub3A_48, %dma_start3A_84] : memref<80000x128xf32, #tpu.memory_space<hbm>> -> memref<100x128xf32, #tpu.memory_space<hbm>>
      %dma_start3A_86 = arith.constant 0 : i32
      %dma_start3A_87 = tpu.memref_slice %arg4[%sub3A_48, %dma_start3A_86] : memref<80000x128xf32, #tpu.memory_space<hbm>> -> memref<100x128xf32, #tpu.memory_space<hbm>>
      tpu.enqueue_dma source(%dma_start3A_87 : memref<100x128xf32, #tpu.memory_space<hbm>>) target(%arg13 : memref<100x128xf32, #tpu.memory_space<vmem>>) target_semaphore(%arg20 : memref<!tpu.dma_semaphore, #tpu.memory_space<semaphore_mem>>)
      %dma_start3A_88 = arith.constant 64 : i32
      %dma_start3A_89 = tpu.memref_slice %arg6[%sub3A_48, %dma_start3A_88] : memref<80000x128xf32, #tpu.memory_space<hbm>> -> memref<100x16xf32, #tpu.memory_space<hbm>>
      %dma_start3A_90 = arith.constant 64 : i32
      %dma_start3A_91 = tpu.memref_slice %arg6[%sub3A_48, %dma_start3A_90] : memref<80000x128xf32, #tpu.memory_space<hbm>> -> memref<100x16xf32, #tpu.memory_space<hbm>>
      tpu.enqueue_dma source(%dma_start3A_91 : memref<100x16xf32, #tpu.memory_space<hbm>>) target(%arg15 : memref<100x16xf32, #tpu.memory_space<vmem>>) target_semaphore(%arg20 : memref<!tpu.dma_semaphore, #tpu.memory_space<semaphore_mem>>)
    } else {
    }
    %eq3A_65 = arith.constant 3 : i32
    %eq3A_66 = arith.cmpi eq, %select_n3A, %eq3A_65 : i32
    %convert_element_type3A_67 = arith.extui %eq3A_66 : i1 to i32
    %cond3A_68 = arith.constant 0 : i32
    %cond3A_69 = arith.cmpi ne, %convert_element_type3A_67, %cond3A_68 : i32
    scf.if %cond3A_69 {
      %dma_start3A_84 = arith.constant 0 : i32
      %dma_start3A_85 = tpu.memref_slice %arg5[%sub3A_52, %dma_start3A_84] : memref<80000x128xf32, #tpu.memory_space<hbm>> -> memref<100x128xf32, #tpu.memory_space<hbm>>
      %dma_start3A_86 = arith.constant 0 : i32
      %dma_start3A_87 = tpu.memref_slice %arg5[%sub3A_52, %dma_start3A_86] : memref<80000x128xf32, #tpu.memory_space<hbm>> -> memref<100x128xf32, #tpu.memory_space<hbm>>
      tpu.enqueue_dma source(%dma_start3A_87 : memref<100x128xf32, #tpu.memory_space<hbm>>) target(%arg13 : memref<100x128xf32, #tpu.memory_space<vmem>>) target_semaphore(%arg20 : memref<!tpu.dma_semaphore, #tpu.memory_space<semaphore_mem>>)
      %dma_start3A_88 = arith.constant 96 : i32
      %dma_start3A_89 = tpu.memref_slice %arg6[%sub3A_52, %dma_start3A_88] : memref<80000x128xf32, #tpu.memory_space<hbm>> -> memref<100x16xf32, #tpu.memory_space<hbm>>
      %dma_start3A_90 = arith.constant 96 : i32
      %dma_start3A_91 = tpu.memref_slice %arg6[%sub3A_52, %dma_start3A_90] : memref<80000x128xf32, #tpu.memory_space<hbm>> -> memref<100x16xf32, #tpu.memory_space<hbm>>
      tpu.enqueue_dma source(%dma_start3A_91 : memref<100x16xf32, #tpu.memory_space<hbm>>) target(%arg15 : memref<100x16xf32, #tpu.memory_space<vmem>>) target_semaphore(%arg20 : memref<!tpu.dma_semaphore, #tpu.memory_space<semaphore_mem>>)
    } else {
    }
    %scan3A = arith.constant 0 : i32
    %scan3A_70 = arith.constant 0 : i32
    %scan3A_71 = arith.constant 50 : i32
    %scan3A_72 = arith.addi %scan3A_70, %scan3A_71 : i32
    %scan3A_73 = arith.constant 1 : i32
    scf.for %scan3A_84 = %scan3A_70 to %scan3A_72 step %scan3A_73  : i32 {
      %mul3A_85 = arith.constant 2 : i32
      %mul3A_86 = arith.muli %mul3A_85, %scan3A_84 : i32
      %add3A_87 = arith.constant 0 : i32
      %add3A_88 = arith.addi %mul3A_86, %add3A_87 : i32
      %add3A_89 = arith.constant 1 : i32
      %add3A_90 = arith.addi %add3A_88, %add3A_89 : i32
      %lt3A = arith.constant 100 : i32
      %lt3A_91 = arith.cmpi slt, %add3A_90, %lt3A : i32
      %convert_element_type3A_92 = arith.extui %lt3A_91 : i1 to i32
      %cond3A_93 = arith.constant 0 : i32
      %cond3A_94 = arith.cmpi ne, %convert_element_type3A_92, %cond3A_93 : i32
      scf.if %cond3A_94 {
        %add3A_708 = arith.constant 1 : i32
        %add3A_709 = arith.addi %add3A_88, %add3A_708 : i32
        %mul3A_710 = arith.constant 500 : i32
        %mul3A_711 = arith.muli %add3A, %mul3A_710 : i32
        %mul3A_712 = arith.constant 5 : i32
        %mul3A_713 = arith.muli %add3A_709, %mul3A_712 : i32
        %add3A_714 = arith.addi %mul3A_711, %mul3A_713 : i32
        %mul3A_715 = arith.constant 20 : i32
        %mul3A_716 = arith.muli %add3A_714, %mul3A_715 : i32
        %sub3A_717 = arith.constant 0 : i32
        %sub3A_718 = arith.subi %mul3A_716, %sub3A_717 : i32
        %mul3A_719 = arith.constant 20 : i32
        %mul3A_720 = arith.muli %add3A_714, %mul3A_719 : i32
        %sub3A_721 = arith.constant 80000 : i32
        %sub3A_722 = arith.subi %mul3A_720, %sub3A_721 : i32
        %mul3A_723 = arith.constant 20 : i32
        %mul3A_724 = arith.muli %add3A_714, %mul3A_723 : i32
        %sub3A_725 = arith.constant 160000 : i32
        %sub3A_726 = arith.subi %mul3A_724, %sub3A_725 : i32
        %mul3A_727 = arith.constant 20 : i32
        %mul3A_728 = arith.muli %add3A_714, %mul3A_727 : i32
        %sub3A_729 = arith.constant 240000 : i32
        %sub3A_730 = arith.subi %mul3A_728, %sub3A_729 : i32
        %eq3A_731 = arith.constant 0 : i32
        %eq3A_732 = arith.cmpi eq, %select_n3A, %eq3A_731 : i32
        %convert_element_type3A_733 = arith.extui %eq3A_732 : i1 to i32
        %cond3A_734 = arith.constant 0 : i32
        %cond3A_735 = arith.cmpi ne, %convert_element_type3A_733, %cond3A_734 : i32
        scf.if %cond3A_735 {
          %dma_start3A_751 = arith.constant 0 : i32
          %dma_start3A_752 = tpu.memref_slice %arg2[%sub3A_718, %dma_start3A_751] : memref<80000x128xf32, #tpu.memory_space<hbm>> -> memref<100x128xf32, #tpu.memory_space<hbm>>
          %dma_start3A_753 = arith.constant 0 : i32
          %dma_start3A_754 = tpu.memref_slice %arg2[%sub3A_718, %dma_start3A_753] : memref<80000x128xf32, #tpu.memory_space<hbm>> -> memref<100x128xf32, #tpu.memory_space<hbm>>
          tpu.enqueue_dma source(%dma_start3A_754 : memref<100x128xf32, #tpu.memory_space<hbm>>) target(%arg14 : memref<100x128xf32, #tpu.memory_space<vmem>>) target_semaphore(%arg21 : memref<!tpu.dma_semaphore, #tpu.memory_space<semaphore_mem>>)
          %dma_start3A_755 = arith.constant 0 : i32
          %dma_start3A_756 = tpu.memref_slice %arg6[%sub3A_718, %dma_start3A_755] : memref<80000x128xf32, #tpu.memory_space<hbm>> -> memref<100x16xf32, #tpu.memory_space<hbm>>
          %dma_start3A_757 = arith.constant 0 : i32
          %dma_start3A_758 = tpu.memref_slice %arg6[%sub3A_718, %dma_start3A_757] : memref<80000x128xf32, #tpu.memory_space<hbm>> -> memref<100x16xf32, #tpu.memory_space<hbm>>
          tpu.enqueue_dma source(%dma_start3A_758 : memref<100x16xf32, #tpu.memory_space<hbm>>) target(%arg16 : memref<100x16xf32, #tpu.memory_space<vmem>>) target_semaphore(%arg21 : memref<!tpu.dma_semaphore, #tpu.memory_space<semaphore_mem>>)
        } else {
        }
        %eq3A_736 = arith.constant 1 : i32
        %eq3A_737 = arith.cmpi eq, %select_n3A, %eq3A_736 : i32
        %convert_element_type3A_738 = arith.extui %eq3A_737 : i1 to i32
        %cond3A_739 = arith.constant 0 : i32
        %cond3A_740 = arith.cmpi ne, %convert_element_type3A_738, %cond3A_739 : i32
        scf.if %cond3A_740 {
          %dma_start3A_751 = arith.constant 0 : i32
          %dma_start3A_752 = tpu.memref_slice %arg3[%sub3A_722, %dma_start3A_751] : memref<80000x128xf32, #tpu.memory_space<hbm>> -> memref<100x128xf32, #tpu.memory_space<hbm>>
          %dma_start3A_753 = arith.constant 0 : i32
          %dma_start3A_754 = tpu.memref_slice %arg3[%sub3A_722, %dma_start3A_753] : memref<80000x128xf32, #tpu.memory_space<hbm>> -> memref<100x128xf32, #tpu.memory_space<hbm>>
          tpu.enqueue_dma source(%dma_start3A_754 : memref<100x128xf32, #tpu.memory_space<hbm>>) target(%arg14 : memref<100x128xf32, #tpu.memory_space<vmem>>) target_semaphore(%arg21 : memref<!tpu.dma_semaphore, #tpu.memory_space<semaphore_mem>>)
          %dma_start3A_755 = arith.constant 32 : i32
          %dma_start3A_756 = tpu.memref_slice %arg6[%sub3A_722, %dma_start3A_755] : memref<80000x128xf32, #tpu.memory_space<hbm>> -> memref<100x16xf32, #tpu.memory_space<hbm>>
          %dma_start3A_757 = arith.constant 32 : i32
          %dma_start3A_758 = tpu.memref_slice %arg6[%sub3A_722, %dma_start3A_757] : memref<80000x128xf32, #tpu.memory_space<hbm>> -> memref<100x16xf32, #tpu.memory_space<hbm>>
          tpu.enqueue_dma source(%dma_start3A_758 : memref<100x16xf32, #tpu.memory_space<hbm>>) target(%arg16 : memref<100x16xf32, #tpu.memory_space<vmem>>) target_semaphore(%arg21 : memref<!tpu.dma_semaphore, #tpu.memory_space<semaphore_mem>>)
        } else {
        }
        %eq3A_741 = arith.constant 2 : i32
        %eq3A_742 = arith.cmpi eq, %select_n3A, %eq3A_741 : i32
        %convert_element_type3A_743 = arith.extui %eq3A_742 : i1 to i32
        %cond3A_744 = arith.constant 0 : i32
        %cond3A_745 = arith.cmpi ne, %convert_element_type3A_743, %cond3A_744 : i32
        scf.if %cond3A_745 {
          %dma_start3A_751 = arith.constant 0 : i32
          %dma_start3A_752 = tpu.memref_slice %arg4[%sub3A_726, %dma_start3A_751] : memref<80000x128xf32, #tpu.memory_space<hbm>> -> memref<100x128xf32, #tpu.memory_space<hbm>>
          %dma_start3A_753 = arith.constant 0 : i32
          %dma_start3A_754 = tpu.memref_slice %arg4[%sub3A_726, %dma_start3A_753] : memref<80000x128xf32, #tpu.memory_space<hbm>> -> memref<100x128xf32, #tpu.memory_space<hbm>>
          tpu.enqueue_dma source(%dma_start3A_754 : memref<100x128xf32, #tpu.memory_space<hbm>>) target(%arg14 : memref<100x128xf32, #tpu.memory_space<vmem>>) target_semaphore(%arg21 : memref<!tpu.dma_semaphore, #tpu.memory_space<semaphore_mem>>)
          %dma_start3A_755 = arith.constant 64 : i32
          %dma_start3A_756 = tpu.memref_slice %arg6[%sub3A_726, %dma_start3A_755] : memref<80000x128xf32, #tpu.memory_space<hbm>> -> memref<100x16xf32, #tpu.memory_space<hbm>>
          %dma_start3A_757 = arith.constant 64 : i32
          %dma_start3A_758 = tpu.memref_slice %arg6[%sub3A_726, %dma_start3A_757] : memref<80000x128xf32, #tpu.memory_space<hbm>> -> memref<100x16xf32, #tpu.memory_space<hbm>>
          tpu.enqueue_dma source(%dma_start3A_758 : memref<100x16xf32, #tpu.memory_space<hbm>>) target(%arg16 : memref<100x16xf32, #tpu.memory_space<vmem>>) target_semaphore(%arg21 : memref<!tpu.dma_semaphore, #tpu.memory_space<semaphore_mem>>)
        } else {
        }
        %eq3A_746 = arith.constant 3 : i32
        %eq3A_747 = arith.cmpi eq, %select_n3A, %eq3A_746 : i32
        %convert_element_type3A_748 = arith.extui %eq3A_747 : i1 to i32
        %cond3A_749 = arith.constant 0 : i32
        %cond3A_750 = arith.cmpi ne, %convert_element_type3A_748, %cond3A_749 : i32
        scf.if %cond3A_750 {
          %dma_start3A_751 = arith.constant 0 : i32
          %dma_start3A_752 = tpu.memref_slice %arg5[%sub3A_730, %dma_start3A_751] : memref<80000x128xf32, #tpu.memory_space<hbm>> -> memref<100x128xf32, #tpu.memory_space<hbm>>
          %dma_start3A_753 = arith.constant 0 : i32
          %dma_start3A_754 = tpu.memref_slice %arg5[%sub3A_730, %dma_start3A_753] : memref<80000x128xf32, #tpu.memory_space<hbm>> -> memref<100x128xf32, #tpu.memory_space<hbm>>
          tpu.enqueue_dma source(%dma_start3A_754 : memref<100x128xf32, #tpu.memory_space<hbm>>) target(%arg14 : memref<100x128xf32, #tpu.memory_space<vmem>>) target_semaphore(%arg21 : memref<!tpu.dma_semaphore, #tpu.memory_space<semaphore_mem>>)
          %dma_start3A_755 = arith.constant 96 : i32
          %dma_start3A_756 = tpu.memref_slice %arg6[%sub3A_730, %dma_start3A_755] : memref<80000x128xf32, #tpu.memory_space<hbm>> -> memref<100x16xf32, #tpu.memory_space<hbm>>
          %dma_start3A_757 = arith.constant 96 : i32
          %dma_start3A_758 = tpu.memref_slice %arg6[%sub3A_730, %dma_start3A_757] : memref<80000x128xf32, #tpu.memory_space<hbm>> -> memref<100x16xf32, #tpu.memory_space<hbm>>
          tpu.enqueue_dma source(%dma_start3A_758 : memref<100x16xf32, #tpu.memory_space<hbm>>) target(%arg16 : memref<100x16xf32, #tpu.memory_space<vmem>>) target_semaphore(%arg21 : memref<!tpu.dma_semaphore, #tpu.memory_space<semaphore_mem>>)
        } else {
        }
      } else {
      }
      %mul3A_95 = arith.constant 500 : i32
      %mul3A_96 = arith.muli %add3A, %mul3A_95 : i32
      %mul3A_97 = arith.constant 5 : i32
      %mul3A_98 = arith.muli %add3A_88, %mul3A_97 : i32
      %add3A_99 = arith.addi %mul3A_96, %mul3A_98 : i32
      %mul3A_100 = arith.constant 20 : i32
      %mul3A_101 = arith.muli %add3A_99, %mul3A_100 : i32
      %sub3A_102 = arith.constant 0 : i32
      %sub3A_103 = arith.subi %mul3A_101, %sub3A_102 : i32
      %mul3A_104 = arith.constant 20 : i32
      %mul3A_105 = arith.muli %add3A_99, %mul3A_104 : i32
      %sub3A_106 = arith.constant 80000 : i32
      %sub3A_107 = arith.subi %mul3A_105, %sub3A_106 : i32
      %mul3A_108 = arith.constant 20 : i32
      %mul3A_109 = arith.muli %add3A_99, %mul3A_108 : i32
      %sub3A_110 = arith.constant 160000 : i32
      %sub3A_111 = arith.subi %mul3A_109, %sub3A_110 : i32
      %mul3A_112 = arith.constant 20 : i32
      %mul3A_113 = arith.muli %add3A_99, %mul3A_112 : i32
      %sub3A_114 = arith.constant 240000 : i32
      %sub3A_115 = arith.subi %mul3A_113, %sub3A_114 : i32
      %eq3A_116 = arith.constant 0 : i32
      %eq3A_117 = arith.cmpi eq, %select_n3A, %eq3A_116 : i32
      %convert_element_type3A_118 = arith.extui %eq3A_117 : i1 to i32
      %cond3A_119 = arith.constant 0 : i32
      %cond3A_120 = arith.cmpi ne, %convert_element_type3A_118, %cond3A_119 : i32
      scf.if %cond3A_120 {
        %dma_wait3A_708 = arith.constant 0 : i32
        %dma_wait3A_709 = tpu.memref_slice %arg2[%sub3A_103, %dma_wait3A_708] : memref<80000x128xf32, #tpu.memory_space<hbm>> -> memref<100x128xf32, #tpu.memory_space<hbm>>
        %dma_wait3A_710 = arith.constant 0 : i32
        %dma_wait3A_711 = tpu.memref_slice %arg2[%sub3A_103, %dma_wait3A_710] : memref<80000x128xf32, #tpu.memory_space<hbm>> -> memref<100x128xf32, #tpu.memory_space<hbm>>
        tpu.wait_dma2 semaphore(%arg20 : memref<!tpu.dma_semaphore, #tpu.memory_space<semaphore_mem>>) src(%dma_wait3A_711 : memref<100x128xf32, #tpu.memory_space<hbm>>) dst(%arg13 : memref<100x128xf32, #tpu.memory_space<vmem>>)
        %dma_wait3A_712 = arith.constant 0 : i32
        %dma_wait3A_713 = tpu.memref_slice %arg6[%sub3A_103, %dma_wait3A_712] : memref<80000x128xf32, #tpu.memory_space<hbm>> -> memref<100x16xf32, #tpu.memory_space<hbm>>
        %dma_wait3A_714 = arith.constant 0 : i32
        %dma_wait3A_715 = tpu.memref_slice %arg6[%sub3A_103, %dma_wait3A_714] : memref<80000x128xf32, #tpu.memory_space<hbm>> -> memref<100x16xf32, #tpu.memory_space<hbm>>
        tpu.wait_dma2 semaphore(%arg20 : memref<!tpu.dma_semaphore, #tpu.memory_space<semaphore_mem>>) src(%dma_wait3A_715 : memref<100x16xf32, #tpu.memory_space<hbm>>) dst(%arg15 : memref<100x16xf32, #tpu.memory_space<vmem>>)
      } else {
      }
      %eq3A_121 = arith.constant 1 : i32
      %eq3A_122 = arith.cmpi eq, %select_n3A, %eq3A_121 : i32
      %convert_element_type3A_123 = arith.extui %eq3A_122 : i1 to i32
      %cond3A_124 = arith.constant 0 : i32
      %cond3A_125 = arith.cmpi ne, %convert_element_type3A_123, %cond3A_124 : i32
      scf.if %cond3A_125 {
        %dma_wait3A_708 = arith.constant 0 : i32
        %dma_wait3A_709 = tpu.memref_slice %arg3[%sub3A_107, %dma_wait3A_708] : memref<80000x128xf32, #tpu.memory_space<hbm>> -> memref<100x128xf32, #tpu.memory_space<hbm>>
        %dma_wait3A_710 = arith.constant 0 : i32
        %dma_wait3A_711 = tpu.memref_slice %arg3[%sub3A_107, %dma_wait3A_710] : memref<80000x128xf32, #tpu.memory_space<hbm>> -> memref<100x128xf32, #tpu.memory_space<hbm>>
        tpu.wait_dma2 semaphore(%arg20 : memref<!tpu.dma_semaphore, #tpu.memory_space<semaphore_mem>>) src(%dma_wait3A_711 : memref<100x128xf32, #tpu.memory_space<hbm>>) dst(%arg13 : memref<100x128xf32, #tpu.memory_space<vmem>>)
        %dma_wait3A_712 = arith.constant 32 : i32
        %dma_wait3A_713 = tpu.memref_slice %arg6[%sub3A_107, %dma_wait3A_712] : memref<80000x128xf32, #tpu.memory_space<hbm>> -> memref<100x16xf32, #tpu.memory_space<hbm>>
        %dma_wait3A_714 = arith.constant 32 : i32
        %dma_wait3A_715 = tpu.memref_slice %arg6[%sub3A_107, %dma_wait3A_714] : memref<80000x128xf32, #tpu.memory_space<hbm>> -> memref<100x16xf32, #tpu.memory_space<hbm>>
        tpu.wait_dma2 semaphore(%arg20 : memref<!tpu.dma_semaphore, #tpu.memory_space<semaphore_mem>>) src(%dma_wait3A_715 : memref<100x16xf32, #tpu.memory_space<hbm>>) dst(%arg15 : memref<100x16xf32, #tpu.memory_space<vmem>>)
      } else {
      }
      %eq3A_126 = arith.constant 2 : i32
      %eq3A_127 = arith.cmpi eq, %select_n3A, %eq3A_126 : i32
      %convert_element_type3A_128 = arith.extui %eq3A_127 : i1 to i32
      %cond3A_129 = arith.constant 0 : i32
      %cond3A_130 = arith.cmpi ne, %convert_element_type3A_128, %cond3A_129 : i32
      scf.if %cond3A_130 {
        %dma_wait3A_708 = arith.constant 0 : i32
        %dma_wait3A_709 = tpu.memref_slice %arg4[%sub3A_111, %dma_wait3A_708] : memref<80000x128xf32, #tpu.memory_space<hbm>> -> memref<100x128xf32, #tpu.memory_space<hbm>>
        %dma_wait3A_710 = arith.constant 0 : i32
        %dma_wait3A_711 = tpu.memref_slice %arg4[%sub3A_111, %dma_wait3A_710] : memref<80000x128xf32, #tpu.memory_space<hbm>> -> memref<100x128xf32, #tpu.memory_space<hbm>>
        tpu.wait_dma2 semaphore(%arg20 : memref<!tpu.dma_semaphore, #tpu.memory_space<semaphore_mem>>) src(%dma_wait3A_711 : memref<100x128xf32, #tpu.memory_space<hbm>>) dst(%arg13 : memref<100x128xf32, #tpu.memory_space<vmem>>)
        %dma_wait3A_712 = arith.constant 64 : i32
        %dma_wait3A_713 = tpu.memref_slice %arg6[%sub3A_111, %dma_wait3A_712] : memref<80000x128xf32, #tpu.memory_space<hbm>> -> memref<100x16xf32, #tpu.memory_space<hbm>>
        %dma_wait3A_714 = arith.constant 64 : i32
        %dma_wait3A_715 = tpu.memref_slice %arg6[%sub3A_111, %dma_wait3A_714] : memref<80000x128xf32, #tpu.memory_space<hbm>> -> memref<100x16xf32, #tpu.memory_space<hbm>>
        tpu.wait_dma2 semaphore(%arg20 : memref<!tpu.dma_semaphore, #tpu.memory_space<semaphore_mem>>) src(%dma_wait3A_715 : memref<100x16xf32, #tpu.memory_space<hbm>>) dst(%arg15 : memref<100x16xf32, #tpu.memory_space<vmem>>)
      } else {
      }
      %eq3A_131 = arith.constant 3 : i32
      %eq3A_132 = arith.cmpi eq, %select_n3A, %eq3A_131 : i32
      %convert_element_type3A_133 = arith.extui %eq3A_132 : i1 to i32
      %cond3A_134 = arith.constant 0 : i32
      %cond3A_135 = arith.cmpi ne, %convert_element_type3A_133, %cond3A_134 : i32
      scf.if %cond3A_135 {
        %dma_wait3A_708 = arith.constant 0 : i32
        %dma_wait3A_709 = tpu.memref_slice %arg5[%sub3A_115, %dma_wait3A_708] : memref<80000x128xf32, #tpu.memory_space<hbm>> -> memref<100x128xf32, #tpu.memory_space<hbm>>
        %dma_wait3A_710 = arith.constant 0 : i32
        %dma_wait3A_711 = tpu.memref_slice %arg5[%sub3A_115, %dma_wait3A_710] : memref<80000x128xf32, #tpu.memory_space<hbm>> -> memref<100x128xf32, #tpu.memory_space<hbm>>
        tpu.wait_dma2 semaphore(%arg20 : memref<!tpu.dma_semaphore, #tpu.memory_space<semaphore_mem>>) src(%dma_wait3A_711 : memref<100x128xf32, #tpu.memory_space<hbm>>) dst(%arg13 : memref<100x128xf32, #tpu.memory_space<vmem>>)
        %dma_wait3A_712 = arith.constant 96 : i32
        %dma_wait3A_713 = tpu.memref_slice %arg6[%sub3A_115, %dma_wait3A_712] : memref<80000x128xf32, #tpu.memory_space<hbm>> -> memref<100x16xf32, #tpu.memory_space<hbm>>
        %dma_wait3A_714 = arith.constant 96 : i32
        %dma_wait3A_715 = tpu.memref_slice %arg6[%sub3A_115, %dma_wait3A_714] : memref<80000x128xf32, #tpu.memory_space<hbm>> -> memref<100x16xf32, #tpu.memory_space<hbm>>
        tpu.wait_dma2 semaphore(%arg20 : memref<!tpu.dma_semaphore, #tpu.memory_space<semaphore_mem>>) src(%dma_wait3A_715 : memref<100x16xf32, #tpu.memory_space<hbm>>) dst(%arg15 : memref<100x16xf32, #tpu.memory_space<vmem>>)
      } else {
      }
      %mul3A_136 = arith.constant 5 : i32
      %mul3A_137 = arith.muli %add3A_88, %mul3A_136 : i32
      %add3A_138 = arith.constant 0 : i32
      %add3A_139 = arith.addi %mul3A_137, %add3A_138 : i32
      %dma_start3A_140 = arith.constant 0 : i32
      %dma_start3A_141 = arith.constant 0 : i32
      %dma_start3A_142 = tpu.memref_slice %arg13[%dma_start3A_140, %dma_start3A_141] : memref<100x128xf32, #tpu.memory_space<vmem>> -> memref<20x128xf32, #tpu.memory_space<vmem>>
      %dma_start3A_143 = arith.constant 0 : i32
      %dma_start3A_144 = tpu.memref_slice %arg12[%add3A_139, %dma_start3A_143] : memref<500x20xi32, #tpu.memory_space<vmem>> -> memref<1x20xi32, #tpu.memory_space<vmem>>
      %dma_start3A_145 = tpu.memref_squeeze %dma_start3A_144 : memref<1x20xi32, #tpu.memory_space<vmem>> -> memref<20xi32, #tpu.memory_space<vmem>>
      %dma_start3A_146 = arith.constant 0 : i32
      %dma_start3A_147 = arith.constant 0 : i32
      %dma_start3A_148 = tpu.memref_slice %arg17[%dma_start3A_146, %dma_start3A_147] : memref<10000x128xf32, #tpu.memory_space<vmem_shared>> -> memref<10000x128xf32, #tpu.memory_space<vmem_shared>>
      tpu.enqueue_indirect_dma source(%dma_start3A_142 : memref<20x128xf32, #tpu.memory_space<vmem>>) target(%dma_start3A_148 : memref<10000x128xf32, #tpu.memory_space<vmem_shared>>) offsets(%dma_start3A_145 : memref<20xi32, #tpu.memory_space<vmem>>) semaphore(%arg22 : memref<!tpu.dma_semaphore, #tpu.memory_space<semaphore_mem>>) {add = true}
      %mul3A_149 = arith.constant 5 : i32
      %mul3A_150 = arith.muli %add3A_88, %mul3A_149 : i32
      %add3A_151 = arith.constant 0 : i32
      %add3A_152 = arith.addi %mul3A_150, %add3A_151 : i32
      %dma_start3A_153 = arith.constant 0 : i32
      %dma_start3A_154 = arith.constant 0 : i32
      %dma_start3A_155 = tpu.memref_slice %arg15[%dma_start3A_153, %dma_start3A_154] : memref<100x16xf32, #tpu.memory_space<vmem>> -> memref<20x16xf32, #tpu.memory_space<vmem>>
      %dma_start3A_156 = arith.constant 0 : i32
      %dma_start3A_157 = tpu.memref_slice %arg12[%add3A_152, %dma_start3A_156] : memref<500x20xi32, #tpu.memory_space<vmem>> -> memref<1x20xi32, #tpu.memory_space<vmem>>
      %dma_start3A_158 = tpu.memref_squeeze %dma_start3A_157 : memref<1x20xi32, #tpu.memory_space<vmem>> -> memref<20xi32, #tpu.memory_space<vmem>>
      %dma_start3A_159 = arith.constant 0 : i32
      %dma_start3A_160 = arith.constant 0 : i32
      %dma_start3A_161 = tpu.memref_slice %arg18[%dma_start3A_159, %dma_start3A_160] : memref<10000x16xf32, #tpu.memory_space<vmem_shared>> -> memref<10000x16xf32, #tpu.memory_space<vmem_shared>>
      tpu.enqueue_indirect_dma source(%dma_start3A_155 : memref<20x16xf32, #tpu.memory_space<vmem>>) target(%dma_start3A_161 : memref<10000x16xf32, #tpu.memory_space<vmem_shared>>) offsets(%dma_start3A_158 : memref<20xi32, #tpu.memory_space<vmem>>) semaphore(%arg22 : memref<!tpu.dma_semaphore, #tpu.memory_space<semaphore_mem>>) {add = true}
      %mul3A_162 = arith.constant 5 : i32
      %mul3A_163 = arith.muli %add3A_88, %mul3A_162 : i32
      %add3A_164 = arith.constant 1 : i32
      %add3A_165 = arith.addi %mul3A_163, %add3A_164 : i32
      %dma_start3A_166 = arith.constant 20 : i32
      %dma_start3A_167 = arith.constant 0 : i32
      %dma_start3A_168 = tpu.memref_slice %arg13[%dma_start3A_166, %dma_start3A_167] : memref<100x128xf32, #tpu.memory_space<vmem>> -> memref<20x128xf32, #tpu.memory_space<vmem>>
      %dma_start3A_169 = arith.constant 0 : i32
      %dma_start3A_170 = tpu.memref_slice %arg12[%add3A_165, %dma_start3A_169] : memref<500x20xi32, #tpu.memory_space<vmem>> -> memref<1x20xi32, #tpu.memory_space<vmem>>
      %dma_start3A_171 = tpu.memref_squeeze %dma_start3A_170 : memref<1x20xi32, #tpu.memory_space<vmem>> -> memref<20xi32, #tpu.memory_space<vmem>>
      %dma_start3A_172 = arith.constant 0 : i32
      %dma_start3A_173 = arith.constant 0 : i32
      %dma_start3A_174 = tpu.memref_slice %arg17[%dma_start3A_172, %dma_start3A_173] : memref<10000x128xf32, #tpu.memory_space<vmem_shared>> -> memref<10000x128xf32, #tpu.memory_space<vmem_shared>>
      tpu.enqueue_indirect_dma source(%dma_start3A_168 : memref<20x128xf32, #tpu.memory_space<vmem>>) target(%dma_start3A_174 : memref<10000x128xf32, #tpu.memory_space<vmem_shared>>) offsets(%dma_start3A_171 : memref<20xi32, #tpu.memory_space<vmem>>) semaphore(%arg22 : memref<!tpu.dma_semaphore, #tpu.memory_space<semaphore_mem>>) {add = true}
      %mul3A_175 = arith.constant 5 : i32
      %mul3A_176 = arith.muli %add3A_88, %mul3A_175 : i32
      %add3A_177 = arith.constant 1 : i32
      %add3A_178 = arith.addi %mul3A_176, %add3A_177 : i32
      %dma_start3A_179 = arith.constant 20 : i32
      %dma_start3A_180 = arith.constant 0 : i32
      %dma_start3A_181 = tpu.memref_slice %arg15[%dma_start3A_179, %dma_start3A_180] : memref<100x16xf32, #tpu.memory_space<vmem>> -> memref<20x16xf32, #tpu.memory_space<vmem>>
      %dma_start3A_182 = arith.constant 0 : i32
      %dma_start3A_183 = tpu.memref_slice %arg12[%add3A_178, %dma_start3A_182] : memref<500x20xi32, #tpu.memory_space<vmem>> -> memref<1x20xi32, #tpu.memory_space<vmem>>
      %dma_start3A_184 = tpu.memref_squeeze %dma_start3A_183 : memref<1x20xi32, #tpu.memory_space<vmem>> -> memref<20xi32, #tpu.memory_space<vmem>>
      %dma_start3A_185 = arith.constant 0 : i32
      %dma_start3A_186 = arith.constant 0 : i32
      %dma_start3A_187 = tpu.memref_slice %arg18[%dma_start3A_185, %dma_start3A_186] : memref<10000x16xf32, #tpu.memory_space<vmem_shared>> -> memref<10000x16xf32, #tpu.memory_space<vmem_shared>>
      tpu.enqueue_indirect_dma source(%dma_start3A_181 : memref<20x16xf32, #tpu.memory_space<vmem>>) target(%dma_start3A_187 : memref<10000x16xf32, #tpu.memory_space<vmem_shared>>) offsets(%dma_start3A_184 : memref<20xi32, #tpu.memory_space<vmem>>) semaphore(%arg22 : memref<!tpu.dma_semaphore, #tpu.memory_space<semaphore_mem>>) {add = true}
      %mul3A_188 = arith.constant 5 : i32
      %mul3A_189 = arith.muli %add3A_88, %mul3A_188 : i32
      %add3A_190 = arith.constant 2 : i32
      %add3A_191 = arith.addi %mul3A_189, %add3A_190 : i32
      %dma_start3A_192 = arith.constant 40 : i32
      %dma_start3A_193 = arith.constant 0 : i32
      %dma_start3A_194 = tpu.memref_slice %arg13[%dma_start3A_192, %dma_start3A_193] : memref<100x128xf32, #tpu.memory_space<vmem>> -> memref<20x128xf32, #tpu.memory_space<vmem>>
      %dma_start3A_195 = arith.constant 0 : i32
      %dma_start3A_196 = tpu.memref_slice %arg12[%add3A_191, %dma_start3A_195] : memref<500x20xi32, #tpu.memory_space<vmem>> -> memref<1x20xi32, #tpu.memory_space<vmem>>
      %dma_start3A_197 = tpu.memref_squeeze %dma_start3A_196 : memref<1x20xi32, #tpu.memory_space<vmem>> -> memref<20xi32, #tpu.memory_space<vmem>>
      %dma_start3A_198 = arith.constant 0 : i32
      %dma_start3A_199 = arith.constant 0 : i32
      %dma_start3A_200 = tpu.memref_slice %arg17[%dma_start3A_198, %dma_start3A_199] : memref<10000x128xf32, #tpu.memory_space<vmem_shared>> -> memref<10000x128xf32, #tpu.memory_space<vmem_shared>>
      tpu.enqueue_indirect_dma source(%dma_start3A_194 : memref<20x128xf32, #tpu.memory_space<vmem>>) target(%dma_start3A_200 : memref<10000x128xf32, #tpu.memory_space<vmem_shared>>) offsets(%dma_start3A_197 : memref<20xi32, #tpu.memory_space<vmem>>) semaphore(%arg22 : memref<!tpu.dma_semaphore, #tpu.memory_space<semaphore_mem>>) {add = true}
      %mul3A_201 = arith.constant 5 : i32
      %mul3A_202 = arith.muli %add3A_88, %mul3A_201 : i32
      %add3A_203 = arith.constant 2 : i32
      %add3A_204 = arith.addi %mul3A_202, %add3A_203 : i32
      %dma_start3A_205 = arith.constant 40 : i32
      %dma_start3A_206 = arith.constant 0 : i32
      %dma_start3A_207 = tpu.memref_slice %arg15[%dma_start3A_205, %dma_start3A_206] : memref<100x16xf32, #tpu.memory_space<vmem>> -> memref<20x16xf32, #tpu.memory_space<vmem>>
      %dma_start3A_208 = arith.constant 0 : i32
      %dma_start3A_209 = tpu.memref_slice %arg12[%add3A_204, %dma_start3A_208] : memref<500x20xi32, #tpu.memory_space<vmem>> -> memref<1x20xi32, #tpu.memory_space<vmem>>
      %dma_start3A_210 = tpu.memref_squeeze %dma_start3A_209 : memref<1x20xi32, #tpu.memory_space<vmem>> -> memref<20xi32, #tpu.memory_space<vmem>>
      %dma_start3A_211 = arith.constant 0 : i32
      %dma_start3A_212 = arith.constant 0 : i32
      %dma_start3A_213 = tpu.memref_slice %arg18[%dma_start3A_211, %dma_start3A_212] : memref<10000x16xf32, #tpu.memory_space<vmem_shared>> -> memref<10000x16xf32, #tpu.memory_space<vmem_shared>>
      tpu.enqueue_indirect_dma source(%dma_start3A_207 : memref<20x16xf32, #tpu.memory_space<vmem>>) target(%dma_start3A_213 : memref<10000x16xf32, #tpu.memory_space<vmem_shared>>) offsets(%dma_start3A_210 : memref<20xi32, #tpu.memory_space<vmem>>) semaphore(%arg22 : memref<!tpu.dma_semaphore, #tpu.memory_space<semaphore_mem>>) {add = true}
      %mul3A_214 = arith.constant 5 : i32
      %mul3A_215 = arith.muli %add3A_88, %mul3A_214 : i32
      %add3A_216 = arith.constant 3 : i32
      %add3A_217 = arith.addi %mul3A_215, %add3A_216 : i32
      %dma_start3A_218 = arith.constant 60 : i32
      %dma_start3A_219 = arith.constant 0 : i32
      %dma_start3A_220 = tpu.memref_slice %arg13[%dma_start3A_218, %dma_start3A_219] : memref<100x128xf32, #tpu.memory_space<vmem>> -> memref<20x128xf32, #tpu.memory_space<vmem>>
      %dma_start3A_221 = arith.constant 0 : i32
      %dma_start3A_222 = tpu.memref_slice %arg12[%add3A_217, %dma_start3A_221] : memref<500x20xi32, #tpu.memory_space<vmem>> -> memref<1x20xi32, #tpu.memory_space<vmem>>
      %dma_start3A_223 = tpu.memref_squeeze %dma_start3A_222 : memref<1x20xi32, #tpu.memory_space<vmem>> -> memref<20xi32, #tpu.memory_space<vmem>>
      %dma_start3A_224 = arith.constant 0 : i32
      %dma_start3A_225 = arith.constant 0 : i32
      %dma_start3A_226 = tpu.memref_slice %arg17[%dma_start3A_224, %dma_start3A_225] : memref<10000x128xf32, #tpu.memory_space<vmem_shared>> -> memref<10000x128xf32, #tpu.memory_space<vmem_shared>>
      tpu.enqueue_indirect_dma source(%dma_start3A_220 : memref<20x128xf32, #tpu.memory_space<vmem>>) target(%dma_start3A_226 : memref<10000x128xf32, #tpu.memory_space<vmem_shared>>) offsets(%dma_start3A_223 : memref<20xi32, #tpu.memory_space<vmem>>) semaphore(%arg22 : memref<!tpu.dma_semaphore, #tpu.memory_space<semaphore_mem>>) {add = true}
      %mul3A_227 = arith.constant 5 : i32
      %mul3A_228 = arith.muli %add3A_88, %mul3A_227 : i32
      %add3A_229 = arith.constant 3 : i32
      %add3A_230 = arith.addi %mul3A_228, %add3A_229 : i32
      %dma_start3A_231 = arith.constant 60 : i32
      %dma_start3A_232 = arith.constant 0 : i32
      %dma_start3A_233 = tpu.memref_slice %arg15[%dma_start3A_231, %dma_start3A_232] : memref<100x16xf32, #tpu.memory_space<vmem>> -> memref<20x16xf32, #tpu.memory_space<vmem>>
      %dma_start3A_234 = arith.constant 0 : i32
      %dma_start3A_235 = tpu.memref_slice %arg12[%add3A_230, %dma_start3A_234] : memref<500x20xi32, #tpu.memory_space<vmem>> -> memref<1x20xi32, #tpu.memory_space<vmem>>
      %dma_start3A_236 = tpu.memref_squeeze %dma_start3A_235 : memref<1x20xi32, #tpu.memory_space<vmem>> -> memref<20xi32, #tpu.memory_space<vmem>>
      %dma_start3A_237 = arith.constant 0 : i32
      %dma_start3A_238 = arith.constant 0 : i32
      %dma_start3A_239 = tpu.memref_slice %arg18[%dma_start3A_237, %dma_start3A_238] : memref<10000x16xf32, #tpu.memory_space<vmem_shared>> -> memref<10000x16xf32, #tpu.memory_space<vmem_shared>>
      tpu.enqueue_indirect_dma source(%dma_start3A_233 : memref<20x16xf32, #tpu.memory_space<vmem>>) target(%dma_start3A_239 : memref<10000x16xf32, #tpu.memory_space<vmem_shared>>) offsets(%dma_start3A_236 : memref<20xi32, #tpu.memory_space<vmem>>) semaphore(%arg22 : memref<!tpu.dma_semaphore, #tpu.memory_space<semaphore_mem>>) {add = true}
      %mul3A_240 = arith.constant 5 : i32
      %mul3A_241 = arith.muli %add3A_88, %mul3A_240 : i32
      %add3A_242 = arith.constant 4 : i32
      %add3A_243 = arith.addi %mul3A_241, %add3A_242 : i32
      %dma_start3A_244 = arith.constant 80 : i32
      %dma_start3A_245 = arith.constant 0 : i32
      %dma_start3A_246 = tpu.memref_slice %arg13[%dma_start3A_244, %dma_start3A_245] : memref<100x128xf32, #tpu.memory_space<vmem>> -> memref<20x128xf32, #tpu.memory_space<vmem>>
      %dma_start3A_247 = arith.constant 0 : i32
      %dma_start3A_248 = tpu.memref_slice %arg12[%add3A_243, %dma_start3A_247] : memref<500x20xi32, #tpu.memory_space<vmem>> -> memref<1x20xi32, #tpu.memory_space<vmem>>
      %dma_start3A_249 = tpu.memref_squeeze %dma_start3A_248 : memref<1x20xi32, #tpu.memory_space<vmem>> -> memref<20xi32, #tpu.memory_space<vmem>>
      %dma_start3A_250 = arith.constant 0 : i32
      %dma_start3A_251 = arith.constant 0 : i32
      %dma_start3A_252 = tpu.memref_slice %arg17[%dma_start3A_250, %dma_start3A_251] : memref<10000x128xf32, #tpu.memory_space<vmem_shared>> -> memref<10000x128xf32, #tpu.memory_space<vmem_shared>>
      tpu.enqueue_indirect_dma source(%dma_start3A_246 : memref<20x128xf32, #tpu.memory_space<vmem>>) target(%dma_start3A_252 : memref<10000x128xf32, #tpu.memory_space<vmem_shared>>) offsets(%dma_start3A_249 : memref<20xi32, #tpu.memory_space<vmem>>) semaphore(%arg22 : memref<!tpu.dma_semaphore, #tpu.memory_space<semaphore_mem>>) {add = true}
      %mul3A_253 = arith.constant 5 : i32
      %mul3A_254 = arith.muli %add3A_88, %mul3A_253 : i32
      %add3A_255 = arith.constant 4 : i32
      %add3A_256 = arith.addi %mul3A_254, %add3A_255 : i32
      %dma_start3A_257 = arith.constant 80 : i32
      %dma_start3A_258 = arith.constant 0 : i32
      %dma_start3A_259 = tpu.memref_slice %arg15[%dma_start3A_257, %dma_start3A_258] : memref<100x16xf32, #tpu.memory_space<vmem>> -> memref<20x16xf32, #tpu.memory_space<vmem>>
      %dma_start3A_260 = arith.constant 0 : i32
      %dma_start3A_261 = tpu.memref_slice %arg12[%add3A_256, %dma_start3A_260] : memref<500x20xi32, #tpu.memory_space<vmem>> -> memref<1x20xi32, #tpu.memory_space<vmem>>
      %dma_start3A_262 = tpu.memref_squeeze %dma_start3A_261 : memref<1x20xi32, #tpu.memory_space<vmem>> -> memref<20xi32, #tpu.memory_space<vmem>>
      %dma_start3A_263 = arith.constant 0 : i32
      %dma_start3A_264 = arith.constant 0 : i32
      %dma_start3A_265 = tpu.memref_slice %arg18[%dma_start3A_263, %dma_start3A_264] : memref<10000x16xf32, #tpu.memory_space<vmem_shared>> -> memref<10000x16xf32, #tpu.memory_space<vmem_shared>>
      tpu.enqueue_indirect_dma source(%dma_start3A_259 : memref<20x16xf32, #tpu.memory_space<vmem>>) target(%dma_start3A_265 : memref<10000x16xf32, #tpu.memory_space<vmem_shared>>) offsets(%dma_start3A_262 : memref<20xi32, #tpu.memory_space<vmem>>) semaphore(%arg22 : memref<!tpu.dma_semaphore, #tpu.memory_space<semaphore_mem>>) {add = true}
      %mul3A_266 = arith.constant 5 : i32
      %mul3A_267 = arith.muli %add3A_88, %mul3A_266 : i32
      %add3A_268 = arith.constant 0 : i32
      %add3A_269 = arith.addi %mul3A_267, %add3A_268 : i32
      %mul3A_270 = arith.constant 5 : i32
      %mul3A_271 = arith.muli %add3A_88, %mul3A_270 : i32
      %add3A_272 = arith.constant 1 : i32
      %add3A_273 = arith.addi %mul3A_271, %add3A_272 : i32
      %mul3A_274 = arith.constant 5 : i32
      %mul3A_275 = arith.muli %add3A_88, %mul3A_274 : i32
      %add3A_276 = arith.constant 2 : i32
      %add3A_277 = arith.addi %mul3A_275, %add3A_276 : i32
      %mul3A_278 = arith.constant 5 : i32
      %mul3A_279 = arith.muli %add3A_88, %mul3A_278 : i32
      %add3A_280 = arith.constant 3 : i32
      %add3A_281 = arith.addi %mul3A_279, %add3A_280 : i32
      %mul3A_282 = arith.constant 5 : i32
      %mul3A_283 = arith.muli %add3A_88, %mul3A_282 : i32
      %add3A_284 = arith.constant 4 : i32
      %add3A_285 = arith.addi %mul3A_283, %add3A_284 : i32
      %mul3A_286 = arith.constant 5 : i32
      %mul3A_287 = arith.muli %add3A_88, %mul3A_286 : i32
      %add3A_288 = arith.constant 0 : i32
      %add3A_289 = arith.addi %mul3A_287, %add3A_288 : i32
      %mul3A_290 = arith.constant 5 : i32
      %mul3A_291 = arith.muli %add3A_88, %mul3A_290 : i32
      %add3A_292 = arith.constant 1 : i32
      %add3A_293 = arith.addi %mul3A_291, %add3A_292 : i32
      %mul3A_294 = arith.constant 5 : i32
      %mul3A_295 = arith.muli %add3A_88, %mul3A_294 : i32
      %add3A_296 = arith.constant 2 : i32
      %add3A_297 = arith.addi %mul3A_295, %add3A_296 : i32
      %mul3A_298 = arith.constant 5 : i32
      %mul3A_299 = arith.muli %add3A_88, %mul3A_298 : i32
      %add3A_300 = arith.constant 3 : i32
      %add3A_301 = arith.addi %mul3A_299, %add3A_300 : i32
      %mul3A_302 = arith.constant 5 : i32
      %mul3A_303 = arith.muli %add3A_88, %mul3A_302 : i32
      %add3A_304 = arith.constant 4 : i32
      %add3A_305 = arith.addi %mul3A_303, %add3A_304 : i32
      %dma_wait3A_306 = arith.constant 0 : i32
      %dma_wait3A_307 = arith.constant 0 : i32
      %dma_wait3A_308 = tpu.memref_slice %arg13[%dma_wait3A_306, %dma_wait3A_307] : memref<100x128xf32, #tpu.memory_space<vmem>> -> memref<20x128xf32, #tpu.memory_space<vmem>>
      %dma_wait3A_309 = arith.constant 0 : i32
      %dma_wait3A_310 = tpu.memref_slice %arg12[%add3A_269, %dma_wait3A_309] : memref<500x20xi32, #tpu.memory_space<vmem>> -> memref<1x20xi32, #tpu.memory_space<vmem>>
      %dma_wait3A_311 = tpu.memref_squeeze %dma_wait3A_310 : memref<1x20xi32, #tpu.memory_space<vmem>> -> memref<20xi32, #tpu.memory_space<vmem>>
      %dma_wait3A_312 = arith.constant 0 : i32
      %dma_wait3A_313 = arith.constant 0 : i32
      %dma_wait3A_314 = tpu.memref_slice %arg17[%dma_wait3A_312, %dma_wait3A_313] : memref<10000x128xf32, #tpu.memory_space<vmem_shared>> -> memref<10000x128xf32, #tpu.memory_space<vmem_shared>>
      tpu.wait_indirect_dma semaphore(%arg22 : memref<!tpu.dma_semaphore, #tpu.memory_space<semaphore_mem>>) src(%dma_wait3A_308 : memref<20x128xf32, #tpu.memory_space<vmem>>) dst(%dma_wait3A_314 : memref<10000x128xf32, #tpu.memory_space<vmem_shared>>)
      %dma_wait3A_315 = arith.constant 20 : i32
      %dma_wait3A_316 = arith.constant 0 : i32
      %dma_wait3A_317 = tpu.memref_slice %arg13[%dma_wait3A_315, %dma_wait3A_316] : memref<100x128xf32, #tpu.memory_space<vmem>> -> memref<20x128xf32, #tpu.memory_space<vmem>>
      %dma_wait3A_318 = arith.constant 0 : i32
      %dma_wait3A_319 = tpu.memref_slice %arg12[%add3A_273, %dma_wait3A_318] : memref<500x20xi32, #tpu.memory_space<vmem>> -> memref<1x20xi32, #tpu.memory_space<vmem>>
      %dma_wait3A_320 = tpu.memref_squeeze %dma_wait3A_319 : memref<1x20xi32, #tpu.memory_space<vmem>> -> memref<20xi32, #tpu.memory_space<vmem>>
      %dma_wait3A_321 = arith.constant 0 : i32
      %dma_wait3A_322 = arith.constant 0 : i32
      %dma_wait3A_323 = tpu.memref_slice %arg17[%dma_wait3A_321, %dma_wait3A_322] : memref<10000x128xf32, #tpu.memory_space<vmem_shared>> -> memref<10000x128xf32, #tpu.memory_space<vmem_shared>>
      tpu.wait_indirect_dma semaphore(%arg22 : memref<!tpu.dma_semaphore, #tpu.memory_space<semaphore_mem>>) src(%dma_wait3A_317 : memref<20x128xf32, #tpu.memory_space<vmem>>) dst(%dma_wait3A_323 : memref<10000x128xf32, #tpu.memory_space<vmem_shared>>)
      %dma_wait3A_324 = arith.constant 40 : i32
      %dma_wait3A_325 = arith.constant 0 : i32
      %dma_wait3A_326 = tpu.memref_slice %arg13[%dma_wait3A_324, %dma_wait3A_325] : memref<100x128xf32, #tpu.memory_space<vmem>> -> memref<20x128xf32, #tpu.memory_space<vmem>>
      %dma_wait3A_327 = arith.constant 0 : i32
      %dma_wait3A_328 = tpu.memref_slice %arg12[%add3A_277, %dma_wait3A_327] : memref<500x20xi32, #tpu.memory_space<vmem>> -> memref<1x20xi32, #tpu.memory_space<vmem>>
      %dma_wait3A_329 = tpu.memref_squeeze %dma_wait3A_328 : memref<1x20xi32, #tpu.memory_space<vmem>> -> memref<20xi32, #tpu.memory_space<vmem>>
      %dma_wait3A_330 = arith.constant 0 : i32
      %dma_wait3A_331 = arith.constant 0 : i32
      %dma_wait3A_332 = tpu.memref_slice %arg17[%dma_wait3A_330, %dma_wait3A_331] : memref<10000x128xf32, #tpu.memory_space<vmem_shared>> -> memref<10000x128xf32, #tpu.memory_space<vmem_shared>>
      tpu.wait_indirect_dma semaphore(%arg22 : memref<!tpu.dma_semaphore, #tpu.memory_space<semaphore_mem>>) src(%dma_wait3A_326 : memref<20x128xf32, #tpu.memory_space<vmem>>) dst(%dma_wait3A_332 : memref<10000x128xf32, #tpu.memory_space<vmem_shared>>)
      %dma_wait3A_333 = arith.constant 60 : i32
      %dma_wait3A_334 = arith.constant 0 : i32
      %dma_wait3A_335 = tpu.memref_slice %arg13[%dma_wait3A_333, %dma_wait3A_334] : memref<100x128xf32, #tpu.memory_space<vmem>> -> memref<20x128xf32, #tpu.memory_space<vmem>>
      %dma_wait3A_336 = arith.constant 0 : i32
      %dma_wait3A_337 = tpu.memref_slice %arg12[%add3A_281, %dma_wait3A_336] : memref<500x20xi32, #tpu.memory_space<vmem>> -> memref<1x20xi32, #tpu.memory_space<vmem>>
      %dma_wait3A_338 = tpu.memref_squeeze %dma_wait3A_337 : memref<1x20xi32, #tpu.memory_space<vmem>> -> memref<20xi32, #tpu.memory_space<vmem>>
      %dma_wait3A_339 = arith.constant 0 : i32
      %dma_wait3A_340 = arith.constant 0 : i32
      %dma_wait3A_341 = tpu.memref_slice %arg17[%dma_wait3A_339, %dma_wait3A_340] : memref<10000x128xf32, #tpu.memory_space<vmem_shared>> -> memref<10000x128xf32, #tpu.memory_space<vmem_shared>>
      tpu.wait_indirect_dma semaphore(%arg22 : memref<!tpu.dma_semaphore, #tpu.memory_space<semaphore_mem>>) src(%dma_wait3A_335 : memref<20x128xf32, #tpu.memory_space<vmem>>) dst(%dma_wait3A_341 : memref<10000x128xf32, #tpu.memory_space<vmem_shared>>)
      %dma_wait3A_342 = arith.constant 80 : i32
      %dma_wait3A_343 = arith.constant 0 : i32
      %dma_wait3A_344 = tpu.memref_slice %arg13[%dma_wait3A_342, %dma_wait3A_343] : memref<100x128xf32, #tpu.memory_space<vmem>> -> memref<20x128xf32, #tpu.memory_space<vmem>>
      %dma_wait3A_345 = arith.constant 0 : i32
      %dma_wait3A_346 = tpu.memref_slice %arg12[%add3A_285, %dma_wait3A_345] : memref<500x20xi32, #tpu.memory_space<vmem>> -> memref<1x20xi32, #tpu.memory_space<vmem>>
      %dma_wait3A_347 = tpu.memref_squeeze %dma_wait3A_346 : memref<1x20xi32, #tpu.memory_space<vmem>> -> memref<20xi32, #tpu.memory_space<vmem>>
      %dma_wait3A_348 = arith.constant 0 : i32
      %dma_wait3A_349 = arith.constant 0 : i32
      %dma_wait3A_350 = tpu.memref_slice %arg17[%dma_wait3A_348, %dma_wait3A_349] : memref<10000x128xf32, #tpu.memory_space<vmem_shared>> -> memref<10000x128xf32, #tpu.memory_space<vmem_shared>>
      tpu.wait_indirect_dma semaphore(%arg22 : memref<!tpu.dma_semaphore, #tpu.memory_space<semaphore_mem>>) src(%dma_wait3A_344 : memref<20x128xf32, #tpu.memory_space<vmem>>) dst(%dma_wait3A_350 : memref<10000x128xf32, #tpu.memory_space<vmem_shared>>)
      %dma_wait3A_351 = arith.constant 0 : i32
      %dma_wait3A_352 = arith.constant 0 : i32
      %dma_wait3A_353 = tpu.memref_slice %arg15[%dma_wait3A_351, %dma_wait3A_352] : memref<100x16xf32, #tpu.memory_space<vmem>> -> memref<20x16xf32, #tpu.memory_space<vmem>>
      %dma_wait3A_354 = arith.constant 0 : i32
      %dma_wait3A_355 = tpu.memref_slice %arg12[%add3A_289, %dma_wait3A_354] : memref<500x20xi32, #tpu.memory_space<vmem>> -> memref<1x20xi32, #tpu.memory_space<vmem>>
      %dma_wait3A_356 = tpu.memref_squeeze %dma_wait3A_355 : memref<1x20xi32, #tpu.memory_space<vmem>> -> memref<20xi32, #tpu.memory_space<vmem>>
      %dma_wait3A_357 = arith.constant 0 : i32
      %dma_wait3A_358 = arith.constant 0 : i32
      %dma_wait3A_359 = tpu.memref_slice %arg18[%dma_wait3A_357, %dma_wait3A_358] : memref<10000x16xf32, #tpu.memory_space<vmem_shared>> -> memref<10000x16xf32, #tpu.memory_space<vmem_shared>>
      tpu.wait_indirect_dma semaphore(%arg22 : memref<!tpu.dma_semaphore, #tpu.memory_space<semaphore_mem>>) src(%dma_wait3A_353 : memref<20x16xf32, #tpu.memory_space<vmem>>) dst(%dma_wait3A_359 : memref<10000x16xf32, #tpu.memory_space<vmem_shared>>)
      %dma_wait3A_360 = arith.constant 20 : i32
      %dma_wait3A_361 = arith.constant 0 : i32
      %dma_wait3A_362 = tpu.memref_slice %arg15[%dma_wait3A_360, %dma_wait3A_361] : memref<100x16xf32, #tpu.memory_space<vmem>> -> memref<20x16xf32, #tpu.memory_space<vmem>>
      %dma_wait3A_363 = arith.constant 0 : i32
      %dma_wait3A_364 = tpu.memref_slice %arg12[%add3A_293, %dma_wait3A_363] : memref<500x20xi32, #tpu.memory_space<vmem>> -> memref<1x20xi32, #tpu.memory_space<vmem>>
      %dma_wait3A_365 = tpu.memref_squeeze %dma_wait3A_364 : memref<1x20xi32, #tpu.memory_space<vmem>> -> memref<20xi32, #tpu.memory_space<vmem>>
      %dma_wait3A_366 = arith.constant 0 : i32
      %dma_wait3A_367 = arith.constant 0 : i32
      %dma_wait3A_368 = tpu.memref_slice %arg18[%dma_wait3A_366, %dma_wait3A_367] : memref<10000x16xf32, #tpu.memory_space<vmem_shared>> -> memref<10000x16xf32, #tpu.memory_space<vmem_shared>>
      tpu.wait_indirect_dma semaphore(%arg22 : memref<!tpu.dma_semaphore, #tpu.memory_space<semaphore_mem>>) src(%dma_wait3A_362 : memref<20x16xf32, #tpu.memory_space<vmem>>) dst(%dma_wait3A_368 : memref<10000x16xf32, #tpu.memory_space<vmem_shared>>)
      %dma_wait3A_369 = arith.constant 40 : i32
      %dma_wait3A_370 = arith.constant 0 : i32
      %dma_wait3A_371 = tpu.memref_slice %arg15[%dma_wait3A_369, %dma_wait3A_370] : memref<100x16xf32, #tpu.memory_space<vmem>> -> memref<20x16xf32, #tpu.memory_space<vmem>>
      %dma_wait3A_372 = arith.constant 0 : i32
      %dma_wait3A_373 = tpu.memref_slice %arg12[%add3A_297, %dma_wait3A_372] : memref<500x20xi32, #tpu.memory_space<vmem>> -> memref<1x20xi32, #tpu.memory_space<vmem>>
      %dma_wait3A_374 = tpu.memref_squeeze %dma_wait3A_373 : memref<1x20xi32, #tpu.memory_space<vmem>> -> memref<20xi32, #tpu.memory_space<vmem>>
      %dma_wait3A_375 = arith.constant 0 : i32
      %dma_wait3A_376 = arith.constant 0 : i32
      %dma_wait3A_377 = tpu.memref_slice %arg18[%dma_wait3A_375, %dma_wait3A_376] : memref<10000x16xf32, #tpu.memory_space<vmem_shared>> -> memref<10000x16xf32, #tpu.memory_space<vmem_shared>>
      tpu.wait_indirect_dma semaphore(%arg22 : memref<!tpu.dma_semaphore, #tpu.memory_space<semaphore_mem>>) src(%dma_wait3A_371 : memref<20x16xf32, #tpu.memory_space<vmem>>) dst(%dma_wait3A_377 : memref<10000x16xf32, #tpu.memory_space<vmem_shared>>)
      %dma_wait3A_378 = arith.constant 60 : i32
      %dma_wait3A_379 = arith.constant 0 : i32
      %dma_wait3A_380 = tpu.memref_slice %arg15[%dma_wait3A_378, %dma_wait3A_379] : memref<100x16xf32, #tpu.memory_space<vmem>> -> memref<20x16xf32, #tpu.memory_space<vmem>>
      %dma_wait3A_381 = arith.constant 0 : i32
      %dma_wait3A_382 = tpu.memref_slice %arg12[%add3A_301, %dma_wait3A_381] : memref<500x20xi32, #tpu.memory_space<vmem>> -> memref<1x20xi32, #tpu.memory_space<vmem>>
      %dma_wait3A_383 = tpu.memref_squeeze %dma_wait3A_382 : memref<1x20xi32, #tpu.memory_space<vmem>> -> memref<20xi32, #tpu.memory_space<vmem>>
      %dma_wait3A_384 = arith.constant 0 : i32
      %dma_wait3A_385 = arith.constant 0 : i32
      %dma_wait3A_386 = tpu.memref_slice %arg18[%dma_wait3A_384, %dma_wait3A_385] : memref<10000x16xf32, #tpu.memory_space<vmem_shared>> -> memref<10000x16xf32, #tpu.memory_space<vmem_shared>>
      tpu.wait_indirect_dma semaphore(%arg22 : memref<!tpu.dma_semaphore, #tpu.memory_space<semaphore_mem>>) src(%dma_wait3A_380 : memref<20x16xf32, #tpu.memory_space<vmem>>) dst(%dma_wait3A_386 : memref<10000x16xf32, #tpu.memory_space<vmem_shared>>)
      %dma_wait3A_387 = arith.constant 80 : i32
      %dma_wait3A_388 = arith.constant 0 : i32
      %dma_wait3A_389 = tpu.memref_slice %arg15[%dma_wait3A_387, %dma_wait3A_388] : memref<100x16xf32, #tpu.memory_space<vmem>> -> memref<20x16xf32, #tpu.memory_space<vmem>>
      %dma_wait3A_390 = arith.constant 0 : i32
      %dma_wait3A_391 = tpu.memref_slice %arg12[%add3A_305, %dma_wait3A_390] : memref<500x20xi32, #tpu.memory_space<vmem>> -> memref<1x20xi32, #tpu.memory_space<vmem>>
      %dma_wait3A_392 = tpu.memref_squeeze %dma_wait3A_391 : memref<1x20xi32, #tpu.memory_space<vmem>> -> memref<20xi32, #tpu.memory_space<vmem>>
      %dma_wait3A_393 = arith.constant 0 : i32
      %dma_wait3A_394 = arith.constant 0 : i32
      %dma_wait3A_395 = tpu.memref_slice %arg18[%dma_wait3A_393, %dma_wait3A_394] : memref<10000x16xf32, #tpu.memory_space<vmem_shared>> -> memref<10000x16xf32, #tpu.memory_space<vmem_shared>>
      tpu.wait_indirect_dma semaphore(%arg22 : memref<!tpu.dma_semaphore, #tpu.memory_space<semaphore_mem>>) src(%dma_wait3A_389 : memref<20x16xf32, #tpu.memory_space<vmem>>) dst(%dma_wait3A_395 : memref<10000x16xf32, #tpu.memory_space<vmem_shared>>)
      %mul3A_396 = arith.constant 2 : i32
      %mul3A_397 = arith.muli %mul3A_396, %scan3A_84 : i32
      %add3A_398 = arith.constant 1 : i32
      %add3A_399 = arith.addi %mul3A_397, %add3A_398 : i32
      %add3A_400 = arith.constant 1 : i32
      %add3A_401 = arith.addi %add3A_399, %add3A_400 : i32
      %lt3A_402 = arith.constant 100 : i32
      %lt3A_403 = arith.cmpi slt, %add3A_401, %lt3A_402 : i32
      %convert_element_type3A_404 = arith.extui %lt3A_403 : i1 to i32
      %cond3A_405 = arith.constant 0 : i32
      %cond3A_406 = arith.cmpi ne, %convert_element_type3A_404, %cond3A_405 : i32
      scf.if %cond3A_406 {
        %add3A_708 = arith.constant 1 : i32
        %add3A_709 = arith.addi %add3A_399, %add3A_708 : i32
        %mul3A_710 = arith.constant 500 : i32
        %mul3A_711 = arith.muli %add3A, %mul3A_710 : i32
        %mul3A_712 = arith.constant 5 : i32
        %mul3A_713 = arith.muli %add3A_709, %mul3A_712 : i32
        %add3A_714 = arith.addi %mul3A_711, %mul3A_713 : i32
        %mul3A_715 = arith.constant 20 : i32
        %mul3A_716 = arith.muli %add3A_714, %mul3A_715 : i32
        %sub3A_717 = arith.constant 0 : i32
        %sub3A_718 = arith.subi %mul3A_716, %sub3A_717 : i32
        %mul3A_719 = arith.constant 20 : i32
        %mul3A_720 = arith.muli %add3A_714, %mul3A_719 : i32
        %sub3A_721 = arith.constant 80000 : i32
        %sub3A_722 = arith.subi %mul3A_720, %sub3A_721 : i32
        %mul3A_723 = arith.constant 20 : i32
        %mul3A_724 = arith.muli %add3A_714, %mul3A_723 : i32
        %sub3A_725 = arith.constant 160000 : i32
        %sub3A_726 = arith.subi %mul3A_724, %sub3A_725 : i32
        %mul3A_727 = arith.constant 20 : i32
        %mul3A_728 = arith.muli %add3A_714, %mul3A_727 : i32
        %sub3A_729 = arith.constant 240000 : i32
        %sub3A_730 = arith.subi %mul3A_728, %sub3A_729 : i32
        %eq3A_731 = arith.constant 0 : i32
        %eq3A_732 = arith.cmpi eq, %select_n3A, %eq3A_731 : i32
        %convert_element_type3A_733 = arith.extui %eq3A_732 : i1 to i32
        %cond3A_734 = arith.constant 0 : i32
        %cond3A_735 = arith.cmpi ne, %convert_element_type3A_733, %cond3A_734 : i32
        scf.if %cond3A_735 {
          %dma_start3A_751 = arith.constant 0 : i32
          %dma_start3A_752 = tpu.memref_slice %arg2[%sub3A_718, %dma_start3A_751] : memref<80000x128xf32, #tpu.memory_space<hbm>> -> memref<100x128xf32, #tpu.memory_space<hbm>>
          %dma_start3A_753 = arith.constant 0 : i32
          %dma_start3A_754 = tpu.memref_slice %arg2[%sub3A_718, %dma_start3A_753] : memref<80000x128xf32, #tpu.memory_space<hbm>> -> memref<100x128xf32, #tpu.memory_space<hbm>>
          tpu.enqueue_dma source(%dma_start3A_754 : memref<100x128xf32, #tpu.memory_space<hbm>>) target(%arg13 : memref<100x128xf32, #tpu.memory_space<vmem>>) target_semaphore(%arg20 : memref<!tpu.dma_semaphore, #tpu.memory_space<semaphore_mem>>)
          %dma_start3A_755 = arith.constant 0 : i32
          %dma_start3A_756 = tpu.memref_slice %arg6[%sub3A_718, %dma_start3A_755] : memref<80000x128xf32, #tpu.memory_space<hbm>> -> memref<100x16xf32, #tpu.memory_space<hbm>>
          %dma_start3A_757 = arith.constant 0 : i32
          %dma_start3A_758 = tpu.memref_slice %arg6[%sub3A_718, %dma_start3A_757] : memref<80000x128xf32, #tpu.memory_space<hbm>> -> memref<100x16xf32, #tpu.memory_space<hbm>>
          tpu.enqueue_dma source(%dma_start3A_758 : memref<100x16xf32, #tpu.memory_space<hbm>>) target(%arg15 : memref<100x16xf32, #tpu.memory_space<vmem>>) target_semaphore(%arg20 : memref<!tpu.dma_semaphore, #tpu.memory_space<semaphore_mem>>)
        } else {
        }
        %eq3A_736 = arith.constant 1 : i32
        %eq3A_737 = arith.cmpi eq, %select_n3A, %eq3A_736 : i32
        %convert_element_type3A_738 = arith.extui %eq3A_737 : i1 to i32
        %cond3A_739 = arith.constant 0 : i32
        %cond3A_740 = arith.cmpi ne, %convert_element_type3A_738, %cond3A_739 : i32
        scf.if %cond3A_740 {
          %dma_start3A_751 = arith.constant 0 : i32
          %dma_start3A_752 = tpu.memref_slice %arg3[%sub3A_722, %dma_start3A_751] : memref<80000x128xf32, #tpu.memory_space<hbm>> -> memref<100x128xf32, #tpu.memory_space<hbm>>
          %dma_start3A_753 = arith.constant 0 : i32
          %dma_start3A_754 = tpu.memref_slice %arg3[%sub3A_722, %dma_start3A_753] : memref<80000x128xf32, #tpu.memory_space<hbm>> -> memref<100x128xf32, #tpu.memory_space<hbm>>
          tpu.enqueue_dma source(%dma_start3A_754 : memref<100x128xf32, #tpu.memory_space<hbm>>) target(%arg13 : memref<100x128xf32, #tpu.memory_space<vmem>>) target_semaphore(%arg20 : memref<!tpu.dma_semaphore, #tpu.memory_space<semaphore_mem>>)
          %dma_start3A_755 = arith.constant 32 : i32
          %dma_start3A_756 = tpu.memref_slice %arg6[%sub3A_722, %dma_start3A_755] : memref<80000x128xf32, #tpu.memory_space<hbm>> -> memref<100x16xf32, #tpu.memory_space<hbm>>
          %dma_start3A_757 = arith.constant 32 : i32
          %dma_start3A_758 = tpu.memref_slice %arg6[%sub3A_722, %dma_start3A_757] : memref<80000x128xf32, #tpu.memory_space<hbm>> -> memref<100x16xf32, #tpu.memory_space<hbm>>
          tpu.enqueue_dma source(%dma_start3A_758 : memref<100x16xf32, #tpu.memory_space<hbm>>) target(%arg15 : memref<100x16xf32, #tpu.memory_space<vmem>>) target_semaphore(%arg20 : memref<!tpu.dma_semaphore, #tpu.memory_space<semaphore_mem>>)
        } else {
        }
        %eq3A_741 = arith.constant 2 : i32
        %eq3A_742 = arith.cmpi eq, %select_n3A, %eq3A_741 : i32
        %convert_element_type3A_743 = arith.extui %eq3A_742 : i1 to i32
        %cond3A_744 = arith.constant 0 : i32
        %cond3A_745 = arith.cmpi ne, %convert_element_type3A_743, %cond3A_744 : i32
        scf.if %cond3A_745 {
          %dma_start3A_751 = arith.constant 0 : i32
          %dma_start3A_752 = tpu.memref_slice %arg4[%sub3A_726, %dma_start3A_751] : memref<80000x128xf32, #tpu.memory_space<hbm>> -> memref<100x128xf32, #tpu.memory_space<hbm>>
          %dma_start3A_753 = arith.constant 0 : i32
          %dma_start3A_754 = tpu.memref_slice %arg4[%sub3A_726, %dma_start3A_753] : memref<80000x128xf32, #tpu.memory_space<hbm>> -> memref<100x128xf32, #tpu.memory_space<hbm>>
          tpu.enqueue_dma source(%dma_start3A_754 : memref<100x128xf32, #tpu.memory_space<hbm>>) target(%arg13 : memref<100x128xf32, #tpu.memory_space<vmem>>) target_semaphore(%arg20 : memref<!tpu.dma_semaphore, #tpu.memory_space<semaphore_mem>>)
          %dma_start3A_755 = arith.constant 64 : i32
          %dma_start3A_756 = tpu.memref_slice %arg6[%sub3A_726, %dma_start3A_755] : memref<80000x128xf32, #tpu.memory_space<hbm>> -> memref<100x16xf32, #tpu.memory_space<hbm>>
          %dma_start3A_757 = arith.constant 64 : i32
          %dma_start3A_758 = tpu.memref_slice %arg6[%sub3A_726, %dma_start3A_757] : memref<80000x128xf32, #tpu.memory_space<hbm>> -> memref<100x16xf32, #tpu.memory_space<hbm>>
          tpu.enqueue_dma source(%dma_start3A_758 : memref<100x16xf32, #tpu.memory_space<hbm>>) target(%arg15 : memref<100x16xf32, #tpu.memory_space<vmem>>) target_semaphore(%arg20 : memref<!tpu.dma_semaphore, #tpu.memory_space<semaphore_mem>>)
        } else {
        }
        %eq3A_746 = arith.constant 3 : i32
        %eq3A_747 = arith.cmpi eq, %select_n3A, %eq3A_746 : i32
        %convert_element_type3A_748 = arith.extui %eq3A_747 : i1 to i32
        %cond3A_749 = arith.constant 0 : i32
        %cond3A_750 = arith.cmpi ne, %convert_element_type3A_748, %cond3A_749 : i32
        scf.if %cond3A_750 {
          %dma_start3A_751 = arith.constant 0 : i32
          %dma_start3A_752 = tpu.memref_slice %arg5[%sub3A_730, %dma_start3A_751] : memref<80000x128xf32, #tpu.memory_space<hbm>> -> memref<100x128xf32, #tpu.memory_space<hbm>>
          %dma_start3A_753 = arith.constant 0 : i32
          %dma_start3A_754 = tpu.memref_slice %arg5[%sub3A_730, %dma_start3A_753] : memref<80000x128xf32, #tpu.memory_space<hbm>> -> memref<100x128xf32, #tpu.memory_space<hbm>>
          tpu.enqueue_dma source(%dma_start3A_754 : memref<100x128xf32, #tpu.memory_space<hbm>>) target(%arg13 : memref<100x128xf32, #tpu.memory_space<vmem>>) target_semaphore(%arg20 : memref<!tpu.dma_semaphore, #tpu.memory_space<semaphore_mem>>)
          %dma_start3A_755 = arith.constant 96 : i32
          %dma_start3A_756 = tpu.memref_slice %arg6[%sub3A_730, %dma_start3A_755] : memref<80000x128xf32, #tpu.memory_space<hbm>> -> memref<100x16xf32, #tpu.memory_space<hbm>>
          %dma_start3A_757 = arith.constant 96 : i32
          %dma_start3A_758 = tpu.memref_slice %arg6[%sub3A_730, %dma_start3A_757] : memref<80000x128xf32, #tpu.memory_space<hbm>> -> memref<100x16xf32, #tpu.memory_space<hbm>>
          tpu.enqueue_dma source(%dma_start3A_758 : memref<100x16xf32, #tpu.memory_space<hbm>>) target(%arg15 : memref<100x16xf32, #tpu.memory_space<vmem>>) target_semaphore(%arg20 : memref<!tpu.dma_semaphore, #tpu.memory_space<semaphore_mem>>)
        } else {
        }
      } else {
      }
      %mul3A_407 = arith.constant 500 : i32
      %mul3A_408 = arith.muli %add3A, %mul3A_407 : i32
      %mul3A_409 = arith.constant 5 : i32
      %mul3A_410 = arith.muli %add3A_399, %mul3A_409 : i32
      %add3A_411 = arith.addi %mul3A_408, %mul3A_410 : i32
      %mul3A_412 = arith.constant 20 : i32
      %mul3A_413 = arith.muli %add3A_411, %mul3A_412 : i32
      %sub3A_414 = arith.constant 0 : i32
      %sub3A_415 = arith.subi %mul3A_413, %sub3A_414 : i32
      %mul3A_416 = arith.constant 20 : i32
      %mul3A_417 = arith.muli %add3A_411, %mul3A_416 : i32
      %sub3A_418 = arith.constant 80000 : i32
      %sub3A_419 = arith.subi %mul3A_417, %sub3A_418 : i32
      %mul3A_420 = arith.constant 20 : i32
      %mul3A_421 = arith.muli %add3A_411, %mul3A_420 : i32
      %sub3A_422 = arith.constant 160000 : i32
      %sub3A_423 = arith.subi %mul3A_421, %sub3A_422 : i32
      %mul3A_424 = arith.constant 20 : i32
      %mul3A_425 = arith.muli %add3A_411, %mul3A_424 : i32
      %sub3A_426 = arith.constant 240000 : i32
      %sub3A_427 = arith.subi %mul3A_425, %sub3A_426 : i32
      %eq3A_428 = arith.constant 0 : i32
      %eq3A_429 = arith.cmpi eq, %select_n3A, %eq3A_428 : i32
      %convert_element_type3A_430 = arith.extui %eq3A_429 : i1 to i32
      %cond3A_431 = arith.constant 0 : i32
      %cond3A_432 = arith.cmpi ne, %convert_element_type3A_430, %cond3A_431 : i32
      scf.if %cond3A_432 {
        %dma_wait3A_708 = arith.constant 0 : i32
        %dma_wait3A_709 = tpu.memref_slice %arg2[%sub3A_415, %dma_wait3A_708] : memref<80000x128xf32, #tpu.memory_space<hbm>> -> memref<100x128xf32, #tpu.memory_space<hbm>>
        %dma_wait3A_710 = arith.constant 0 : i32
        %dma_wait3A_711 = tpu.memref_slice %arg2[%sub3A_415, %dma_wait3A_710] : memref<80000x128xf32, #tpu.memory_space<hbm>> -> memref<100x128xf32, #tpu.memory_space<hbm>>
        tpu.wait_dma2 semaphore(%arg21 : memref<!tpu.dma_semaphore, #tpu.memory_space<semaphore_mem>>) src(%dma_wait3A_711 : memref<100x128xf32, #tpu.memory_space<hbm>>) dst(%arg14 : memref<100x128xf32, #tpu.memory_space<vmem>>)
        %dma_wait3A_712 = arith.constant 0 : i32
        %dma_wait3A_713 = tpu.memref_slice %arg6[%sub3A_415, %dma_wait3A_712] : memref<80000x128xf32, #tpu.memory_space<hbm>> -> memref<100x16xf32, #tpu.memory_space<hbm>>
        %dma_wait3A_714 = arith.constant 0 : i32
        %dma_wait3A_715 = tpu.memref_slice %arg6[%sub3A_415, %dma_wait3A_714] : memref<80000x128xf32, #tpu.memory_space<hbm>> -> memref<100x16xf32, #tpu.memory_space<hbm>>
        tpu.wait_dma2 semaphore(%arg21 : memref<!tpu.dma_semaphore, #tpu.memory_space<semaphore_mem>>) src(%dma_wait3A_715 : memref<100x16xf32, #tpu.memory_space<hbm>>) dst(%arg16 : memref<100x16xf32, #tpu.memory_space<vmem>>)
      } else {
      }
      %eq3A_433 = arith.constant 1 : i32
      %eq3A_434 = arith.cmpi eq, %select_n3A, %eq3A_433 : i32
      %convert_element_type3A_435 = arith.extui %eq3A_434 : i1 to i32
      %cond3A_436 = arith.constant 0 : i32
      %cond3A_437 = arith.cmpi ne, %convert_element_type3A_435, %cond3A_436 : i32
      scf.if %cond3A_437 {
        %dma_wait3A_708 = arith.constant 0 : i32
        %dma_wait3A_709 = tpu.memref_slice %arg3[%sub3A_419, %dma_wait3A_708] : memref<80000x128xf32, #tpu.memory_space<hbm>> -> memref<100x128xf32, #tpu.memory_space<hbm>>
        %dma_wait3A_710 = arith.constant 0 : i32
        %dma_wait3A_711 = tpu.memref_slice %arg3[%sub3A_419, %dma_wait3A_710] : memref<80000x128xf32, #tpu.memory_space<hbm>> -> memref<100x128xf32, #tpu.memory_space<hbm>>
        tpu.wait_dma2 semaphore(%arg21 : memref<!tpu.dma_semaphore, #tpu.memory_space<semaphore_mem>>) src(%dma_wait3A_711 : memref<100x128xf32, #tpu.memory_space<hbm>>) dst(%arg14 : memref<100x128xf32, #tpu.memory_space<vmem>>)
        %dma_wait3A_712 = arith.constant 32 : i32
        %dma_wait3A_713 = tpu.memref_slice %arg6[%sub3A_419, %dma_wait3A_712] : memref<80000x128xf32, #tpu.memory_space<hbm>> -> memref<100x16xf32, #tpu.memory_space<hbm>>
        %dma_wait3A_714 = arith.constant 32 : i32
        %dma_wait3A_715 = tpu.memref_slice %arg6[%sub3A_419, %dma_wait3A_714] : memref<80000x128xf32, #tpu.memory_space<hbm>> -> memref<100x16xf32, #tpu.memory_space<hbm>>
        tpu.wait_dma2 semaphore(%arg21 : memref<!tpu.dma_semaphore, #tpu.memory_space<semaphore_mem>>) src(%dma_wait3A_715 : memref<100x16xf32, #tpu.memory_space<hbm>>) dst(%arg16 : memref<100x16xf32, #tpu.memory_space<vmem>>)
      } else {
      }
      %eq3A_438 = arith.constant 2 : i32
      %eq3A_439 = arith.cmpi eq, %select_n3A, %eq3A_438 : i32
      %convert_element_type3A_440 = arith.extui %eq3A_439 : i1 to i32
      %cond3A_441 = arith.constant 0 : i32
      %cond3A_442 = arith.cmpi ne, %convert_element_type3A_440, %cond3A_441 : i32
      scf.if %cond3A_442 {
        %dma_wait3A_708 = arith.constant 0 : i32
        %dma_wait3A_709 = tpu.memref_slice %arg4[%sub3A_423, %dma_wait3A_708] : memref<80000x128xf32, #tpu.memory_space<hbm>> -> memref<100x128xf32, #tpu.memory_space<hbm>>
        %dma_wait3A_710 = arith.constant 0 : i32
        %dma_wait3A_711 = tpu.memref_slice %arg4[%sub3A_423, %dma_wait3A_710] : memref<80000x128xf32, #tpu.memory_space<hbm>> -> memref<100x128xf32, #tpu.memory_space<hbm>>
        tpu.wait_dma2 semaphore(%arg21 : memref<!tpu.dma_semaphore, #tpu.memory_space<semaphore_mem>>) src(%dma_wait3A_711 : memref<100x128xf32, #tpu.memory_space<hbm>>) dst(%arg14 : memref<100x128xf32, #tpu.memory_space<vmem>>)
        %dma_wait3A_712 = arith.constant 64 : i32
        %dma_wait3A_713 = tpu.memref_slice %arg6[%sub3A_423, %dma_wait3A_712] : memref<80000x128xf32, #tpu.memory_space<hbm>> -> memref<100x16xf32, #tpu.memory_space<hbm>>
        %dma_wait3A_714 = arith.constant 64 : i32
        %dma_wait3A_715 = tpu.memref_slice %arg6[%sub3A_423, %dma_wait3A_714] : memref<80000x128xf32, #tpu.memory_space<hbm>> -> memref<100x16xf32, #tpu.memory_space<hbm>>
        tpu.wait_dma2 semaphore(%arg21 : memref<!tpu.dma_semaphore, #tpu.memory_space<semaphore_mem>>) src(%dma_wait3A_715 : memref<100x16xf32, #tpu.memory_space<hbm>>) dst(%arg16 : memref<100x16xf32, #tpu.memory_space<vmem>>)
      } else {
      }
      %eq3A_443 = arith.constant 3 : i32
      %eq3A_444 = arith.cmpi eq, %select_n3A, %eq3A_443 : i32
      %convert_element_type3A_445 = arith.extui %eq3A_444 : i1 to i32
      %cond3A_446 = arith.constant 0 : i32
      %cond3A_447 = arith.cmpi ne, %convert_element_type3A_445, %cond3A_446 : i32
      scf.if %cond3A_447 {
        %dma_wait3A_708 = arith.constant 0 : i32
        %dma_wait3A_709 = tpu.memref_slice %arg5[%sub3A_427, %dma_wait3A_708] : memref<80000x128xf32, #tpu.memory_space<hbm>> -> memref<100x128xf32, #tpu.memory_space<hbm>>
        %dma_wait3A_710 = arith.constant 0 : i32
        %dma_wait3A_711 = tpu.memref_slice %arg5[%sub3A_427, %dma_wait3A_710] : memref<80000x128xf32, #tpu.memory_space<hbm>> -> memref<100x128xf32, #tpu.memory_space<hbm>>
        tpu.wait_dma2 semaphore(%arg21 : memref<!tpu.dma_semaphore, #tpu.memory_space<semaphore_mem>>) src(%dma_wait3A_711 : memref<100x128xf32, #tpu.memory_space<hbm>>) dst(%arg14 : memref<100x128xf32, #tpu.memory_space<vmem>>)
        %dma_wait3A_712 = arith.constant 96 : i32
        %dma_wait3A_713 = tpu.memref_slice %arg6[%sub3A_427, %dma_wait3A_712] : memref<80000x128xf32, #tpu.memory_space<hbm>> -> memref<100x16xf32, #tpu.memory_space<hbm>>
        %dma_wait3A_714 = arith.constant 96 : i32
        %dma_wait3A_715 = tpu.memref_slice %arg6[%sub3A_427, %dma_wait3A_714] : memref<80000x128xf32, #tpu.memory_space<hbm>> -> memref<100x16xf32, #tpu.memory_space<hbm>>
        tpu.wait_dma2 semaphore(%arg21 : memref<!tpu.dma_semaphore, #tpu.memory_space<semaphore_mem>>) src(%dma_wait3A_715 : memref<100x16xf32, #tpu.memory_space<hbm>>) dst(%arg16 : memref<100x16xf32, #tpu.memory_space<vmem>>)
      } else {
      }
      %mul3A_448 = arith.constant 5 : i32
      %mul3A_449 = arith.muli %add3A_399, %mul3A_448 : i32
      %add3A_450 = arith.constant 0 : i32
      %add3A_451 = arith.addi %mul3A_449, %add3A_450 : i32
      %dma_start3A_452 = arith.constant 0 : i32
      %dma_start3A_453 = arith.constant 0 : i32
      %dma_start3A_454 = tpu.memref_slice %arg14[%dma_start3A_452, %dma_start3A_453] : memref<100x128xf32, #tpu.memory_space<vmem>> -> memref<20x128xf32, #tpu.memory_space<vmem>>
      %dma_start3A_455 = arith.constant 0 : i32
      %dma_start3A_456 = tpu.memref_slice %arg12[%add3A_451, %dma_start3A_455] : memref<500x20xi32, #tpu.memory_space<vmem>> -> memref<1x20xi32, #tpu.memory_space<vmem>>
      %dma_start3A_457 = tpu.memref_squeeze %dma_start3A_456 : memref<1x20xi32, #tpu.memory_space<vmem>> -> memref<20xi32, #tpu.memory_space<vmem>>
      %dma_start3A_458 = arith.constant 0 : i32
      %dma_start3A_459 = arith.constant 0 : i32
      %dma_start3A_460 = tpu.memref_slice %arg17[%dma_start3A_458, %dma_start3A_459] : memref<10000x128xf32, #tpu.memory_space<vmem_shared>> -> memref<10000x128xf32, #tpu.memory_space<vmem_shared>>
      tpu.enqueue_indirect_dma source(%dma_start3A_454 : memref<20x128xf32, #tpu.memory_space<vmem>>) target(%dma_start3A_460 : memref<10000x128xf32, #tpu.memory_space<vmem_shared>>) offsets(%dma_start3A_457 : memref<20xi32, #tpu.memory_space<vmem>>) semaphore(%arg23 : memref<!tpu.dma_semaphore, #tpu.memory_space<semaphore_mem>>) {add = true}
      %mul3A_461 = arith.constant 5 : i32
      %mul3A_462 = arith.muli %add3A_399, %mul3A_461 : i32
      %add3A_463 = arith.constant 0 : i32
      %add3A_464 = arith.addi %mul3A_462, %add3A_463 : i32
      %dma_start3A_465 = arith.constant 0 : i32
      %dma_start3A_466 = arith.constant 0 : i32
      %dma_start3A_467 = tpu.memref_slice %arg16[%dma_start3A_465, %dma_start3A_466] : memref<100x16xf32, #tpu.memory_space<vmem>> -> memref<20x16xf32, #tpu.memory_space<vmem>>
      %dma_start3A_468 = arith.constant 0 : i32
      %dma_start3A_469 = tpu.memref_slice %arg12[%add3A_464, %dma_start3A_468] : memref<500x20xi32, #tpu.memory_space<vmem>> -> memref<1x20xi32, #tpu.memory_space<vmem>>
      %dma_start3A_470 = tpu.memref_squeeze %dma_start3A_469 : memref<1x20xi32, #tpu.memory_space<vmem>> -> memref<20xi32, #tpu.memory_space<vmem>>
      %dma_start3A_471 = arith.constant 0 : i32
      %dma_start3A_472 = arith.constant 0 : i32
      %dma_start3A_473 = tpu.memref_slice %arg18[%dma_start3A_471, %dma_start3A_472] : memref<10000x16xf32, #tpu.memory_space<vmem_shared>> -> memref<10000x16xf32, #tpu.memory_space<vmem_shared>>
      tpu.enqueue_indirect_dma source(%dma_start3A_467 : memref<20x16xf32, #tpu.memory_space<vmem>>) target(%dma_start3A_473 : memref<10000x16xf32, #tpu.memory_space<vmem_shared>>) offsets(%dma_start3A_470 : memref<20xi32, #tpu.memory_space<vmem>>) semaphore(%arg23 : memref<!tpu.dma_semaphore, #tpu.memory_space<semaphore_mem>>) {add = true}
      %mul3A_474 = arith.constant 5 : i32
      %mul3A_475 = arith.muli %add3A_399, %mul3A_474 : i32
      %add3A_476 = arith.constant 1 : i32
      %add3A_477 = arith.addi %mul3A_475, %add3A_476 : i32
      %dma_start3A_478 = arith.constant 20 : i32
      %dma_start3A_479 = arith.constant 0 : i32
      %dma_start3A_480 = tpu.memref_slice %arg14[%dma_start3A_478, %dma_start3A_479] : memref<100x128xf32, #tpu.memory_space<vmem>> -> memref<20x128xf32, #tpu.memory_space<vmem>>
      %dma_start3A_481 = arith.constant 0 : i32
      %dma_start3A_482 = tpu.memref_slice %arg12[%add3A_477, %dma_start3A_481] : memref<500x20xi32, #tpu.memory_space<vmem>> -> memref<1x20xi32, #tpu.memory_space<vmem>>
      %dma_start3A_483 = tpu.memref_squeeze %dma_start3A_482 : memref<1x20xi32, #tpu.memory_space<vmem>> -> memref<20xi32, #tpu.memory_space<vmem>>
      %dma_start3A_484 = arith.constant 0 : i32
      %dma_start3A_485 = arith.constant 0 : i32
      %dma_start3A_486 = tpu.memref_slice %arg17[%dma_start3A_484, %dma_start3A_485] : memref<10000x128xf32, #tpu.memory_space<vmem_shared>> -> memref<10000x128xf32, #tpu.memory_space<vmem_shared>>
      tpu.enqueue_indirect_dma source(%dma_start3A_480 : memref<20x128xf32, #tpu.memory_space<vmem>>) target(%dma_start3A_486 : memref<10000x128xf32, #tpu.memory_space<vmem_shared>>) offsets(%dma_start3A_483 : memref<20xi32, #tpu.memory_space<vmem>>) semaphore(%arg23 : memref<!tpu.dma_semaphore, #tpu.memory_space<semaphore_mem>>) {add = true}
      %mul3A_487 = arith.constant 5 : i32
      %mul3A_488 = arith.muli %add3A_399, %mul3A_487 : i32
      %add3A_489 = arith.constant 1 : i32
      %add3A_490 = arith.addi %mul3A_488, %add3A_489 : i32
      %dma_start3A_491 = arith.constant 20 : i32
      %dma_start3A_492 = arith.constant 0 : i32
      %dma_start3A_493 = tpu.memref_slice %arg16[%dma_start3A_491, %dma_start3A_492] : memref<100x16xf32, #tpu.memory_space<vmem>> -> memref<20x16xf32, #tpu.memory_space<vmem>>
      %dma_start3A_494 = arith.constant 0 : i32
      %dma_start3A_495 = tpu.memref_slice %arg12[%add3A_490, %dma_start3A_494] : memref<500x20xi32, #tpu.memory_space<vmem>> -> memref<1x20xi32, #tpu.memory_space<vmem>>
      %dma_start3A_496 = tpu.memref_squeeze %dma_start3A_495 : memref<1x20xi32, #tpu.memory_space<vmem>> -> memref<20xi32, #tpu.memory_space<vmem>>
      %dma_start3A_497 = arith.constant 0 : i32
      %dma_start3A_498 = arith.constant 0 : i32
      %dma_start3A_499 = tpu.memref_slice %arg18[%dma_start3A_497, %dma_start3A_498] : memref<10000x16xf32, #tpu.memory_space<vmem_shared>> -> memref<10000x16xf32, #tpu.memory_space<vmem_shared>>
      tpu.enqueue_indirect_dma source(%dma_start3A_493 : memref<20x16xf32, #tpu.memory_space<vmem>>) target(%dma_start3A_499 : memref<10000x16xf32, #tpu.memory_space<vmem_shared>>) offsets(%dma_start3A_496 : memref<20xi32, #tpu.memory_space<vmem>>) semaphore(%arg23 : memref<!tpu.dma_semaphore, #tpu.memory_space<semaphore_mem>>) {add = true}
      %mul3A_500 = arith.constant 5 : i32
      %mul3A_501 = arith.muli %add3A_399, %mul3A_500 : i32
      %add3A_502 = arith.constant 2 : i32
      %add3A_503 = arith.addi %mul3A_501, %add3A_502 : i32
      %dma_start3A_504 = arith.constant 40 : i32
      %dma_start3A_505 = arith.constant 0 : i32
      %dma_start3A_506 = tpu.memref_slice %arg14[%dma_start3A_504, %dma_start3A_505] : memref<100x128xf32, #tpu.memory_space<vmem>> -> memref<20x128xf32, #tpu.memory_space<vmem>>
      %dma_start3A_507 = arith.constant 0 : i32
      %dma_start3A_508 = tpu.memref_slice %arg12[%add3A_503, %dma_start3A_507] : memref<500x20xi32, #tpu.memory_space<vmem>> -> memref<1x20xi32, #tpu.memory_space<vmem>>
      %dma_start3A_509 = tpu.memref_squeeze %dma_start3A_508 : memref<1x20xi32, #tpu.memory_space<vmem>> -> memref<20xi32, #tpu.memory_space<vmem>>
      %dma_start3A_510 = arith.constant 0 : i32
      %dma_start3A_511 = arith.constant 0 : i32
      %dma_start3A_512 = tpu.memref_slice %arg17[%dma_start3A_510, %dma_start3A_511] : memref<10000x128xf32, #tpu.memory_space<vmem_shared>> -> memref<10000x128xf32, #tpu.memory_space<vmem_shared>>
      tpu.enqueue_indirect_dma source(%dma_start3A_506 : memref<20x128xf32, #tpu.memory_space<vmem>>) target(%dma_start3A_512 : memref<10000x128xf32, #tpu.memory_space<vmem_shared>>) offsets(%dma_start3A_509 : memref<20xi32, #tpu.memory_space<vmem>>) semaphore(%arg23 : memref<!tpu.dma_semaphore, #tpu.memory_space<semaphore_mem>>) {add = true}
      %mul3A_513 = arith.constant 5 : i32
      %mul3A_514 = arith.muli %add3A_399, %mul3A_513 : i32
      %add3A_515 = arith.constant 2 : i32
      %add3A_516 = arith.addi %mul3A_514, %add3A_515 : i32
      %dma_start3A_517 = arith.constant 40 : i32
      %dma_start3A_518 = arith.constant 0 : i32
      %dma_start3A_519 = tpu.memref_slice %arg16[%dma_start3A_517, %dma_start3A_518] : memref<100x16xf32, #tpu.memory_space<vmem>> -> memref<20x16xf32, #tpu.memory_space<vmem>>
      %dma_start3A_520 = arith.constant 0 : i32
      %dma_start3A_521 = tpu.memref_slice %arg12[%add3A_516, %dma_start3A_520] : memref<500x20xi32, #tpu.memory_space<vmem>> -> memref<1x20xi32, #tpu.memory_space<vmem>>
      %dma_start3A_522 = tpu.memref_squeeze %dma_start3A_521 : memref<1x20xi32, #tpu.memory_space<vmem>> -> memref<20xi32, #tpu.memory_space<vmem>>
      %dma_start3A_523 = arith.constant 0 : i32
      %dma_start3A_524 = arith.constant 0 : i32
      %dma_start3A_525 = tpu.memref_slice %arg18[%dma_start3A_523, %dma_start3A_524] : memref<10000x16xf32, #tpu.memory_space<vmem_shared>> -> memref<10000x16xf32, #tpu.memory_space<vmem_shared>>
      tpu.enqueue_indirect_dma source(%dma_start3A_519 : memref<20x16xf32, #tpu.memory_space<vmem>>) target(%dma_start3A_525 : memref<10000x16xf32, #tpu.memory_space<vmem_shared>>) offsets(%dma_start3A_522 : memref<20xi32, #tpu.memory_space<vmem>>) semaphore(%arg23 : memref<!tpu.dma_semaphore, #tpu.memory_space<semaphore_mem>>) {add = true}
      %mul3A_526 = arith.constant 5 : i32
      %mul3A_527 = arith.muli %add3A_399, %mul3A_526 : i32
      %add3A_528 = arith.constant 3 : i32
      %add3A_529 = arith.addi %mul3A_527, %add3A_528 : i32
      %dma_start3A_530 = arith.constant 60 : i32
      %dma_start3A_531 = arith.constant 0 : i32
      %dma_start3A_532 = tpu.memref_slice %arg14[%dma_start3A_530, %dma_start3A_531] : memref<100x128xf32, #tpu.memory_space<vmem>> -> memref<20x128xf32, #tpu.memory_space<vmem>>
      %dma_start3A_533 = arith.constant 0 : i32
      %dma_start3A_534 = tpu.memref_slice %arg12[%add3A_529, %dma_start3A_533] : memref<500x20xi32, #tpu.memory_space<vmem>> -> memref<1x20xi32, #tpu.memory_space<vmem>>
      %dma_start3A_535 = tpu.memref_squeeze %dma_start3A_534 : memref<1x20xi32, #tpu.memory_space<vmem>> -> memref<20xi32, #tpu.memory_space<vmem>>
      %dma_start3A_536 = arith.constant 0 : i32
      %dma_start3A_537 = arith.constant 0 : i32
      %dma_start3A_538 = tpu.memref_slice %arg17[%dma_start3A_536, %dma_start3A_537] : memref<10000x128xf32, #tpu.memory_space<vmem_shared>> -> memref<10000x128xf32, #tpu.memory_space<vmem_shared>>
      tpu.enqueue_indirect_dma source(%dma_start3A_532 : memref<20x128xf32, #tpu.memory_space<vmem>>) target(%dma_start3A_538 : memref<10000x128xf32, #tpu.memory_space<vmem_shared>>) offsets(%dma_start3A_535 : memref<20xi32, #tpu.memory_space<vmem>>) semaphore(%arg23 : memref<!tpu.dma_semaphore, #tpu.memory_space<semaphore_mem>>) {add = true}
      %mul3A_539 = arith.constant 5 : i32
      %mul3A_540 = arith.muli %add3A_399, %mul3A_539 : i32
      %add3A_541 = arith.constant 3 : i32
      %add3A_542 = arith.addi %mul3A_540, %add3A_541 : i32
      %dma_start3A_543 = arith.constant 60 : i32
      %dma_start3A_544 = arith.constant 0 : i32
      %dma_start3A_545 = tpu.memref_slice %arg16[%dma_start3A_543, %dma_start3A_544] : memref<100x16xf32, #tpu.memory_space<vmem>> -> memref<20x16xf32, #tpu.memory_space<vmem>>
      %dma_start3A_546 = arith.constant 0 : i32
      %dma_start3A_547 = tpu.memref_slice %arg12[%add3A_542, %dma_start3A_546] : memref<500x20xi32, #tpu.memory_space<vmem>> -> memref<1x20xi32, #tpu.memory_space<vmem>>
      %dma_start3A_548 = tpu.memref_squeeze %dma_start3A_547 : memref<1x20xi32, #tpu.memory_space<vmem>> -> memref<20xi32, #tpu.memory_space<vmem>>
      %dma_start3A_549 = arith.constant 0 : i32
      %dma_start3A_550 = arith.constant 0 : i32
      %dma_start3A_551 = tpu.memref_slice %arg18[%dma_start3A_549, %dma_start3A_550] : memref<10000x16xf32, #tpu.memory_space<vmem_shared>> -> memref<10000x16xf32, #tpu.memory_space<vmem_shared>>
      tpu.enqueue_indirect_dma source(%dma_start3A_545 : memref<20x16xf32, #tpu.memory_space<vmem>>) target(%dma_start3A_551 : memref<10000x16xf32, #tpu.memory_space<vmem_shared>>) offsets(%dma_start3A_548 : memref<20xi32, #tpu.memory_space<vmem>>) semaphore(%arg23 : memref<!tpu.dma_semaphore, #tpu.memory_space<semaphore_mem>>) {add = true}
      %mul3A_552 = arith.constant 5 : i32
      %mul3A_553 = arith.muli %add3A_399, %mul3A_552 : i32
      %add3A_554 = arith.constant 4 : i32
      %add3A_555 = arith.addi %mul3A_553, %add3A_554 : i32
      %dma_start3A_556 = arith.constant 80 : i32
      %dma_start3A_557 = arith.constant 0 : i32
      %dma_start3A_558 = tpu.memref_slice %arg14[%dma_start3A_556, %dma_start3A_557] : memref<100x128xf32, #tpu.memory_space<vmem>> -> memref<20x128xf32, #tpu.memory_space<vmem>>
      %dma_start3A_559 = arith.constant 0 : i32
      %dma_start3A_560 = tpu.memref_slice %arg12[%add3A_555, %dma_start3A_559] : memref<500x20xi32, #tpu.memory_space<vmem>> -> memref<1x20xi32, #tpu.memory_space<vmem>>
      %dma_start3A_561 = tpu.memref_squeeze %dma_start3A_560 : memref<1x20xi32, #tpu.memory_space<vmem>> -> memref<20xi32, #tpu.memory_space<vmem>>
      %dma_start3A_562 = arith.constant 0 : i32
      %dma_start3A_563 = arith.constant 0 : i32
      %dma_start3A_564 = tpu.memref_slice %arg17[%dma_start3A_562, %dma_start3A_563] : memref<10000x128xf32, #tpu.memory_space<vmem_shared>> -> memref<10000x128xf32, #tpu.memory_space<vmem_shared>>
      tpu.enqueue_indirect_dma source(%dma_start3A_558 : memref<20x128xf32, #tpu.memory_space<vmem>>) target(%dma_start3A_564 : memref<10000x128xf32, #tpu.memory_space<vmem_shared>>) offsets(%dma_start3A_561 : memref<20xi32, #tpu.memory_space<vmem>>) semaphore(%arg23 : memref<!tpu.dma_semaphore, #tpu.memory_space<semaphore_mem>>) {add = true}
      %mul3A_565 = arith.constant 5 : i32
      %mul3A_566 = arith.muli %add3A_399, %mul3A_565 : i32
      %add3A_567 = arith.constant 4 : i32
      %add3A_568 = arith.addi %mul3A_566, %add3A_567 : i32
      %dma_start3A_569 = arith.constant 80 : i32
      %dma_start3A_570 = arith.constant 0 : i32
      %dma_start3A_571 = tpu.memref_slice %arg16[%dma_start3A_569, %dma_start3A_570] : memref<100x16xf32, #tpu.memory_space<vmem>> -> memref<20x16xf32, #tpu.memory_space<vmem>>
      %dma_start3A_572 = arith.constant 0 : i32
      %dma_start3A_573 = tpu.memref_slice %arg12[%add3A_568, %dma_start3A_572] : memref<500x20xi32, #tpu.memory_space<vmem>> -> memref<1x20xi32, #tpu.memory_space<vmem>>
      %dma_start3A_574 = tpu.memref_squeeze %dma_start3A_573 : memref<1x20xi32, #tpu.memory_space<vmem>> -> memref<20xi32, #tpu.memory_space<vmem>>
      %dma_start3A_575 = arith.constant 0 : i32
      %dma_start3A_576 = arith.constant 0 : i32
      %dma_start3A_577 = tpu.memref_slice %arg18[%dma_start3A_575, %dma_start3A_576] : memref<10000x16xf32, #tpu.memory_space<vmem_shared>> -> memref<10000x16xf32, #tpu.memory_space<vmem_shared>>
      tpu.enqueue_indirect_dma source(%dma_start3A_571 : memref<20x16xf32, #tpu.memory_space<vmem>>) target(%dma_start3A_577 : memref<10000x16xf32, #tpu.memory_space<vmem_shared>>) offsets(%dma_start3A_574 : memref<20xi32, #tpu.memory_space<vmem>>) semaphore(%arg23 : memref<!tpu.dma_semaphore, #tpu.memory_space<semaphore_mem>>) {add = true}
      %mul3A_578 = arith.constant 5 : i32
      %mul3A_579 = arith.muli %add3A_399, %mul3A_578 : i32
      %add3A_580 = arith.constant 0 : i32
      %add3A_581 = arith.addi %mul3A_579, %add3A_580 : i32
      %mul3A_582 = arith.constant 5 : i32
      %mul3A_583 = arith.muli %add3A_399, %mul3A_582 : i32
      %add3A_584 = arith.constant 1 : i32
      %add3A_585 = arith.addi %mul3A_583, %add3A_584 : i32
      %mul3A_586 = arith.constant 5 : i32
      %mul3A_587 = arith.muli %add3A_399, %mul3A_586 : i32
      %add3A_588 = arith.constant 2 : i32
      %add3A_589 = arith.addi %mul3A_587, %add3A_588 : i32
      %mul3A_590 = arith.constant 5 : i32
      %mul3A_591 = arith.muli %add3A_399, %mul3A_590 : i32
      %add3A_592 = arith.constant 3 : i32
      %add3A_593 = arith.addi %mul3A_591, %add3A_592 : i32
      %mul3A_594 = arith.constant 5 : i32
      %mul3A_595 = arith.muli %add3A_399, %mul3A_594 : i32
      %add3A_596 = arith.constant 4 : i32
      %add3A_597 = arith.addi %mul3A_595, %add3A_596 : i32
      %mul3A_598 = arith.constant 5 : i32
      %mul3A_599 = arith.muli %add3A_399, %mul3A_598 : i32
      %add3A_600 = arith.constant 0 : i32
      %add3A_601 = arith.addi %mul3A_599, %add3A_600 : i32
      %mul3A_602 = arith.constant 5 : i32
      %mul3A_603 = arith.muli %add3A_399, %mul3A_602 : i32
      %add3A_604 = arith.constant 1 : i32
      %add3A_605 = arith.addi %mul3A_603, %add3A_604 : i32
      %mul3A_606 = arith.constant 5 : i32
      %mul3A_607 = arith.muli %add3A_399, %mul3A_606 : i32
      %add3A_608 = arith.constant 2 : i32
      %add3A_609 = arith.addi %mul3A_607, %add3A_608 : i32
      %mul3A_610 = arith.constant 5 : i32
      %mul3A_611 = arith.muli %add3A_399, %mul3A_610 : i32
      %add3A_612 = arith.constant 3 : i32
      %add3A_613 = arith.addi %mul3A_611, %add3A_612 : i32
      %mul3A_614 = arith.constant 5 : i32
      %mul3A_615 = arith.muli %add3A_399, %mul3A_614 : i32
      %add3A_616 = arith.constant 4 : i32
      %add3A_617 = arith.addi %mul3A_615, %add3A_616 : i32
      %dma_wait3A_618 = arith.constant 0 : i32
      %dma_wait3A_619 = arith.constant 0 : i32
      %dma_wait3A_620 = tpu.memref_slice %arg14[%dma_wait3A_618, %dma_wait3A_619] : memref<100x128xf32, #tpu.memory_space<vmem>> -> memref<20x128xf32, #tpu.memory_space<vmem>>
      %dma_wait3A_621 = arith.constant 0 : i32
      %dma_wait3A_622 = tpu.memref_slice %arg12[%add3A_581, %dma_wait3A_621] : memref<500x20xi32, #tpu.memory_space<vmem>> -> memref<1x20xi32, #tpu.memory_space<vmem>>
      %dma_wait3A_623 = tpu.memref_squeeze %dma_wait3A_622 : memref<1x20xi32, #tpu.memory_space<vmem>> -> memref<20xi32, #tpu.memory_space<vmem>>
      %dma_wait3A_624 = arith.constant 0 : i32
      %dma_wait3A_625 = arith.constant 0 : i32
      %dma_wait3A_626 = tpu.memref_slice %arg17[%dma_wait3A_624, %dma_wait3A_625] : memref<10000x128xf32, #tpu.memory_space<vmem_shared>> -> memref<10000x128xf32, #tpu.memory_space<vmem_shared>>
      tpu.wait_indirect_dma semaphore(%arg23 : memref<!tpu.dma_semaphore, #tpu.memory_space<semaphore_mem>>) src(%dma_wait3A_620 : memref<20x128xf32, #tpu.memory_space<vmem>>) dst(%dma_wait3A_626 : memref<10000x128xf32, #tpu.memory_space<vmem_shared>>)
      %dma_wait3A_627 = arith.constant 20 : i32
      %dma_wait3A_628 = arith.constant 0 : i32
      %dma_wait3A_629 = tpu.memref_slice %arg14[%dma_wait3A_627, %dma_wait3A_628] : memref<100x128xf32, #tpu.memory_space<vmem>> -> memref<20x128xf32, #tpu.memory_space<vmem>>
      %dma_wait3A_630 = arith.constant 0 : i32
      %dma_wait3A_631 = tpu.memref_slice %arg12[%add3A_585, %dma_wait3A_630] : memref<500x20xi32, #tpu.memory_space<vmem>> -> memref<1x20xi32, #tpu.memory_space<vmem>>
      %dma_wait3A_632 = tpu.memref_squeeze %dma_wait3A_631 : memref<1x20xi32, #tpu.memory_space<vmem>> -> memref<20xi32, #tpu.memory_space<vmem>>
      %dma_wait3A_633 = arith.constant 0 : i32
      %dma_wait3A_634 = arith.constant 0 : i32
      %dma_wait3A_635 = tpu.memref_slice %arg17[%dma_wait3A_633, %dma_wait3A_634] : memref<10000x128xf32, #tpu.memory_space<vmem_shared>> -> memref<10000x128xf32, #tpu.memory_space<vmem_shared>>
      tpu.wait_indirect_dma semaphore(%arg23 : memref<!tpu.dma_semaphore, #tpu.memory_space<semaphore_mem>>) src(%dma_wait3A_629 : memref<20x128xf32, #tpu.memory_space<vmem>>) dst(%dma_wait3A_635 : memref<10000x128xf32, #tpu.memory_space<vmem_shared>>)
      %dma_wait3A_636 = arith.constant 40 : i32
      %dma_wait3A_637 = arith.constant 0 : i32
      %dma_wait3A_638 = tpu.memref_slice %arg14[%dma_wait3A_636, %dma_wait3A_637] : memref<100x128xf32, #tpu.memory_space<vmem>> -> memref<20x128xf32, #tpu.memory_space<vmem>>
      %dma_wait3A_639 = arith.constant 0 : i32
      %dma_wait3A_640 = tpu.memref_slice %arg12[%add3A_589, %dma_wait3A_639] : memref<500x20xi32, #tpu.memory_space<vmem>> -> memref<1x20xi32, #tpu.memory_space<vmem>>
      %dma_wait3A_641 = tpu.memref_squeeze %dma_wait3A_640 : memref<1x20xi32, #tpu.memory_space<vmem>> -> memref<20xi32, #tpu.memory_space<vmem>>
      %dma_wait3A_642 = arith.constant 0 : i32
      %dma_wait3A_643 = arith.constant 0 : i32
      %dma_wait3A_644 = tpu.memref_slice %arg17[%dma_wait3A_642, %dma_wait3A_643] : memref<10000x128xf32, #tpu.memory_space<vmem_shared>> -> memref<10000x128xf32, #tpu.memory_space<vmem_shared>>
      tpu.wait_indirect_dma semaphore(%arg23 : memref<!tpu.dma_semaphore, #tpu.memory_space<semaphore_mem>>) src(%dma_wait3A_638 : memref<20x128xf32, #tpu.memory_space<vmem>>) dst(%dma_wait3A_644 : memref<10000x128xf32, #tpu.memory_space<vmem_shared>>)
      %dma_wait3A_645 = arith.constant 60 : i32
      %dma_wait3A_646 = arith.constant 0 : i32
      %dma_wait3A_647 = tpu.memref_slice %arg14[%dma_wait3A_645, %dma_wait3A_646] : memref<100x128xf32, #tpu.memory_space<vmem>> -> memref<20x128xf32, #tpu.memory_space<vmem>>
      %dma_wait3A_648 = arith.constant 0 : i32
      %dma_wait3A_649 = tpu.memref_slice %arg12[%add3A_593, %dma_wait3A_648] : memref<500x20xi32, #tpu.memory_space<vmem>> -> memref<1x20xi32, #tpu.memory_space<vmem>>
      %dma_wait3A_650 = tpu.memref_squeeze %dma_wait3A_649 : memref<1x20xi32, #tpu.memory_space<vmem>> -> memref<20xi32, #tpu.memory_space<vmem>>
      %dma_wait3A_651 = arith.constant 0 : i32
      %dma_wait3A_652 = arith.constant 0 : i32
      %dma_wait3A_653 = tpu.memref_slice %arg17[%dma_wait3A_651, %dma_wait3A_652] : memref<10000x128xf32, #tpu.memory_space<vmem_shared>> -> memref<10000x128xf32, #tpu.memory_space<vmem_shared>>
      tpu.wait_indirect_dma semaphore(%arg23 : memref<!tpu.dma_semaphore, #tpu.memory_space<semaphore_mem>>) src(%dma_wait3A_647 : memref<20x128xf32, #tpu.memory_space<vmem>>) dst(%dma_wait3A_653 : memref<10000x128xf32, #tpu.memory_space<vmem_shared>>)
      %dma_wait3A_654 = arith.constant 80 : i32
      %dma_wait3A_655 = arith.constant 0 : i32
      %dma_wait3A_656 = tpu.memref_slice %arg14[%dma_wait3A_654, %dma_wait3A_655] : memref<100x128xf32, #tpu.memory_space<vmem>> -> memref<20x128xf32, #tpu.memory_space<vmem>>
      %dma_wait3A_657 = arith.constant 0 : i32
      %dma_wait3A_658 = tpu.memref_slice %arg12[%add3A_597, %dma_wait3A_657] : memref<500x20xi32, #tpu.memory_space<vmem>> -> memref<1x20xi32, #tpu.memory_space<vmem>>
      %dma_wait3A_659 = tpu.memref_squeeze %dma_wait3A_658 : memref<1x20xi32, #tpu.memory_space<vmem>> -> memref<20xi32, #tpu.memory_space<vmem>>
      %dma_wait3A_660 = arith.constant 0 : i32
      %dma_wait3A_661 = arith.constant 0 : i32
      %dma_wait3A_662 = tpu.memref_slice %arg17[%dma_wait3A_660, %dma_wait3A_661] : memref<10000x128xf32, #tpu.memory_space<vmem_shared>> -> memref<10000x128xf32, #tpu.memory_space<vmem_shared>>
      tpu.wait_indirect_dma semaphore(%arg23 : memref<!tpu.dma_semaphore, #tpu.memory_space<semaphore_mem>>) src(%dma_wait3A_656 : memref<20x128xf32, #tpu.memory_space<vmem>>) dst(%dma_wait3A_662 : memref<10000x128xf32, #tpu.memory_space<vmem_shared>>)
      %dma_wait3A_663 = arith.constant 0 : i32
      %dma_wait3A_664 = arith.constant 0 : i32
      %dma_wait3A_665 = tpu.memref_slice %arg16[%dma_wait3A_663, %dma_wait3A_664] : memref<100x16xf32, #tpu.memory_space<vmem>> -> memref<20x16xf32, #tpu.memory_space<vmem>>
      %dma_wait3A_666 = arith.constant 0 : i32
      %dma_wait3A_667 = tpu.memref_slice %arg12[%add3A_601, %dma_wait3A_666] : memref<500x20xi32, #tpu.memory_space<vmem>> -> memref<1x20xi32, #tpu.memory_space<vmem>>
      %dma_wait3A_668 = tpu.memref_squeeze %dma_wait3A_667 : memref<1x20xi32, #tpu.memory_space<vmem>> -> memref<20xi32, #tpu.memory_space<vmem>>
      %dma_wait3A_669 = arith.constant 0 : i32
      %dma_wait3A_670 = arith.constant 0 : i32
      %dma_wait3A_671 = tpu.memref_slice %arg18[%dma_wait3A_669, %dma_wait3A_670] : memref<10000x16xf32, #tpu.memory_space<vmem_shared>> -> memref<10000x16xf32, #tpu.memory_space<vmem_shared>>
      tpu.wait_indirect_dma semaphore(%arg23 : memref<!tpu.dma_semaphore, #tpu.memory_space<semaphore_mem>>) src(%dma_wait3A_665 : memref<20x16xf32, #tpu.memory_space<vmem>>) dst(%dma_wait3A_671 : memref<10000x16xf32, #tpu.memory_space<vmem_shared>>)
      %dma_wait3A_672 = arith.constant 20 : i32
      %dma_wait3A_673 = arith.constant 0 : i32
      %dma_wait3A_674 = tpu.memref_slice %arg16[%dma_wait3A_672, %dma_wait3A_673] : memref<100x16xf32, #tpu.memory_space<vmem>> -> memref<20x16xf32, #tpu.memory_space<vmem>>
      %dma_wait3A_675 = arith.constant 0 : i32
      %dma_wait3A_676 = tpu.memref_slice %arg12[%add3A_605, %dma_wait3A_675] : memref<500x20xi32, #tpu.memory_space<vmem>> -> memref<1x20xi32, #tpu.memory_space<vmem>>
      %dma_wait3A_677 = tpu.memref_squeeze %dma_wait3A_676 : memref<1x20xi32, #tpu.memory_space<vmem>> -> memref<20xi32, #tpu.memory_space<vmem>>
      %dma_wait3A_678 = arith.constant 0 : i32
      %dma_wait3A_679 = arith.constant 0 : i32
      %dma_wait3A_680 = tpu.memref_slice %arg18[%dma_wait3A_678, %dma_wait3A_679] : memref<10000x16xf32, #tpu.memory_space<vmem_shared>> -> memref<10000x16xf32, #tpu.memory_space<vmem_shared>>
      tpu.wait_indirect_dma semaphore(%arg23 : memref<!tpu.dma_semaphore, #tpu.memory_space<semaphore_mem>>) src(%dma_wait3A_674 : memref<20x16xf32, #tpu.memory_space<vmem>>) dst(%dma_wait3A_680 : memref<10000x16xf32, #tpu.memory_space<vmem_shared>>)
      %dma_wait3A_681 = arith.constant 40 : i32
      %dma_wait3A_682 = arith.constant 0 : i32
      %dma_wait3A_683 = tpu.memref_slice %arg16[%dma_wait3A_681, %dma_wait3A_682] : memref<100x16xf32, #tpu.memory_space<vmem>> -> memref<20x16xf32, #tpu.memory_space<vmem>>
      %dma_wait3A_684 = arith.constant 0 : i32
      %dma_wait3A_685 = tpu.memref_slice %arg12[%add3A_609, %dma_wait3A_684] : memref<500x20xi32, #tpu.memory_space<vmem>> -> memref<1x20xi32, #tpu.memory_space<vmem>>
      %dma_wait3A_686 = tpu.memref_squeeze %dma_wait3A_685 : memref<1x20xi32, #tpu.memory_space<vmem>> -> memref<20xi32, #tpu.memory_space<vmem>>
      %dma_wait3A_687 = arith.constant 0 : i32
      %dma_wait3A_688 = arith.constant 0 : i32
      %dma_wait3A_689 = tpu.memref_slice %arg18[%dma_wait3A_687, %dma_wait3A_688] : memref<10000x16xf32, #tpu.memory_space<vmem_shared>> -> memref<10000x16xf32, #tpu.memory_space<vmem_shared>>
      tpu.wait_indirect_dma semaphore(%arg23 : memref<!tpu.dma_semaphore, #tpu.memory_space<semaphore_mem>>) src(%dma_wait3A_683 : memref<20x16xf32, #tpu.memory_space<vmem>>) dst(%dma_wait3A_689 : memref<10000x16xf32, #tpu.memory_space<vmem_shared>>)
      %dma_wait3A_690 = arith.constant 60 : i32
      %dma_wait3A_691 = arith.constant 0 : i32
      %dma_wait3A_692 = tpu.memref_slice %arg16[%dma_wait3A_690, %dma_wait3A_691] : memref<100x16xf32, #tpu.memory_space<vmem>> -> memref<20x16xf32, #tpu.memory_space<vmem>>
      %dma_wait3A_693 = arith.constant 0 : i32
      %dma_wait3A_694 = tpu.memref_slice %arg12[%add3A_613, %dma_wait3A_693] : memref<500x20xi32, #tpu.memory_space<vmem>> -> memref<1x20xi32, #tpu.memory_space<vmem>>
      %dma_wait3A_695 = tpu.memref_squeeze %dma_wait3A_694 : memref<1x20xi32, #tpu.memory_space<vmem>> -> memref<20xi32, #tpu.memory_space<vmem>>
      %dma_wait3A_696 = arith.constant 0 : i32
      %dma_wait3A_697 = arith.constant 0 : i32
      %dma_wait3A_698 = tpu.memref_slice %arg18[%dma_wait3A_696, %dma_wait3A_697] : memref<10000x16xf32, #tpu.memory_space<vmem_shared>> -> memref<10000x16xf32, #tpu.memory_space<vmem_shared>>
      tpu.wait_indirect_dma semaphore(%arg23 : memref<!tpu.dma_semaphore, #tpu.memory_space<semaphore_mem>>) src(%dma_wait3A_692 : memref<20x16xf32, #tpu.memory_space<vmem>>) dst(%dma_wait3A_698 : memref<10000x16xf32, #tpu.memory_space<vmem_shared>>)
      %dma_wait3A_699 = arith.constant 80 : i32
      %dma_wait3A_700 = arith.constant 0 : i32
      %dma_wait3A_701 = tpu.memref_slice %arg16[%dma_wait3A_699, %dma_wait3A_700] : memref<100x16xf32, #tpu.memory_space<vmem>> -> memref<20x16xf32, #tpu.memory_space<vmem>>
      %dma_wait3A_702 = arith.constant 0 : i32
      %dma_wait3A_703 = tpu.memref_slice %arg12[%add3A_617, %dma_wait3A_702] : memref<500x20xi32, #tpu.memory_space<vmem>> -> memref<1x20xi32, #tpu.memory_space<vmem>>
      %dma_wait3A_704 = tpu.memref_squeeze %dma_wait3A_703 : memref<1x20xi32, #tpu.memory_space<vmem>> -> memref<20xi32, #tpu.memory_space<vmem>>
      %dma_wait3A_705 = arith.constant 0 : i32
      %dma_wait3A_706 = arith.constant 0 : i32
      %dma_wait3A_707 = tpu.memref_slice %arg18[%dma_wait3A_705, %dma_wait3A_706] : memref<10000x16xf32, #tpu.memory_space<vmem_shared>> -> memref<10000x16xf32, #tpu.memory_space<vmem_shared>>
      tpu.wait_indirect_dma semaphore(%arg23 : memref<!tpu.dma_semaphore, #tpu.memory_space<semaphore_mem>>) src(%dma_wait3A_701 : memref<20x16xf32, #tpu.memory_space<vmem>>) dst(%dma_wait3A_707 : memref<10000x16xf32, #tpu.memory_space<vmem_shared>>)
    }
    %scan3A_74 = arith.constant 50 : i32
    %barrier3A_75 = arith.constant 0 : index
    tpu.barrier barrier_id(%barrier3A_75)
    %mul3A_76 = arith.constant 625 : i32
    %mul3A_77 = arith.muli %arg1, %mul3A_76 : i32
    %mul3A_78 = arith.constant 625 : i32
    %mul3A_79 = arith.muli %arg1, %mul3A_78 : i32
    "tpu.region"() ({
      %run_scoped3A = tpu.sem_alloc : memref<!tpu.dma_semaphore, #tpu.memory_space<semaphore_mem>>
      %dma_start3A_84 = arith.constant 0 : i32
      %dma_start3A_85 = tpu.memref_slice %arg10[%arg0, %mul3A_79, %dma_start3A_84] : memref<2x10000x128xf32, #tpu.memory_space<hbm>> -> memref<1x625x128xf32, #tpu.memory_space<hbm>>
      %dma_start3A_86 = tpu.memref_squeeze %dma_start3A_85 : memref<1x625x128xf32, #tpu.memory_space<hbm>> -> memref<625x128xf32, #tpu.memory_space<hbm>>
      %dma_start3A_87 = arith.constant 0 : i32
      %dma_start3A_88 = tpu.memref_slice %arg17[%mul3A_77, %dma_start3A_87] : memref<10000x128xf32, #tpu.memory_space<vmem_shared>> -> memref<625x128xf32, #tpu.memory_space<vmem_shared>>
      tpu.enqueue_dma source(%dma_start3A_88 : memref<625x128xf32, #tpu.memory_space<vmem_shared>>) target(%dma_start3A_86 : memref<625x128xf32, #tpu.memory_space<hbm>>) target_semaphore(%run_scoped3A : memref<!tpu.dma_semaphore, #tpu.memory_space<semaphore_mem>>)
      %dma_wait3A_89 = arith.constant 0 : i32
      %dma_wait3A_90 = tpu.memref_slice %arg10[%arg0, %mul3A_79, %dma_wait3A_89] : memref<2x10000x128xf32, #tpu.memory_space<hbm>> -> memref<1x625x128xf32, #tpu.memory_space<hbm>>
      %dma_wait3A_91 = tpu.memref_squeeze %dma_wait3A_90 : memref<1x625x128xf32, #tpu.memory_space<hbm>> -> memref<625x128xf32, #tpu.memory_space<hbm>>
      %dma_wait3A_92 = arith.constant 0 : i32
      %dma_wait3A_93 = tpu.memref_slice %arg17[%mul3A_77, %dma_wait3A_92] : memref<10000x128xf32, #tpu.memory_space<vmem_shared>> -> memref<625x128xf32, #tpu.memory_space<vmem_shared>>
      tpu.wait_dma2 semaphore(%run_scoped3A : memref<!tpu.dma_semaphore, #tpu.memory_space<semaphore_mem>>) src(%dma_wait3A_93 : memref<625x128xf32, #tpu.memory_space<vmem_shared>>) dst(%dma_wait3A_91 : memref<625x128xf32, #tpu.memory_space<hbm>>)
      tpu.yield
    }) : () -> ()
    %mul3A_80 = arith.constant 625 : i32
    %mul3A_81 = arith.muli %arg1, %mul3A_80 : i32
    %mul3A_82 = arith.constant 625 : i32
    %mul3A_83 = arith.muli %arg1, %mul3A_82 : i32
    "tpu.region"() ({
      %run_scoped3A = tpu.sem_alloc : memref<!tpu.dma_semaphore, #tpu.memory_space<semaphore_mem>>
      %dma_start3A_84 = arith.constant 0 : i32
      %dma_start3A_85 = tpu.memref_slice %arg11[%arg0, %mul3A_83, %dma_start3A_84] : memref<2x10000x16xf32, #tpu.memory_space<hbm>> -> memref<1x625x16xf32, #tpu.memory_space<hbm>>
      %dma_start3A_86 = tpu.memref_squeeze %dma_start3A_85 : memref<1x625x16xf32, #tpu.memory_space<hbm>> -> memref<625x16xf32, #tpu.memory_space<hbm>>
      %dma_start3A_87 = arith.constant 0 : i32
      %dma_start3A_88 = tpu.memref_slice %arg18[%mul3A_81, %dma_start3A_87] : memref<10000x16xf32, #tpu.memory_space<vmem_shared>> -> memref<625x16xf32, #tpu.memory_space<vmem_shared>>
      tpu.enqueue_dma source(%dma_start3A_88 : memref<625x16xf32, #tpu.memory_space<vmem_shared>>) target(%dma_start3A_86 : memref<625x16xf32, #tpu.memory_space<hbm>>) target_semaphore(%run_scoped3A : memref<!tpu.dma_semaphore, #tpu.memory_space<semaphore_mem>>)
      %dma_wait3A_89 = arith.constant 0 : i32
      %dma_wait3A_90 = tpu.memref_slice %arg11[%arg0, %mul3A_83, %dma_wait3A_89] : memref<2x10000x16xf32, #tpu.memory_space<hbm>> -> memref<1x625x16xf32, #tpu.memory_space<hbm>>
      %dma_wait3A_91 = tpu.memref_squeeze %dma_wait3A_90 : memref<1x625x16xf32, #tpu.memory_space<hbm>> -> memref<625x16xf32, #tpu.memory_space<hbm>>
      %dma_wait3A_92 = arith.constant 0 : i32
      %dma_wait3A_93 = tpu.memref_slice %arg18[%mul3A_81, %dma_wait3A_92] : memref<10000x16xf32, #tpu.memory_space<vmem_shared>> -> memref<625x16xf32, #tpu.memory_space<vmem_shared>>
      tpu.wait_dma2 semaphore(%run_scoped3A : memref<!tpu.dma_semaphore, #tpu.memory_space<semaphore_mem>>) src(%dma_wait3A_93 : memref<625x16xf32, #tpu.memory_space<vmem_shared>>) dst(%dma_wait3A_91 : memref<625x16xf32, #tpu.memory_space<hbm>>)
      tpu.yield
    }) : () -> ()
    return
  }
}

module attributes {stable_mosaic.version = 14 : i64} {
  func.func @_qp_body(%arg0: memref<10000x128xf32, #tpu.memory_space<vmem>>, %arg1: memref<128x32xf32, #tpu.memory_space<vmem>>, %arg2: memref<1x32xf32, #tpu.memory_space<vmem>>, %arg3: memref<10000x32xf32, #tpu.memory_space<vmem>>) attributes {dimension_semantics = [], scalar_prefetch = 0 : i64, scratch_operands = 0 : i64, tpu.core_type = #tpu.core_type<tc>} {
    %get3A = arith.constant 0 : index
    %get3A_0 = arith.constant 0 : index
    %get3A_1 = vector.load %arg0[%get3A, %get3A_0] : memref<10000x128xf32, #tpu.memory_space<vmem>>, vector<10000x128xf32>
    %get3A_2 = arith.constant 0 : index
    %get3A_3 = arith.constant 0 : index
    %get3A_4 = vector.load %arg1[%get3A_2, %get3A_3] : memref<128x32xf32, #tpu.memory_space<vmem>>, vector<128x32xf32>
    %dot_general3A = arith.constant dense<0.000000e+00> : vector<10000x32xf32>
    %dot_general3A_5 = tpu.matmul %get3A_1, %get3A_4, %dot_general3A {dimension_numbers = #tpu.dot_dimension_numbers<[1], [0], [0], [1], [0, 0, 1, 1], [], []>, transpose_lhs_hint = false} : vector<10000x128xf32>, vector<128x32xf32>, vector<10000x32xf32> -> vector<10000x32xf32>
    %get3A_6 = arith.constant 0 : index
    %get3A_7 = arith.constant 0 : index
    %get3A_8 = vector.load %arg2[%get3A_6, %get3A_7] : memref<1x32xf32, #tpu.memory_space<vmem>>, vector<1x32xf32>
    %add3A = vector.broadcast %get3A_8 : vector<1x32xf32> to vector<10000x32xf32>
    %add3A_9 = arith.addf %dot_general3A_5, %add3A : vector<10000x32xf32>
    %mul3A = arith.constant 0.353553385 : f32
    %mul3A_10 = vector.broadcast %mul3A : f32 to vector<10000x32xf32>
    %mul3A_11 = arith.mulf %add3A_9, %mul3A_10 : vector<10000x32xf32>
    %swap3A = arith.constant 0 : index
    %swap3A_12 = arith.constant 0 : index
    %swap3A_13 = vector.load %arg3[%swap3A, %swap3A_12] : memref<10000x32xf32, #tpu.memory_space<vmem>>, vector<10000x32xf32>
    tpu.vector_store %arg3[%swap3A, %swap3A_12], %mul3A_11 {strides = array<i32>} : memref<10000x32xf32, #tpu.memory_space<vmem>>, vector<10000x32xf32>,
    return
  }
}

module attributes {stable_mosaic.version = 14 : i64} {
  func.func @_rpe_body(%arg0: i32, %arg1: memref<4000x16xf32, #tpu.memory_space<vmem>>, %arg2: memref<4000x16xf32, #tpu.memory_space<vmem>>, %arg3: memref<4000x16xf32, #tpu.memory_space<vmem>>, %arg4: memref<4000x16xf32, #tpu.memory_space<vmem>>, %arg5: memref<16x32xf32, #tpu.memory_space<vmem>>, %arg6: memref<1x32xf32, #tpu.memory_space<vmem>>, %arg7: memref<4000x128xf32, #tpu.memory_space<vmem>>) attributes {dimension_semantics = [#tpu.dimension_semantics<arbitrary>], iteration_bounds = array<i64: 20>, scalar_prefetch = 0 : i64, scratch_operands = 0 : i64, tpu.core_type = #tpu.core_type<tc>, window_params = [{transform_indices = @transform_0, window_bounds = array<i64: 4000, 16>}, {transform_indices = @transform_1, window_bounds = array<i64: 4000, 16>}, {transform_indices = @transform_2, window_bounds = array<i64: 4000, 16>}, {transform_indices = @transform_3, window_bounds = array<i64: 4000, 16>}, {pipeline_mode = #tpu.pipeline_mode<synchronous>, transform_indices = @transform_4, window_bounds = array<i64: 16, 32>}, {pipeline_mode = #tpu.pipeline_mode<synchronous>, transform_indices = @transform_5, window_bounds = array<i64: 1, 32>}, {transform_indices = @transform_6, window_bounds = array<i64: 4000, 128>}]} {
    %get3A = arith.constant 0 : index
    %get3A_0 = arith.constant 0 : index
    %get3A_1 = vector.load %arg1[%get3A, %get3A_0] : memref<4000x16xf32, #tpu.memory_space<vmem>>, vector<4000x16xf32>
    %get3A_2 = arith.constant 0 : index
    %get3A_3 = arith.constant 0 : index
    %get3A_4 = vector.load %arg5[%get3A_2, %get3A_3] : memref<16x32xf32, #tpu.memory_space<vmem>>, vector<16x32xf32>
    %dot_general3A = arith.constant dense<0.000000e+00> : vector<4000x32xf32>
    %dot_general3A_5 = tpu.matmul %get3A_1, %get3A_4, %dot_general3A {dimension_numbers = #tpu.dot_dimension_numbers<[1], [0], [0], [1], [0, 0, 1, 1], [], []>, transpose_lhs_hint = false} : vector<4000x16xf32>, vector<16x32xf32>, vector<4000x32xf32> -> vector<4000x32xf32>
    %get3A_6 = arith.constant 0 : index
    %get3A_7 = arith.constant 0 : index
    %get3A_8 = vector.load %arg6[%get3A_6, %get3A_7] : memref<1x32xf32, #tpu.memory_space<vmem>>, vector<1x32xf32>
    %add3A = vector.broadcast %get3A_8 : vector<1x32xf32> to vector<4000x32xf32>
    %add3A_9 = arith.addf %dot_general3A_5, %add3A : vector<4000x32xf32>
    %get3A_10 = arith.constant 0 : index
    %get3A_11 = arith.constant 0 : index
    %get3A_12 = vector.load %arg2[%get3A_10, %get3A_11] : memref<4000x16xf32, #tpu.memory_space<vmem>>, vector<4000x16xf32>
    %get3A_13 = arith.constant 0 : index
    %get3A_14 = arith.constant 0 : index
    %get3A_15 = vector.load %arg5[%get3A_13, %get3A_14] : memref<16x32xf32, #tpu.memory_space<vmem>>, vector<16x32xf32>
    %dot_general3A_16 = arith.constant dense<0.000000e+00> : vector<4000x32xf32>
    %dot_general3A_17 = tpu.matmul %get3A_12, %get3A_15, %dot_general3A_16 {dimension_numbers = #tpu.dot_dimension_numbers<[1], [0], [0], [1], [0, 0, 1, 1], [], []>, transpose_lhs_hint = false} : vector<4000x16xf32>, vector<16x32xf32>, vector<4000x32xf32> -> vector<4000x32xf32>
    %get3A_18 = arith.constant 0 : index
    %get3A_19 = arith.constant 0 : index
    %get3A_20 = vector.load %arg6[%get3A_18, %get3A_19] : memref<1x32xf32, #tpu.memory_space<vmem>>, vector<1x32xf32>
    %add3A_21 = vector.broadcast %get3A_20 : vector<1x32xf32> to vector<4000x32xf32>
    %add3A_22 = arith.addf %dot_general3A_17, %add3A_21 : vector<4000x32xf32>
    %get3A_23 = arith.constant 0 : index
    %get3A_24 = arith.constant 0 : index
    %get3A_25 = vector.load %arg3[%get3A_23, %get3A_24] : memref<4000x16xf32, #tpu.memory_space<vmem>>, vector<4000x16xf32>
    %get3A_26 = arith.constant 0 : index
    %get3A_27 = arith.constant 0 : index
    %get3A_28 = vector.load %arg5[%get3A_26, %get3A_27] : memref<16x32xf32, #tpu.memory_space<vmem>>, vector<16x32xf32>
    %dot_general3A_29 = arith.constant dense<0.000000e+00> : vector<4000x32xf32>
    %dot_general3A_30 = tpu.matmul %get3A_25, %get3A_28, %dot_general3A_29 {dimension_numbers = #tpu.dot_dimension_numbers<[1], [0], [0], [1], [0, 0, 1, 1], [], []>, transpose_lhs_hint = false} : vector<4000x16xf32>, vector<16x32xf32>, vector<4000x32xf32> -> vector<4000x32xf32>
    %get3A_31 = arith.constant 0 : index
    %get3A_32 = arith.constant 0 : index
    %get3A_33 = vector.load %arg6[%get3A_31, %get3A_32] : memref<1x32xf32, #tpu.memory_space<vmem>>, vector<1x32xf32>
    %add3A_34 = vector.broadcast %get3A_33 : vector<1x32xf32> to vector<4000x32xf32>
    %add3A_35 = arith.addf %dot_general3A_30, %add3A_34 : vector<4000x32xf32>
    %get3A_36 = arith.constant 0 : index
    %get3A_37 = arith.constant 0 : index
    %get3A_38 = vector.load %arg4[%get3A_36, %get3A_37] : memref<4000x16xf32, #tpu.memory_space<vmem>>, vector<4000x16xf32>
    %get3A_39 = arith.constant 0 : index
    %get3A_40 = arith.constant 0 : index
    %get3A_41 = vector.load %arg5[%get3A_39, %get3A_40] : memref<16x32xf32, #tpu.memory_space<vmem>>, vector<16x32xf32>
    %dot_general3A_42 = arith.constant dense<0.000000e+00> : vector<4000x32xf32>
    %dot_general3A_43 = tpu.matmul %get3A_38, %get3A_41, %dot_general3A_42 {dimension_numbers = #tpu.dot_dimension_numbers<[1], [0], [0], [1], [0, 0, 1, 1], [], []>, transpose_lhs_hint = false} : vector<4000x16xf32>, vector<16x32xf32>, vector<4000x32xf32> -> vector<4000x32xf32>
    %get3A_44 = arith.constant 0 : index
    %get3A_45 = arith.constant 0 : index
    %get3A_46 = vector.load %arg6[%get3A_44, %get3A_45] : memref<1x32xf32, #tpu.memory_space<vmem>>, vector<1x32xf32>
    %add3A_47 = vector.broadcast %get3A_46 : vector<1x32xf32> to vector<4000x32xf32>
    %add3A_48 = arith.addf %dot_general3A_43, %add3A_47 : vector<4000x32xf32>
    %concatenate3A = tpu.concatenate %add3A_9, %add3A_22, %add3A_35, %add3A_48 in 1 : vector<4000x32xf32>, vector<4000x32xf32>, vector<4000x32xf32>, vector<4000x32xf32> -> vector<4000x128xf32>
    %swap3A = arith.constant 0 : index
    %swap3A_49 = arith.constant 0 : index
    %swap3A_50 = vector.load %arg7[%swap3A, %swap3A_49] : memref<4000x128xf32, #tpu.memory_space<vmem>>, vector<4000x128xf32>
    tpu.vector_store %arg7[%swap3A, %swap3A_49], %concatenate3A {strides = array<i32>} : memref<4000x128xf32, #tpu.memory_space<vmem>>, vector<4000x128xf32>,
    return
  }
  func.func @transform_0(%arg0: i32) -> (i32, i32) {
    %add3A = arith.constant 0 : i32
    %add3A_0 = arith.addi %add3A, %arg0 : i32
    %c0_i32 = arith.constant 0 : i32
    %c0_i32_1 = arith.constant 0 : i32
    return %add3A_0, %c0_i32 : i32, i32
  }
  func.func @transform_1(%arg0: i32) -> (i32, i32) {
    %add3A = arith.constant 20 : i32
    %add3A_0 = arith.addi %add3A, %arg0 : i32
    %c0_i32 = arith.constant 0 : i32
    %c0_i32_1 = arith.constant 0 : i32
    return %add3A_0, %c0_i32 : i32, i32
  }
  func.func @transform_2(%arg0: i32) -> (i32, i32) {
    %add3A = arith.constant 40 : i32
    %add3A_0 = arith.addi %add3A, %arg0 : i32
    %c0_i32 = arith.constant 0 : i32
    %c0_i32_1 = arith.constant 0 : i32
    return %add3A_0, %c0_i32 : i32, i32
  }
  func.func @transform_3(%arg0: i32) -> (i32, i32) {
    %add3A = arith.constant 60 : i32
    %add3A_0 = arith.addi %add3A, %arg0 : i32
    %c0_i32 = arith.constant 0 : i32
    %c0_i32_1 = arith.constant 0 : i32
    return %add3A_0, %c0_i32 : i32, i32
  }
  func.func @transform_4(%arg0: i32) -> (i32, i32) {
    %c0_i32 = arith.constant 0 : i32
    %c0_i32_0 = arith.constant 0 : i32
    %c0_i32_1 = arith.constant 0 : i32
    return %c0_i32, %c0_i32_0 : i32, i32
  }
  func.func @transform_5(%arg0: i32) -> (i32, i32) {
    %c0_i32 = arith.constant 0 : i32
    %c0_i32_0 = arith.constant 0 : i32
    %c0_i32_1 = arith.constant 0 : i32
    return %c0_i32, %c0_i32_0 : i32, i32
  }
  func.func @transform_6(%arg0: i32) -> (i32, i32) {
    %c0_i32 = arith.constant 0 : i32
    %c0_i32_0 = arith.constant 0 : i32
    return %arg0, %c0_i32 : i32, i32
  }
}

module attributes {stable_mosaic.version = 14 : i64} {
  func.func @_fused_body(%arg0: i32, %arg1: memref<2000x128xf32, #tpu.memory_space<vmem>>, %arg2: memref<2000x128xf32, #tpu.memory_space<vmem>>, %arg3: memref<2000x128xf32, #tpu.memory_space<vmem>>, %arg4: memref<2000x128xf32, #tpu.memory_space<vmem>>, %arg5: memref<2000x128xf32, #tpu.memory_space<vmem>>, %arg6: memref<2000x128xf32, #tpu.memory_space<vmem>>, %arg7: memref<128x32xf32, #tpu.memory_space<vmem>>, %arg8: memref<128x128xf32, #tpu.memory_space<vmem>>, %arg9: memref<1x32xf32, #tpu.memory_space<vmem>>, %arg10: memref<1x128xf32, #tpu.memory_space<vmem>>, %arg11: memref<2000x128xf32, #tpu.memory_space<vmem>>, %arg12: memref<2000x128xf32, #tpu.memory_space<vmem>>, %arg13: memref<2000x128xf32, #tpu.memory_space<vmem>>, %arg14: memref<2000x128xf32, #tpu.memory_space<vmem>>, %arg15: memref<2000x128xf32, #tpu.memory_space<vmem>>) attributes {dimension_semantics = [#tpu.dimension_semantics<arbitrary>], iteration_bounds = array<i64: 40>, scalar_prefetch = 0 : i64, scratch_operands = 0 : i64, tpu.core_type = #tpu.core_type<tc>, window_params = [{transform_indices = @transform_0, window_bounds = array<i64: 2000, 128>}, {transform_indices = @transform_1, window_bounds = array<i64: 2000, 128>}, {transform_indices = @transform_2, window_bounds = array<i64: 2000, 128>}, {transform_indices = @transform_3, window_bounds = array<i64: 2000, 128>}, {transform_indices = @transform_4, window_bounds = array<i64: 2000, 128>}, {transform_indices = @transform_5, window_bounds = array<i64: 2000, 128>}, {pipeline_mode = #tpu.pipeline_mode<synchronous>, transform_indices = @transform_6, window_bounds = array<i64: 128, 32>}, {pipeline_mode = #tpu.pipeline_mode<synchronous>, transform_indices = @transform_7, window_bounds = array<i64: 128, 128>}, {pipeline_mode = #tpu.pipeline_mode<synchronous>, transform_indices = @transform_8, window_bounds = array<i64: 1, 32>}, {pipeline_mode = #tpu.pipeline_mode<synchronous>, transform_indices = @transform_9, window_bounds = array<i64: 1, 128>}, {transform_indices = @transform_10, window_bounds = array<i64: 2000, 128>}, {transform_indices = @transform_11, window_bounds = array<i64: 2000, 128>}, {transform_indices = @transform_12, window_bounds = array<i64: 2000, 128>}, {transform_indices = @transform_13, window_bounds = array<i64: 2000, 128>}, {transform_indices = @transform_14, window_bounds = array<i64: 2000, 128>}]} {
    %get3A = arith.constant 0 : index
    %get3A_0 = arith.constant 0 : index
    %get3A_1 = vector.load %arg5[%get3A, %get3A_0] : memref<2000x128xf32, #tpu.memory_space<vmem>>, vector<2000x128xf32>
    %get3A_2 = arith.constant 0 : index
    %get3A_3 = arith.constant 0 : index
    %get3A_4 = vector.load %arg6[%get3A_2, %get3A_3] : memref<2000x128xf32, #tpu.memory_space<vmem>>, vector<2000x128xf32>
    %iota3A = tpu.iota {dimensions = array<i32: 0>} : vector<32x4xi32>
    %jit3A = arith.constant 8 : i32
    %div3A = vector.broadcast %jit3A : i32 to vector<32x4xi32>
    %div3A_5 = arith.divsi %iota3A, %div3A : vector<32x4xi32>
    %sign3A = arith.constant 0 : i32
    %sign3A_6 = vector.broadcast %sign3A : i32 to vector<32x4xi32>
    %sign3A_7 = arith.cmpi sgt, %iota3A, %sign3A_6 : vector<32x4xi32>
    %sign3A_8 = arith.extui %sign3A_7 : vector<32x4xi1> to vector<32x4xi32>
    %sign3A_9 = arith.constant 0 : i32
    %sign3A_10 = vector.broadcast %sign3A_9 : i32 to vector<32x4xi32>
    %sign3A_11 = arith.cmpi slt, %iota3A, %sign3A_10 : vector<32x4xi32>
    %sign3A_12 = arith.extui %sign3A_11 : vector<32x4xi1> to vector<32x4xi32>
    %sign3A_13 = arith.subi %sign3A_8, %sign3A_12 : vector<32x4xi32>
    %sign3A_14 = arith.constant 0 : i32
    %sign3A_15 = arith.cmpi sgt, %jit3A, %sign3A_14 : i32
    %sign3A_16 = arith.extui %sign3A_15 : i1 to i32
    %sign3A_17 = arith.constant 0 : i32
    %sign3A_18 = arith.cmpi slt, %jit3A, %sign3A_17 : i32
    %sign3A_19 = arith.extui %sign3A_18 : i1 to i32
    %sign3A_20 = arith.subi %sign3A_16, %sign3A_19 : i32
    %ne3A = vector.broadcast %sign3A_20 : i32 to vector<32x4xi32>
    %ne3A_21 = arith.cmpi ne, %sign3A_13, %ne3A : vector<32x4xi32>
    %rem3A = vector.broadcast %jit3A : i32 to vector<32x4xi32>
    %rem3A_22 = arith.remsi %iota3A, %rem3A : vector<32x4xi32>
    %ne3A_23 = arith.constant 0 : i32
    %ne3A_24 = vector.broadcast %ne3A_23 : i32 to vector<32x4xi32>
    %ne3A_25 = arith.cmpi ne, %rem3A_22, %ne3A_24 : vector<32x4xi32>
    %and3A = arith.andi %ne3A_21, %ne3A_25 : vector<32x4xi1>
    %sub3A = arith.constant 1 : i32
    %sub3A_26 = vector.broadcast %sub3A : i32 to vector<32x4xi32>
    %sub3A_27 = arith.subi %div3A_5, %sub3A_26 : vector<32x4xi32>
    %select_n3A = arith.select %and3A, %sub3A_27, %div3A_5 : vector<32x4xi1>, vector<32x4xi32>
    %iota3A_28 = tpu.iota {dimensions = array<i32: 1>} : vector<32x4xi32>
    %eq3A = arith.cmpi eq, %select_n3A, %iota3A_28 : vector<32x4xi32>
    %convert_element_type3A = arith.extui %eq3A : vector<32x4xi1> to vector<32x4xi32>
    %convert_element_type3A_29 = arith.sitofp %convert_element_type3A : vector<32x4xi32> to vector<32x4xf32>
    %iota3A_30 = tpu.iota {dimensions = array<i32: 0>} : vector<4x128xi32>
    %iota3A_31 = tpu.iota {dimensions = array<i32: 1>} : vector<4x128xi32>
    %jit3A_32 = arith.constant 32 : i32
    %div3A_33 = vector.broadcast %jit3A_32 : i32 to vector<4x128xi32>
    %div3A_34 = arith.divsi %iota3A_31, %div3A_33 : vector<4x128xi32>
    %sign3A_35 = arith.constant 0 : i32
    %sign3A_36 = vector.broadcast %sign3A_35 : i32 to vector<4x128xi32>
    %sign3A_37 = arith.cmpi sgt, %iota3A_31, %sign3A_36 : vector<4x128xi32>
    %sign3A_38 = arith.extui %sign3A_37 : vector<4x128xi1> to vector<4x128xi32>
    %sign3A_39 = arith.constant 0 : i32
    %sign3A_40 = vector.broadcast %sign3A_39 : i32 to vector<4x128xi32>
    %sign3A_41 = arith.cmpi slt, %iota3A_31, %sign3A_40 : vector<4x128xi32>
    %sign3A_42 = arith.extui %sign3A_41 : vector<4x128xi1> to vector<4x128xi32>
    %sign3A_43 = arith.subi %sign3A_38, %sign3A_42 : vector<4x128xi32>
    %sign3A_44 = arith.constant 0 : i32
    %sign3A_45 = arith.cmpi sgt, %jit3A_32, %sign3A_44 : i32
    %sign3A_46 = arith.extui %sign3A_45 : i1 to i32
    %sign3A_47 = arith.constant 0 : i32
    %sign3A_48 = arith.cmpi slt, %jit3A_32, %sign3A_47 : i32
    %sign3A_49 = arith.extui %sign3A_48 : i1 to i32
    %sign3A_50 = arith.subi %sign3A_46, %sign3A_49 : i32
    %ne3A_51 = vector.broadcast %sign3A_50 : i32 to vector<4x128xi32>
    %ne3A_52 = arith.cmpi ne, %sign3A_43, %ne3A_51 : vector<4x128xi32>
    %rem3A_53 = vector.broadcast %jit3A_32 : i32 to vector<4x128xi32>
    %rem3A_54 = arith.remsi %iota3A_31, %rem3A_53 : vector<4x128xi32>
    %ne3A_55 = arith.constant 0 : i32
    %ne3A_56 = vector.broadcast %ne3A_55 : i32 to vector<4x128xi32>
    %ne3A_57 = arith.cmpi ne, %rem3A_54, %ne3A_56 : vector<4x128xi32>
    %and3A_58 = arith.andi %ne3A_52, %ne3A_57 : vector<4x128xi1>
    %sub3A_59 = arith.constant 1 : i32
    %sub3A_60 = vector.broadcast %sub3A_59 : i32 to vector<4x128xi32>
    %sub3A_61 = arith.subi %div3A_34, %sub3A_60 : vector<4x128xi32>
    %select_n3A_62 = arith.select %and3A_58, %sub3A_61, %div3A_34 : vector<4x128xi1>, vector<4x128xi32>
    %eq3A_63 = arith.cmpi eq, %iota3A_30, %select_n3A_62 : vector<4x128xi32>
    %convert_element_type3A_64 = arith.extui %eq3A_63 : vector<4x128xi1> to vector<4x128xi32>
    %convert_element_type3A_65 = arith.sitofp %convert_element_type3A_64 : vector<4x128xi32> to vector<4x128xf32>
    %get3A_66 = arith.constant 0 : index
    %get3A_67 = arith.constant 0 : index
    %get3A_68 = vector.load %arg1[%get3A_66, %get3A_67] : memref<2000x128xf32, #tpu.memory_space<vmem>>, vector<2000x128xf32>
    %get3A_69 = arith.constant 0 : index
    %get3A_70 = arith.constant 0 : index
    %get3A_71 = vector.load %arg7[%get3A_69, %get3A_70] : memref<128x32xf32, #tpu.memory_space<vmem>>, vector<128x32xf32>
    %dot_general3A = arith.constant dense<0.000000e+00> : vector<2000x32xf32>
    %dot_general3A_72 = tpu.matmul %get3A_68, %get3A_71, %dot_general3A {dimension_numbers = #tpu.dot_dimension_numbers<[1], [0], [0], [1], [0, 0, 1, 1], [], []>, transpose_lhs_hint = false} : vector<2000x128xf32>, vector<128x32xf32>, vector<2000x32xf32> -> vector<2000x32xf32>
    %get3A_73 = arith.constant 0 : index
    %get3A_74 = arith.constant 0 : index
    %get3A_75 = vector.load %arg9[%get3A_73, %get3A_74] : memref<1x32xf32, #tpu.memory_space<vmem>>, vector<1x32xf32>
    %add3A = vector.broadcast %get3A_75 : vector<1x32xf32> to vector<2000x32xf32>
    %add3A_76 = arith.addf %dot_general3A_72, %add3A : vector<2000x32xf32>
    %slice3A = vector.extract_strided_slice %get3A_4 {offsets = [0, 0], sizes = [2000, 32], strides = [1, 1]} : vector<2000x128xf32> to vector<2000x32xf32>
    %add3A_77 = arith.addf %add3A_76, %slice3A : vector<2000x32xf32>
    %slice3A_78 = vector.extract_strided_slice %get3A_1 {offsets = [0, 0], sizes = [2000, 32], strides = [1, 1]} : vector<2000x128xf32> to vector<2000x32xf32>
    %mul3A = arith.mulf %slice3A_78, %add3A_77 : vector<2000x32xf32>
    %dot_general3A_79 = arith.constant dense<0.000000e+00> : vector<2000x4xf32>
    %dot_general3A_80 = tpu.matmul %mul3A, %convert_element_type3A_29, %dot_general3A_79 {dimension_numbers = #tpu.dot_dimension_numbers<[1], [0], [0], [1], [0, 0, 1, 1], [], []>, transpose_lhs_hint = false} : vector<2000x32xf32>, vector<32x4xf32>, vector<2000x4xf32> -> vector<2000x4xf32>
    %exp3A = math.exp %dot_general3A_80 : vector<2000x4xf32>
    %dot_general3A_81 = arith.constant dense<0.000000e+00> : vector<2000x128xf32>
    %dot_general3A_82 = tpu.matmul %exp3A, %convert_element_type3A_65, %dot_general3A_81 {dimension_numbers = #tpu.dot_dimension_numbers<[1], [0], [0], [1], [0, 0, 1, 1], [], []>, transpose_lhs_hint = false} : vector<2000x4xf32>, vector<4x128xf32>, vector<2000x128xf32> -> vector<2000x128xf32>
    %get3A_83 = arith.constant 0 : index
    %get3A_84 = arith.constant 0 : index
    %get3A_85 = vector.load %arg8[%get3A_83, %get3A_84] : memref<128x128xf32, #tpu.memory_space<vmem>>, vector<128x128xf32>
    %dot_general3A_86 = arith.constant dense<0.000000e+00> : vector<2000x128xf32>
    %dot_general3A_87 = tpu.matmul %get3A_68, %get3A_85, %dot_general3A_86 {dimension_numbers = #tpu.dot_dimension_numbers<[1], [0], [0], [1], [0, 0, 1, 1], [], []>, transpose_lhs_hint = false} : vector<2000x128xf32>, vector<128x128xf32>, vector<2000x128xf32> -> vector<2000x128xf32>
    %get3A_88 = arith.constant 0 : index
    %get3A_89 = arith.constant 0 : index
    %get3A_90 = vector.load %arg10[%get3A_88, %get3A_89] : memref<1x128xf32, #tpu.memory_space<vmem>>, vector<1x128xf32>
    %add3A_91 = vector.broadcast %get3A_90 : vector<1x128xf32> to vector<2000x128xf32>
    %add3A_92 = arith.addf %dot_general3A_87, %add3A_91 : vector<2000x128xf32>
    %mul3A_93 = arith.mulf %add3A_92, %dot_general3A_82 : vector<2000x128xf32>
    %swap3A = arith.constant 0 : index
    %swap3A_94 = arith.constant 0 : index
    %swap3A_95 = vector.load %arg11[%swap3A, %swap3A_94] : memref<2000x128xf32, #tpu.memory_space<vmem>>, vector<2000x128xf32>
    tpu.vector_store %arg11[%swap3A, %swap3A_94], %mul3A_93 {strides = array<i32>} : memref<2000x128xf32, #tpu.memory_space<vmem>>, vector<2000x128xf32>,
    %broadcast_in_dim3A = arith.constant 0.000000e+00 : f32
    %broadcast_in_dim3A_96 = vector.broadcast %broadcast_in_dim3A : f32 to vector<2000x28xf32>
    %get3A_97 = arith.constant 0 : index
    %get3A_98 = arith.constant 0 : index
    %get3A_99 = vector.load %arg2[%get3A_97, %get3A_98] : memref<2000x128xf32, #tpu.memory_space<vmem>>, vector<2000x128xf32>
    %get3A_100 = arith.constant 0 : index
    %get3A_101 = arith.constant 0 : index
    %get3A_102 = vector.load %arg7[%get3A_100, %get3A_101] : memref<128x32xf32, #tpu.memory_space<vmem>>, vector<128x32xf32>
    %dot_general3A_103 = arith.constant dense<0.000000e+00> : vector<2000x32xf32>
    %dot_general3A_104 = tpu.matmul %get3A_99, %get3A_102, %dot_general3A_103 {dimension_numbers = #tpu.dot_dimension_numbers<[1], [0], [0], [1], [0, 0, 1, 1], [], []>, transpose_lhs_hint = false} : vector<2000x128xf32>, vector<128x32xf32>, vector<2000x32xf32> -> vector<2000x32xf32>
    %get3A_105 = arith.constant 0 : index
    %get3A_106 = arith.constant 0 : index
    %get3A_107 = vector.load %arg9[%get3A_105, %get3A_106] : memref<1x32xf32, #tpu.memory_space<vmem>>, vector<1x32xf32>
    %add3A_108 = vector.broadcast %get3A_107 : vector<1x32xf32> to vector<2000x32xf32>
    %add3A_109 = arith.addf %dot_general3A_104, %add3A_108 : vector<2000x32xf32>
    %slice3A_110 = vector.extract_strided_slice %get3A_4 {offsets = [0, 32], sizes = [2000, 32], strides = [1, 1]} : vector<2000x128xf32> to vector<2000x32xf32>
    %add3A_111 = arith.addf %add3A_109, %slice3A_110 : vector<2000x32xf32>
    %slice3A_112 = vector.extract_strided_slice %get3A_1 {offsets = [0, 32], sizes = [2000, 32], strides = [1, 1]} : vector<2000x128xf32> to vector<2000x32xf32>
    %mul3A_113 = arith.mulf %slice3A_112, %add3A_111 : vector<2000x32xf32>
    %dot_general3A_114 = arith.constant dense<0.000000e+00> : vector<2000x4xf32>
    %dot_general3A_115 = tpu.matmul %mul3A_113, %convert_element_type3A_29, %dot_general3A_114 {dimension_numbers = #tpu.dot_dimension_numbers<[1], [0], [0], [1], [0, 0, 1, 1], [], []>, transpose_lhs_hint = false} : vector<2000x32xf32>, vector<32x4xf32>, vector<2000x4xf32> -> vector<2000x4xf32>
    %exp3A_116 = math.exp %dot_general3A_115 : vector<2000x4xf32>
    %dot_general3A_117 = arith.constant dense<0.000000e+00> : vector<2000x128xf32>
    %dot_general3A_118 = tpu.matmul %exp3A_116, %convert_element_type3A_65, %dot_general3A_117 {dimension_numbers = #tpu.dot_dimension_numbers<[1], [0], [0], [1], [0, 0, 1, 1], [], []>, transpose_lhs_hint = false} : vector<2000x4xf32>, vector<4x128xf32>, vector<2000x128xf32> -> vector<2000x128xf32>
    %get3A_119 = arith.constant 0 : index
    %get3A_120 = arith.constant 0 : index
    %get3A_121 = vector.load %arg8[%get3A_119, %get3A_120] : memref<128x128xf32, #tpu.memory_space<vmem>>, vector<128x128xf32>
    %dot_general3A_122 = arith.constant dense<0.000000e+00> : vector<2000x128xf32>
    %dot_general3A_123 = tpu.matmul %get3A_99, %get3A_121, %dot_general3A_122 {dimension_numbers = #tpu.dot_dimension_numbers<[1], [0], [0], [1], [0, 0, 1, 1], [], []>, transpose_lhs_hint = false} : vector<2000x128xf32>, vector<128x128xf32>, vector<2000x128xf32> -> vector<2000x128xf32>
    %get3A_124 = arith.constant 0 : index
    %get3A_125 = arith.constant 0 : index
    %get3A_126 = vector.load %arg10[%get3A_124, %get3A_125] : memref<1x128xf32, #tpu.memory_space<vmem>>, vector<1x128xf32>
    %add3A_127 = vector.broadcast %get3A_126 : vector<1x128xf32> to vector<2000x128xf32>
    %add3A_128 = arith.addf %dot_general3A_123, %add3A_127 : vector<2000x128xf32>
    %mul3A_129 = arith.mulf %add3A_128, %dot_general3A_118 : vector<2000x128xf32>
    %swap3A_130 = arith.constant 0 : index
    %swap3A_131 = arith.constant 0 : index
    %swap3A_132 = vector.load %arg12[%swap3A_130, %swap3A_131] : memref<2000x128xf32, #tpu.memory_space<vmem>>, vector<2000x128xf32>
    tpu.vector_store %arg12[%swap3A_130, %swap3A_131], %mul3A_129 {strides = array<i32>} : memref<2000x128xf32, #tpu.memory_space<vmem>>, vector<2000x128xf32>,
    %broadcast_in_dim3A_133 = arith.constant 0.000000e+00 : f32
    %broadcast_in_dim3A_134 = vector.broadcast %broadcast_in_dim3A_133 : f32 to vector<2000x28xf32>
    %get3A_135 = arith.constant 0 : index
    %get3A_136 = arith.constant 0 : index
    %get3A_137 = vector.load %arg3[%get3A_135, %get3A_136] : memref<2000x128xf32, #tpu.memory_space<vmem>>, vector<2000x128xf32>
    %get3A_138 = arith.constant 0 : index
    %get3A_139 = arith.constant 0 : index
    %get3A_140 = vector.load %arg7[%get3A_138, %get3A_139] : memref<128x32xf32, #tpu.memory_space<vmem>>, vector<128x32xf32>
    %dot_general3A_141 = arith.constant dense<0.000000e+00> : vector<2000x32xf32>
    %dot_general3A_142 = tpu.matmul %get3A_137, %get3A_140, %dot_general3A_141 {dimension_numbers = #tpu.dot_dimension_numbers<[1], [0], [0], [1], [0, 0, 1, 1], [], []>, transpose_lhs_hint = false} : vector<2000x128xf32>, vector<128x32xf32>, vector<2000x32xf32> -> vector<2000x32xf32>
    %get3A_143 = arith.constant 0 : index
    %get3A_144 = arith.constant 0 : index
    %get3A_145 = vector.load %arg9[%get3A_143, %get3A_144] : memref<1x32xf32, #tpu.memory_space<vmem>>, vector<1x32xf32>
    %add3A_146 = vector.broadcast %get3A_145 : vector<1x32xf32> to vector<2000x32xf32>
    %add3A_147 = arith.addf %dot_general3A_142, %add3A_146 : vector<2000x32xf32>
    %slice3A_148 = vector.extract_strided_slice %get3A_4 {offsets = [0, 64], sizes = [2000, 32], strides = [1, 1]} : vector<2000x128xf32> to vector<2000x32xf32>
    %add3A_149 = arith.addf %add3A_147, %slice3A_148 : vector<2000x32xf32>
    %slice3A_150 = vector.extract_strided_slice %get3A_1 {offsets = [0, 64], sizes = [2000, 32], strides = [1, 1]} : vector<2000x128xf32> to vector<2000x32xf32>
    %mul3A_151 = arith.mulf %slice3A_150, %add3A_149 : vector<2000x32xf32>
    %dot_general3A_152 = arith.constant dense<0.000000e+00> : vector<2000x4xf32>
    %dot_general3A_153 = tpu.matmul %mul3A_151, %convert_element_type3A_29, %dot_general3A_152 {dimension_numbers = #tpu.dot_dimension_numbers<[1], [0], [0], [1], [0, 0, 1, 1], [], []>, transpose_lhs_hint = false} : vector<2000x32xf32>, vector<32x4xf32>, vector<2000x4xf32> -> vector<2000x4xf32>
    %exp3A_154 = math.exp %dot_general3A_153 : vector<2000x4xf32>
    %dot_general3A_155 = arith.constant dense<0.000000e+00> : vector<2000x128xf32>
    %dot_general3A_156 = tpu.matmul %exp3A_154, %convert_element_type3A_65, %dot_general3A_155 {dimension_numbers = #tpu.dot_dimension_numbers<[1], [0], [0], [1], [0, 0, 1, 1], [], []>, transpose_lhs_hint = false} : vector<2000x4xf32>, vector<4x128xf32>, vector<2000x128xf32> -> vector<2000x128xf32>
    %get3A_157 = arith.constant 0 : index
    %get3A_158 = arith.constant 0 : index
    %get3A_159 = vector.load %arg8[%get3A_157, %get3A_158] : memref<128x128xf32, #tpu.memory_space<vmem>>, vector<128x128xf32>
    %dot_general3A_160 = arith.constant dense<0.000000e+00> : vector<2000x128xf32>
    %dot_general3A_161 = tpu.matmul %get3A_137, %get3A_159, %dot_general3A_160 {dimension_numbers = #tpu.dot_dimension_numbers<[1], [0], [0], [1], [0, 0, 1, 1], [], []>, transpose_lhs_hint = false} : vector<2000x128xf32>, vector<128x128xf32>, vector<2000x128xf32> -> vector<2000x128xf32>
    %get3A_162 = arith.constant 0 : index
    %get3A_163 = arith.constant 0 : index
    %get3A_164 = vector.load %arg10[%get3A_162, %get3A_163] : memref<1x128xf32, #tpu.memory_space<vmem>>, vector<1x128xf32>
    %add3A_165 = vector.broadcast %get3A_164 : vector<1x128xf32> to vector<2000x128xf32>
    %add3A_166 = arith.addf %dot_general3A_161, %add3A_165 : vector<2000x128xf32>
    %mul3A_167 = arith.mulf %add3A_166, %dot_general3A_156 : vector<2000x128xf32>
    %swap3A_168 = arith.constant 0 : index
    %swap3A_169 = arith.constant 0 : index
    %swap3A_170 = vector.load %arg13[%swap3A_168, %swap3A_169] : memref<2000x128xf32, #tpu.memory_space<vmem>>, vector<2000x128xf32>
    tpu.vector_store %arg13[%swap3A_168, %swap3A_169], %mul3A_167 {strides = array<i32>} : memref<2000x128xf32, #tpu.memory_space<vmem>>, vector<2000x128xf32>,
    %broadcast_in_dim3A_171 = arith.constant 0.000000e+00 : f32
    %broadcast_in_dim3A_172 = vector.broadcast %broadcast_in_dim3A_171 : f32 to vector<2000x28xf32>
    %get3A_173 = arith.constant 0 : index
    %get3A_174 = arith.constant 0 : index
    %get3A_175 = vector.load %arg4[%get3A_173, %get3A_174] : memref<2000x128xf32, #tpu.memory_space<vmem>>, vector<2000x128xf32>
    %get3A_176 = arith.constant 0 : index
    %get3A_177 = arith.constant 0 : index
    %get3A_178 = vector.load %arg7[%get3A_176, %get3A_177] : memref<128x32xf32, #tpu.memory_space<vmem>>, vector<128x32xf32>
    %dot_general3A_179 = arith.constant dense<0.000000e+00> : vector<2000x32xf32>
    %dot_general3A_180 = tpu.matmul %get3A_175, %get3A_178, %dot_general3A_179 {dimension_numbers = #tpu.dot_dimension_numbers<[1], [0], [0], [1], [0, 0, 1, 1], [], []>, transpose_lhs_hint = false} : vector<2000x128xf32>, vector<128x32xf32>, vector<2000x32xf32> -> vector<2000x32xf32>
    %get3A_181 = arith.constant 0 : index
    %get3A_182 = arith.constant 0 : index
    %get3A_183 = vector.load %arg9[%get3A_181, %get3A_182] : memref<1x32xf32, #tpu.memory_space<vmem>>, vector<1x32xf32>
    %add3A_184 = vector.broadcast %get3A_183 : vector<1x32xf32> to vector<2000x32xf32>
    %add3A_185 = arith.addf %dot_general3A_180, %add3A_184 : vector<2000x32xf32>
    %slice3A_186 = vector.extract_strided_slice %get3A_4 {offsets = [0, 96], sizes = [2000, 32], strides = [1, 1]} : vector<2000x128xf32> to vector<2000x32xf32>
    %add3A_187 = arith.addf %add3A_185, %slice3A_186 : vector<2000x32xf32>
    %slice3A_188 = vector.extract_strided_slice %get3A_1 {offsets = [0, 96], sizes = [2000, 32], strides = [1, 1]} : vector<2000x128xf32> to vector<2000x32xf32>
    %mul3A_189 = arith.mulf %slice3A_188, %add3A_187 : vector<2000x32xf32>
    %dot_general3A_190 = arith.constant dense<0.000000e+00> : vector<2000x4xf32>
    %dot_general3A_191 = tpu.matmul %mul3A_189, %convert_element_type3A_29, %dot_general3A_190 {dimension_numbers = #tpu.dot_dimension_numbers<[1], [0], [0], [1], [0, 0, 1, 1], [], []>, transpose_lhs_hint = false} : vector<2000x32xf32>, vector<32x4xf32>, vector<2000x4xf32> -> vector<2000x4xf32>
    %exp3A_192 = math.exp %dot_general3A_191 : vector<2000x4xf32>
    %dot_general3A_193 = arith.constant dense<0.000000e+00> : vector<2000x128xf32>
    %dot_general3A_194 = tpu.matmul %exp3A_192, %convert_element_type3A_65, %dot_general3A_193 {dimension_numbers = #tpu.dot_dimension_numbers<[1], [0], [0], [1], [0, 0, 1, 1], [], []>, transpose_lhs_hint = false} : vector<2000x4xf32>, vector<4x128xf32>, vector<2000x128xf32> -> vector<2000x128xf32>
    %get3A_195 = arith.constant 0 : index
    %get3A_196 = arith.constant 0 : index
    %get3A_197 = vector.load %arg8[%get3A_195, %get3A_196] : memref<128x128xf32, #tpu.memory_space<vmem>>, vector<128x128xf32>
    %dot_general3A_198 = arith.constant dense<0.000000e+00> : vector<2000x128xf32>
    %dot_general3A_199 = tpu.matmul %get3A_175, %get3A_197, %dot_general3A_198 {dimension_numbers = #tpu.dot_dimension_numbers<[1], [0], [0], [1], [0, 0, 1, 1], [], []>, transpose_lhs_hint = false} : vector<2000x128xf32>, vector<128x128xf32>, vector<2000x128xf32> -> vector<2000x128xf32>
    %get3A_200 = arith.constant 0 : index
    %get3A_201 = arith.constant 0 : index
    %get3A_202 = vector.load %arg10[%get3A_200, %get3A_201] : memref<1x128xf32, #tpu.memory_space<vmem>>, vector<1x128xf32>
    %add3A_203 = vector.broadcast %get3A_202 : vector<1x128xf32> to vector<2000x128xf32>
    %add3A_204 = arith.addf %dot_general3A_199, %add3A_203 : vector<2000x128xf32>
    %mul3A_205 = arith.mulf %add3A_204, %dot_general3A_194 : vector<2000x128xf32>
    %swap3A_206 = arith.constant 0 : index
    %swap3A_207 = arith.constant 0 : index
    %swap3A_208 = vector.load %arg14[%swap3A_206, %swap3A_207] : memref<2000x128xf32, #tpu.memory_space<vmem>>, vector<2000x128xf32>
    tpu.vector_store %arg14[%swap3A_206, %swap3A_207], %mul3A_205 {strides = array<i32>} : memref<2000x128xf32, #tpu.memory_space<vmem>>, vector<2000x128xf32>,
    %broadcast_in_dim3A_209 = arith.constant 0.000000e+00 : f32
    %broadcast_in_dim3A_210 = vector.broadcast %broadcast_in_dim3A_209 : f32 to vector<2000x28xf32>
    %concatenate3A = tpu.concatenate %exp3A, %broadcast_in_dim3A_96, %exp3A_116, %broadcast_in_dim3A_134, %exp3A_154, %broadcast_in_dim3A_172, %exp3A_192, %broadcast_in_dim3A_210 in 1 : vector<2000x4xf32>, vector<2000x28xf32>, vector<2000x4xf32>, vector<2000x28xf32>, vector<2000x4xf32>, vector<2000x28xf32>, vector<2000x4xf32>, vector<2000x28xf32> -> vector<2000x128xf32>
    %swap3A_211 = arith.constant 0 : index
    %swap3A_212 = arith.constant 0 : index
    %swap3A_213 = vector.load %arg15[%swap3A_211, %swap3A_212] : memref<2000x128xf32, #tpu.memory_space<vmem>>, vector<2000x128xf32>
    tpu.vector_store %arg15[%swap3A_211, %swap3A_212], %concatenate3A {strides = array<i32>} : memref<2000x128xf32, #tpu.memory_space<vmem>>, vector<2000x128xf32>,
    return
  }
  func.func @transform_0(%arg0: i32) -> (i32, i32) {
    %add3A = arith.constant 0 : i32
    %add3A_0 = arith.addi %add3A, %arg0 : i32
    %c0_i32 = arith.constant 0 : i32
    %c0_i32_1 = arith.constant 0 : i32
    return %add3A_0, %c0_i32 : i32, i32
  }
  func.func @transform_1(%arg0: i32) -> (i32, i32) {
    %add3A = arith.constant 40 : i32
    %add3A_0 = arith.addi %add3A, %arg0 : i32
    %c0_i32 = arith.constant 0 : i32
    %c0_i32_1 = arith.constant 0 : i32
    return %add3A_0, %c0_i32 : i32, i32
  }
  func.func @transform_2(%arg0: i32) -> (i32, i32) {
    %add3A = arith.constant 80 : i32
    %add3A_0 = arith.addi %add3A, %arg0 : i32
    %c0_i32 = arith.constant 0 : i32
    %c0_i32_1 = arith.constant 0 : i32
    return %add3A_0, %c0_i32 : i32, i32
  }
  func.func @transform_3(%arg0: i32) -> (i32, i32) {
    %add3A = arith.constant 120 : i32
    %add3A_0 = arith.addi %add3A, %arg0 : i32
    %c0_i32 = arith.constant 0 : i32
    %c0_i32_1 = arith.constant 0 : i32
    return %add3A_0, %c0_i32 : i32, i32
  }
  func.func @transform_4(%arg0: i32) -> (i32, i32) {
    %c0_i32 = arith.constant 0 : i32
    %c0_i32_0 = arith.constant 0 : i32
    return %arg0, %c0_i32 : i32, i32
  }
  func.func @transform_5(%arg0: i32) -> (i32, i32) {
    %c0_i32 = arith.constant 0 : i32
    %c0_i32_0 = arith.constant 0 : i32
    return %arg0, %c0_i32 : i32, i32
  }
  func.func @transform_6(%arg0: i32) -> (i32, i32) {
    %c0_i32 = arith.constant 0 : i32
    %c0_i32_0 = arith.constant 0 : i32
    %c0_i32_1 = arith.constant 0 : i32
    return %c0_i32, %c0_i32_0 : i32, i32
  }
  func.func @transform_7(%arg0: i32) -> (i32, i32) {
    %c0_i32 = arith.constant 0 : i32
    %c0_i32_0 = arith.constant 0 : i32
    %c0_i32_1 = arith.constant 0 : i32
    return %c0_i32, %c0_i32_0 : i32, i32
  }
  func.func @transform_8(%arg0: i32) -> (i32, i32) {
    %c0_i32 = arith.constant 0 : i32
    %c0_i32_0 = arith.constant 0 : i32
    %c0_i32_1 = arith.constant 0 : i32
    return %c0_i32, %c0_i32_0 : i32, i32
  }
  func.func @transform_9(%arg0: i32) -> (i32, i32) {
    %c0_i32 = arith.constant 0 : i32
    %c0_i32_0 = arith.constant 0 : i32
    %c0_i32_1 = arith.constant 0 : i32
    return %c0_i32, %c0_i32_0 : i32, i32
  }
  func.func @transform_10(%arg0: i32) -> (i32, i32) {
    %c0_i32 = arith.constant 0 : i32
    %c0_i32_0 = arith.constant 0 : i32
    return %arg0, %c0_i32 : i32, i32
  }
  func.func @transform_11(%arg0: i32) -> (i32, i32) {
    %c0_i32 = arith.constant 0 : i32
    %c0_i32_0 = arith.constant 0 : i32
    return %arg0, %c0_i32 : i32, i32
  }
  func.func @transform_12(%arg0: i32) -> (i32, i32) {
    %c0_i32 = arith.constant 0 : i32
    %c0_i32_0 = arith.constant 0 : i32
    return %arg0, %c0_i32 : i32, i32
  }
  func.func @transform_13(%arg0: i32) -> (i32, i32) {
    %c0_i32 = arith.constant 0 : i32
    %c0_i32_0 = arith.constant 0 : i32
    return %arg0, %c0_i32 : i32, i32
  }
  func.func @transform_14(%arg0: i32) -> (i32, i32) {
    %c0_i32 = arith.constant 0 : i32
    %c0_i32_0 = arith.constant 0 : i32
    return %arg0, %c0_i32 : i32, i32
  }
}

module attributes {stable_mosaic.version = 14 : i64} {
  func.func @_fin_body(%arg0: i32, %arg1: memref<2000x128xf32, #tpu.memory_space<vmem>>, %arg2: memref<2000x128xf32, #tpu.memory_space<vmem>>, %arg3: memref<2000x16xf32, #tpu.memory_space<vmem>>, %arg4: memref<2000x16xf32, #tpu.memory_space<vmem>>, %arg5: memref<2000x128xf32, #tpu.memory_space<vmem>>) attributes {dimension_semantics = [#tpu.dimension_semantics<arbitrary>], iteration_bounds = array<i64: 5>, scalar_prefetch = 0 : i64, scratch_operands = 0 : i64, tpu.core_type = #tpu.core_type<tc>, window_params = [{transform_indices = @transform_0, window_bounds = array<i64: 2000, 128>}, {transform_indices = @transform_1, window_bounds = array<i64: 2000, 128>}, {transform_indices = @transform_2, window_bounds = array<i64: 2000, 16>}, {transform_indices = @transform_3, window_bounds = array<i64: 2000, 16>}, {transform_indices = @transform_4, window_bounds = array<i64: 2000, 128>}]} {
    %get3A = arith.constant 0 : index
    %get3A_0 = arith.constant 0 : index
    %get3A_1 = vector.load %arg1[%get3A, %get3A_0] : memref<2000x128xf32, #tpu.memory_space<vmem>>, vector<2000x128xf32>
    %get3A_2 = arith.constant 0 : index
    %get3A_3 = arith.constant 0 : index
    %get3A_4 = vector.load %arg2[%get3A_2, %get3A_3] : memref<2000x128xf32, #tpu.memory_space<vmem>>, vector<2000x128xf32>
    %add3A = arith.addf %get3A_1, %get3A_4 : vector<2000x128xf32>
    %get3A_5 = arith.constant 0 : index
    %get3A_6 = arith.constant 0 : index
    %get3A_7 = vector.load %arg3[%get3A_5, %get3A_6] : memref<2000x16xf32, #tpu.memory_space<vmem>>, vector<2000x16xf32>
    %get3A_8 = arith.constant 0 : index
    %get3A_9 = arith.constant 0 : index
    %get3A_10 = vector.load %arg4[%get3A_8, %get3A_9] : memref<2000x16xf32, #tpu.memory_space<vmem>>, vector<2000x16xf32>
    %add3A_11 = arith.addf %get3A_7, %get3A_10 : vector<2000x16xf32>
    %iota3A = tpu.iota {dimensions = array<i32: 0>} : vector<16x128xi32>
    %iota3A_12 = tpu.iota {dimensions = array<i32: 1>} : vector<16x128xi32>
    %jit3A = arith.constant 32 : i32
    %div3A = vector.broadcast %jit3A : i32 to vector<16x128xi32>
    %div3A_13 = arith.divsi %iota3A_12, %div3A : vector<16x128xi32>
    %sign3A = arith.constant 0 : i32
    %sign3A_14 = vector.broadcast %sign3A : i32 to vector<16x128xi32>
    %sign3A_15 = arith.cmpi sgt, %iota3A_12, %sign3A_14 : vector<16x128xi32>
    %sign3A_16 = arith.extui %sign3A_15 : vector<16x128xi1> to vector<16x128xi32>
    %sign3A_17 = arith.constant 0 : i32
    %sign3A_18 = vector.broadcast %sign3A_17 : i32 to vector<16x128xi32>
    %sign3A_19 = arith.cmpi slt, %iota3A_12, %sign3A_18 : vector<16x128xi32>
    %sign3A_20 = arith.extui %sign3A_19 : vector<16x128xi1> to vector<16x128xi32>
    %sign3A_21 = arith.subi %sign3A_16, %sign3A_20 : vector<16x128xi32>
    %sign3A_22 = arith.constant 0 : i32
    %sign3A_23 = arith.cmpi sgt, %jit3A, %sign3A_22 : i32
    %sign3A_24 = arith.extui %sign3A_23 : i1 to i32
    %sign3A_25 = arith.constant 0 : i32
    %sign3A_26 = arith.cmpi slt, %jit3A, %sign3A_25 : i32
    %sign3A_27 = arith.extui %sign3A_26 : i1 to i32
    %sign3A_28 = arith.subi %sign3A_24, %sign3A_27 : i32
    %ne3A = vector.broadcast %sign3A_28 : i32 to vector<16x128xi32>
    %ne3A_29 = arith.cmpi ne, %sign3A_21, %ne3A : vector<16x128xi32>
    %rem3A = vector.broadcast %jit3A : i32 to vector<16x128xi32>
    %rem3A_30 = arith.remsi %iota3A_12, %rem3A : vector<16x128xi32>
    %ne3A_31 = arith.constant 0 : i32
    %ne3A_32 = vector.broadcast %ne3A_31 : i32 to vector<16x128xi32>
    %ne3A_33 = arith.cmpi ne, %rem3A_30, %ne3A_32 : vector<16x128xi32>
    %and3A = arith.andi %ne3A_29, %ne3A_33 : vector<16x128xi1>
    %sub3A = arith.constant 1 : i32
    %sub3A_34 = vector.broadcast %sub3A : i32 to vector<16x128xi32>
    %sub3A_35 = arith.subi %div3A_13, %sub3A_34 : vector<16x128xi32>
    %select_n3A = arith.select %and3A, %sub3A_35, %div3A_13 : vector<16x128xi1>, vector<16x128xi32>
    %eq3A = arith.cmpi eq, %iota3A, %select_n3A : vector<16x128xi32>
    %convert_element_type3A = arith.extui %eq3A : vector<16x128xi1> to vector<16x128xi32>
    %convert_element_type3A_36 = arith.sitofp %convert_element_type3A : vector<16x128xi32> to vector<16x128xf32>
    %dot_general3A = arith.constant dense<0.000000e+00> : vector<2000x128xf32>
    %dot_general3A_37 = tpu.matmul %add3A_11, %convert_element_type3A_36, %dot_general3A {dimension_numbers = #tpu.dot_dimension_numbers<[1], [0], [0], [1], [0, 0, 1, 1], [], []>, transpose_lhs_hint = false} : vector<2000x16xf32>, vector<16x128xf32>, vector<2000x128xf32> -> vector<2000x128xf32>
    %add3A_38 = arith.constant 1.000000e-16 : f32
    %add3A_39 = vector.broadcast %add3A_38 : f32 to vector<2000x128xf32>
    %add3A_40 = arith.addf %dot_general3A_37, %add3A_39 : vector<2000x128xf32>
    %div3A_41 = arith.divf %add3A, %add3A_40 : vector<2000x128xf32>
    %swap3A = arith.constant 0 : index
    %swap3A_42 = arith.constant 0 : index
    %swap3A_43 = vector.load %arg5[%swap3A, %swap3A_42] : memref<2000x128xf32, #tpu.memory_space<vmem>>, vector<2000x128xf32>
    tpu.vector_store %arg5[%swap3A, %swap3A_42], %div3A_41 {strides = array<i32>} : memref<2000x128xf32, #tpu.memory_space<vmem>>, vector<2000x128xf32>,
    return
  }
  func.func @transform_0(%arg0: i32) -> (i32, i32) {
    %c0_i32 = arith.constant 0 : i32
    %c0_i32_0 = arith.constant 0 : i32
    return %arg0, %c0_i32 : i32, i32
  }
  func.func @transform_1(%arg0: i32) -> (i32, i32) {
    %c0_i32 = arith.constant 0 : i32
    %c0_i32_0 = arith.constant 0 : i32
    return %arg0, %c0_i32 : i32, i32
  }
  func.func @transform_2(%arg0: i32) -> (i32, i32) {
    %c0_i32 = arith.constant 0 : i32
    %c0_i32_0 = arith.constant 0 : i32
    return %arg0, %c0_i32 : i32, i32
  }
  func.func @transform_3(%arg0: i32) -> (i32, i32) {
    %c0_i32 = arith.constant 0 : i32
    %c0_i32_0 = arith.constant 0 : i32
    return %arg0, %c0_i32 : i32, i32
  }
  func.func @transform_4(%arg0: i32) -> (i32, i32) {
    %c0_i32 = arith.constant 0 : i32
    %c0_i32_0 = arith.constant 0 : i32
    return %arg0, %c0_i32 : i32, i32
  }
}

</mosaic_0001>

<sc_bundles>
// kernel: kernel.11.cloned.1.call-start
scs
__scs_entry_jumppad:
0x0: {  	(pc) =	sbr.rel $0x88, $3  }
0x1: {  	(tag) =	ssettag $0x0;
	lr =	simm.s32 $0x1  }
0x2: {  	[smem:$0x3F97] =	sst lr;
	_ =	strace $0xD0000000  }
0x3: {  	_ = 	snop  }
0x4: {  	_ = 	snop  }
0x5: {  	_ = 	snop  }
0x6: {  	_ = 	snop  }
0x7: {  	_ = 	snop  }
__scs_overlays_trampoline_lowered:
0x8: {  	[smem:$0x3FA6] =	sst s0  }
0x9: {  	[smem:$0x3FA7] =	sst s1  }
0xa: {  	[smem:$0x3FA8] =	sst s2  }
0xb: {  	[smem:$0x3FA9] =	sst s3  }
0xc: {  	[smem:$0x3FAA] =	sst s4  }
0xd: {  	[smem:$0x3FAB] =	sst s5  }
0xe: {  	[smem:$0x3FAC] =	sst s6  }
0xf: {  	[smem:$0x3FAD] =	sst s7  }
0x10: {  	[smem:$0x3FAE] =	sst s8  }
0x11: {  	[smem:$0x3FAF] =	sst s9;
	s0 =	simm.s32 @!p0 $0x0  }
0x12: {  	s1 =	sld [smem:$0x3F95];
	s0 =	simm.s32 @p0 $0x1  }
0x13: {  	[smem:$0x3FB0] =	sst s0;
	s0 =	simm.s32 @!p1 $0x0  }
0x14: {  	s2 =	sld [smem:$0x3F94];
	s0 =	simm.s32 @p1 $0x1  }
0x15: {  	[smem:$0x3FB1] =	sst s0;
	s0 =	simm.s32 @!p2 $0x0  }
0x16: {  	s3 =	sld [smem:$0x3FDB];
	s0 =	simm.s32 @p2 $0x1  }
0x17: {  	s4 =	simm.s32 $0x1BF5;
	[smem:$0x3FB3] =	sst s0  }
0x18: {  	s0 =	sld [smem:$0x3F96];
	_ =	swait.ge [sflag:s4], $0x0  }
0x19: {  	s7 =	sld [smem:$0x3F97]  }
0x1a: {  	s8 =	sadd.s32 $0xFFFFE003, lr  }
0x1b: {  	s9 =	sadd.s32 $0xFFFFFEF7, lr;
	s5 =	simm.s32 $0xFFFFFFFF;
	p2 =	slt.u32 s8, $0xFFFFF086  }
0x1c: {  	p1 =	slt.u32 s9, $0xF7A;
	s5 =	simm.s32 @!p2 $0x0  }
0x1d: {  	s5 =	simm.s32 @p1 $0x1;
	p0 =	seq.s32 s7, s2  }
0x1e: {  	s7 =	smul.u32 @!p0 $0xF7A, s2;
	p2 =	seq.s32 @!p0 s5, $0x0  }
0x1f: {  	s9 =	smul.u32 $0xF7A, s1;
	s8 =	simm.s32 @!p0 $0x1BF5;
	p2 =	por !p2, p0  }
0x20: {  	[sflag:s8] =	ssyncset.s32 @!p0 $0xFFFFF086;
	s6 =	sadd.s32 @!p0 s3, s7;
	s7 =	simm.s32 @!p0 $0x108  }
0x21: {  	s3 =	sadd.s32 s3, s9;
	s6 =	sadd.s32 @!p0 $0x88, s6;
	s7 =	simm.s32 @p2 $0x1082  }
0x22: {  	[simem:s7], [sflag:s8] =	dma.local @!p0 [hbm:s6], $0xF7A  }
0x23: {  	s9 =	sor.u32 $0xD0000000, s2;
	s6 =	simm.s32 $0x108;
	_ =	swait.ge @!p0 [sflag:s8], $0x0  }
0x24: {  	s3 =	sadd.s32 $0x88, s3;
	s6 =	simm.s32 @!p1 $0x1082;
	[sflag:s4] =	ssyncset.s32 $0xFFFFF086  }
0x25: {  	[simem:s6], [sflag:s4] =	dma.local [hbm:s3], $0xF7A  }
0x26: {  	[smem:$0x3F97] =	sst s1;
	(tag) =	ssettag s2;
	_ =	strace s9  }
0x27: {  	s1 =	sld [smem:$0x3FA7]  }
0x28: {  	s2 =	sld [smem:$0x3FA8]  }
0x29: {  	s4 =	sld [smem:$0x3FAA]  }
0x2a: {  	p0 =	seq.s32 s5, $0x0;
	s5 =	sld [smem:$0x3FAB]  }
0x2b: {  	s6 =	sld [smem:$0x3FAC]  }
0x2c: {  	s7 =	sld [smem:$0x3FAD]  }
0x2d: {  	s3 =	simm.s32 $0x108;
	s8 =	sld [smem:$0x3FAE]  }
0x2e: {  	s3 =	simm.s32 @!p0 $0x1082;
	s9 =	sld [smem:$0x3FAF]  }
0x2f: {  	lr =	sadd.s32 s0, s3;
	s0 =	sld [smem:$0x3FA6]  }
0x30: {  	s3 =	sld [smem:$0x3FA9]  }
0x31: {  	[smem:$0x3FB2] =	sst s10  }
0x32: {  	s10 =	sld [smem:$0x3FB0];
	_ =	sdelay $0x3  }
0x33: {  	p0 =	seq.s32 s10, $0x1;
	s10 =	sld [smem:$0x3FB2];
	_ =	sdelay $0x3  }
0x34: {  	[smem:$0x3FB2] =	sst s10  }
0x35: {  	s10 =	sld [smem:$0x3FB1];
	_ =	sdelay $0x3  }
0x36: {  	p1 =	seq.s32 s10, $0x1;
	s10 =	sld [smem:$0x3FB2];
	_ =	sdelay $0x3  }
0x37: {  	[smem:$0x3FB2] =	sst s10  }
0x38: {  	s10 =	sld [smem:$0x3FB3]  }
0x39: {  	_ = 	snop;
	(pc) =	sbr.ind lr, $3  }
0x3a: {  	_ = 	snop  }
0x3b: {  	_ = 	snop  }
0x3c: {  	p2 =	seq.s32 s10, $0x1;
	s10 =	sld [smem:$0x3FB2]  }
0x3d: {  	_ =	shalt  }
0x3e: {  	_ =	shalt  }
0x3f: {  	_ =	shalt  }
0x40: {  	_ =	shalt  }
0x41: {  	_ =	shalt  }
0x42: {  	_ =	shalt  }
0x43: {  	_ =	shalt  }
0x44: {  	_ =	shalt  }
0x45: {  	_ =	shalt  }
0x46: {  	_ =	shalt  }
0x47: {  	_ =	shalt  }
0x48: {  	_ =	shalt  }
0x49: {  	_ =	shalt  }
0x4a: {  	_ =	shalt  }
0x4b: {  	_ =	shalt  }
0x4c: {  	_ =	shalt  }
0x4d: {  	_ =	shalt  }
0x4e: {  	_ =	shalt  }
0x4f: {  	_ =	shalt  }
0x50: {  	_ =	shalt  }
0x51: {  	_ =	shalt  }
0x52: {  	_ =	shalt  }
0x53: {  	_ =	shalt  }
0x54: {  	_ =	shalt  }
0x55: {  	_ =	shalt  }
0x56: {  	_ =	shalt  }
0x57: {  	_ =	shalt  }
0x58: {  	_ =	shalt  }
0x59: {  	_ =	shalt  }
0x5a: {  	_ =	shalt  }
0x5b: {  	_ =	shalt  }
0x5c: {  	_ =	shalt  }
0x5d: {  	_ =	shalt  }
0x5e: {  	_ =	shalt  }
0x5f: {  	_ =	shalt  }
0x60: {  	_ =	shalt  }
0x61: {  	_ =	shalt  }
0x62: {  	_ =	shalt  }
0x63: {  	_ =	shalt  }
0x64: {  	_ =	shalt  }
0x65: {  	_ =	shalt  }
0x66: {  	_ =	shalt  }
0x67: {  	_ =	shalt  }
0x68: {  	_ =	shalt  }
0x69: {  	_ =	shalt  }
0x6a: {  	_ =	shalt  }
0x6b: {  	_ =	shalt  }
0x6c: {  	_ =	shalt  }
0x6d: {  	_ =	shalt  }
0x6e: {  	_ =	shalt  }
0x6f: {  	_ =	shalt  }
0x70: {  	_ =	shalt  }
0x71: {  	_ =	shalt  }
0x72: {  	_ =	shalt  }
0x73: {  	_ =	shalt  }
0x74: {  	_ =	shalt  }
0x75: {  	_ =	shalt  }
0x76: {  	_ =	shalt  }
0x77: {  	_ =	shalt  }
0x78: {  	_ =	shalt  }
0x79: {  	_ =	shalt  }
0x7a: {  	_ =	shalt  }
0x7b: {  	_ =	shalt  }
0x7c: {  	_ =	shalt  }
0x7d: {  	_ =	shalt  }
0x7e: {  	_ =	shalt  }
0x7f: {  	_ =	shalt  }
0x80: {  	_ =	shalt  }
0x81: {  	_ =	shalt  }
0x82: {  	_ =	shalt  }
0x83: {  	_ =	shalt  }
0x84: {  	_ =	shalt  }
0x85: {  	_ =	shalt  }
0x86: {  	_ =	shalt  }
0x87: {  	_ =	shalt  }
.Lfunc_end0:
.L_simem_size_0:
called_computation.1_lowered:
.L_overlay_start_0:
0x88: {  	s2 =	sld [smem:$0x3FD9]  }
0x89: {  	s3 =	sld [smem:$0x3FFE];
	_ =	sdelay $0x1  }
0x8a: {  	s1 =	srdreg.scid  }
0x8b: {  	s0 =	sand.u32 $0x1, s1  }
0x8c: {  	s17 =	sshll.u32 s0, $0xA;
	s2 =	sadd.s32 s3, s2  }
0x8d: {  	s2 =	sadd.s32 s2, s17  }
0x8e: {  	[smem:$0x3FBE] =	sst s2  }
0x8f: {  	_ = 	snop  }
0x90: {  	s2 =	sld [smem:$0x3FD0];
	(tm) =	ssettm $0x1  }
0x91: {  	s18 =	sld [smem:$0x3FFB];
	_ =	sdelay $0x3  }
0x92: {  	_ =	strace s18  }
0x93: {  	s3 =	sld [smem:$0x3FFC];
	_ =	sdelay $0x3  }
0x94: {  	_ =	strace s3  }
0x95: {  	s3 =	sld [smem:$0x3FFD];
	_ =	sdelay $0x3  }
0x96: {  	_ =	strace s3  }
0x97: {  	_ =	strace $0x8FFFFFFF  }
0x98: {  	s19 =	sld [smem:$0x3FDB];
	_ =	sdelay $0x1  }
0x99: {  	s4 =	simm.s32 $_scs_section_size  }
0x9a: {  	s5 =	simm.s32 $_size__tile_overlayer_lowered;
	s6 =	simm.s32 $_tile_overlayer_lowered  }
0x9b: {  	s22 =	simm.s32 $0x1BFF;
	s21 =	sshll.u32 s6, $0x1;
	s3 =	sadd.s32 s4, s19  }
0x9c: {  	s7 =	simm.s32 $0x0;
	s20 =	sshll.u32 s5, $0x1;
	s5 =	sadd.s32 s21, s3  }
0x9d: {  	[timem:s7], [sflag:s22] =	dma.local [hbm:s5], s20  }
0x9e: {  	_ =	swait.ge [sflag:s22], s20  }
0x9f: {  	s4 =	ssub.s32 $0x0, s20;
	[sflag:s22] =	ssyncset.done $0x0  }
0xa0: {  	[sflag:s22] =	ssyncadd.s32 s4;
	_ =	sdelay $0x1  }
0xa1: {  	s23 =	simm.s32 $0x1B8B  }
0xa2: {  	_ =	swait.ge [sflag:s23], $0x1  }
0xa3: {  	[sflag:s23] =	ssyncset.done $0x0  }
0xa4: {  	s25 =	simm.s32 $0x1B8E;
	s24 =	sld [smem:$0x3FFE];
	[sflag:s23] =	ssyncadd.s32 $0xFFFFFFFF  }
0xa5: {  	s26 =	simm.s32 $execute0_lowered;
	[smem:$0x3FD2] =	sst s25  }
0xa6: {  	s5 =	sshll.u32 s26, $0x1;
	_ =	strace $0x80000049;
	[dreg:$0x1] =	wrdreg $0xFFFFFFFF  }
0xa7: {  	s28 =	simm.s32 $_size_execute0_lowered;
	s3 =	sadd.s32 s3, s5;
	[dreg:$0x0] =	wrdreg $0x0  }
0xa8: {  	s5 =	sshll.u32 s28, $0x1;
	[dreg:$0x2] =	wrdreg s3  }
0xa9: {  	[dreg:$0x3] =	wrdreg s5  }
0xaa: {  	[dreg:$0x4] =	wrdreg $0xC0  }
0xab: {  	_ =	task [dreg:s7], $0x5FFFF  }
0xac: {  	[dreg:$0x1] =	wrdreg $0xFFFFFFFF  }
0xad: {  	[dreg:$0x0] =	wrdreg $0x60  }
0xae: {  	[dreg:$0x2] =	wrdreg s24  }
0xaf: {  	[dreg:$0x3] =	wrdreg s2  }
0xb0: {  	[dreg:$0x4] =	wrdreg $0x9F600  }
0xb1: {  	[dreg:$0x5] =	wrdreg $0x1D7E00  }
0xb2: {  	[dreg:$0x6] =	wrdreg $0x9  }
0xb3: {  	_ =	task.clear_ibuf [dreg:s7], $0x7FFFF;
	_ =	strace $0x90000049  }
0xb4: {  	s29 =	simm.s32 $0x9;
	_ =	strace $0x8000004B  }
0xb5: {  	_ =	swait.ge [sflag:s29], $0x1  }
0xb6: {  	[sflag:s29] =	ssyncadd.s32 $0xFFFFFFFF  }
0xb7: {  	_ =	strace $0x9000004B  }
0xb8: {  	_ =	sfence  }
0xb9: {  	s30 =	sld [smem:$0x0];
	_ =	sdelay $0x2  }
0xba: {  	s31 =	sshll.u32 s1, $0xD;
	s1 =	sshrl.u32 s1, $0x2  }
0xbb: {  	s3 =	sand.u32 $0x4000, s31;
	s1 =	sadd.s32 s1, s30  }
0xbc: {  	s0 =	sor.u32 s3, s0;
	s1 =	sshll.u32 s1, $0x11  }
0xbd: {  	s0 =	sor.u32 s1, s0  }
0xbe: {  	s0 =	sadd.s32 $0x8F2B, s0  }
0xbf: {  	[sflag:s0] =	ssyncadd.remote.s32 $0x1  }
0xc0: {  	_ =	sfence.sel $0xFFFF  }
0xc1: {  	[dreg:$0x0] =	wrdreg $0xFFFFFFFF;
	(pc) =	sbr.abs _section_cstart, $3  }
0xc2: {  	[dreg:$0x1] =	wrdreg $0xFFFFFFFF  }
0xc3: {  	_ =	task.clear_ibuf [dreg:s7], $0x2FFFF;
	_ =	strace $0x9FFFFFFF  }
0xc4: {  	(tm) =	ssettm $0x7FFFFFFF  }
0xc5: {  	_ =	shalt  }
tec
execute0_lowered:
.L_overlay_start_1:
0x0: {  	(tag) =	ssettag $0x1  }
0x1: {  	s10 =	rddreg [dreg:$0x0]  }
0x2: {  	s14 =	rddreg [dreg:$0x1]  }
0x3: {  	s7 =	rddreg [dreg:$0x2]  }
0x4: {  	s8 =	rddreg [dreg:$0x3]  }
0x5: {  	s0 =	srdreg.scid;
	s2 =	stileid.u32  }
0x6: {  	s1 =	simm.s32 $0x0;
	s4 =	sand.u32 $0x1, s0;
	s0 =	sadd.s32 $0x146E00, s10  }
0x7: {  	[smem:$0x7FF] =	sst s1;
	s1 =	smul.u32 $0x2710, s2;
	s3 =	sadd.s32 $0x27F600, s10  }
0x8: {  	s25 =	simm.s32 $0x38E0;
	s16 =	smul.u32 $0x13880, s2;
	s29 =	sadd.s32 $0x3B7E00, s10  }
0x9: {  	s30 =	sshll.u32 s2, $0x1;
	s24 =	sadd.s32 $0x4F0600, s10;
	s6 =	sadd.s32 $0x76E200, s10  }
0xa: {  	s28 =	sshrl.u32 s2, $0x2;
	s15 =	sor.u32 s4, s30;
	s17 =	smul.u32 $0x138800, s4  }
0xb: {  	_ =	strace $0x8000004A;
	s9 =	smul.u32 $0x27100, s4;
	s19 =	ssub.s32 $0x2, s4  }
0xc: {  	[dreg:$0x5] =	wrdreg s25;
	s30 =	simm.s32 $0x9420;
	s25 =	simm.s32 $0x97E0  }
0xd: {  	p0 =	seq.s32 s28, $0x0;
	p3 =	sne.s32 s28, $0x0;
	[dreg:$0x19] =	wrdreg s29  }
0xe: {  	s11 =	smul.u32 $0x5DC, s15;
	s12 =	sshrl.u32 s1, $0x3;
	[dreg:$0x6] =	wrdreg s30  }
0xf: {  	s22 =	sshrl.u32 s19, $0x1;
	s26 =	sadd.s32 s16, s7;
	[dreg:$0xc] =	wrdreg s25  }
0x10: {  	s30 =	simm.s32 $0x60E0;
	s25 =	simm.s32 $0x9CE0;
	s13 =	sadd.s32 s12, s10  }
0x11: {  	s31 =	sadd.s32 s16, s17;
	s5 =	sadd.s32 s1, s9;
	s12 =	ssub.s32 s19, s22  }
0x12: {  	[smem:$0x7EA] =	sst s26;
	s16 =	sshrl.u32 s16, $0x3;
	s19 =	smul.u32 $0x138800, s15  }
0x13: {  	s22 =	simm.s32 $0x96A0;
	s26 =	smul.u32 $0x271000, s2;
	[dreg:$0xd] =	wrdreg s30  }
0x14: {  	[dreg:$0x14] =	wrdreg s25;
	s30 =	sshll.u32 s2, $0x6;
	s1 =	sadd.s32 s1, s8  }
0x15: {  	s18 =	sadd.s32 s11, s10;
	s20 =	sshrl.u32 s31, $0x3;
	[dreg:$0xa] =	wrdreg s22  }
0x16: {  	s21 =	sshrl.u32 s5, $0x3;
	s31 =	simm.s32 $0x42E0;
	[smem:$0x7EF] =	sst s1  }
0x17: {  	s5 =	simm.s32 $0x9560;
	s16 =	sadd.s32 s14, s16;
	[dreg:$0x7] =	wrdreg s31  }
0x18: {  	s4 =	sadd.s32 s20, s10;
	s11 =	sadd.s32 s21, s10;
	[smem:$0x7EB] =	sst s16  }
0x19: {  	s23 =	sadd.s32 $0x629E00, s18;
	[dreg:$0x8] =	wrdreg s5;
	s20 =	simm.s32 $0x4CE0  }
0x1a: {  	s21 =	sadd.s32 $0xFF63C000, s19;
	s18 =	smul.u32 $0x27100, s15;
	[smem:$0x7E9] =	sst s23  }
0x1b: {  	s15 =	smov.u32 s6;
	s31 =	simm.s32 $0x9920;
	[dreg:$0x9] =	wrdreg s20  }
0x1c: {  	s5 =	simm.s32 $0x6AE0;
	s6 =	simm.s32 $0x9A60;
	[dreg:$0xe] =	wrdreg s31  }
0x1d: {  	s22 =	sadd.s32 $0xFF63C020, s19;
	s14 =	sadd.s32 $0xFE2B4060, s19;
	[dreg:$0xf] =	wrdreg s5  }
0x1e: {  	s16 =	sshrl.u32 s21, $0x3;
	s23 =	simm.s32 $0x56E0;
	[dreg:$0x10] =	wrdreg s6  }
0x1f: {  	s20 =	sadd.s32 s17, s26;
	s17 =	simm.s32 $0x74E0;
	[dreg:$0xb] =	wrdreg s23  }
0x20: {  	s21 =	simm.s32 $0x9BA0;
	s6 =	sshrl.u32 s22, $0x3;
	[dreg:$0x11] =	wrdreg s17  }
0x21: {  	s5 =	simm.s32 @!p0 $0x0;
	s26 =	simm.s32 $0x88E0;
	[dreg:$0x12] =	wrdreg s21  }
0x22: {  	s31 =	simm.s32 $0x9E20;
	s25 =	sadd.s32 $0x644800, s4;
	[dreg:$0x15] =	wrdreg s26  }
0x23: {  	s4 =	simm.s32 $0x5;
	s10 =	sadd.s32 s3, s16;
	[dreg:$0x16] =	wrdreg s31  }
0x24: {  	s16 =	sadd.s32 s0, s18;
	s23 =	simm.s32 $0x7EE0;
	[smem:$0x7F5] =	sst s25  }
0x25: {  	s5 =	simm.s32 @p0 $0x1;
	s6 =	smov.u32 @p0 s18;
	[dreg:$0x13] =	wrdreg s23  }
0x26: {  	s17 =	sadd.s32 $0xFEC78000, s19;
	s21 =	sadd.s32 $0xFEC78040, s19;
	[smem:$0x7ED] =	sst s5  }
0x27: {  	s26 =	sadd.s32 $0x63AA00, s11;
	s10 =	smov.u32 @p0 s16;
	[smem:$0x7EE] =	sst s6  }
0x28: {  	s6 =	sor.u32 $0x1C06, s30;
	s16 =	smov.u32 s3;
	[smem:$0x7F6] =	sst s26  }
0x29: {  	s5 =	sadd.s32 $0xFE2B4000, s19;
	s22 =	sshrl.u32 s21, $0x3;
	[smem:$0x7EC] =	sst s10  }
0x2a: {  	s18 =	sshrl.u32 s17, $0x3;
	s30 =	smax.u32 s12, $0x1;
	[smem:$0x7F4] =	sst s22  }
0x2b: {  	s23 =	smul.u32 $0x4E200, s2;
	p0 =	sgt.s32 s28, $0x1;
	[smem:$0x7F7] =	sst s30  }
0x2c: {  	s10 =	sadd.s32 $0x635A00, s13;
	s13 =	sshrl.u32 s5, $0x3;
	[smem:$0x7FC] =	sst s6  }
0x2d: {  	s2 =	simm.s32 $0x6;
	[smem:$0x7F0] =	sst s10;
	s1 =	sadd.s32 s24, s13  }
0x2e: {  	s19 =	simm.s32 $0x2EE0;
	s0 =	sadd.s32 s23, s0;
	[smem:$0x7F1] =	sst s1  }
0x2f: {  	s31 =	sadd.s32 s23, s15;
	[smem:$0x7F8] =	sst s0;
	s0 =	simm.s32 @!p0 $0x0  }
0x30: {  	[smem:$0x7F9] =	sst s31;
	s0 =	simm.s32 @p0 $0x1;
	p0 =	seq.s32 s28, $0x3  }
0x31: {  	s1 =	sshrl.u32 s14, $0x3;
	[smem:$0x7FA] =	sst s0;
	s0 =	simm.s32 @!p0 $0x0  }
0x32: {  	s22 =	simm.s32 $0x14;
	[smem:$0x7F2] =	sst s1;
	s0 =	simm.s32 @p0 $0x1  }
0x33: {  	s1 =	sadd.s32 s29, s18;
	[smem:$0x7FB] =	sst s0;
	s0 =	simm.s32 @!p3 $0x0  }
0x34: {  	s10 =	simm.s32 $0x92E0;
	[smem:$0x7F3] =	sst s1;
	s0 =	simm.s32 @p3 $0x1  }
0x35: {  	s23 =	simm.s32 $0x4;
	s1 =	simm.s32 $0x0;
	[smem:$0x7FD] =	sst s0  }
.LBB2_1:
0x36: {  	s13 =	sld [smem:$0x7E9]  }
0x37: {  	s14 =	sld [smem:$0x7EA]  }
0x38: {  	s0 =	simm.s32 $0x0;
	s18 =	sld [smem:$0x7EB]  }
0x39: {  	[tilespmem:s0], [sflag:$0x1] =	stream.linear.gather [hbm4b:s13+s0], $0x2EE0, $0x38;
	[tilespmem:$0x1FEF0] =	vst v63  }
0x3a: {  	[smem:$0x7E6] =	sst s1;
	s17 =	sshrl.u32 s14, $0x3  }
0x3b: {  	[smem:$0x7E7] =	sst s17  }
0x3c: {  	[spmem:s17], [sflag:s6] =	dma.local [hbm:s18], $0x2710  }
0x3d: {  	_ =	swait.ge [sflag:s2], $0x2710  }
0x3e: {  	s21 =	sld [smem:$0x7EF];
	_ =	sdelay $0x1  }
0x3f: {  	s26 =	sld [smem:$0x7F0]  }
0x40: {  	[sflag:s2] =	ssyncset.done $0x0;
	s25 =	sshrl.u32 s21, $0x3  }
0x41: {  	[sflag:s2] =	ssyncadd.s32 $0xFFFFD8F0;
	[smem:$0x7E8] =	sst s25  }
0x42: {  	[spmem:s25], [sflag:s6] =	dma.local [hbm:s26], $0x4E2  }
0x43: {  	_ =	swait.ge [sflag:s2], $0x4E2  }
0x44: {  	[sflag:s2] =	ssyncset.done $0x0  }
0x45: {  	s30 =	simm.s32 $0x1;
	[sflag:s2] =	ssyncadd.s32 $0xFFFFFB1E  }
0x46: {  	_ =	swait.ge [sflag:s30], $0x2EE0  }
0x47: {  	[sflag:s30] =	ssyncset.done $0x0  }
0x48: {  	[sflag:s30] =	ssyncadd.s32 $0xFFFFD120  }
0x49: {  	[bflag:$0x0] =	sbarrier.arrive $0xFFFF  }
0x4a: {  	s31 =	sld [smem:$0x7FA];
	_ =	sdelay $0x2  }
0x4b: {  	p0 =	seq.s32 s31, $0x1  }
.Ltmp0:
0x4c: {  	_ = 	snop;
	(pc) =	sbr.rel @p0 .LBB2_3-.Ltmp0, $1  }
0x4d: {  	_ =	sdelay $0x3  }
0x4e: {  	s0 =	sld [smem:$0x7ED];
	_ =	sdelay $0x2  }
0x4f: {  	p2 =	seq.s32 s0, $0x1  }
.Ltmp1:
0x50: {  	p4 =	por $0x0, $0x0;
	p1 =	por @!p2 $0x0, $0x0;
	(pc) =	sbr.rel .LBB2_6-.Ltmp1, $4  }
0x51: {  	p6 =	por $0x0, $0x0;
	p4 =	por @!p2 p1, p1  }
0x52: {  	p5 =	por $0x0, $0x0;
	s1 =	sld [smem:$0x7EC];
	s0 =	simm.s32 @!p4 $0x0  }
0x53: {  	s11 =	sld [smem:$0x7EE];
	p0 =	por @!p2 $0x1, $0x1;
	s0 =	simm.s32 @p4 $0x1  }
0x54: {  	p6 =	por @!p2 p0, p0;
	p5 =	por @!p2 p1, p1;
	[smem:$0x7E5] =	sst s0  }
.LBB2_3:
0x55: {  	s0 =	sld [smem:$0x7FB];
	_ =	sdelay $0x2  }
0x56: {  	p0 =	seq.s32 s0, $0x1  }
.Ltmp2:
0x57: {  	_ = 	snop;
	(pc) =	sbr.rel @!p0 .LBB2_4-.Ltmp2, $1  }
0x58: {  	_ =	sdelay $0x3  }
.Ltmp3:
0x59: {  	(pc) =	sbr.rel .LBB2_6-.Ltmp3, $4  }
0x5a: {  	p0 =	por $0x1, $0x1  }
0x5b: {  	s1 =	sld [smem:$0x7F1];
	s0 =	simm.s32 @!p0 $0x0  }
0x5c: {  	s11 =	sld [smem:$0x7F2];
	s0 =	simm.s32 @p0 $0x1  }
0x5d: {  	p6 =	por $0x0, $0x0;
	p5 =	por $0x0, $0x0;
	[smem:$0x7E5] =	sst s0  }
.LBB2_4:
0x5e: {  	p0 =	por $0x0, $0x0  }
0x5f: {  	s1 =	sld [smem:$0x7F3];
	s0 =	simm.s32 @!p0 $0x0  }
0x60: {  	s11 =	sld [smem:$0x7F4];
	s0 =	simm.s32 @p0 $0x1  }
0x61: {  	p5 =	por $0x1, $0x1;
	p6 =	por $0x0, $0x0;
	[smem:$0x7E5] =	sst s0  }
.LBB2_6:
0x62: {  	s0 =	simm.s32 $0x0;
	s2 =	simm.s32 $0x10  }
0x63: {  	s3 =	simm.s32 $0x80;
	s18 =	sld [smem:$0x7E5];
	s6 =	simm.s32 @!p3 $0x2  }
0x64: {  	s30 =	simm.s32 @p6 $0x80;
	s31 =	simm.s32 @p6 $0x9920;
	s26 =	simm.s32 @p6 $0x60E0  }
0x65: {  	s21 =	simm.s32 @!p3 $0x80;
	s5 =	simm.s32 @!p3 $0x9920;
	s12 =	sadd.s32 @p6 $0x0, s20  }
0x66: {  	[tilespmem:s19], [sflag:$0x2] =	stream.linear.gather [hbm4b:s1+s0], $0x3200, $0x38;
	[tilespmem:$0x1FEF0] =	vst v63  }
0x67: {  	s25 =	simm.s32 @!p3 $0x60E0;
	s17 =	sadd.s32 s15, s11;
	s0 =	sld [smem:$0x7F8]  }
0x68: {  	s11 =	sadd.s32 @p5 $0x0, s20;
	[dreg:$0x1c] =	wrdreg s25;
	s25 =	simm.s32 @!p3 $0x0  }
0x69: {  	[tilespmem:s10], [sflag:$0x2] =	stream.strided.gather [hbm4b:s17+s2], $0x640, s3, s2, $0x38;
	[tilespmem:$0x1FEF0] =	vst v63  }
0x6a: {  	[dreg:$0x1d] =	wrdreg s25;
	p2 =	seq.s32 s18, $0x1;
	s2 =	simm.s32 @!p3 $0x60E0  }
0x6b: {  	s17 =	sadd.s32 @p6 $0xFF63F220, s12;
	s3 =	simm.s32 @p6 $0x0;
	s18 =	sadd.s32 @p5 $0xFEC7B200, s11  }
0x6c: {  	s11 =	sadd.s32 @p5 $0xFEC7B240, s11;
	s13 =	sadd.s32 @!p3 s0, s9;
	s0 =	sld [smem:$0x7F9]  }
0x6d: {  	s12 =	sadd.s32 @p6 $0xFF63F200, s12;
	s1 =	sadd.s32 @p2 $0x0, s20;
	s17 =	sshrl.u32 @p6 s17, $0x3  }
0x6e: {  	s18 =	sshrl.u32 @p5 s18, $0x3;
	s12 =	sshrl.u32 @p6 s12, $0x3;
	s11 =	sshrl.u32 @p5 s11, $0x3  }
0x6f: {  	s13 =	sadd.s32 @!p3 $0x640, s13;
	s14 =	sadd.s32 @!p3 s0, s9;
	s0 =	simm.s32 @!p3 $0x0  }
0x70: {  	[tilespmem:s2], [sflag:$0x3] =	stream.linear.gather @!p3 [hbm4b:s13+s0], $0x3200, $0x38;
	[tilespmem:$0x1FEF0] =	vst v63  }
0x71: {  	s12 =	sadd.s32 @p6 s16, s12;
	s13 =	sadd.s32 @!p3 $0x640, s14;
	s14 =	simm.s32 @!p3 $0x80  }
0x72: {  	s11 =	sadd.s32 @p5 s15, s11;
	s0 =	simm.s32 @!p3 $0x10;
	[dreg:$0x1a] =	wrdreg s14  }
0x73: {  	s2 =	simm.s32 @!p3 $0x10;
	s14 =	simm.s32 @!p3 $0x9920;
	[dreg:$0x1e] =	wrdreg s0  }
0x74: {  	[tilespmem:s5], [sflag:$0x3] =	stream.strided.gather @!p3 [hbm4b:s13+s2], $0x640, s21, s2, $0x38;
	[tilespmem:$0x1FEF0] =	vst v63  }
0x75: {  	s0 =	simm.s32 @p6 $0x10;
	[dreg:$0x1b] =	wrdreg s14;
	s13 =	sadd.s32 @p2 $0xFE2B7200, s1  }
0x76: {  	[tilespmem:s26], [sflag:$0x3] =	stream.linear.gather @p6 [hbm4b:s12+s3], $0x3200, $0x38;
	[tilespmem:$0x1FEF0] =	vst v63  }
0x77: {  	s1 =	sadd.s32 @p2 $0xFE2B7260, s1;
	s12 =	sshrl.u32 @p2 s13, $0x3;
	s13 =	sadd.s32 @p6 s15, s17  }
0x78: {  	[tilespmem:s31], [sflag:$0x3] =	stream.strided.gather @p6 [hbm4b:s13+s0], $0x640, s30, s0, $0x38;
	[tilespmem:$0x1FEF0] =	vst v63  }
0x79: {  	s2 =	simm.s32 @p5 $0x60E0;
	s13 =	sadd.s32 @p5 s29, s18;
	s0 =	simm.s32 @p5 $0x0  }
0x7a: {  	[tilespmem:s2], [sflag:$0x3] =	stream.linear.gather @p5 [hbm4b:s13+s0], $0x3200, $0x38;
	[tilespmem:$0x1FEF0] =	vst v63  }
0x7b: {  	s3 =	simm.s32 @p5 $0x9920;
	s0 =	simm.s32 @p5 $0x10;
	s2 =	simm.s32 @p5 $0x80  }
0x7c: {  	[tilespmem:s3], [sflag:$0x3] =	stream.strided.gather @p5 [hbm4b:s11+s0], $0x640, s2, s0, $0x38;
	[tilespmem:$0x1FEF0] =	vst v63  }
0x7d: {  	s11 =	sadd.s32 @p2 s24, s12;
	s2 =	simm.s32 @p2 $0x0;
	s0 =	simm.s32 @p2 $0x0  }
0x7e: {  	s3 =	simm.s32 @p2 $0x60E0;
	[dreg:$0x1f] =	wrdreg s0;
	s0 =	simm.s32 @p2 $0x60E0  }
0x7f: {  	[tilespmem:s3], [sflag:$0x3] =	stream.linear.gather @p2 [hbm4b:s11+s2], $0x3200, $0x38;
	[tilespmem:$0x1FEF0] =	vst v63  }
0x80: {  	s1 =	sshrl.u32 @p2 s1, $0x3;
	[smem:$0x7DF] =	sst s0;
	s11 =	simm.s32 @p2 $0x9920  }
0x81: {  	s1 =	sadd.s32 @p2 s15, s1;
	s0 =	simm.s32 @p2 $0x10;
	[dreg:$0x18] =	wrdreg s11  }
0x82: {  	s2 =	simm.s32 @p2 $0x10;
	[smem:$0x7E0] =	sst s0;
	s0 =	simm.s32 @p2 $0x80  }
0x83: {  	s3 =	simm.s32 @p2 $0x80;
	[smem:$0x7E1] =	sst s0;
	s0 =	simm.s32 @p2 $0x9920  }
0x84: {  	[tilespmem:s0], [sflag:$0x3] =	stream.strided.gather @p2 [hbm4b:s1+s2], $0x640, s3, s2, $0x38;
	[tilespmem:$0x1FEF0] =	vst v63  }
0x85: {  	_ =	swait.ge @!p3 [sflag:s6], $0x3200  }
0x86: {  	[sflag:s6] =	ssyncset.done @!p3 $0x0  }
0x87: {  	[sflag:s6] =	ssyncadd.s32 @!p3 $0xFFFFCE00  }
0x88: {  	_ =	swait.ge @!p3 [sflag:s6], $0x640  }
0x89: {  	s1 =	simm.s32 @!p3 $0x2;
	[sflag:s6] =	ssyncset.done @!p3 $0x0  }
0x8a: {  	s0 =	simm.s32 @p6 $0x2;
	[dreg:$0x17] =	wrdreg s1;
	[sflag:s6] =	ssyncadd.s32 @!p3 $0xFFFFF9C0  }
0x8b: {  	_ =	swait.ge @p6 [sflag:s0], $0x3200  }
0x8c: {  	[sflag:s0] =	ssyncset.done @p6 $0x0  }
0x8d: {  	[sflag:s0] =	ssyncadd.s32 @p6 $0xFFFFCE00  }
0x8e: {  	_ =	swait.ge @p6 [sflag:s0], $0x640  }
0x8f: {  	[sflag:s0] =	ssyncset.done @p6 $0x0  }
0x90: {  	[sflag:s0] =	ssyncadd.s32 @p6 $0xFFFFF9C0;
	s0 =	simm.s32 @p5 $0x2  }
0x91: {  	_ =	swait.ge @p5 [sflag:s0], $0x3200  }
0x92: {  	[sflag:s0] =	ssyncset.done @p5 $0x0  }
0x93: {  	[sflag:s0] =	ssyncadd.s32 @p5 $0xFFFFCE00  }
0x94: {  	_ =	swait.ge @p5 [sflag:s0], $0x640  }
0x95: {  	[sflag:s0] =	ssyncset.done @p5 $0x0  }
0x96: {  	s1 =	simm.s32 @p2 $0x2;
	[sflag:s0] =	ssyncadd.s32 @p5 $0xFFFFF9C0  }
0x97: {  	_ =	swait.ge @p2 [sflag:s1], $0x3200  }
0x98: {  	[sflag:s1] =	ssyncset.done @p2 $0x0  }
0x99: {  	[sflag:s1] =	ssyncadd.s32 @p2 $0xFFFFCE00  }
0x9a: {  	_ =	swait.ge @p2 [sflag:s1], $0x640  }
0x9b: {  	[sflag:s1] =	ssyncset.done @p2 $0x0  }
0x9c: {  	s21 =	simm.s32 $0x0;
	s0 =	simm.s32 @p2 $0x2;
	[sflag:s1] =	ssyncadd.s32 @p2 $0xFFFFF9C0  }
0x9d: {  	[spmem:s7] =	stream.indirect.scatter.add.f32 [tilespmem:s19], [sflag:$0x4], $0x80, s21, s22, $0xb8;
	[tilespmem:$0x1FEF0] =	vst v63  }
0x9e: {  	[smem:$0x7E2] =	sst s0  }
0x9f: {  	[spmem:s8] =	stream.indirect.scatter.add.f32 [tilespmem:s10], [sflag:$0x4], $0x10, s21, s22, $0xb8;
	[tilespmem:$0x1FEF0] =	vst v63  }
0xa0: {  	s26 =	simm.s32 $0x18;
	s25 =	rddreg [dreg:$0x5]  }
0xa1: {  	[spmem:s7] =	stream.indirect.scatter.add.f32 [tilespmem:s25], [sflag:$0x4], $0x80, s26, s22, $0xb8;
	[tilespmem:$0x1FEF0] =	vst v63  }
0xa2: {  	s2 =	rddreg [dreg:$0x6]  }
0xa3: {  	[spmem:s8] =	stream.indirect.scatter.add.f32 [tilespmem:s2], [sflag:$0x4], $0x10, s26, s22, $0xb8;
	[tilespmem:$0x1FEF0] =	vst v63  }
0xa4: {  	s5 =	simm.s32 $0x30;
	s3 =	rddreg [dreg:$0x7]  }
0xa5: {  	[spmem:s7] =	stream.indirect.scatter.add.f32 [tilespmem:s3], [sflag:$0x4], $0x80, s5, s22, $0xb8;
	[tilespmem:$0x1FEF0] =	vst v63  }
0xa6: {  	s6 =	rddreg [dreg:$0x8]  }
0xa7: {  	[spmem:s8] =	stream.indirect.scatter.add.f32 [tilespmem:s6], [sflag:$0x4], $0x10, s5, s22, $0xb8;
	[tilespmem:$0x1FEF0] =	vst v63  }
0xa8: {  	s11 =	simm.s32 $0x48;
	s10 =	rddreg [dreg:$0x9]  }
0xa9: {  	[spmem:s7] =	stream.indirect.scatter.add.f32 [tilespmem:s10], [sflag:$0x4], $0x80, s11, s22, $0xb8;
	[tilespmem:$0x1FEF0] =	vst v63  }
0xaa: {  	s12 =	rddreg [dreg:$0xa]  }
0xab: {  	[spmem:s8] =	stream.indirect.scatter.add.f32 [tilespmem:s12], [sflag:$0x4], $0x10, s11, s22, $0xb8;
	[tilespmem:$0x1FEF0] =	vst v63  }
0xac: {  	s14 =	simm.s32 $0x60;
	s13 =	rddreg [dreg:$0xb]  }
0xad: {  	[spmem:s7] =	stream.indirect.scatter.add.f32 [tilespmem:s13], [sflag:$0x4], $0x80, s14, s22, $0xb8;
	[tilespmem:$0x1FEF0] =	vst v63  }
0xae: {  	s17 =	rddreg [dreg:$0xc]  }
0xaf: {  	[spmem:s8] =	stream.indirect.scatter.add.f32 [tilespmem:s17], [sflag:$0x4], $0x10, s14, s22, $0xb8;
	[tilespmem:$0x1FEF0] =	vst v63  }
0xb0: {  	_ =	swait.ge [sflag:s23], $0xA00  }
0xb1: {  	[sflag:s23] =	ssyncset.done $0x0  }
0xb2: {  	[sflag:s23] =	ssyncadd.s32 $0xFFFFF600  }
0xb3: {  	_ =	swait.ge [sflag:s23], $0xA00  }
0xb4: {  	[sflag:s23] =	ssyncset.done $0x0  }
0xb5: {  	[sflag:s23] =	ssyncadd.s32 $0xFFFFF600  }
0xb6: {  	_ =	swait.ge [sflag:s23], $0xA00  }
0xb7: {  	[sflag:s23] =	ssyncset.done $0x0  }
0xb8: {  	[sflag:s23] =	ssyncadd.s32 $0xFFFFF600  }
0xb9: {  	_ =	swait.ge [sflag:s23], $0xA00  }
0xba: {  	[sflag:s23] =	ssyncset.done $0x0  }
0xbb: {  	[sflag:s23] =	ssyncadd.s32 $0xFFFFF600  }
0xbc: {  	_ =	swait.ge [sflag:s23], $0xA00  }
0xbd: {  	[sflag:s23] =	ssyncset.done $0x0  }
0xbe: {  	[sflag:s23] =	ssyncadd.s32 $0xFFFFF600  }
0xbf: {  	_ =	swait.ge [sflag:s23], $0x140  }
0xc0: {  	[sflag:s23] =	ssyncset.done $0x0  }
0xc1: {  	[sflag:s23] =	ssyncadd.s32 $0xFFFFFEC0  }
0xc2: {  	_ =	swait.ge [sflag:s23], $0x140  }
0xc3: {  	[sflag:s23] =	ssyncset.done $0x0  }
0xc4: {  	[sflag:s23] =	ssyncadd.s32 $0xFFFFFEC0  }
0xc5: {  	_ =	swait.ge [sflag:s23], $0x140  }
0xc6: {  	[sflag:s23] =	ssyncset.done $0x0  }
0xc7: {  	[sflag:s23] =	ssyncadd.s32 $0xFFFFFEC0  }
0xc8: {  	p0 =	por $0x0, $0x0;
	_ =	swait.ge [sflag:s23], $0x140  }
0xc9: {  	p1 =	sne.s32 @!p0 s28, $0x0;
	[sflag:s23] =	ssyncset.done $0x0;
	s3 =	sld [smem:$0x7F8]  }
0xca: {  	p1 =	por p1, p0;
	[sflag:s23] =	ssyncadd.s32 $0xFFFFFEC0  }
0xcb: {  	s1 =	simm.s32 @!p1 $0x2EE0;
	_ =	swait.ge [sflag:s23], $0x140  }
0xcc: {  	s0 =	sadd.s32 @!p1 s3, s9;
	[sflag:s23] =	ssyncset.done $0x0;
	s6 =	sld [smem:$0x7F9]  }
0xcd: {  	s11 =	simm.s32 @!p1 $0x0;
	s0 =	sadd.s32 @!p1 $0xC80, s0;
	[sflag:s23] =	ssyncadd.s32 $0xFFFFFEC0  }
0xce: {  	[tilespmem:s1], [sflag:$0x2] =	stream.linear.gather @!p1 [hbm4b:s0+s11], $0x3200, $0x38;
	[tilespmem:$0x1FEF0] =	vst v63  }
0xcf: {  	s14 =	simm.s32 @!p1 $0x10;
	s1 =	sadd.s32 @!p1 s6, s9  }
0xd0: {  	s0 =	simm.s32 @!p1 $0x80;
	s11 =	simm.s32 @!p1 $0x92E0;
	s1 =	sadd.s32 @!p1 $0xC80, s1  }
0xd1: {  	[tilespmem:s11], [sflag:$0x2] =	stream.strided.gather @!p1 [hbm4b:s1+s14], $0x640, s0, s14, $0x38;
	[tilespmem:$0x1FEF0] =	vst v63  }
0xd2: {  	p1 =	por !p6, p0  }
0xd3: {  	s0 =	sadd.s32 @!p1 $0x0, s20  }
0xd4: {  	s1 =	sadd.s32 @!p1 $0xFF642400, s0;
	s0 =	sadd.s32 @!p1 $0xFF642420, s0  }
0xd5: {  	s11 =	simm.s32 @!p1 $0x0;
	s1 =	sshrl.u32 @!p1 s1, $0x3;
	s0 =	sshrl.u32 @!p1 s0, $0x3  }
0xd6: {  	s14 =	simm.s32 @!p1 $0x2EE0;
	s1 =	sadd.s32 @!p1 s16, s1;
	s0 =	sadd.s32 @!p1 s15, s0  }
0xd7: {  	[tilespmem:s14], [sflag:$0x2] =	stream.linear.gather @!p1 [hbm4b:s1+s11], $0x3200, $0x38;
	[tilespmem:$0x1FEF0] =	vst v63  }
0xd8: {  	s1 =	simm.s32 @!p1 $0x10;
	s11 =	simm.s32 @!p1 $0x80;
	s14 =	simm.s32 @!p1 $0x92E0  }
0xd9: {  	[tilespmem:s14], [sflag:$0x2] =	stream.strided.gather @!p1 [hbm4b:s0+s1], $0x640, s11, s1, $0x38;
	[tilespmem:$0x1FEF0] =	vst v63  }
0xda: {  	p1 =	por !p5, p0  }
0xdb: {  	s0 =	sadd.s32 @!p1 $0x0, s20  }
0xdc: {  	p0 =	por !p2, p0;
	s1 =	sadd.s32 @!p1 $0xFEC7E400, s0;
	s0 =	sadd.s32 @!p1 $0xFEC7E440, s0  }
0xdd: {  	s11 =	simm.s32 @!p1 $0x0;
	s1 =	sshrl.u32 @!p1 s1, $0x3;
	s0 =	sshrl.u32 @!p1 s0, $0x3  }
0xde: {  	s14 =	simm.s32 @!p1 $0x2EE0;
	s1 =	sadd.s32 @!p1 s29, s1;
	s0 =	sadd.s32 @!p1 s15, s0  }
0xdf: {  	[tilespmem:s14], [sflag:$0x2] =	stream.linear.gather @!p1 [hbm4b:s1+s11], $0x3200, $0x38;
	[tilespmem:$0x1FEF0] =	vst v63  }
0xe0: {  	s1 =	simm.s32 @!p1 $0x80;
	s11 =	simm.s32 @!p1 $0x92E0;
	s14 =	simm.s32 @!p1 $0x10  }
0xe1: {  	[tilespmem:s11], [sflag:$0x2] =	stream.strided.gather @!p1 [hbm4b:s0+s14], $0x640, s1, s14, $0x38;
	[tilespmem:$0x1FEF0] =	vst v63  }
0xe2: {  	s0 =	sadd.s32 @!p0 $0x0, s20  }
0xe3: {  	s1 =	sadd.s32 @!p0 $0xFE2BA400, s0;
	s0 =	sadd.s32 @!p0 $0xFE2BA460, s0  }
0xe4: {  	s11 =	simm.s32 @!p0 $0x2EE0;
	s1 =	sshrl.u32 @!p0 s1, $0x3;
	s0 =	sshrl.u32 @!p0 s0, $0x3  }
0xe5: {  	s14 =	simm.s32 @!p0 $0x0;
	s1 =	sadd.s32 @!p0 s24, s1;
	s0 =	sadd.s32 @!p0 s15, s0  }
0xe6: {  	[tilespmem:s11], [sflag:$0x2] =	stream.linear.gather @!p0 [hbm4b:s1+s14], $0x3200, $0x38;
	[tilespmem:$0x1FEF0] =	vst v63  }
0xe7: {  	s1 =	simm.s32 @!p0 $0x92E0;
	s11 =	simm.s32 @!p0 $0x80;
	s14 =	simm.s32 @!p0 $0x10  }
0xe8: {  	[tilespmem:s1], [sflag:$0x2] =	stream.strided.gather @!p0 [hbm4b:s0+s14], $0x640, s11, s14, $0x38;
	[tilespmem:$0x1FEF0] =	vst v63  }
0xe9: {  	s1 =	simm.s32 @!p3 $0x3  }
0xea: {  	_ =	swait.ge @!p3 [sflag:s1], $0x3200  }
0xeb: {  	[sflag:s1] =	ssyncset.done @!p3 $0x0  }
0xec: {  	[sflag:s1] =	ssyncadd.s32 @!p3 $0xFFFFCE00  }
0xed: {  	_ =	swait.ge @!p3 [sflag:s1], $0x640  }
0xee: {  	s0 =	simm.s32 @!p3 $0x3;
	[sflag:s1] =	ssyncset.done @!p3 $0x0  }
0xef: {  	s2 =	simm.s32 @p6 $0x3;
	[smem:$0x7E3] =	sst s0;
	[sflag:s1] =	ssyncadd.s32 @!p3 $0xFFFFF9C0  }
0xf0: {  	_ =	swait.ge @p6 [sflag:s2], $0x3200  }
0xf1: {  	[sflag:s2] =	ssyncset.done @p6 $0x0  }
0xf2: {  	[sflag:s2] =	ssyncadd.s32 @p6 $0xFFFFCE00  }
0xf3: {  	_ =	swait.ge @p6 [sflag:s2], $0x640  }
0xf4: {  	[sflag:s2] =	ssyncset.done @p6 $0x0  }
0xf5: {  	s0 =	simm.s32 @p5 $0x3;
	[sflag:s2] =	ssyncadd.s32 @p6 $0xFFFFF9C0  }
0xf6: {  	_ =	swait.ge @p5 [sflag:s0], $0x3200  }
0xf7: {  	[sflag:s0] =	ssyncset.done @p5 $0x0  }
0xf8: {  	[sflag:s0] =	ssyncadd.s32 @p5 $0xFFFFCE00  }
0xf9: {  	_ =	swait.ge @p5 [sflag:s0], $0x640  }
0xfa: {  	[sflag:s0] =	ssyncset.done @p5 $0x0  }
0xfb: {  	s2 =	simm.s32 @p2 $0x3;
	[sflag:s0] =	ssyncadd.s32 @p5 $0xFFFFF9C0  }
0xfc: {  	_ =	swait.ge @p2 [sflag:s2], $0x3200  }
0xfd: {  	[sflag:s2] =	ssyncset.done @p2 $0x0  }
0xfe: {  	[sflag:s2] =	ssyncadd.s32 @p2 $0xFFFFCE00  }
0xff: {  	_ =	swait.ge @p2 [sflag:s2], $0x640  }
0x100: {  	s1 =	simm.s32 @p2 $0x3;
	s18 =	rddreg [dreg:$0xd];
	[sflag:s2] =	ssyncset.done @p2 $0x0  }
0x101: {  	s21 =	simm.s32 $0x78;
	[smem:$0x7E4] =	sst s1;
	[sflag:s2] =	ssyncadd.s32 @p2 $0xFFFFF9C0  }
0x102: {  	[spmem:s7] =	stream.indirect.scatter.add.f32 [tilespmem:s18], [sflag:$0x5], $0x80, s21, s22, $0xb8;
	[tilespmem:$0x1FEF0] =	vst v63  }
0x103: {  	s25 =	rddreg [dreg:$0xe]  }
0x104: {  	[spmem:s8] =	stream.indirect.scatter.add.f32 [tilespmem:s25], [sflag:$0x5], $0x10, s21, s22, $0xb8;
	[tilespmem:$0x1FEF0] =	vst v63  }
0x105: {  	s26 =	rddreg [dreg:$0xf];
	s2 =	simm.s32 $0x90  }
0x106: {  	[spmem:s7] =	stream.indirect.scatter.add.f32 [tilespmem:s26], [sflag:$0x5], $0x80, s2, s22, $0xb8;
	[tilespmem:$0x1FEF0] =	vst v63  }
0x107: {  	s5 =	rddreg [dreg:$0x10]  }
0x108: {  	[spmem:s8] =	stream.indirect.scatter.add.f32 [tilespmem:s5], [sflag:$0x5], $0x10, s2, s22, $0xb8;
	[tilespmem:$0x1FEF0] =	vst v63  }
0x109: {  	s12 =	simm.s32 $0xA8;
	s10 =	rddreg [dreg:$0x11]  }
0x10a: {  	[spmem:s7] =	stream.indirect.scatter.add.f32 [tilespmem:s10], [sflag:$0x5], $0x80, s12, s22, $0xb8;
	[tilespmem:$0x1FEF0] =	vst v63  }
0x10b: {  	s13 =	rddreg [dreg:$0x12]  }
0x10c: {  	[spmem:s8] =	stream.indirect.scatter.add.f32 [tilespmem:s13], [sflag:$0x5], $0x10, s12, s22, $0xb8;
	[tilespmem:$0x1FEF0] =	vst v63  }
0x10d: {  	s17 =	simm.s32 $0xC0;
	s14 =	rddreg [dreg:$0x13]  }
0x10e: {  	[spmem:s7] =	stream.indirect.scatter.add.f32 [tilespmem:s14], [sflag:$0x5], $0x80, s17, s22, $0xb8;
	[tilespmem:$0x1FEF0] =	vst v63  }
0x10f: {  	s18 =	rddreg [dreg:$0x14]  }
0x110: {  	[spmem:s8] =	stream.indirect.scatter.add.f32 [tilespmem:s18], [sflag:$0x5], $0x10, s17, s22, $0xb8;
	[tilespmem:$0x1FEF0] =	vst v63  }
0x111: {  	s21 =	rddreg [dreg:$0x15];
	s25 =	simm.s32 $0xD8  }
0x112: {  	[spmem:s7] =	stream.indirect.scatter.add.f32 [tilespmem:s21], [sflag:$0x5], $0x80, s25, s22, $0xb8;
	[tilespmem:$0x1FEF0] =	vst v63  }
0x113: {  	s26 =	rddreg [dreg:$0x16]  }
0x114: {  	[spmem:s8] =	stream.indirect.scatter.add.f32 [tilespmem:s26], [sflag:$0x5], $0x10, s25, s22, $0xb8;
	[tilespmem:$0x1FEF0] =	vst v63  }
0x115: {  	_ =	swait.ge [sflag:s4], $0xA00  }
0x116: {  	[sflag:s4] =	ssyncset.done $0x0  }
0x117: {  	[sflag:s4] =	ssyncadd.s32 $0xFFFFF600  }
0x118: {  	_ =	swait.ge [sflag:s4], $0xA00  }
0x119: {  	[sflag:s4] =	ssyncset.done $0x0  }
0x11a: {  	[sflag:s4] =	ssyncadd.s32 $0xFFFFF600  }
0x11b: {  	_ =	swait.ge [sflag:s4], $0xA00  }
0x11c: {  	[sflag:s4] =	ssyncset.done $0x0  }
0x11d: {  	[sflag:s4] =	ssyncadd.s32 $0xFFFFF600  }
0x11e: {  	s30 =	simm.s32 $0xC800;
	s31 =	sadd.s32 $0xC80, s3;
	_ =	swait.ge [sflag:s4], $0xA00  }
0x11f: {  	s29 =	simm.s32 $0xF0;
	s11 =	sadd.s32 @p6 $0x6400, s20;
	[sflag:s4] =	ssyncset.done $0x0  }
0x120: {  	s0 =	sadd.s32 @p2 $0x6400, s20;
	s21 =	sadd.s32 @p5 $0x6400, s20;
	[sflag:s4] =	ssyncadd.s32 $0xFFFFF600  }
0x121: {  	s25 =	simm.s32 $0x6400;
	s26 =	sadd.s32 $0xC80, s6;
	_ =	swait.ge [sflag:s4], $0xA00  }
.LBB2_7:
0x122: {  	[sflag:s4] =	ssyncset.done $0x0  }
0x123: {  	[sflag:s4] =	ssyncadd.s32 $0xFFFFF600  }
0x124: {  	_ =	swait.ge [sflag:s4], $0x140  }
0x125: {  	[sflag:s4] =	ssyncset.done $0x0  }
0x126: {  	[sflag:s4] =	ssyncadd.s32 $0xFFFFFEC0  }
0x127: {  	s2 =	sld [smem:$0x7E5];
	_ =	swait.ge [sflag:s4], $0x140  }
0x128: {  	s1 =	smov.u32 s30;
	s30 =	sadd.s32 $0x6400, s30;
	[sflag:s4] =	ssyncset.done $0x0  }
0x129: {  	p0 =	sne.s32 s30, $0x138800;
	[sflag:s4] =	ssyncadd.s32 $0xFFFFFEC0  }
0x12a: {  	p4 =	seq.s32 s2, $0x1;
	s2 =	simm.s32 @!p0 $0x0;
	_ =	swait.ge [sflag:s4], $0x140  }
0x12b: {  	s2 =	simm.s32 @p0 $0x1;
	[sflag:s4] =	ssyncset.done $0x0  }
0x12c: {  	[smem:$0x7DE] =	sst s2;
	[sflag:s4] =	ssyncadd.s32 $0xFFFFFEC0  }
0x12d: {  	_ =	swait.ge [sflag:s4], $0x140  }
0x12e: {  	[sflag:s4] =	ssyncset.done $0x0  }
0x12f: {  	s12 =	sadd.s32 @!p3 s31, s9;
	s10 =	sadd.s32 @p6 $0xFF63F220, s11;
	[sflag:s4] =	ssyncadd.s32 $0xFFFFFEC0  }
0x130: {  	s13 =	sadd.s32 @!p3 s26, s9;
	s5 =	sadd.s32 @p5 $0xFEC7B200, s21;
	_ =	swait.ge [sflag:s4], $0x140  }
0x131: {  	s21 =	sadd.s32 @p5 $0xFEC7B240, s21;
	s11 =	sadd.s32 @p6 $0xFF63F200, s11;
	s2 =	rddreg [dreg:$0x1c]  }
0x132: {  	s12 =	sadd.s32 @!p3 $0x640, s12;
	[sflag:s4] =	ssyncset.done $0x0;
	s3 =	rddreg [dreg:$0x1d]  }
0x133: {  	s10 =	sshrl.u32 @p6 s10, $0x3;
	s17 =	rddreg [dreg:$0x19];
	[sflag:s4] =	ssyncadd.s32 $0xFFFFFEC0  }
0x134: {  	[tilespmem:s2], [sflag:$0x3] =	stream.linear.gather @!p3 [hbm4b:s12+s3], $0x3200, $0x38;
	[tilespmem:$0x1FEF0] =	vst v63  }
0x135: {  	s5 =	sshrl.u32 @p5 s5, $0x3;
	s21 =	sshrl.u32 @p5 s21, $0x3;
	s2 =	rddreg [dreg:$0x1a]  }
0x136: {  	s11 =	sshrl.u32 @p6 s11, $0x3;
	s13 =	sadd.s32 @!p3 $0x640, s13;
	s3 =	rddreg [dreg:$0x1b]  }
0x137: {  	s11 =	sadd.s32 @p6 s16, s11;
	s10 =	sadd.s32 @p6 s15, s10;
	s12 =	rddreg [dreg:$0x1e]  }
0x138: {  	[tilespmem:s3], [sflag:$0x3] =	stream.strided.gather @!p3 [hbm4b:s13+s12], $0x640, s2, s12, $0x38;
	[tilespmem:$0x1FEF0] =	vst v63  }
0x139: {  	s5 =	sadd.s32 @p5 s17, s5;
	s2 =	simm.s32 @p6 $0x60E0;
	s3 =	simm.s32 @p6 $0x0  }
0x13a: {  	[tilespmem:s2], [sflag:$0x3] =	stream.linear.gather @p6 [hbm4b:s11+s3], $0x3200, $0x38;
	[tilespmem:$0x1FEF0] =	vst v63  }
0x13b: {  	s2 =	simm.s32 @p6 $0x80;
	s3 =	simm.s32 @p6 $0x9920;
	s11 =	simm.s32 @p6 $0x10  }
0x13c: {  	[tilespmem:s3], [sflag:$0x3] =	stream.strided.gather @p6 [hbm4b:s10+s11], $0x640, s2, s11, $0x38;
	[tilespmem:$0x1FEF0] =	vst v63  }
0x13d: {  	s2 =	simm.s32 @p5 $0x60E0;
	s3 =	simm.s32 @p5 $0x0;
	s10 =	simm.s32 @p5 $0x10  }
0x13e: {  	[tilespmem:s2], [sflag:$0x3] =	stream.linear.gather @p5 [hbm4b:s5+s3], $0x3200, $0x38;
	[tilespmem:$0x1FEF0] =	vst v63  }
0x13f: {  	s5 =	sadd.s32 @p5 s15, s21;
	s2 =	simm.s32 @p5 $0x80;
	s3 =	simm.s32 @p5 $0x9920  }
0x140: {  	[tilespmem:s3], [sflag:$0x3] =	stream.strided.gather @p5 [hbm4b:s5+s10], $0x640, s2, s10, $0x38;
	[tilespmem:$0x1FEF0] =	vst v63  }
0x141: {  	s6 =	sadd.s32 @p4 $0xFE2B7200, s0;
	s3 =	sld [smem:$0x7DF]  }
0x142: {  	s6 =	sshrl.u32 @p4 s6, $0x3  }
0x143: {  	s5 =	sadd.s32 @p4 s24, s6;
	s2 =	rddreg [dreg:$0x1f]  }
0x144: {  	[tilespmem:s3], [sflag:$0x3] =	stream.linear.gather @p4 [hbm4b:s5+s2], $0x3200, $0x38;
	[tilespmem:$0x1FEF0] =	vst v63  }
0x145: {  	s3 =	sld [smem:$0x7E0]  }
0x146: {  	s0 =	sadd.s32 @p4 $0xFE2B7260, s0;
	s5 =	sld [smem:$0x7E1]  }
0x147: {  	s0 =	sshrl.u32 @p4 s0, $0x3  }
0x148: {  	s0 =	sadd.s32 @p4 s15, s0;
	s2 =	rddreg [dreg:$0x18]  }
0x149: {  	[tilespmem:s2], [sflag:$0x3] =	stream.strided.gather @p4 [hbm4b:s0+s3], $0x640, s5, s3, $0x38;
	[tilespmem:$0x1FEF0] =	vst v63  }
0x14a: {  	s0 =	rddreg [dreg:$0x17]  }
0x14b: {  	_ =	swait.ge @!p3 [sflag:s0], $0x3200  }
0x14c: {  	[sflag:s0] =	ssyncset.done @!p3 $0x0  }
0x14d: {  	[sflag:s0] =	ssyncadd.s32 @!p3 $0xFFFFCE00  }
0x14e: {  	_ =	swait.ge @!p3 [sflag:s0], $0x640  }
0x14f: {  	[sflag:s0] =	ssyncset.done @!p3 $0x0  }
0x150: {  	[sflag:s0] =	ssyncadd.s32 @!p3 $0xFFFFF9C0;
	s0 =	simm.s32 @p6 $0x2  }
0x151: {  	_ =	swait.ge @p6 [sflag:s0], $0x3200  }
0x152: {  	[sflag:s0] =	ssyncset.done @p6 $0x0  }
0x153: {  	[sflag:s0] =	ssyncadd.s32 @p6 $0xFFFFCE00  }
0x154: {  	_ =	swait.ge @p6 [sflag:s0], $0x640  }
0x155: {  	[sflag:s0] =	ssyncset.done @p6 $0x0  }
0x156: {  	s2 =	simm.s32 @p5 $0x2;
	[sflag:s0] =	ssyncadd.s32 @p6 $0xFFFFF9C0  }
0x157: {  	_ =	swait.ge @p5 [sflag:s2], $0x3200  }
0x158: {  	[sflag:s2] =	ssyncset.done @p5 $0x0  }
0x159: {  	[sflag:s2] =	ssyncadd.s32 @p5 $0xFFFFCE00  }
0x15a: {  	_ =	swait.ge @p5 [sflag:s2], $0x640  }
0x15b: {  	[sflag:s2] =	ssyncset.done @p5 $0x0  }
0x15c: {  	[sflag:s2] =	ssyncadd.s32 @p5 $0xFFFFF9C0;
	s2 =	sld [smem:$0x7E2];
	_ =	sdelay $0x2  }
0x15d: {  	_ =	swait.ge @p4 [sflag:s2], $0x3200  }
0x15e: {  	[sflag:s2] =	ssyncset.done @p4 $0x0  }
0x15f: {  	[sflag:s2] =	ssyncadd.s32 @p4 $0xFFFFCE00  }
0x160: {  	_ =	swait.ge @p4 [sflag:s2], $0x640  }
0x161: {  	[sflag:s2] =	ssyncset.done @p4 $0x0  }
0x162: {  	[sflag:s2] =	ssyncadd.s32 @p4 $0xFFFFF9C0  }
0x163: {  	[spmem:s7] =	stream.indirect.scatter.add.f32 [tilespmem:s19], [sflag:$0x4], $0x80, s29, s22, $0xb8;
	[tilespmem:$0x1FEF0] =	vst v63  }
0x164: {  	s6 =	simm.s32 $0x92E0  }
0x165: {  	[spmem:s8] =	stream.indirect.scatter.add.f32 [tilespmem:s6], [sflag:$0x4], $0x10, s29, s22, $0xb8;
	[tilespmem:$0x1FEF0] =	vst v63  }
0x166: {  	s21 =	sadd.s32 $0x18, s29;
	s3 =	rddreg [dreg:$0x5]  }
0x167: {  	[spmem:s7] =	stream.indirect.scatter.add.f32 [tilespmem:s3], [sflag:$0x4], $0x80, s21, s22, $0xb8;
	[tilespmem:$0x1FEF0] =	vst v63  }
0x168: {  	s10 =	rddreg [dreg:$0x6]  }
0x169: {  	[spmem:s8] =	stream.indirect.scatter.add.f32 [tilespmem:s10], [sflag:$0x4], $0x10, s21, s22, $0xb8;
	[tilespmem:$0x1FEF0] =	vst v63  }
0x16a: {  	s12 =	sadd.s32 $0x30, s29;
	s11 =	rddreg [dreg:$0x7]  }
0x16b: {  	[spmem:s7] =	stream.indirect.scatter.add.f32 [tilespmem:s11], [sflag:$0x4], $0x80, s12, s22, $0xb8;
	[tilespmem:$0x1FEF0] =	vst v63  }
0x16c: {  	s13 =	rddreg [dreg:$0x8]  }
0x16d: {  	[spmem:s8] =	stream.indirect.scatter.add.f32 [tilespmem:s13], [sflag:$0x4], $0x10, s12, s22, $0xb8;
	[tilespmem:$0x1FEF0] =	vst v63  }
0x16e: {  	s18 =	sadd.s32 $0x48, s29;
	s14 =	rddreg [dreg:$0x9]  }
0x16f: {  	[spmem:s7] =	stream.indirect.scatter.add.f32 [tilespmem:s14], [sflag:$0x4], $0x80, s18, s22, $0xb8;
	[tilespmem:$0x1FEF0] =	vst v63  }
0x170: {  	s19 =	rddreg [dreg:$0xa]  }
0x171: {  	[spmem:s8] =	stream.indirect.scatter.add.f32 [tilespmem:s19], [sflag:$0x4], $0x10, s18, s22, $0xb8;
	[tilespmem:$0x1FEF0] =	vst v63  }
0x172: {  	s2 =	sadd.s32 $0x60, s29;
	s21 =	rddreg [dreg:$0xb]  }
0x173: {  	[spmem:s7] =	stream.indirect.scatter.add.f32 [tilespmem:s21], [sflag:$0x4], $0x80, s2, s22, $0xb8;
	[tilespmem:$0x1FEF0] =	vst v63  }
0x174: {  	s3 =	rddreg [dreg:$0xc]  }
0x175: {  	[spmem:s8] =	stream.indirect.scatter.add.f32 [tilespmem:s3], [sflag:$0x4], $0x10, s2, s22, $0xb8;
	[tilespmem:$0x1FEF0] =	vst v63  }
0x176: {  	_ =	swait.ge [sflag:s23], $0xA00  }
0x177: {  	[sflag:s23] =	ssyncset.done $0x0  }
0x178: {  	[sflag:s23] =	ssyncadd.s32 $0xFFFFF600  }
0x179: {  	_ =	swait.ge [sflag:s23], $0xA00  }
0x17a: {  	[sflag:s23] =	ssyncset.done $0x0  }
0x17b: {  	[sflag:s23] =	ssyncadd.s32 $0xFFFFF600  }
0x17c: {  	_ =	swait.ge [sflag:s23], $0xA00  }
0x17d: {  	[sflag:s23] =	ssyncset.done $0x0  }
0x17e: {  	[sflag:s23] =	ssyncadd.s32 $0xFFFFF600  }
0x17f: {  	_ =	swait.ge [sflag:s23], $0xA00  }
0x180: {  	[sflag:s23] =	ssyncset.done $0x0  }
0x181: {  	[sflag:s23] =	ssyncadd.s32 $0xFFFFF600  }
0x182: {  	_ =	swait.ge [sflag:s23], $0xA00  }
0x183: {  	p0 =	seq.s32 s25, $0x132400;
	[sflag:s23] =	ssyncset.done $0x0  }
0x184: {  	p2 =	sne.s32 @!p0 s28, $0x0;
	[sflag:s23] =	ssyncadd.s32 $0xFFFFF600  }
0x185: {  	p1 =	por !p5, p0;
	p3 =	por p2, p0;
	_ =	swait.ge [sflag:s23], $0x140  }
0x186: {  	p2 =	por !p6, p0;
	p0 =	por !p4, p0;
	[sflag:s23] =	ssyncset.done $0x0  }
0x187: {  	s5 =	simm.s32 @!p3 $0x80;
	s0 =	sadd.s32 @!p3 s31, s9;
	[sflag:s23] =	ssyncadd.s32 $0xFFFFFEC0  }
0x188: {  	s0 =	sadd.s32 @!p3 $0xC80, s0;
	s6 =	sadd.s32 @!p2 s25, s20;
	_ =	swait.ge [sflag:s23], $0x140  }
0x189: {  	s10 =	simm.s32 @!p3 $0x2EE0;
	s11 =	sadd.s32 @!p3 s26, s9;
	[sflag:s23] =	ssyncset.done $0x0  }
0x18a: {  	s11 =	sadd.s32 @!p3 $0xC80, s11;
	s12 =	simm.s32 @!p3 $0x0;
	[sflag:s23] =	ssyncadd.s32 $0xFFFFFEC0  }
0x18b: {  	s13 =	simm.s32 @!p3 $0x92E0;
	s14 =	smov.u32 s28;
	_ =	swait.ge [sflag:s23], $0x140  }
0x18c: {  	s28 =	smov.u32 s9;
	s9 =	smov.u32 s24;
	[sflag:s23] =	ssyncset.done $0x0  }
0x18d: {  	s24 =	smov.u32 s16;
	s18 =	smov.u32 s7;
	[sflag:s23] =	ssyncadd.s32 $0xFFFFFEC0  }
0x18e: {  	s19 =	smov.u32 s8;
	s21 =	sadd.s32 @!p2 $0xFF642420, s6;
	_ =	swait.ge [sflag:s23], $0x140  }
0x18f: {  	s7 =	simm.s32 @!p3 $0x10;
	s6 =	sadd.s32 @!p2 $0xFF642400, s6;
	[sflag:s23] =	ssyncset.done $0x0  }
0x190: {  	s6 =	sshrl.u32 @!p2 s6, $0x3;
	s21 =	sshrl.u32 @!p2 s21, $0x3;
	[sflag:s23] =	ssyncadd.s32 $0xFFFFFEC0  }
0x191: {  	s8 =	sadd.s32 @!p1 s25, s20;
	s6 =	sadd.s32 @!p2 s16, s6;
	_ =	swait.ge [sflag:s23], $0x140  }
0x192: {  	s21 =	sadd.s32 @!p2 s15, s21;
	s16 =	sadd.s32 @!p1 $0xFEC7E400, s8;
	[sflag:s23] =	ssyncset.done $0x0  }
0x193: {  	s2 =	simm.s32 @!p1 $0x80;
	s8 =	sadd.s32 @!p1 $0xFEC7E440, s8;
	[sflag:s23] =	ssyncadd.s32 $0xFFFFFEC0  }
0x194: {  	[tilespmem:s10], [sflag:$0x2] =	stream.linear.gather @!p3 [hbm4b:s0+s12], $0x3200, $0x38;
	[tilespmem:$0x1FEF0] =	vst v63  }
0x195: {  	s3 =	simm.s32 @!p1 $0x92E0;
	s16 =	sshrl.u32 @!p1 s16, $0x3;
	s8 =	sshrl.u32 @!p1 s8, $0x3  }
0x196: {  	[tilespmem:s13], [sflag:$0x2] =	stream.strided.gather @!p3 [hbm4b:s11+s7], $0x640, s5, s7, $0x38;
	[tilespmem:$0x1FEF0] =	vst v63  }
0x197: {  	s16 =	sadd.s32 @!p1 s17, s16;
	s8 =	sadd.s32 @!p1 s15, s8;
	s7 =	sld [smem:$0x7FD]  }
0x198: {  	s0 =	simm.s32 @!p2 $0x0;
	s10 =	simm.s32 @!p2 $0x2EE0;
	s5 =	simm.s32 @!p2 $0x10  }
0x199: {  	[tilespmem:s10], [sflag:$0x2] =	stream.linear.gather @!p2 [hbm4b:s6+s0], $0x3200, $0x38;
	[tilespmem:$0x1FEF0] =	vst v63  }
0x19a: {  	s11 =	simm.s32 @!p2 $0x92E0;
	p3 =	seq.s32 s7, $0x1;
	s7 =	simm.s32 @!p2 $0x80  }
0x19b: {  	[tilespmem:s11], [sflag:$0x2] =	stream.strided.gather @!p2 [hbm4b:s21+s5], $0x640, s7, s5, $0x38;
	[tilespmem:$0x1FEF0] =	vst v63  }
0x19c: {  	s0 =	simm.s32 @!p1 $0x0;
	s6 =	simm.s32 @!p1 $0x2EE0;
	s5 =	sadd.s32 @!p0 s25, s20  }
0x19d: {  	[tilespmem:s6], [sflag:$0x2] =	stream.linear.gather @!p1 [hbm4b:s16+s0], $0x3200, $0x38;
	[tilespmem:$0x1FEF0] =	vst v63  }
0x19e: {  	s12 =	simm.s32 @!p1 $0x10;
	s7 =	simm.s32 @!p0 $0x2EE0;
	s0 =	sadd.s32 @!p0 $0xFE2BA400, s5  }
0x19f: {  	s16 =	smov.u32 s24;
	s24 =	smov.u32 s9;
	s0 =	sshrl.u32 @!p0 s0, $0x3  }
0x1a0: {  	[tilespmem:s3], [sflag:$0x2] =	stream.strided.gather @!p1 [hbm4b:s8+s12], $0x640, s2, s12, $0x38;
	[tilespmem:$0x1FEF0] =	vst v63  }
0x1a1: {  	s5 =	sadd.s32 @!p0 $0xFE2BA460, s5;
	s2 =	simm.s32 @!p0 $0x0;
	s0 =	sadd.s32 @!p0 s24, s0  }
0x1a2: {  	[tilespmem:s7], [sflag:$0x2] =	stream.linear.gather @!p0 [hbm4b:s0+s2], $0x3200, $0x38;
	[tilespmem:$0x1FEF0] =	vst v63  }
0x1a3: {  	s10 =	simm.s32 @!p0 $0x92E0;
	s3 =	sshrl.u32 @!p0 s5, $0x3;
	s0 =	sld [smem:$0x7E3]  }
0x1a4: {  	s6 =	simm.s32 @!p0 $0x80;
	s5 =	simm.s32 @!p0 $0x10;
	s3 =	sadd.s32 @!p0 s15, s3  }
0x1a5: {  	[tilespmem:s10], [sflag:$0x2] =	stream.strided.gather @!p0 [hbm4b:s3+s5], $0x640, s6, s5, $0x38;
	[tilespmem:$0x1FEF0] =	vst v63  }
0x1a6: {  	_ =	swait.ge @!p3 [sflag:s0], $0x3200  }
0x1a7: {  	[sflag:s0] =	ssyncset.done @!p3 $0x0  }
0x1a8: {  	[sflag:s0] =	ssyncadd.s32 @!p3 $0xFFFFCE00  }
0x1a9: {  	_ =	swait.ge @!p3 [sflag:s0], $0x640  }
0x1aa: {  	[sflag:s0] =	ssyncset.done @!p3 $0x0  }
0x1ab: {  	[sflag:s0] =	ssyncadd.s32 @!p3 $0xFFFFF9C0;
	s0 =	simm.s32 @p6 $0x3  }
0x1ac: {  	_ =	swait.ge @p6 [sflag:s0], $0x3200  }
0x1ad: {  	[sflag:s0] =	ssyncset.done @p6 $0x0  }
0x1ae: {  	[sflag:s0] =	ssyncadd.s32 @p6 $0xFFFFCE00  }
0x1af: {  	_ =	swait.ge @p6 [sflag:s0], $0x640  }
0x1b0: {  	[sflag:s0] =	ssyncset.done @p6 $0x0  }
0x1b1: {  	[sflag:s0] =	ssyncadd.s32 @p6 $0xFFFFF9C0;
	s0 =	simm.s32 @p5 $0x3  }
0x1b2: {  	_ =	swait.ge @p5 [sflag:s0], $0x3200  }
0x1b3: {  	[sflag:s0] =	ssyncset.done @p5 $0x0  }
0x1b4: {  	[sflag:s0] =	ssyncadd.s32 @p5 $0xFFFFCE00  }
0x1b5: {  	_ =	swait.ge @p5 [sflag:s0], $0x640  }
0x1b6: {  	s25 =	smov.u32 s1;
	s1 =	sld [smem:$0x7E4]  }
0x1b7: {  	[sflag:s0] =	ssyncset.done @p5 $0x0  }
0x1b8: {  	[sflag:s0] =	ssyncadd.s32 @p5 $0xFFFFF9C0  }
0x1b9: {  	_ =	swait.ge @p4 [sflag:s1], $0x3200  }
0x1ba: {  	[sflag:s1] =	ssyncset.done @p4 $0x0  }
0x1bb: {  	[sflag:s1] =	ssyncadd.s32 @p4 $0xFFFFCE00  }
0x1bc: {  	_ =	swait.ge @p4 [sflag:s1], $0x640  }
0x1bd: {  	[sflag:s1] =	ssyncset.done @p4 $0x0  }
0x1be: {  	s12 =	sadd.s32 $0x78, s29;
	s11 =	rddreg [dreg:$0xd];
	[sflag:s1] =	ssyncadd.s32 @p4 $0xFFFFF9C0  }
0x1bf: {  	[spmem:s18] =	stream.indirect.scatter.add.f32 [tilespmem:s11], [sflag:$0x5], $0x80, s12, s22, $0xb8;
	[tilespmem:$0x1FEF0] =	vst v63  }
0x1c0: {  	s17 =	sadd.s32 $0x90, s29;
	s8 =	smov.u32 s19;
	s13 =	rddreg [dreg:$0xe]  }
0x1c1: {  	[spmem:s8] =	stream.indirect.scatter.add.f32 [tilespmem:s13], [sflag:$0x5], $0x10, s12, s22, $0xb8;
	[tilespmem:$0x1FEF0] =	vst v63  }
0x1c2: {  	s9 =	smov.u32 s28;
	s28 =	smov.u32 s14;
	s14 =	rddreg [dreg:$0xf]  }
0x1c3: {  	[spmem:s18] =	stream.indirect.scatter.add.f32 [tilespmem:s14], [sflag:$0x5], $0x80, s17, s22, $0xb8;
	[tilespmem:$0x1FEF0] =	vst v63  }
0x1c4: {  	s21 =	rddreg [dreg:$0x10]  }
0x1c5: {  	[spmem:s8] =	stream.indirect.scatter.add.f32 [tilespmem:s21], [sflag:$0x5], $0x10, s17, s22, $0xb8;
	[tilespmem:$0x1FEF0] =	vst v63  }
0x1c6: {  	s3 =	sadd.s32 $0xA8, s29;
	s2 =	rddreg [dreg:$0x11]  }
0x1c7: {  	[spmem:s18] =	stream.indirect.scatter.add.f32 [tilespmem:s2], [sflag:$0x5], $0x80, s3, s22, $0xb8;
	[tilespmem:$0x1FEF0] =	vst v63  }
0x1c8: {  	s6 =	rddreg [dreg:$0x12]  }
0x1c9: {  	[spmem:s8] =	stream.indirect.scatter.add.f32 [tilespmem:s6], [sflag:$0x5], $0x10, s3, s22, $0xb8;
	[tilespmem:$0x1FEF0] =	vst v63  }
0x1ca: {  	s10 =	rddreg [dreg:$0x13];
	s11 =	sadd.s32 $0xC0, s29  }
0x1cb: {  	[spmem:s18] =	stream.indirect.scatter.add.f32 [tilespmem:s10], [sflag:$0x5], $0x80, s11, s22, $0xb8;
	[tilespmem:$0x1FEF0] =	vst v63  }
0x1cc: {  	s12 =	rddreg [dreg:$0x14]  }
0x1cd: {  	[spmem:s8] =	stream.indirect.scatter.add.f32 [tilespmem:s12], [sflag:$0x5], $0x10, s11, s22, $0xb8;
	[tilespmem:$0x1FEF0] =	vst v63  }
0x1ce: {  	s13 =	rddreg [dreg:$0x15];
	s14 =	sadd.s32 $0xD8, s29  }
0x1cf: {  	[spmem:s18] =	stream.indirect.scatter.add.f32 [tilespmem:s13], [sflag:$0x5], $0x80, s14, s22, $0xb8;
	[tilespmem:$0x1FEF0] =	vst v63  }
0x1d0: {  	s17 =	rddreg [dreg:$0x16]  }
0x1d1: {  	[spmem:s8] =	stream.indirect.scatter.add.f32 [tilespmem:s17], [sflag:$0x5], $0x10, s14, s22, $0xb8;
	[tilespmem:$0x1FEF0] =	vst v63  }
0x1d2: {  	_ =	swait.ge [sflag:s4], $0xA00  }
0x1d3: {  	[sflag:s4] =	ssyncset.done $0x0  }
0x1d4: {  	[sflag:s4] =	ssyncadd.s32 $0xFFFFF600  }
0x1d5: {  	_ =	swait.ge [sflag:s4], $0xA00  }
0x1d6: {  	[sflag:s4] =	ssyncset.done $0x0  }
0x1d7: {  	[sflag:s4] =	ssyncadd.s32 $0xFFFFF600  }
0x1d8: {  	_ =	swait.ge [sflag:s4], $0xA00  }
0x1d9: {  	[sflag:s4] =	ssyncset.done $0x0  }
0x1da: {  	[sflag:s4] =	ssyncadd.s32 $0xFFFFF600  }
0x1db: {  	_ =	swait.ge [sflag:s4], $0xA00  }
0x1dc: {  	[sflag:s4] =	ssyncset.done $0x0  }
0x1dd: {  	[sflag:s4] =	ssyncadd.s32 $0xFFFFF600  }
0x1de: {  	_ =	swait.ge [sflag:s4], $0xA00  }
0x1df: {  	s7 =	smov.u32 s18;
	s18 =	sld [smem:$0x7DE];
	_ =	sdelay $0x2  }
0x1e0: {  	p0 =	seq.s32 s18, $0x1  }
.Ltmp4:
0x1e1: {  	_ = 	snop;
	(pc) =	sbr.rel @p0 .LBB2_7-.Ltmp4, $4  }
0x1e2: {  	_ = 	snop  }
0x1e3: {  	s31 =	sadd.s32 $0xC80, s31  }
0x1e4: {  	s26 =	sadd.s32 $0xC80, s26;
	s19 =	simm.s32 $0x2EE0;
	s0 =	sadd.s32 @p4 s25, s20  }
0x1e5: {  	s29 =	sadd.s32 $0xF0, s29;
	s21 =	sadd.s32 @p5 s25, s20;
	s11 =	sadd.s32 @p6 s25, s20  }
0x1e6: {  	[sflag:s4] =	ssyncset.done $0x0  }
0x1e7: {  	[sflag:s4] =	ssyncadd.s32 $0xFFFFF600  }
0x1e8: {  	_ =	swait.ge [sflag:s4], $0x140  }
0x1e9: {  	[sflag:s4] =	ssyncset.done $0x0  }
0x1ea: {  	[sflag:s4] =	ssyncadd.s32 $0xFFFFFEC0  }
0x1eb: {  	_ =	swait.ge [sflag:s4], $0x140  }
0x1ec: {  	[sflag:s4] =	ssyncset.done $0x0  }
0x1ed: {  	[sflag:s4] =	ssyncadd.s32 $0xFFFFFEC0  }
0x1ee: {  	_ =	swait.ge [sflag:s4], $0x140  }
0x1ef: {  	[sflag:s4] =	ssyncset.done $0x0  }
0x1f0: {  	[sflag:s4] =	ssyncadd.s32 $0xFFFFFEC0  }
0x1f1: {  	_ =	swait.ge [sflag:s4], $0x140  }
0x1f2: {  	[sflag:s4] =	ssyncset.done $0x0  }
0x1f3: {  	[sflag:s4] =	ssyncadd.s32 $0xFFFFFEC0  }
0x1f4: {  	_ =	swait.ge [sflag:s4], $0x140  }
0x1f5: {  	s1 =	sadd.s32 @!p3 s31, s9;
	s2 =	simm.s32 @!p3 $0x0;
	[sflag:s4] =	ssyncset.done $0x0  }
0x1f6: {  	s1 =	sadd.s32 @!p3 $0x640, s1;
	s3 =	rddreg [dreg:$0x1c];
	[sflag:s4] =	ssyncadd.s32 $0xFFFFFEC0  }
0x1f7: {  	[tilespmem:s3], [sflag:$0x3] =	stream.linear.gather @!p3 [hbm4b:s1+s2], $0x3200, $0x38;
	[tilespmem:$0x1FEF0] =	vst v63  }
0x1f8: {  	s5 =	rddreg [dreg:$0x1b];
	s1 =	sadd.s32 @!p3 s26, s9  }
0x1f9: {  	s2 =	simm.s32 @!p3 $0x10;
	s3 =	rddreg [dreg:$0x1a];
	s1 =	sadd.s32 @!p3 $0x640, s1  }
0x1fa: {  	[tilespmem:s5], [sflag:$0x3] =	stream.strided.gather @!p3 [hbm4b:s1+s2], $0x640, s3, s2, $0x38;
	[tilespmem:$0x1FEF0] =	vst v63  }
0x1fb: {  	s1 =	sadd.s32 @p6 $0xFF63F200, s11  }
0x1fc: {  	s1 =	sshrl.u32 @p6 s1, $0x3  }
0x1fd: {  	s2 =	simm.s32 @p6 $0x0;
	s3 =	simm.s32 @p6 $0x60E0;
	s1 =	sadd.s32 @p6 s16, s1  }
0x1fe: {  	[tilespmem:s3], [sflag:$0x3] =	stream.linear.gather @p6 [hbm4b:s1+s2], $0x3200, $0x38;
	[tilespmem:$0x1FEF0] =	vst v63  }
0x1ff: {  	s1 =	sadd.s32 @p6 $0xFF63F220, s11  }
0x200: {  	s5 =	simm.s32 @p6 $0x9920;
	s1 =	sshrl.u32 @p6 s1, $0x3  }
0x201: {  	s2 =	simm.s32 @p6 $0x10;
	s3 =	simm.s32 @p6 $0x80;
	s1 =	sadd.s32 @p6 s15, s1  }
0x202: {  	[tilespmem:s5], [sflag:$0x3] =	stream.strided.gather @p6 [hbm4b:s1+s2], $0x640, s3, s2, $0x38;
	[tilespmem:$0x1FEF0] =	vst v63  }
0x203: {  	s10 =	rddreg [dreg:$0x19];
	s1 =	sadd.s32 @p5 $0xFEC7B200, s21  }
0x204: {  	s13 =	sld [smem:$0x7E5];
	s1 =	sshrl.u32 @p5 s1, $0x3  }
0x205: {  	s2 =	simm.s32 @p5 $0x0;
	s3 =	simm.s32 @p5 $0x60E0;
	s1 =	sadd.s32 @p5 s10, s1  }
0x206: {  	[tilespmem:s3], [sflag:$0x3] =	stream.linear.gather @p5 [hbm4b:s1+s2], $0x3200, $0x38;
	[tilespmem:$0x1FEF0] =	vst v63  }
0x207: {  	s1 =	sadd.s32 @p5 $0xFEC7B240, s21  }
0x208: {  	p2 =	seq.s32 s13, $0x1;
	s5 =	simm.s32 @p5 $0x9920;
	s1 =	sshrl.u32 @p5 s1, $0x3  }
0x209: {  	s2 =	simm.s32 @p5 $0x10;
	s3 =	simm.s32 @p5 $0x80;
	s1 =	sadd.s32 @p5 s15, s1  }
0x20a: {  	[tilespmem:s5], [sflag:$0x3] =	stream.strided.gather @p5 [hbm4b:s1+s2], $0x640, s3, s2, $0x38;
	[tilespmem:$0x1FEF0] =	vst v63  }
0x20b: {  	s1 =	sadd.s32 @p2 $0xFE2B7200, s0;
	s0 =	sadd.s32 @p2 $0xFE2B7260, s0  }
0x20c: {  	s2 =	simm.s32 @p2 $0x0;
	s1 =	sshrl.u32 @p2 s1, $0x3;
	s0 =	sshrl.u32 @p2 s0, $0x3  }
0x20d: {  	s3 =	simm.s32 @p2 $0x60E0;
	s1 =	sadd.s32 @p2 s24, s1;
	s0 =	sadd.s32 @p2 s15, s0  }
0x20e: {  	[tilespmem:s3], [sflag:$0x3] =	stream.linear.gather @p2 [hbm4b:s1+s2], $0x3200, $0x38;
	[tilespmem:$0x1FEF0] =	vst v63  }
0x20f: {  	s1 =	simm.s32 @p2 $0x10;
	s2 =	simm.s32 @p2 $0x80;
	s3 =	rddreg [dreg:$0x18]  }
0x210: {  	[tilespmem:s3], [sflag:$0x3] =	stream.strided.gather @p2 [hbm4b:s0+s1], $0x640, s2, s1, $0x38;
	[tilespmem:$0x1FEF0] =	vst v63  }
0x211: {  	s0 =	rddreg [dreg:$0x17]  }
0x212: {  	_ =	swait.ge @!p3 [sflag:s0], $0x3200  }
0x213: {  	[sflag:s0] =	ssyncset.done @!p3 $0x0  }
0x214: {  	[sflag:s0] =	ssyncadd.s32 @!p3 $0xFFFFCE00  }
0x215: {  	_ =	swait.ge @!p3 [sflag:s0], $0x640  }
0x216: {  	[sflag:s0] =	ssyncset.done @!p3 $0x0  }
0x217: {  	[sflag:s0] =	ssyncadd.s32 @!p3 $0xFFFFF9C0;
	s0 =	simm.s32 @p6 $0x2  }
0x218: {  	_ =	swait.ge @p6 [sflag:s0], $0x3200  }
0x219: {  	[sflag:s0] =	ssyncset.done @p6 $0x0  }
0x21a: {  	[sflag:s0] =	ssyncadd.s32 @p6 $0xFFFFCE00  }
0x21b: {  	_ =	swait.ge @p6 [sflag:s0], $0x640  }
0x21c: {  	[sflag:s0] =	ssyncset.done @p6 $0x0  }
0x21d: {  	[sflag:s0] =	ssyncadd.s32 @p6 $0xFFFFF9C0;
	s0 =	simm.s32 @p5 $0x2  }
0x21e: {  	_ =	swait.ge @p5 [sflag:s0], $0x3200  }
0x21f: {  	[sflag:s0] =	ssyncset.done @p5 $0x0  }
0x220: {  	[sflag:s0] =	ssyncadd.s32 @p5 $0xFFFFCE00  }
0x221: {  	_ =	swait.ge @p5 [sflag:s0], $0x640  }
0x222: {  	[sflag:s0] =	ssyncset.done @p5 $0x0  }
0x223: {  	s1 =	simm.s32 @p2 $0x2;
	[sflag:s0] =	ssyncadd.s32 @p5 $0xFFFFF9C0  }
0x224: {  	_ =	swait.ge @p2 [sflag:s1], $0x3200  }
0x225: {  	[sflag:s1] =	ssyncset.done @p2 $0x0  }
0x226: {  	[sflag:s1] =	ssyncadd.s32 @p2 $0xFFFFCE00  }
0x227: {  	_ =	swait.ge @p2 [sflag:s1], $0x640  }
0x228: {  	[sflag:s1] =	ssyncset.done @p2 $0x0  }
0x229: {  	[sflag:s1] =	ssyncadd.s32 @p2 $0xFFFFF9C0  }
0x22a: {  	[spmem:s7] =	stream.indirect.scatter.add.f32 [tilespmem:s19], [sflag:$0x4], $0x80, s29, s22, $0xb8;
	[tilespmem:$0x1FEF0] =	vst v63  }
0x22b: {  	s17 =	simm.s32 $0x92E0  }
0x22c: {  	[spmem:s8] =	stream.indirect.scatter.add.f32 [tilespmem:s17], [sflag:$0x4], $0x10, s29, s22, $0xb8;
	[tilespmem:$0x1FEF0] =	vst v63  }
0x22d: {  	s18 =	sadd.s32 $0x18, s29;
	s14 =	rddreg [dreg:$0x5]  }
0x22e: {  	[spmem:s7] =	stream.indirect.scatter.add.f32 [tilespmem:s14], [sflag:$0x4], $0x80, s18, s22, $0xb8;
	[tilespmem:$0x1FEF0] =	vst v63  }
0x22f: {  	s21 =	rddreg [dreg:$0x6]  }
0x230: {  	[spmem:s8] =	stream.indirect.scatter.add.f32 [tilespmem:s21], [sflag:$0x4], $0x10, s18, s22, $0xb8;
	[tilespmem:$0x1FEF0] =	vst v63  }
0x231: {  	s2 =	sadd.s32 $0x30, s29;
	s30 =	rddreg [dreg:$0x7]  }
0x232: {  	[spmem:s7] =	stream.indirect.scatter.add.f32 [tilespmem:s30], [sflag:$0x4], $0x80, s2, s22, $0xb8;
	[tilespmem:$0x1FEF0] =	vst v63  }
0x233: {  	s3 =	rddreg [dreg:$0x8]  }
0x234: {  	[spmem:s8] =	stream.indirect.scatter.add.f32 [tilespmem:s3], [sflag:$0x4], $0x10, s2, s22, $0xb8;
	[tilespmem:$0x1FEF0] =	vst v63  }
0x235: {  	s6 =	sadd.s32 $0x48, s29;
	s5 =	rddreg [dreg:$0x9]  }
0x236: {  	[spmem:s7] =	stream.indirect.scatter.add.f32 [tilespmem:s5], [sflag:$0x4], $0x80, s6, s22, $0xb8;
	[tilespmem:$0x1FEF0] =	vst v63  }
0x237: {  	s11 =	rddreg [dreg:$0xa]  }
0x238: {  	[spmem:s8] =	stream.indirect.scatter.add.f32 [tilespmem:s11], [sflag:$0x4], $0x10, s6, s22, $0xb8;
	[tilespmem:$0x1FEF0] =	vst v63  }
0x239: {  	s13 =	sadd.s32 $0x60, s29;
	s12 =	rddreg [dreg:$0xb]  }
0x23a: {  	[spmem:s7] =	stream.indirect.scatter.add.f32 [tilespmem:s12], [sflag:$0x4], $0x80, s13, s22, $0xb8;
	[tilespmem:$0x1FEF0] =	vst v63  }
0x23b: {  	s14 =	rddreg [dreg:$0xc]  }
0x23c: {  	[spmem:s8] =	stream.indirect.scatter.add.f32 [tilespmem:s14], [sflag:$0x4], $0x10, s13, s22, $0xb8;
	[tilespmem:$0x1FEF0] =	vst v63  }
0x23d: {  	_ =	swait.ge [sflag:s23], $0xA00  }
0x23e: {  	[sflag:s23] =	ssyncset.done $0x0  }
0x23f: {  	[sflag:s23] =	ssyncadd.s32 $0xFFFFF600  }
0x240: {  	_ =	swait.ge [sflag:s23], $0xA00  }
0x241: {  	[sflag:s23] =	ssyncset.done $0x0  }
0x242: {  	[sflag:s23] =	ssyncadd.s32 $0xFFFFF600  }
0x243: {  	_ =	swait.ge [sflag:s23], $0xA00  }
0x244: {  	[sflag:s23] =	ssyncset.done $0x0  }
0x245: {  	[sflag:s23] =	ssyncadd.s32 $0xFFFFF600  }
0x246: {  	_ =	swait.ge [sflag:s23], $0xA00  }
0x247: {  	[sflag:s23] =	ssyncset.done $0x0  }
0x248: {  	[sflag:s23] =	ssyncadd.s32 $0xFFFFF600  }
0x249: {  	_ =	swait.ge [sflag:s23], $0xA00  }
0x24a: {  	[sflag:s23] =	ssyncset.done $0x0  }
0x24b: {  	[sflag:s23] =	ssyncadd.s32 $0xFFFFF600  }
0x24c: {  	_ =	swait.ge [sflag:s23], $0x140  }
0x24d: {  	[sflag:s23] =	ssyncset.done $0x0  }
0x24e: {  	[sflag:s23] =	ssyncadd.s32 $0xFFFFFEC0  }
0x24f: {  	_ =	swait.ge [sflag:s23], $0x140  }
0x250: {  	[sflag:s23] =	ssyncset.done $0x0  }
0x251: {  	[sflag:s23] =	ssyncadd.s32 $0xFFFFFEC0  }
0x252: {  	_ =	swait.ge [sflag:s23], $0x140  }
0x253: {  	[sflag:s23] =	ssyncset.done $0x0  }
0x254: {  	[sflag:s23] =	ssyncadd.s32 $0xFFFFFEC0  }
0x255: {  	p0 =	seq.s32 s25, $0x132400;
	_ =	swait.ge [sflag:s23], $0x140  }
0x256: {  	p1 =	sne.s32 @!p0 s28, $0x0;
	[sflag:s23] =	ssyncset.done $0x0  }
0x257: {  	p1 =	por p1, p0;
	[sflag:s23] =	ssyncadd.s32 $0xFFFFFEC0  }
0x258: {  	s0 =	sadd.s32 @!p1 s31, s9;
	_ =	swait.ge [sflag:s23], $0x140  }
0x259: {  	s0 =	sadd.s32 @!p1 $0xC80, s0;
	[sflag:s23] =	ssyncset.done $0x0  }
0x25a: {  	s1 =	simm.s32 @!p1 $0x2EE0;
	s2 =	simm.s32 @!p1 $0x0;
	[sflag:s23] =	ssyncadd.s32 $0xFFFFFEC0  }
0x25b: {  	[tilespmem:s1], [sflag:$0x2] =	stream.linear.gather @!p1 [hbm4b:s0+s2], $0x3200, $0x38;
	[tilespmem:$0x1FEF0] =	vst v63  }
0x25c: {  	s3 =	simm.s32 @!p1 $0x10;
	s1 =	sadd.s32 @!p1 s26, s9  }
0x25d: {  	s0 =	simm.s32 @!p1 $0x80;
	s2 =	simm.s32 @!p1 $0x92E0;
	s1 =	sadd.s32 @!p1 $0xC80, s1  }
0x25e: {  	[tilespmem:s2], [sflag:$0x2] =	stream.strided.gather @!p1 [hbm4b:s1+s3], $0x640, s0, s3, $0x38;
	[tilespmem:$0x1FEF0] =	vst v63  }
0x25f: {  	p1 =	por !p6, p0  }
0x260: {  	s0 =	sadd.s32 @!p1 s25, s20  }
0x261: {  	s1 =	sadd.s32 @!p1 $0xFF642400, s0;
	s0 =	sadd.s32 @!p1 $0xFF642420, s0  }
0x262: {  	s2 =	simm.s32 @!p1 $0x0;
	s1 =	sshrl.u32 @!p1 s1, $0x3;
	s0 =	sshrl.u32 @!p1 s0, $0x3  }
0x263: {  	s3 =	simm.s32 @!p1 $0x2EE0;
	s1 =	sadd.s32 @!p1 s16, s1;
	s0 =	sadd.s32 @!p1 s15, s0  }
0x264: {  	[tilespmem:s3], [sflag:$0x2] =	stream.linear.gather @!p1 [hbm4b:s1+s2], $0x3200, $0x38;
	[tilespmem:$0x1FEF0] =	vst v63  }
0x265: {  	s1 =	simm.s32 @!p1 $0x10;
	s2 =	simm.s32 @!p1 $0x80;
	s3 =	simm.s32 @!p1 $0x92E0  }
0x266: {  	[tilespmem:s3], [sflag:$0x2] =	stream.strided.gather @!p1 [hbm4b:s0+s1], $0x640, s2, s1, $0x38;
	[tilespmem:$0x1FEF0] =	vst v63  }
0x267: {  	p1 =	por !p5, p0  }
0x268: {  	s0 =	sadd.s32 @!p1 s25, s20  }
0x269: {  	p0 =	por !p2, p0;
	s1 =	sadd.s32 @!p1 $0xFEC7E400, s0;
	s0 =	sadd.s32 @!p1 $0xFEC7E440, s0  }
0x26a: {  	s2 =	simm.s32 @!p1 $0x0;
	s1 =	sshrl.u32 @!p1 s1, $0x3;
	s0 =	sshrl.u32 @!p1 s0, $0x3  }
0x26b: {  	s3 =	simm.s32 @!p1 $0x2EE0;
	s1 =	sadd.s32 @!p1 s10, s1;
	s0 =	sadd.s32 @!p1 s15, s0  }
0x26c: {  	[tilespmem:s3], [sflag:$0x2] =	stream.linear.gather @!p1 [hbm4b:s1+s2], $0x3200, $0x38;
	[tilespmem:$0x1FEF0] =	vst v63  }
0x26d: {  	s1 =	simm.s32 @!p1 $0x80;
	s2 =	simm.s32 @!p1 $0x92E0;
	s3 =	simm.s32 @!p1 $0x10  }
0x26e: {  	[tilespmem:s2], [sflag:$0x2] =	stream.strided.gather @!p1 [hbm4b:s0+s3], $0x640, s1, s3, $0x38;
	[tilespmem:$0x1FEF0] =	vst v63  }
0x26f: {  	s0 =	sadd.s32 @!p0 s25, s20  }
0x270: {  	s1 =	sadd.s32 @!p0 $0xFE2BA400, s0;
	s0 =	sadd.s32 @!p0 $0xFE2BA460, s0  }
0x271: {  	s2 =	simm.s32 @!p0 $0x2EE0;
	s1 =	sshrl.u32 @!p0 s1, $0x3;
	s0 =	sshrl.u32 @!p0 s0, $0x3  }
0x272: {  	s3 =	simm.s32 @!p0 $0x0;
	s1 =	sadd.s32 @!p0 s24, s1;
	s0 =	sadd.s32 @!p0 s15, s0  }
0x273: {  	[tilespmem:s2], [sflag:$0x2] =	stream.linear.gather @!p0 [hbm4b:s1+s3], $0x3200, $0x38;
	[tilespmem:$0x1FEF0] =	vst v63  }
0x274: {  	s1 =	simm.s32 @!p0 $0x92E0;
	s2 =	simm.s32 @!p0 $0x80;
	s3 =	simm.s32 @!p0 $0x10  }
0x275: {  	[tilespmem:s1], [sflag:$0x2] =	stream.strided.gather @!p0 [hbm4b:s0+s3], $0x640, s2, s3, $0x38;
	[tilespmem:$0x1FEF0] =	vst v63  }
0x276: {  	s0 =	simm.s32 @!p3 $0x3  }
0x277: {  	_ =	swait.ge @!p3 [sflag:s0], $0x3200  }
0x278: {  	[sflag:s0] =	ssyncset.done @!p3 $0x0  }
0x279: {  	[sflag:s0] =	ssyncadd.s32 @!p3 $0xFFFFCE00  }
0x27a: {  	_ =	swait.ge @!p3 [sflag:s0], $0x640  }
0x27b: {  	[sflag:s0] =	ssyncset.done @!p3 $0x0  }
0x27c: {  	s1 =	simm.s32 @p6 $0x3;
	[sflag:s0] =	ssyncadd.s32 @!p3 $0xFFFFF9C0  }
0x27d: {  	_ =	swait.ge @p6 [sflag:s1], $0x3200  }
0x27e: {  	[sflag:s1] =	ssyncset.done @p6 $0x0  }
0x27f: {  	[sflag:s1] =	ssyncadd.s32 @p6 $0xFFFFCE00  }
0x280: {  	_ =	swait.ge @p6 [sflag:s1], $0x640  }
0x281: {  	[sflag:s1] =	ssyncset.done @p6 $0x0  }
0x282: {  	s0 =	simm.s32 @p5 $0x3;
	[sflag:s1] =	ssyncadd.s32 @p6 $0xFFFFF9C0  }
0x283: {  	_ =	swait.ge @p5 [sflag:s0], $0x3200  }
0x284: {  	[sflag:s0] =	ssyncset.done @p5 $0x0  }
0x285: {  	[sflag:s0] =	ssyncadd.s32 @p5 $0xFFFFCE00  }
0x286: {  	_ =	swait.ge @p5 [sflag:s0], $0x640  }
0x287: {  	[sflag:s0] =	ssyncset.done @p5 $0x0  }
0x288: {  	[sflag:s0] =	ssyncadd.s32 @p5 $0xFFFFF9C0;
	s0 =	simm.s32 @p2 $0x3  }
0x289: {  	_ =	swait.ge @p2 [sflag:s0], $0x3200  }
0x28a: {  	[sflag:s0] =	ssyncset.done @p2 $0x0  }
0x28b: {  	[sflag:s0] =	ssyncadd.s32 @p2 $0xFFFFCE00  }
0x28c: {  	_ =	swait.ge @p2 [sflag:s0], $0x640  }
0x28d: {  	[sflag:s0] =	ssyncset.done @p2 $0x0  }
0x28e: {  	s18 =	sadd.s32 $0x78, s29;
	s17 =	rddreg [dreg:$0xd];
	[sflag:s0] =	ssyncadd.s32 @p2 $0xFFFFF9C0  }
0x28f: {  	[spmem:s7] =	stream.indirect.scatter.add.f32 [tilespmem:s17], [sflag:$0x5], $0x80, s18, s22, $0xb8;
	[tilespmem:$0x1FEF0] =	vst v63  }
0x290: {  	s21 =	rddreg [dreg:$0xe]  }
0x291: {  	[spmem:s8] =	stream.indirect.scatter.add.f32 [tilespmem:s21], [sflag:$0x5], $0x10, s18, s22, $0xb8;
	[tilespmem:$0x1FEF0] =	vst v63  }
0x292: {  	s26 =	sadd.s32 $0x90, s29;
	s25 =	rddreg [dreg:$0xf]  }
0x293: {  	[spmem:s7] =	stream.indirect.scatter.add.f32 [tilespmem:s25], [sflag:$0x5], $0x80, s26, s22, $0xb8;
	[tilespmem:$0x1FEF0] =	vst v63  }
0x294: {  	s30 =	rddreg [dreg:$0x10]  }
0x295: {  	[spmem:s8] =	stream.indirect.scatter.add.f32 [tilespmem:s30], [sflag:$0x5], $0x10, s26, s22, $0xb8;
	[tilespmem:$0x1FEF0] =	vst v63  }
0x296: {  	s3 =	sadd.s32 $0xA8, s29;
	s31 =	rddreg [dreg:$0x11]  }
0x297: {  	[spmem:s7] =	stream.indirect.scatter.add.f32 [tilespmem:s31], [sflag:$0x5], $0x80, s3, s22, $0xb8;
	[tilespmem:$0x1FEF0] =	vst v63  }
0x298: {  	s5 =	rddreg [dreg:$0x12]  }
0x299: {  	[spmem:s8] =	stream.indirect.scatter.add.f32 [tilespmem:s5], [sflag:$0x5], $0x10, s3, s22, $0xb8;
	[tilespmem:$0x1FEF0] =	vst v63  }
0x29a: {  	s11 =	sadd.s32 $0xC0, s29;
	s6 =	rddreg [dreg:$0x13]  }
0x29b: {  	[spmem:s7] =	stream.indirect.scatter.add.f32 [tilespmem:s6], [sflag:$0x5], $0x80, s11, s22, $0xb8;
	[tilespmem:$0x1FEF0] =	vst v63  }
0x29c: {  	s12 =	rddreg [dreg:$0x14]  }
0x29d: {  	[spmem:s8] =	stream.indirect.scatter.add.f32 [tilespmem:s12], [sflag:$0x5], $0x10, s11, s22, $0xb8;
	[tilespmem:$0x1FEF0] =	vst v63  }
0x29e: {  	s14 =	sadd.s32 $0xD8, s29;
	s13 =	rddreg [dreg:$0x15]  }
0x29f: {  	[spmem:s7] =	stream.indirect.scatter.add.f32 [tilespmem:s13], [sflag:$0x5], $0x80, s14, s22, $0xb8;
	[tilespmem:$0x1FEF0] =	vst v63  }
0x2a0: {  	s17 =	rddreg [dreg:$0x16]  }
0x2a1: {  	[spmem:s8] =	stream.indirect.scatter.add.f32 [tilespmem:s17], [sflag:$0x5], $0x10, s14, s22, $0xb8;
	[tilespmem:$0x1FEF0] =	vst v63  }
0x2a2: {  	_ =	swait.ge [sflag:s4], $0xA00  }
0x2a3: {  	[sflag:s4] =	ssyncset.done $0x0  }
0x2a4: {  	[sflag:s4] =	ssyncadd.s32 $0xFFFFF600  }
0x2a5: {  	_ =	swait.ge [sflag:s4], $0xA00  }
0x2a6: {  	[sflag:s4] =	ssyncset.done $0x0  }
0x2a7: {  	[sflag:s4] =	ssyncadd.s32 $0xFFFFF600  }
0x2a8: {  	_ =	swait.ge [sflag:s4], $0xA00  }
0x2a9: {  	[sflag:s4] =	ssyncset.done $0x0  }
0x2aa: {  	[sflag:s4] =	ssyncadd.s32 $0xFFFFF600  }
0x2ab: {  	_ =	swait.ge [sflag:s4], $0xA00  }
0x2ac: {  	[sflag:s4] =	ssyncset.done $0x0  }
0x2ad: {  	[sflag:s4] =	ssyncadd.s32 $0xFFFFF600  }
0x2ae: {  	_ =	swait.ge [sflag:s4], $0xA00  }
0x2af: {  	[sflag:s4] =	ssyncset.done $0x0  }
0x2b0: {  	[sflag:s4] =	ssyncadd.s32 $0xFFFFF600  }
0x2b1: {  	_ =	swait.ge [sflag:s4], $0x140  }
0x2b2: {  	[sflag:s4] =	ssyncset.done $0x0  }
0x2b3: {  	[sflag:s4] =	ssyncadd.s32 $0xFFFFFEC0  }
0x2b4: {  	_ =	swait.ge [sflag:s4], $0x140  }
0x2b5: {  	[sflag:s4] =	ssyncset.done $0x0  }
0x2b6: {  	[sflag:s4] =	ssyncadd.s32 $0xFFFFFEC0  }
0x2b7: {  	_ =	swait.ge [sflag:s4], $0x140  }
0x2b8: {  	[sflag:s4] =	ssyncset.done $0x0  }
0x2b9: {  	[sflag:s4] =	ssyncadd.s32 $0xFFFFFEC0  }
0x2ba: {  	_ =	swait.ge [sflag:s4], $0x140  }
0x2bb: {  	[sflag:s4] =	ssyncset.done $0x0  }
0x2bc: {  	[sflag:s4] =	ssyncadd.s32 $0xFFFFFEC0  }
0x2bd: {  	_ =	swait.ge [sflag:s4], $0x140  }
0x2be: {  	[sflag:s4] =	ssyncset.done $0x0  }
0x2bf: {  	[sflag:s4] =	ssyncadd.s32 $0xFFFFFEC0  }
0x2c0: {  	[bflag:$0x0] =	sbarrier.arrive $0xFFFF  }
0x2c1: {  	s6 =	sld [smem:$0x7FC]  }
0x2c2: {  	s18 =	sld [smem:$0x7F5]  }
0x2c3: {  	s21 =	sld [smem:$0x7E7];
	_ =	sdelay $0x1  }
0x2c4: {  	s2 =	simm.s32 $0x6  }
0x2c5: {  	[hbm:s18], [sflag:s6] =	dma.local [spmem:s21], $0x2710  }
0x2c6: {  	_ =	swait.ge [sflag:s2], $0x2710  }
0x2c7: {  	s25 =	sld [smem:$0x7F6]  }
0x2c8: {  	s26 =	sld [smem:$0x7E8]  }
0x2c9: {  	[sflag:s2] =	ssyncset.done $0x0  }
0x2ca: {  	[sflag:s2] =	ssyncadd.s32 $0xFFFFD8F0  }
0x2cb: {  	[hbm:s25], [sflag:s6] =	dma.local [spmem:s26], $0x4E2  }
0x2cc: {  	_ =	swait.ge [sflag:s2], $0x4E2  }
0x2cd: {  	s30 =	sld [smem:$0x7E6]  }
0x2ce: {  	s31 =	sld [smem:$0x7F7];
	_ =	sdelay $0x1  }
0x2cf: {  	s1 =	sadd.s32 $0x1, s30  }
0x2d0: {  	p0 =	sne.s32 s1, s31  }
.Ltmp5:
0x2d1: {  	_ = 	snop;
	(pc) =	sbr.rel @p0 .LBB2_1-.Ltmp5, $3  }
0x2d2: {  	_ =	sdelay $0x1  }
0x2d3: {  	[sflag:s2] =	ssyncset.done $0x0  }
0x2d4: {  	s29 =	smov.u32 s10;
	s10 =	simm.s32 $0x92E0;
	[sflag:s2] =	ssyncadd.s32 $0xFFFFFB1E  }
0x2d5: {  	_ =	sfence.sel $0x180000  }
0x2d6: {  	[bflag:$0x0] =	sbarrier.arrive $0xFFFF  }
0x2d7: {  	_ =	strace $0x9000004A  }
0x2d8: {  	s0 =	stileid.u32;
	[bflag:$0x2] =	sbarrier.arrive $0xFFFF  }
0x2d9: {  	p0 =	sne.s32 s0, $0x0;
	s0 =	rddreg [dreg:$0x4]  }
0x2da: {  	s0 =	sadd.s32 @!p0 $0x100000, s0  }
0x2db: {  	[sflag:s0] =	ssyncadd.tile.s32 @!p0 $0x1;
	_ =	shalt  }
.Lfunc_end2:
_tile_overlayer_lowered:
.L_overlay_start_2:
0x2dc: {  	(tag) =	ssettag $0x2  }
0x2dd: {  	s0 =	rddreg [dreg:$0x0];
	s2 =	stileid.u32  }
0x2de: {  	s1 =	rddreg [dreg:$0x1];
	p0 =	sne.s32 s2, $0x0  }
0x2df: {  	s3 =	rddreg [dreg:$0x2];
	[bflag:$0x3] =	sbarrier.arrive $0xFFFF;
	s2 =	simm.s32 @!p0 $0x1C06  }
0x2e0: {  	[timem:s3], [sflag:s2] =	dma.local @!p0 [hbm:s0], s1  }
0x2e1: {  	s0 =	simm.s32 @!p0 $0x6  }
0x2e2: {  	_ =	swait.ge @!p0 [sflag:s0], s1  }
0x2e3: {  	s1 =	ssub.s32 @!p0 $0x0, s1;
	[sflag:s0] =	ssyncset.done @!p0 $0x0  }
0x2e4: {  	[sflag:s0] =	ssyncadd.s32 @!p0 s1  }
0x2e5: {  	[bflag:$0x3] =	sbarrier.arrive $0xFFFF  }
0x2e6: {  	_ =	shalt  }

// kernel: kernel.8.cloned.1.call-start
scs
__scs_entry_jumppad:
0x0: {  	(pc) =	sbr.rel $0x88, $3  }
0x1: {  	(tag) =	ssettag $0x0;
	lr =	simm.s32 $0x1  }
0x2: {  	[smem:$0x3F97] =	sst lr;
	_ =	strace $0xD0000000  }
0x3: {  	_ = 	snop  }
0x4: {  	_ = 	snop  }
0x5: {  	_ = 	snop  }
0x6: {  	_ = 	snop  }
0x7: {  	_ = 	snop  }
__scs_overlays_trampoline_lowered:
0x8: {  	[smem:$0x3FA6] =	sst s0  }
0x9: {  	[smem:$0x3FA7] =	sst s1  }
0xa: {  	[smem:$0x3FA8] =	sst s2  }
0xb: {  	[smem:$0x3FA9] =	sst s3  }
0xc: {  	[smem:$0x3FAA] =	sst s4  }
0xd: {  	[smem:$0x3FAB] =	sst s5  }
0xe: {  	[smem:$0x3FAC] =	sst s6  }
0xf: {  	[smem:$0x3FAD] =	sst s7  }
0x10: {  	[smem:$0x3FAE] =	sst s8  }
0x11: {  	[smem:$0x3FAF] =	sst s9;
	s0 =	simm.s32 @!p0 $0x0  }
0x12: {  	s1 =	sld [smem:$0x3F95];
	s0 =	simm.s32 @p0 $0x1  }
0x13: {  	[smem:$0x3FB0] =	sst s0;
	s0 =	simm.s32 @!p1 $0x0  }
0x14: {  	s2 =	sld [smem:$0x3F94];
	s0 =	simm.s32 @p1 $0x1  }
0x15: {  	[smem:$0x3FB1] =	sst s0;
	s0 =	simm.s32 @!p2 $0x0  }
0x16: {  	s3 =	sld [smem:$0x3FDB];
	s0 =	simm.s32 @p2 $0x1  }
0x17: {  	s4 =	simm.s32 $0x1BF5;
	[smem:$0x3FB3] =	sst s0  }
0x18: {  	s0 =	sld [smem:$0x3F96];
	_ =	swait.ge [sflag:s4], $0x0  }
0x19: {  	s7 =	sld [smem:$0x3F97]  }
0x1a: {  	s8 =	sadd.s32 $0xFFFFE003, lr  }
0x1b: {  	s9 =	sadd.s32 $0xFFFFFEF7, lr;
	s5 =	simm.s32 $0xFFFFFFFF;
	p2 =	slt.u32 s8, $0xFFFFF086  }
0x1c: {  	p1 =	slt.u32 s9, $0xF7A;
	s5 =	simm.s32 @!p2 $0x0  }
0x1d: {  	s5 =	simm.s32 @p1 $0x1;
	p0 =	seq.s32 s7, s2  }
0x1e: {  	s7 =	smul.u32 @!p0 $0xF7A, s2;
	p2 =	seq.s32 @!p0 s5, $0x0  }
0x1f: {  	s9 =	smul.u32 $0xF7A, s1;
	s8 =	simm.s32 @!p0 $0x1BF5;
	p2 =	por !p2, p0  }
0x20: {  	[sflag:s8] =	ssyncset.s32 @!p0 $0xFFFFF086;
	s6 =	sadd.s32 @!p0 s3, s7;
	s7 =	simm.s32 @!p0 $0x108  }
0x21: {  	s3 =	sadd.s32 s3, s9;
	s6 =	sadd.s32 @!p0 $0x88, s6;
	s7 =	simm.s32 @p2 $0x1082  }
0x22: {  	[simem:s7], [sflag:s8] =	dma.local @!p0 [hbm:s6], $0xF7A  }
0x23: {  	s9 =	sor.u32 $0xD0000000, s2;
	s6 =	simm.s32 $0x108;
	_ =	swait.ge @!p0 [sflag:s8], $0x0  }
0x24: {  	s3 =	sadd.s32 $0x88, s3;
	s6 =	simm.s32 @!p1 $0x1082;
	[sflag:s4] =	ssyncset.s32 $0xFFFFF086  }
0x25: {  	[simem:s6], [sflag:s4] =	dma.local [hbm:s3], $0xF7A  }
0x26: {  	[smem:$0x3F97] =	sst s1;
	(tag) =	ssettag s2;
	_ =	strace s9  }
0x27: {  	s1 =	sld [smem:$0x3FA7]  }
0x28: {  	s2 =	sld [smem:$0x3FA8]  }
0x29: {  	s4 =	sld [smem:$0x3FAA]  }
0x2a: {  	p0 =	seq.s32 s5, $0x0;
	s5 =	sld [smem:$0x3FAB]  }
0x2b: {  	s6 =	sld [smem:$0x3FAC]  }
0x2c: {  	s7 =	sld [smem:$0x3FAD]  }
0x2d: {  	s3 =	simm.s32 $0x108;
	s8 =	sld [smem:$0x3FAE]  }
0x2e: {  	s3 =	simm.s32 @!p0 $0x1082;
	s9 =	sld [smem:$0x3FAF]  }
0x2f: {  	lr =	sadd.s32 s0, s3;
	s0 =	sld [smem:$0x3FA6]  }
0x30: {  	s3 =	sld [smem:$0x3FA9]  }
0x31: {  	[smem:$0x3FB2] =	sst s10  }
0x32: {  	s10 =	sld [smem:$0x3FB0];
	_ =	sdelay $0x3  }
0x33: {  	p0 =	seq.s32 s10, $0x1;
	s10 =	sld [smem:$0x3FB2];
	_ =	sdelay $0x3  }
0x34: {  	[smem:$0x3FB2] =	sst s10  }
0x35: {  	s10 =	sld [smem:$0x3FB1];
	_ =	sdelay $0x3  }
0x36: {  	p1 =	seq.s32 s10, $0x1;
	s10 =	sld [smem:$0x3FB2];
	_ =	sdelay $0x3  }
0x37: {  	[smem:$0x3FB2] =	sst s10  }
0x38: {  	s10 =	sld [smem:$0x3FB3]  }
0x39: {  	_ = 	snop;
	(pc) =	sbr.ind lr, $3  }
0x3a: {  	_ = 	snop  }
0x3b: {  	_ = 	snop  }
0x3c: {  	p2 =	seq.s32 s10, $0x1;
	s10 =	sld [smem:$0x3FB2]  }
0x3d: {  	_ =	shalt  }
0x3e: {  	_ =	shalt  }
0x3f: {  	_ =	shalt  }
0x40: {  	_ =	shalt  }
0x41: {  	_ =	shalt  }
0x42: {  	_ =	shalt  }
0x43: {  	_ =	shalt  }
0x44: {  	_ =	shalt  }
0x45: {  	_ =	shalt  }
0x46: {  	_ =	shalt  }
0x47: {  	_ =	shalt  }
0x48: {  	_ =	shalt  }
0x49: {  	_ =	shalt  }
0x4a: {  	_ =	shalt  }
0x4b: {  	_ =	shalt  }
0x4c: {  	_ =	shalt  }
0x4d: {  	_ =	shalt  }
0x4e: {  	_ =	shalt  }
0x4f: {  	_ =	shalt  }
0x50: {  	_ =	shalt  }
0x51: {  	_ =	shalt  }
0x52: {  	_ =	shalt  }
0x53: {  	_ =	shalt  }
0x54: {  	_ =	shalt  }
0x55: {  	_ =	shalt  }
0x56: {  	_ =	shalt  }
0x57: {  	_ =	shalt  }
0x58: {  	_ =	shalt  }
0x59: {  	_ =	shalt  }
0x5a: {  	_ =	shalt  }
0x5b: {  	_ =	shalt  }
0x5c: {  	_ =	shalt  }
0x5d: {  	_ =	shalt  }
0x5e: {  	_ =	shalt  }
0x5f: {  	_ =	shalt  }
0x60: {  	_ =	shalt  }
0x61: {  	_ =	shalt  }
0x62: {  	_ =	shalt  }
0x63: {  	_ =	shalt  }
0x64: {  	_ =	shalt  }
0x65: {  	_ =	shalt  }
0x66: {  	_ =	shalt  }
0x67: {  	_ =	shalt  }
0x68: {  	_ =	shalt  }
0x69: {  	_ =	shalt  }
0x6a: {  	_ =	shalt  }
0x6b: {  	_ =	shalt  }
0x6c: {  	_ =	shalt  }
0x6d: {  	_ =	shalt  }
0x6e: {  	_ =	shalt  }
0x6f: {  	_ =	shalt  }
0x70: {  	_ =	shalt  }
0x71: {  	_ =	shalt  }
0x72: {  	_ =	shalt  }
0x73: {  	_ =	shalt  }
0x74: {  	_ =	shalt  }
0x75: {  	_ =	shalt  }
0x76: {  	_ =	shalt  }
0x77: {  	_ =	shalt  }
0x78: {  	_ =	shalt  }
0x79: {  	_ =	shalt  }
0x7a: {  	_ =	shalt  }
0x7b: {  	_ =	shalt  }
0x7c: {  	_ =	shalt  }
0x7d: {  	_ =	shalt  }
0x7e: {  	_ =	shalt  }
0x7f: {  	_ =	shalt  }
0x80: {  	_ =	shalt  }
0x81: {  	_ =	shalt  }
0x82: {  	_ =	shalt  }
0x83: {  	_ =	shalt  }
0x84: {  	_ =	shalt  }
0x85: {  	_ =	shalt  }
0x86: {  	_ =	shalt  }
0x87: {  	_ =	shalt  }
.Lfunc_end0:
.L_simem_size_0:
called_computation_lowered:
.L_overlay_start_0:
0x88: {  	s2 =	sld [smem:$0x3FD9]  }
0x89: {  	s3 =	sld [smem:$0x3FFE];
	_ =	sdelay $0x1  }
0x8a: {  	s1 =	srdreg.scid  }
0x8b: {  	s0 =	sand.u32 $0x1, s1  }
0x8c: {  	s17 =	sshll.u32 s0, $0xA;
	s2 =	sadd.s32 s3, s2  }
0x8d: {  	s2 =	sadd.s32 s2, s17  }
0x8e: {  	[smem:$0x3FBE] =	sst s2  }
0x8f: {  	_ = 	snop  }
0x90: {  	s2 =	sld [smem:$0x3FD0];
	(tm) =	ssettm $0x1  }
0x91: {  	s18 =	sld [smem:$0x3FFB];
	_ =	sdelay $0x3  }
0x92: {  	_ =	strace s18  }
0x93: {  	s3 =	sld [smem:$0x3FFC];
	_ =	sdelay $0x3  }
0x94: {  	_ =	strace s3  }
0x95: {  	s3 =	sld [smem:$0x3FFD];
	_ =	sdelay $0x3  }
0x96: {  	_ =	strace s3  }
0x97: {  	_ =	strace $0x8FFFFFFF  }
0x98: {  	s19 =	sld [smem:$0x3FDB];
	_ =	sdelay $0x1  }
0x99: {  	s4 =	simm.s32 $_scs_section_size  }
0x9a: {  	s5 =	simm.s32 $_size__tile_overlayer_lowered;
	s6 =	simm.s32 $_tile_overlayer_lowered  }
0x9b: {  	s22 =	simm.s32 $0x1BFF;
	s21 =	sshll.u32 s6, $0x1;
	s3 =	sadd.s32 s4, s19  }
0x9c: {  	s7 =	simm.s32 $0x0;
	s20 =	sshll.u32 s5, $0x1;
	s5 =	sadd.s32 s21, s3  }
0x9d: {  	[timem:s7], [sflag:s22] =	dma.local [hbm:s5], s20  }
0x9e: {  	_ =	swait.ge [sflag:s22], s20  }
0x9f: {  	s4 =	ssub.s32 $0x0, s20;
	[sflag:s22] =	ssyncset.done $0x0  }
0xa0: {  	[sflag:s22] =	ssyncadd.s32 s4;
	_ =	sdelay $0x1  }
0xa1: {  	s23 =	simm.s32 $0x1B8B  }
0xa2: {  	_ =	swait.ge [sflag:s23], $0x1  }
0xa3: {  	[sflag:s23] =	ssyncset.done $0x0  }
0xa4: {  	s25 =	simm.s32 $0x1B8E;
	s24 =	sld [smem:$0x3FFE];
	[sflag:s23] =	ssyncadd.s32 $0xFFFFFFFF  }
0xa5: {  	s26 =	simm.s32 $execute0_lowered;
	[smem:$0x3FD2] =	sst s25  }
0xa6: {  	s5 =	sshll.u32 s26, $0x1;
	_ =	strace $0x80000046;
	[dreg:$0x1] =	wrdreg $0xFFFFFFFF  }
0xa7: {  	s28 =	simm.s32 $_size_execute0_lowered;
	s3 =	sadd.s32 s3, s5;
	[dreg:$0x0] =	wrdreg $0x0  }
0xa8: {  	s5 =	sshll.u32 s28, $0x1;
	[dreg:$0x2] =	wrdreg s3  }
0xa9: {  	[dreg:$0x3] =	wrdreg s5  }
0xaa: {  	[dreg:$0x4] =	wrdreg $0xC0  }
0xab: {  	_ =	task [dreg:s7], $0x5FFFF  }
0xac: {  	[dreg:$0x1] =	wrdreg $0xFFFFFFFF  }
0xad: {  	[dreg:$0x0] =	wrdreg $0x60  }
0xae: {  	[dreg:$0x2] =	wrdreg s24  }
0xaf: {  	[dreg:$0x3] =	wrdreg s2  }
0xb0: {  	[dreg:$0x4] =	wrdreg $0x9  }
0xb1: {  	_ =	task.clear_ibuf [dreg:s7], $0x5FFFF;
	_ =	strace $0x90000046  }
0xb2: {  	s29 =	simm.s32 $0x9;
	_ =	strace $0x80000048  }
0xb3: {  	_ =	swait.ge [sflag:s29], $0x1  }
0xb4: {  	[sflag:s29] =	ssyncadd.s32 $0xFFFFFFFF  }
0xb5: {  	_ =	strace $0x90000048  }
0xb6: {  	_ =	sfence  }
0xb7: {  	s30 =	sld [smem:$0x0];
	_ =	sdelay $0x2  }
0xb8: {  	s31 =	sshll.u32 s1, $0xD;
	s1 =	sshrl.u32 s1, $0x2  }
0xb9: {  	s3 =	sand.u32 $0x4000, s31;
	s1 =	sadd.s32 s1, s30  }
0xba: {  	s0 =	sor.u32 s3, s0;
	s1 =	sshll.u32 s1, $0x11  }
0xbb: {  	s0 =	sor.u32 s1, s0  }
0xbc: {  	s0 =	sadd.s32 $0x8F2B, s0  }
0xbd: {  	[sflag:s0] =	ssyncadd.remote.s32 $0x1  }
0xbe: {  	_ =	sfence.sel $0xFFFF  }
0xbf: {  	[dreg:$0x0] =	wrdreg $0xFFFFFFFF;
	(pc) =	sbr.abs _section_cstart, $3  }
0xc0: {  	[dreg:$0x1] =	wrdreg $0xFFFFFFFF  }
0xc1: {  	_ =	task.clear_ibuf [dreg:s7], $0x2FFFF;
	_ =	strace $0x9FFFFFFF  }
0xc2: {  	(tm) =	ssettm $0x7FFFFFFF  }
0xc3: {  	_ =	shalt  }
tec
execute0_lowered:
.L_overlay_start_1:
0x0: {  	(tag) =	ssettag $0x1  }
0x1: {  	s0 =	rddreg [dreg:$0x0];
	s1 =	srdreg.scid  }
0x2: {  	s2 =	stileid.u32;
	s5 =	rddreg [dreg:$0x1]  }
0x3: {  	s15 =	simm.s32 $0x19;
	s28 =	simm.s32 $0x8CA0;
	s29 =	simm.s32 $0x8FC0  }
0x4: {  	s30 =	simm.s32 $0x92E0;
	s31 =	simm.s32 $0x9600;
	s16 =	simm.s32 $0x9F60  }
0x5: {  	s17 =	simm.s32 $0xA280;
	s11 =	simm.s32 $0xA5A0;
	s12 =	simm.s32 $0xA8C0  }
0x6: {  	s13 =	simm.s32 $0xABE0;
	s1 =	sand.u32 $0x1, s1;
	s3 =	sshll.u32 s2, $0x1  }
0x7: {  	s18 =	simm.s32 $0x0;
	s2 =	simm.s32 $0x0;
	s6 =	sor.u32 s1, s3  }
0x8: {  	[smem:$0x7FF] =	sst s2;
	s3 =	sadd.s32 $0x4800, s0;
	s4 =	smul.u32 $0xC80, s6  }
0x9: {  	s1 =	ssub.s32 $0x2, s1;
	_ =	strace $0x80000047;
	s7 =	smul.u32 $0x190, s6  }
0xa: {  	s22 =	sshrl.u32 s1, $0x1;
	s9 =	smul.u32 $0x9C4, s6;
	s6 =	simm.s32 $0xAF00  }
0xb: {  	s8 =	sshrl.u32 s4, $0x3;
	s4 =	sadd.s32 $0xE600, s0;
	s0 =	ssub.s32 s1, s22  }
0xc: {  	s23 =	sadd.s32 s5, s7;
	s22 =	simm.s32 $0x7D00;
	s1 =	simm.s32 $0x9920  }
0xd: {  	s8 =	sadd.s32 s5, s8;
	[dreg:$0x3] =	wrdreg s23;
	s0 =	smax.u32 s0, $0x1  }
0xe: {  	s7 =	simm.s32 $0x3;
	s24 =	sadd.s32 $0x3200, s8;
	[dreg:$0x7] =	wrdreg s0  }
0xf: {  	s23 =	simm.s32 $0x8020;
	s25 =	sadd.s32 $0x6400, s8;
	[dreg:$0x4] =	wrdreg s24  }
0x10: {  	s5 =	simm.s32 $0x2;
	s26 =	sadd.s32 $0x9600, s8;
	[dreg:$0x5] =	wrdreg s25  }
0x11: {  	s0 =	simm.s32 $0x9C40;
	s8 =	simm.s32 $0xED80;
	[dreg:$0x6] =	wrdreg s26  }
0x12: {  	s24 =	simm.s32 $0x8340;
	s25 =	simm.s32 $0x8660;
	s26 =	simm.s32 $0x8980  }
.LBB2_1:
0x13: {  	[dreg:$0x8] =	wrdreg s18  }
0x14: {  	s10 =	rddreg [dreg:$0x3]  }
0x15: {  	[tilespmem:s2], [sflag:$0x1] =	stream.linear.gather [hbm4b:s10+s2], $0xC80, $0x38;
	[tilespmem:$0x12C00] =	vst v63  }
0x16: {  	s18 =	rddreg [dreg:$0x4];
	s14 =	simm.s32 $0xC80  }
0x17: {  	[tilespmem:s14], [sflag:$0x1] =	stream.linear.gather [hbm4b:s18+s2], $0xC80, $0x38;
	[tilespmem:$0x12C00] =	vst v63  }
0x18: {  	s19 =	rddreg [dreg:$0x5];
	s18 =	simm.s32 $0x1900  }
0x19: {  	[tilespmem:s18], [sflag:$0x1] =	stream.linear.gather [hbm4b:s19+s2], $0xC80, $0x38;
	[tilespmem:$0x12C00] =	vst v63  }
0x1a: {  	s20 =	rddreg [dreg:$0x6];
	s21 =	simm.s32 $0x1;
	s19 =	simm.s32 $0x2580  }
0x1b: {  	[tilespmem:s19], [sflag:$0x1] =	stream.linear.gather [hbm4b:s20+s2], $0xC80, $0x38;
	[tilespmem:$0x12C00] =	vst v63  }
0x1c: {  	_ =	swait.ge [sflag:s21], $0xC80  }
0x1d: {  	[sflag:s21] =	ssyncset.done $0x0  }
0x1e: {  	[sflag:s21] =	ssyncadd.s32 $0xFFFFF380  }
0x1f: {  	_ =	swait.ge [sflag:s21], $0xC80  }
0x20: {  	[sflag:s21] =	ssyncset.done $0x0  }
0x21: {  	[sflag:s21] =	ssyncadd.s32 $0xFFFFF380  }
0x22: {  	_ =	swait.ge [sflag:s21], $0xC80  }
0x23: {  	[sflag:s21] =	ssyncset.done $0x0  }
0x24: {  	[sflag:s21] =	ssyncadd.s32 $0xFFFFF380  }
0x25: {  	_ =	swait.ge [sflag:s21], $0xC80  }
0x26: {  	[sflag:s21] =	ssyncset.done $0x0  }
0x27: {  	s20 =	simm.s32 $0x3200;
	[sflag:s21] =	ssyncadd.s32 $0xFFFFF380  }
0x28: {  	[tilespmem:s20], [sflag:$0x2] =	stream.indirect.gather [hbm4b:s3+s15], $0x20, s2, s15, $0xb8;
	[tilespmem:$0x12C00] =	vst v63  }
0x29: {  	s21 =	simm.s32 $0x20;
	s20 =	simm.s32 $0x3520  }
0x2a: {  	[tilespmem:s20], [sflag:$0x2] =	stream.indirect.gather [hbm4b:s3+s15], $0x20, s21, s15, $0xb8;
	[tilespmem:$0x12C00] =	vst v63  }
0x2b: {  	s20 =	simm.s32 $0x40;
	s21 =	simm.s32 $0x3840  }
0x2c: {  	[tilespmem:s21], [sflag:$0x2] =	stream.indirect.gather [hbm4b:s3+s15], $0x20, s20, s15, $0xb8;
	[tilespmem:$0x12C00] =	vst v63  }
0x2d: {  	s20 =	simm.s32 $0x60;
	s21 =	simm.s32 $0x3B60  }
0x2e: {  	[tilespmem:s21], [sflag:$0x2] =	stream.indirect.gather [hbm4b:s3+s15], $0x20, s20, s15, $0xb8;
	[tilespmem:$0x12C00] =	vst v63  }
0x2f: {  	s20 =	simm.s32 $0x80;
	s21 =	simm.s32 $0x3E80  }
0x30: {  	[tilespmem:s21], [sflag:$0x2] =	stream.indirect.gather [hbm4b:s3+s15], $0x20, s20, s15, $0xb8;
	[tilespmem:$0x12C00] =	vst v63  }
0x31: {  	s21 =	simm.s32 $0x41A0  }
0x32: {  	[tilespmem:s21], [sflag:$0x2] =	stream.indirect.gather [hbm4b:s3+s15], $0x20, s14, s15, $0xb8;
	[tilespmem:$0x12C00] =	vst v63  }
0x33: {  	s20 =	simm.s32 $0xCA0;
	s21 =	simm.s32 $0x44C0  }
0x34: {  	[tilespmem:s21], [sflag:$0x2] =	stream.indirect.gather [hbm4b:s3+s15], $0x20, s20, s15, $0xb8;
	[tilespmem:$0x12C00] =	vst v63  }
0x35: {  	s20 =	simm.s32 $0xCC0;
	s21 =	simm.s32 $0x47E0  }
0x36: {  	[tilespmem:s21], [sflag:$0x2] =	stream.indirect.gather [hbm4b:s3+s15], $0x20, s20, s15, $0xb8;
	[tilespmem:$0x12C00] =	vst v63  }
0x37: {  	s20 =	simm.s32 $0xCE0;
	s21 =	simm.s32 $0x4B00  }
0x38: {  	[tilespmem:s21], [sflag:$0x2] =	stream.indirect.gather [hbm4b:s3+s15], $0x20, s20, s15, $0xb8;
	[tilespmem:$0x12C00] =	vst v63  }
0x39: {  	s14 =	simm.s32 $0xD00;
	s20 =	simm.s32 $0x4E20  }
0x3a: {  	[tilespmem:s20], [sflag:$0x2] =	stream.indirect.gather [hbm4b:s3+s15], $0x20, s14, s15, $0xb8;
	[tilespmem:$0x12C00] =	vst v63  }
0x3b: {  	s21 =	simm.s32 $0x5140  }
0x3c: {  	[tilespmem:s21], [sflag:$0x2] =	stream.indirect.gather [hbm4b:s3+s15], $0x20, s18, s15, $0xb8;
	[tilespmem:$0x12C00] =	vst v63  }
0x3d: {  	s14 =	simm.s32 $0x1920;
	s18 =	simm.s32 $0x5460  }
0x3e: {  	[tilespmem:s18], [sflag:$0x2] =	stream.indirect.gather [hbm4b:s3+s15], $0x20, s14, s15, $0xb8;
	[tilespmem:$0x12C00] =	vst v63  }
0x3f: {  	s20 =	simm.s32 $0x1940;
	s21 =	simm.s32 $0x5780  }
0x40: {  	[tilespmem:s21], [sflag:$0x2] =	stream.indirect.gather [hbm4b:s3+s15], $0x20, s20, s15, $0xb8;
	[tilespmem:$0x12C00] =	vst v63  }
0x41: {  	s14 =	simm.s32 $0x1960;
	s18 =	simm.s32 $0x5AA0  }
0x42: {  	[tilespmem:s18], [sflag:$0x2] =	stream.indirect.gather [hbm4b:s3+s15], $0x20, s14, s15, $0xb8;
	[tilespmem:$0x12C00] =	vst v63  }
0x43: {  	s20 =	simm.s32 $0x1980;
	s21 =	simm.s32 $0x5DC0  }
0x44: {  	[tilespmem:s21], [sflag:$0x2] =	stream.indirect.gather [hbm4b:s3+s15], $0x20, s20, s15, $0xb8;
	[tilespmem:$0x12C00] =	vst v63  }
0x45: {  	s14 =	simm.s32 $0x60E0  }
0x46: {  	[tilespmem:s14], [sflag:$0x2] =	stream.indirect.gather [hbm4b:s3+s15], $0x20, s19, s15, $0xb8;
	[tilespmem:$0x12C00] =	vst v63  }
0x47: {  	s18 =	simm.s32 $0x25A0;
	s19 =	simm.s32 $0x6400  }
0x48: {  	[tilespmem:s19], [sflag:$0x2] =	stream.indirect.gather [hbm4b:s3+s15], $0x20, s18, s15, $0xb8;
	[tilespmem:$0x12C00] =	vst v63  }
0x49: {  	s20 =	simm.s32 $0x25C0;
	s21 =	simm.s32 $0x6720  }
0x4a: {  	[tilespmem:s21], [sflag:$0x2] =	stream.indirect.gather [hbm4b:s3+s15], $0x20, s20, s15, $0xb8;
	[tilespmem:$0x12C00] =	vst v63  }
0x4b: {  	s18 =	simm.s32 $0x25E0;
	s19 =	simm.s32 $0x6A40  }
0x4c: {  	[tilespmem:s19], [sflag:$0x2] =	stream.indirect.gather [hbm4b:s3+s15], $0x20, s18, s15, $0xb8;
	[tilespmem:$0x12C00] =	vst v63  }
0x4d: {  	s14 =	simm.s32 $0x0;
	s20 =	simm.s32 $0x2600;
	s21 =	simm.s32 $0x6D60  }
0x4e: {  	[tilespmem:s21], [sflag:$0x2] =	stream.indirect.gather [hbm4b:s3+s15], $0x20, s20, s15, $0xb8;
	[tilespmem:$0x12C00] =	vst v63  }
.LBB2_2:
0x4f: {  	s10 =	sshllo.u32 s14, $0x1  }
0x50: {  	s18 =	smul.u32 $0x280, s10;
	_ =	sdelay $0x1  }
0x51: {  	s19 =	simm.s32 $0x7080;
	s18 =	sshra.s32 s18, $0x2  }
0x52: {  	[tilespmem:s19], [sflag:$0x3] =	stream.indirect.gather [hbm4b:s3+s15], $0x20, s18, s15, $0xb8;
	[tilespmem:$0x12C00] =	vst v63  }
0x53: {  	s20 =	simm.s32 $0x73A0;
	s21 =	sadd.s32 $0x20, s18  }
0x54: {  	[tilespmem:s20], [sflag:$0x3] =	stream.indirect.gather [hbm4b:s3+s15], $0x20, s21, s15, $0xb8;
	[tilespmem:$0x12C00] =	vst v63  }
0x55: {  	s20 =	sadd.s32 $0x40, s18;
	s21 =	simm.s32 $0x76C0  }
0x56: {  	[tilespmem:s21], [sflag:$0x3] =	stream.indirect.gather [hbm4b:s3+s15], $0x20, s20, s15, $0xb8;
	[tilespmem:$0x12C00] =	vst v63  }
0x57: {  	s20 =	sadd.s32 $0x60, s18;
	s21 =	simm.s32 $0x79E0  }
0x58: {  	[tilespmem:s21], [sflag:$0x3] =	stream.indirect.gather [hbm4b:s3+s15], $0x20, s20, s15, $0xb8;
	[tilespmem:$0x12C00] =	vst v63  }
0x59: {  	s21 =	sadd.s32 $0x80, s18  }
0x5a: {  	[tilespmem:s22], [sflag:$0x3] =	stream.indirect.gather [hbm4b:s3+s15], $0x20, s21, s15, $0xb8;
	[tilespmem:$0x12C00] =	vst v63  }
0x5b: {  	s20 =	sadd.s32 $0xC80, s18  }
0x5c: {  	[tilespmem:s23], [sflag:$0x3] =	stream.indirect.gather [hbm4b:s3+s15], $0x20, s20, s15, $0xb8;
	[tilespmem:$0x12C00] =	vst v63  }
0x5d: {  	s21 =	sadd.s32 $0xCA0, s18  }
0x5e: {  	[tilespmem:s24], [sflag:$0x3] =	stream.indirect.gather [hbm4b:s3+s15], $0x20, s21, s15, $0xb8;
	[tilespmem:$0x12C00] =	vst v63  }
0x5f: {  	s20 =	sadd.s32 $0xCC0, s18  }
0x60: {  	[tilespmem:s25], [sflag:$0x3] =	stream.indirect.gather [hbm4b:s3+s15], $0x20, s20, s15, $0xb8;
	[tilespmem:$0x12C00] =	vst v63  }
0x61: {  	s21 =	sadd.s32 $0xCE0, s18  }
0x62: {  	[tilespmem:s26], [sflag:$0x3] =	stream.indirect.gather [hbm4b:s3+s15], $0x20, s21, s15, $0xb8;
	[tilespmem:$0x12C00] =	vst v63  }
0x63: {  	s20 =	sadd.s32 $0xD00, s18  }
0x64: {  	[tilespmem:s28], [sflag:$0x3] =	stream.indirect.gather [hbm4b:s3+s15], $0x20, s20, s15, $0xb8;
	[tilespmem:$0x12C00] =	vst v63  }
0x65: {  	s21 =	sadd.s32 $0x1900, s18  }
0x66: {  	[tilespmem:s29], [sflag:$0x3] =	stream.indirect.gather [hbm4b:s3+s15], $0x20, s21, s15, $0xb8;
	[tilespmem:$0x12C00] =	vst v63  }
0x67: {  	s20 =	sadd.s32 $0x1920, s18  }
0x68: {  	[tilespmem:s30], [sflag:$0x3] =	stream.indirect.gather [hbm4b:s3+s15], $0x20, s20, s15, $0xb8;
	[tilespmem:$0x12C00] =	vst v63  }
0x69: {  	s21 =	sadd.s32 $0x1940, s18  }
0x6a: {  	[tilespmem:s31], [sflag:$0x3] =	stream.indirect.gather [hbm4b:s3+s15], $0x20, s21, s15, $0xb8;
	[tilespmem:$0x12C00] =	vst v63  }
0x6b: {  	s20 =	sadd.s32 $0x1960, s18  }
0x6c: {  	[tilespmem:s1], [sflag:$0x3] =	stream.indirect.gather [hbm4b:s3+s15], $0x20, s20, s15, $0xb8;
	[tilespmem:$0x12C00] =	vst v63  }
0x6d: {  	s21 =	sadd.s32 $0x1980, s18  }
0x6e: {  	[tilespmem:s0], [sflag:$0x3] =	stream.indirect.gather [hbm4b:s3+s15], $0x20, s21, s15, $0xb8;
	[tilespmem:$0x12C00] =	vst v63  }
0x6f: {  	s20 =	sadd.s32 $0x2580, s18  }
0x70: {  	[tilespmem:s16], [sflag:$0x3] =	stream.indirect.gather [hbm4b:s3+s15], $0x20, s20, s15, $0xb8;
	[tilespmem:$0x12C00] =	vst v63  }
0x71: {  	s21 =	sadd.s32 $0x25A0, s18  }
0x72: {  	[tilespmem:s17], [sflag:$0x3] =	stream.indirect.gather [hbm4b:s3+s15], $0x20, s21, s15, $0xb8;
	[tilespmem:$0x12C00] =	vst v63  }
0x73: {  	s20 =	sadd.s32 $0x25C0, s18  }
0x74: {  	[tilespmem:s11], [sflag:$0x3] =	stream.indirect.gather [hbm4b:s3+s15], $0x20, s20, s15, $0xb8;
	[tilespmem:$0x12C00] =	vst v63  }
0x75: {  	s21 =	sadd.s32 $0x25E0, s18  }
0x76: {  	[tilespmem:s12], [sflag:$0x3] =	stream.indirect.gather [hbm4b:s3+s15], $0x20, s21, s15, $0xb8;
	[tilespmem:$0x12C00] =	vst v63  }
0x77: {  	s18 =	sadd.s32 $0x2600, s18  }
0x78: {  	[tilespmem:s13], [sflag:$0x3] =	stream.indirect.gather [hbm4b:s3+s15], $0x20, s18, s15, $0xb8;
	[tilespmem:$0x12C00] =	vst v63  }
0x79: {  	_ =	swait.ge [sflag:s5], $0x320  }
0x7a: {  	[sflag:s5] =	ssyncset.done $0x0  }
0x7b: {  	[sflag:s5] =	ssyncadd.s32 $0xFFFFFCE0  }
0x7c: {  	_ =	swait.ge [sflag:s5], $0x320  }
0x7d: {  	[sflag:s5] =	ssyncset.done $0x0  }
0x7e: {  	[sflag:s5] =	ssyncadd.s32 $0xFFFFFCE0  }
0x7f: {  	_ =	swait.ge [sflag:s5], $0x320  }
0x80: {  	[sflag:s5] =	ssyncset.done $0x0  }
0x81: {  	[sflag:s5] =	ssyncadd.s32 $0xFFFFFCE0  }
0x82: {  	_ =	swait.ge [sflag:s5], $0x320  }
0x83: {  	[sflag:s5] =	ssyncset.done $0x0  }
0x84: {  	[sflag:s5] =	ssyncadd.s32 $0xFFFFFCE0  }
0x85: {  	_ =	swait.ge [sflag:s5], $0x320  }
0x86: {  	[sflag:s5] =	ssyncset.done $0x0  }
0x87: {  	[sflag:s5] =	ssyncadd.s32 $0xFFFFFCE0  }
0x88: {  	_ =	swait.ge [sflag:s5], $0x320  }
0x89: {  	[sflag:s5] =	ssyncset.done $0x0  }
0x8a: {  	[sflag:s5] =	ssyncadd.s32 $0xFFFFFCE0  }
0x8b: {  	_ =	swait.ge [sflag:s5], $0x320  }
0x8c: {  	[sflag:s5] =	ssyncset.done $0x0  }
0x8d: {  	[sflag:s5] =	ssyncadd.s32 $0xFFFFFCE0  }
0x8e: {  	_ =	swait.ge [sflag:s5], $0x320  }
0x8f: {  	[sflag:s5] =	ssyncset.done $0x0  }
0x90: {  	[sflag:s5] =	ssyncadd.s32 $0xFFFFFCE0  }
0x91: {  	_ =	swait.ge [sflag:s5], $0x320  }
0x92: {  	[sflag:s5] =	ssyncset.done $0x0  }
0x93: {  	[sflag:s5] =	ssyncadd.s32 $0xFFFFFCE0  }
0x94: {  	_ =	swait.ge [sflag:s5], $0x320  }
0x95: {  	[sflag:s5] =	ssyncset.done $0x0  }
0x96: {  	[sflag:s5] =	ssyncadd.s32 $0xFFFFFCE0  }
0x97: {  	_ =	swait.ge [sflag:s5], $0x320  }
0x98: {  	[sflag:s5] =	ssyncset.done $0x0  }
0x99: {  	[sflag:s5] =	ssyncadd.s32 $0xFFFFFCE0  }
0x9a: {  	_ =	swait.ge [sflag:s5], $0x320  }
0x9b: {  	[sflag:s5] =	ssyncset.done $0x0  }
0x9c: {  	[sflag:s5] =	ssyncadd.s32 $0xFFFFFCE0  }
0x9d: {  	_ =	swait.ge [sflag:s5], $0x320  }
0x9e: {  	[sflag:s5] =	ssyncset.done $0x0  }
0x9f: {  	[sflag:s5] =	ssyncadd.s32 $0xFFFFFCE0  }
0xa0: {  	_ =	swait.ge [sflag:s5], $0x320  }
0xa1: {  	[sflag:s5] =	ssyncset.done $0x0  }
0xa2: {  	[sflag:s5] =	ssyncadd.s32 $0xFFFFFCE0  }
0xa3: {  	_ =	swait.ge [sflag:s5], $0x320  }
0xa4: {  	[sflag:s5] =	ssyncset.done $0x0  }
0xa5: {  	[sflag:s5] =	ssyncadd.s32 $0xFFFFFCE0  }
0xa6: {  	_ =	swait.ge [sflag:s5], $0x320  }
0xa7: {  	[sflag:s5] =	ssyncset.done $0x0  }
0xa8: {  	[sflag:s5] =	ssyncadd.s32 $0xFFFFFCE0  }
0xa9: {  	_ =	swait.ge [sflag:s5], $0x320  }
0xaa: {  	[sflag:s5] =	ssyncset.done $0x0  }
0xab: {  	[sflag:s5] =	ssyncadd.s32 $0xFFFFFCE0  }
0xac: {  	_ =	swait.ge [sflag:s5], $0x320  }
0xad: {  	[sflag:s5] =	ssyncset.done $0x0  }
0xae: {  	[sflag:s5] =	ssyncadd.s32 $0xFFFFFCE0  }
0xaf: {  	_ =	swait.ge [sflag:s5], $0x320  }
0xb0: {  	[sflag:s5] =	ssyncset.done $0x0  }
0xb1: {  	[sflag:s5] =	ssyncadd.s32 $0xFFFFFCE0  }
0xb2: {  	_ =	swait.ge [sflag:s5], $0x320  }
0xb3: {  	p0 =	seq.s32 s14, $0x0;
	[sflag:s5] =	ssyncset.done $0x0  }
0xb4: {  	s18 =	simm.s32 @!p0 $0x4;
	[sflag:s5] =	ssyncadd.s32 $0xFFFFFCE0  }
0xb5: {  	_ =	swait.ge @!p0 [sflag:s18], $0x3E80  }
0xb6: {  	[sflag:s18] =	ssyncset.done @!p0 $0x0  }
0xb7: {  	[sflag:s18] =	ssyncadd.s32 @!p0 $0xFFFFC180;
	s18 =	simm.s32 $0x5140  }
0xb8: {  	s19 =	simm.s32 $0x0;
	s20 =	simm.s32 $0x200;
	v0 =	vld [tilespmem:s18+$0xFFFFE0C0]  }
.LBB2_3:
0xb9: {  	p1 =	sne.s32 s20, $0xF800;
	_ =	sdelay $0x2  }
0xba: {  	s21 =	sshra.s32 s19, $0x2;
	s19 =	smov.u32 s20  }
0xbb: {  	[tilespmem:s21+$0xAF00] =	vst v0  }
0xbc: {  	v0 =	vld [tilespmem:s18+$0xFFFFE0D0];
	_ =	sdelay $0x4  }
0xbd: {  	[tilespmem:s21+$0xAF10] =	vst v0  }
0xbe: {  	v0 =	vld [tilespmem:s18+$0xFFFFF060];
	_ =	sdelay $0x4  }
0xbf: {  	[tilespmem:s21+$0xAF20] =	vst v0  }
0xc0: {  	v0 =	vld [tilespmem:s18+$0xFFFFF070];
	_ =	sdelay $0x4  }
0xc1: {  	[tilespmem:s21+$0xAF30] =	vst v0  }
0xc2: {  	v0 =	vld [tilespmem:s18+$0x0];
	_ =	sdelay $0x4  }
0xc3: {  	[tilespmem:s21+$0xAF40] =	vst v0  }
0xc4: {  	v0 =	vld [tilespmem:s18+$0x10];
	_ =	sdelay $0x4  }
0xc5: {  	[tilespmem:s21+$0xAF50] =	vst v0  }
0xc6: {  	v0 =	vld [tilespmem:s18+$0xFA0];
	_ =	sdelay $0x4  }
0xc7: {  	[tilespmem:s21+$0xAF60] =	vst v0  }
0xc8: {  	v0 =	vld [tilespmem:s18+$0xFB0];
	_ =	sdelay $0x1  }
.Ltmp0:
0xc9: {  	(pc) =	sbr.rel @p1 .LBB2_3-.Ltmp0, $3  }
0xca: {  	_ =	sdelay $0x1  }
0xcb: {  	s18 =	sadd.s32 $0x20, s18;
	[tilespmem:s21+$0xAF70] =	vst v0  }
0xcc: {  	s20 =	sadd.s32 $0x200, s20;
	v0 =	vld [tilespmem:s18+$0xFFFFE0C0]  }
0xcd: {  	_ =	sdelay $0x2  }
0xce: {  	s19 =	sshra.s32 s19, $0x2  }
0xcf: {  	[tilespmem:s19+$0xAF00] =	vst v0  }
0xd0: {  	v0 =	vld [tilespmem:s18+$0xFFFFE0D0];
	_ =	sdelay $0x4  }
0xd1: {  	[tilespmem:s19+$0xAF10] =	vst v0  }
0xd2: {  	v0 =	vld [tilespmem:s18+$0xFFFFF060];
	_ =	sdelay $0x4  }
0xd3: {  	[tilespmem:s19+$0xAF20] =	vst v0  }
0xd4: {  	v0 =	vld [tilespmem:s18+$0xFFFFF070];
	_ =	sdelay $0x4  }
0xd5: {  	[tilespmem:s19+$0xAF30] =	vst v0  }
0xd6: {  	v0 =	vld [tilespmem:s18+$0x0];
	_ =	sdelay $0x4  }
0xd7: {  	[tilespmem:s19+$0xAF40] =	vst v0  }
0xd8: {  	v0 =	vld [tilespmem:s18+$0x10];
	_ =	sdelay $0x4  }
0xd9: {  	[tilespmem:s19+$0xAF50] =	vst v0  }
0xda: {  	v0 =	vld [tilespmem:s18+$0xFA0];
	_ =	sdelay $0x4  }
0xdb: {  	[tilespmem:s19+$0xAF60] =	vst v0  }
0xdc: {  	v0 =	vld [tilespmem:s18+$0xFB0]  }
0xdd: {  	s21 =	smul.u32 $0xFA, s14;
	_ =	sdelay $0x1  }
0xde: {  	s18 =	sadd.s32 s9, s21  }
0xdf: {  	p1 =	seq.s32 s14, $0x9;
	s18 =	sshll.u32 s18, $0x4  }
0xe0: {  	s18 =	sadd.s32 s4, s18;
	[tilespmem:s19+$0xAF70] =	vst v0;
	s19 =	smul.u32 @!p1 $0x500, s14  }
0xe1: {  	[hbm4b:s18+s2] =	stream.linear.scatter [tilespmem:s6], [sflag:$0x4], $0x3E80, $0x38;
	[tilespmem:$0x12C00] =	vst v63  }
0xe2: {  	s18 =	sshra.s32 @!p1 s19, $0x2  }
0xe3: {  	s20 =	simm.s32 @!p1 $0x19;
	s21 =	simm.s32 @!p1 $0x3200;
	s19 =	sadd.s32 @!p1 $0x140, s18  }
0xe4: {  	[tilespmem:s21], [sflag:$0x2] =	stream.indirect.gather @!p1 [hbm4b:s3+s20], $0x20, s19, s20, $0xb8;
	[tilespmem:$0x12C00] =	vst v63  }
0xe5: {  	s19 =	sadd.s32 @!p1 $0x160, s18;
	s21 =	simm.s32 @!p1 $0x3520  }
0xe6: {  	[tilespmem:s21], [sflag:$0x2] =	stream.indirect.gather @!p1 [hbm4b:s3+s20], $0x20, s19, s20, $0xb8;
	[tilespmem:$0x12C00] =	vst v63  }
0xe7: {  	s19 =	sadd.s32 @!p1 $0x180, s18;
	s21 =	simm.s32 @!p1 $0x3840  }
0xe8: {  	[tilespmem:s21], [sflag:$0x2] =	stream.indirect.gather @!p1 [hbm4b:s3+s20], $0x20, s19, s20, $0xb8;
	[tilespmem:$0x12C00] =	vst v63  }
0xe9: {  	s19 =	sadd.s32 @!p1 $0x1A0, s18;
	s21 =	simm.s32 @!p1 $0x3B60  }
0xea: {  	[tilespmem:s21], [sflag:$0x2] =	stream.indirect.gather @!p1 [hbm4b:s3+s20], $0x20, s19, s20, $0xb8;
	[tilespmem:$0x12C00] =	vst v63  }
0xeb: {  	s19 =	sadd.s32 @!p1 $0x1C0, s18;
	s21 =	simm.s32 @!p1 $0x3E80  }
0xec: {  	[tilespmem:s21], [sflag:$0x2] =	stream.indirect.gather @!p1 [hbm4b:s3+s20], $0x20, s19, s20, $0xb8;
	[tilespmem:$0x12C00] =	vst v63  }
0xed: {  	s19 =	sadd.s32 @!p1 $0xDC0, s18;
	s21 =	simm.s32 @!p1 $0x41A0  }
0xee: {  	[tilespmem:s21], [sflag:$0x2] =	stream.indirect.gather @!p1 [hbm4b:s3+s20], $0x20, s19, s20, $0xb8;
	[tilespmem:$0x12C00] =	vst v63  }
0xef: {  	s19 =	sadd.s32 @!p1 $0xDE0, s18;
	s21 =	simm.s32 @!p1 $0x44C0  }
0xf0: {  	[tilespmem:s21], [sflag:$0x2] =	stream.indirect.gather @!p1 [hbm4b:s3+s20], $0x20, s19, s20, $0xb8;
	[tilespmem:$0x12C00] =	vst v63  }
0xf1: {  	s19 =	sadd.s32 @!p1 $0xE00, s18;
	s21 =	simm.s32 @!p1 $0x47E0  }
0xf2: {  	[tilespmem:s21], [sflag:$0x2] =	stream.indirect.gather @!p1 [hbm4b:s3+s20], $0x20, s19, s20, $0xb8;
	[tilespmem:$0x12C00] =	vst v63  }
0xf3: {  	s19 =	sadd.s32 @!p1 $0xE20, s18;
	s21 =	simm.s32 @!p1 $0x4B00  }
0xf4: {  	[tilespmem:s21], [sflag:$0x2] =	stream.indirect.gather @!p1 [hbm4b:s3+s20], $0x20, s19, s20, $0xb8;
	[tilespmem:$0x12C00] =	vst v63  }
0xf5: {  	s19 =	sadd.s32 @!p1 $0xE40, s18;
	s21 =	simm.s32 @!p1 $0x4E20  }
0xf6: {  	[tilespmem:s21], [sflag:$0x2] =	stream.indirect.gather @!p1 [hbm4b:s3+s20], $0x20, s19, s20, $0xb8;
	[tilespmem:$0x12C00] =	vst v63  }
0xf7: {  	s19 =	sadd.s32 @!p1 $0x1A40, s18;
	s21 =	simm.s32 @!p1 $0x5140  }
0xf8: {  	[tilespmem:s21], [sflag:$0x2] =	stream.indirect.gather @!p1 [hbm4b:s3+s20], $0x20, s19, s20, $0xb8;
	[tilespmem:$0x12C00] =	vst v63  }
0xf9: {  	s19 =	sadd.s32 @!p1 $0x1A60, s18;
	s21 =	simm.s32 @!p1 $0x5460  }
0xfa: {  	[tilespmem:s21], [sflag:$0x2] =	stream.indirect.gather @!p1 [hbm4b:s3+s20], $0x20, s19, s20, $0xb8;
	[tilespmem:$0x12C00] =	vst v63  }
0xfb: {  	s19 =	sadd.s32 @!p1 $0x1A80, s18;
	s21 =	simm.s32 @!p1 $0x5780  }
0xfc: {  	[tilespmem:s21], [sflag:$0x2] =	stream.indirect.gather @!p1 [hbm4b:s3+s20], $0x20, s19, s20, $0xb8;
	[tilespmem:$0x12C00] =	vst v63  }
0xfd: {  	s19 =	sadd.s32 @!p1 $0x1AA0, s18;
	s21 =	simm.s32 @!p1 $0x5AA0  }
0xfe: {  	[tilespmem:s21], [sflag:$0x2] =	stream.indirect.gather @!p1 [hbm4b:s3+s20], $0x20, s19, s20, $0xb8;
	[tilespmem:$0x12C00] =	vst v63  }
0xff: {  	s19 =	sadd.s32 @!p1 $0x1AC0, s18;
	s21 =	simm.s32 @!p1 $0x5DC0  }
0x100: {  	[tilespmem:s21], [sflag:$0x2] =	stream.indirect.gather @!p1 [hbm4b:s3+s20], $0x20, s19, s20, $0xb8;
	[tilespmem:$0x12C00] =	vst v63  }
0x101: {  	s19 =	sadd.s32 @!p1 $0x26C0, s18;
	s21 =	simm.s32 @!p1 $0x60E0  }
0x102: {  	[tilespmem:s21], [sflag:$0x2] =	stream.indirect.gather @!p1 [hbm4b:s3+s20], $0x20, s19, s20, $0xb8;
	[tilespmem:$0x12C00] =	vst v63  }
0x103: {  	s19 =	sadd.s32 @!p1 $0x26E0, s18;
	s21 =	simm.s32 @!p1 $0x6400  }
0x104: {  	[tilespmem:s21], [sflag:$0x2] =	stream.indirect.gather @!p1 [hbm4b:s3+s20], $0x20, s19, s20, $0xb8;
	[tilespmem:$0x12C00] =	vst v63  }
0x105: {  	s19 =	sadd.s32 @!p1 $0x2700, s18;
	s21 =	simm.s32 @!p1 $0x6720  }
0x106: {  	[tilespmem:s21], [sflag:$0x2] =	stream.indirect.gather @!p1 [hbm4b:s3+s20], $0x20, s19, s20, $0xb8;
	[tilespmem:$0x12C00] =	vst v63  }
0x107: {  	s19 =	sadd.s32 @!p1 $0x2720, s18;
	s21 =	simm.s32 @!p1 $0x6A40  }
0x108: {  	[tilespmem:s21], [sflag:$0x2] =	stream.indirect.gather @!p1 [hbm4b:s3+s20], $0x20, s19, s20, $0xb8;
	[tilespmem:$0x12C00] =	vst v63  }
0x109: {  	s18 =	sadd.s32 @!p1 $0x2740, s18;
	s19 =	simm.s32 @!p1 $0x6D60  }
0x10a: {  	[tilespmem:s19], [sflag:$0x2] =	stream.indirect.gather @!p1 [hbm4b:s3+s20], $0x20, s18, s20, $0xb8;
	[tilespmem:$0x12C00] =	vst v63  }
0x10b: {  	_ =	swait.ge [sflag:s7], $0x320  }
0x10c: {  	[sflag:s7] =	ssyncset.done $0x0  }
0x10d: {  	[sflag:s7] =	ssyncadd.s32 $0xFFFFFCE0  }
0x10e: {  	_ =	swait.ge [sflag:s7], $0x320  }
0x10f: {  	[sflag:s7] =	ssyncset.done $0x0  }
0x110: {  	[sflag:s7] =	ssyncadd.s32 $0xFFFFFCE0  }
0x111: {  	_ =	swait.ge [sflag:s7], $0x320  }
0x112: {  	[sflag:s7] =	ssyncset.done $0x0  }
0x113: {  	[sflag:s7] =	ssyncadd.s32 $0xFFFFFCE0  }
0x114: {  	_ =	swait.ge [sflag:s7], $0x320  }
0x115: {  	[sflag:s7] =	ssyncset.done $0x0  }
0x116: {  	[sflag:s7] =	ssyncadd.s32 $0xFFFFFCE0  }
0x117: {  	_ =	swait.ge [sflag:s7], $0x320  }
0x118: {  	[sflag:s7] =	ssyncset.done $0x0  }
0x119: {  	[sflag:s7] =	ssyncadd.s32 $0xFFFFFCE0  }
0x11a: {  	_ =	swait.ge [sflag:s7], $0x320  }
0x11b: {  	[sflag:s7] =	ssyncset.done $0x0  }
0x11c: {  	[sflag:s7] =	ssyncadd.s32 $0xFFFFFCE0  }
0x11d: {  	_ =	swait.ge [sflag:s7], $0x320  }
0x11e: {  	[sflag:s7] =	ssyncset.done $0x0  }
0x11f: {  	[sflag:s7] =	ssyncadd.s32 $0xFFFFFCE0  }
0x120: {  	_ =	swait.ge [sflag:s7], $0x320  }
0x121: {  	[sflag:s7] =	ssyncset.done $0x0  }
0x122: {  	[sflag:s7] =	ssyncadd.s32 $0xFFFFFCE0  }
0x123: {  	_ =	swait.ge [sflag:s7], $0x320  }
0x124: {  	[sflag:s7] =	ssyncset.done $0x0  }
0x125: {  	[sflag:s7] =	ssyncadd.s32 $0xFFFFFCE0  }
0x126: {  	_ =	swait.ge [sflag:s7], $0x320  }
0x127: {  	[sflag:s7] =	ssyncset.done $0x0  }
0x128: {  	[sflag:s7] =	ssyncadd.s32 $0xFFFFFCE0  }
0x129: {  	_ =	swait.ge [sflag:s7], $0x320  }
0x12a: {  	[sflag:s7] =	ssyncset.done $0x0  }
0x12b: {  	[sflag:s7] =	ssyncadd.s32 $0xFFFFFCE0  }
0x12c: {  	_ =	swait.ge [sflag:s7], $0x320  }
0x12d: {  	[sflag:s7] =	ssyncset.done $0x0  }
0x12e: {  	[sflag:s7] =	ssyncadd.s32 $0xFFFFFCE0  }
0x12f: {  	_ =	swait.ge [sflag:s7], $0x320  }
0x130: {  	[sflag:s7] =	ssyncset.done $0x0  }
0x131: {  	[sflag:s7] =	ssyncadd.s32 $0xFFFFFCE0  }
0x132: {  	_ =	swait.ge [sflag:s7], $0x320  }
0x133: {  	[sflag:s7] =	ssyncset.done $0x0  }
0x134: {  	[sflag:s7] =	ssyncadd.s32 $0xFFFFFCE0  }
0x135: {  	_ =	swait.ge [sflag:s7], $0x320  }
0x136: {  	[sflag:s7] =	ssyncset.done $0x0  }
0x137: {  	[sflag:s7] =	ssyncadd.s32 $0xFFFFFCE0  }
0x138: {  	_ =	swait.ge [sflag:s7], $0x320  }
0x139: {  	[sflag:s7] =	ssyncset.done $0x0  }
0x13a: {  	[sflag:s7] =	ssyncadd.s32 $0xFFFFFCE0  }
0x13b: {  	_ =	swait.ge [sflag:s7], $0x320  }
0x13c: {  	[sflag:s7] =	ssyncset.done $0x0  }
0x13d: {  	[sflag:s7] =	ssyncadd.s32 $0xFFFFFCE0  }
0x13e: {  	_ =	swait.ge [sflag:s7], $0x320  }
0x13f: {  	[sflag:s7] =	ssyncset.done $0x0  }
0x140: {  	[sflag:s7] =	ssyncadd.s32 $0xFFFFFCE0  }
0x141: {  	_ =	swait.ge [sflag:s7], $0x320  }
0x142: {  	[sflag:s7] =	ssyncset.done $0x0  }
0x143: {  	[sflag:s7] =	ssyncadd.s32 $0xFFFFFCE0  }
0x144: {  	_ =	swait.ge [sflag:s7], $0x320  }
0x145: {  	[sflag:s7] =	ssyncset.done $0x0  }
0x146: {  	s18 =	simm.s32 @!p0 $0x5;
	[sflag:s7] =	ssyncadd.s32 $0xFFFFFCE0  }
0x147: {  	_ =	swait.ge @!p0 [sflag:s18], $0x3E80  }
0x148: {  	[sflag:s18] =	ssyncset.done @!p0 $0x0  }
0x149: {  	[sflag:s18] =	ssyncadd.s32 @!p0 $0xFFFFC180;
	s18 =	simm.s32 $0x8FC0  }
0x14a: {  	s19 =	simm.s32 $0x0;
	s20 =	simm.s32 $0x200;
	v0 =	vld [tilespmem:s18+$0xFFFFE0C0]  }
.LBB2_5:
0x14b: {  	p0 =	sne.s32 s20, $0xF800;
	_ =	sdelay $0x2  }
0x14c: {  	s21 =	sshra.s32 s19, $0x2;
	s19 =	smov.u32 s20  }
0x14d: {  	[tilespmem:s21+$0xED80] =	vst v0  }
0x14e: {  	v0 =	vld [tilespmem:s18+$0xFFFFE0D0];
	_ =	sdelay $0x4  }
0x14f: {  	[tilespmem:s21+$0xED90] =	vst v0  }
0x150: {  	v0 =	vld [tilespmem:s18+$0xFFFFF060];
	_ =	sdelay $0x4  }
0x151: {  	[tilespmem:s21+$0xEDA0] =	vst v0  }
0x152: {  	v0 =	vld [tilespmem:s18+$0xFFFFF070];
	_ =	sdelay $0x4  }
0x153: {  	[tilespmem:s21+$0xEDB0] =	vst v0  }
0x154: {  	v0 =	vld [tilespmem:s18+$0x0];
	_ =	sdelay $0x4  }
0x155: {  	[tilespmem:s21+$0xEDC0] =	vst v0  }
0x156: {  	v0 =	vld [tilespmem:s18+$0x10];
	_ =	sdelay $0x4  }
0x157: {  	[tilespmem:s21+$0xEDD0] =	vst v0  }
0x158: {  	v0 =	vld [tilespmem:s18+$0xFA0];
	_ =	sdelay $0x4  }
0x159: {  	[tilespmem:s21+$0xEDE0] =	vst v0  }
0x15a: {  	v0 =	vld [tilespmem:s18+$0xFB0];
	_ =	sdelay $0x1  }
.Ltmp1:
0x15b: {  	(pc) =	sbr.rel @p0 .LBB2_5-.Ltmp1, $3  }
0x15c: {  	_ =	sdelay $0x1  }
0x15d: {  	s18 =	sadd.s32 $0x20, s18;
	[tilespmem:s21+$0xEDF0] =	vst v0  }
0x15e: {  	s20 =	sadd.s32 $0x200, s20;
	v0 =	vld [tilespmem:s18+$0xFFFFE0C0]  }
0x15f: {  	_ =	sdelay $0x2  }
0x160: {  	s19 =	sshra.s32 s19, $0x2  }
0x161: {  	[tilespmem:s19+$0xED80] =	vst v0  }
0x162: {  	v0 =	vld [tilespmem:s18+$0xFFFFE0D0];
	_ =	sdelay $0x4  }
0x163: {  	[tilespmem:s19+$0xED90] =	vst v0  }
0x164: {  	v0 =	vld [tilespmem:s18+$0xFFFFF060];
	_ =	sdelay $0x4  }
0x165: {  	[tilespmem:s19+$0xEDA0] =	vst v0  }
0x166: {  	v0 =	vld [tilespmem:s18+$0xFFFFF070];
	_ =	sdelay $0x4  }
0x167: {  	[tilespmem:s19+$0xEDB0] =	vst v0  }
0x168: {  	v0 =	vld [tilespmem:s18+$0x0];
	_ =	sdelay $0x4  }
0x169: {  	[tilespmem:s19+$0xEDC0] =	vst v0  }
0x16a: {  	v0 =	vld [tilespmem:s18+$0x10];
	_ =	sdelay $0x4  }
0x16b: {  	[tilespmem:s19+$0xEDD0] =	vst v0  }
0x16c: {  	v0 =	vld [tilespmem:s18+$0xFA0];
	_ =	sdelay $0x4  }
0x16d: {  	[tilespmem:s19+$0xEDE0] =	vst v0  }
0x16e: {  	s10 =	smul.u32 $0x7D, s10;
	s14 =	sadd.s32 $0x1, s14;
	v0 =	vld [tilespmem:s18+$0xFB0]  }
0x16f: {  	p0 =	sne.s32 s14, $0xA  }
.Ltmp2:
0x170: {  	s10 =	sadd.s32 s9, s10;
	(pc) =	sbr.rel @p0 .LBB2_2-.Ltmp2, $4  }
0x171: {  	s10 =	sshll.u32 s10, $0x4  }
0x172: {  	s10 =	sand.u32 $0x1FFFFFF0, s10  }
0x173: {  	s10 =	sadd.s32 s4, s10;
	[tilespmem:s19+$0xEDF0] =	vst v0  }
0x174: {  	[hbm4b:s10+s2] =	stream.linear.scatter [tilespmem:s8], [sflag:$0x5], $0x3E80, $0x38;
	[tilespmem:$0x12C00] =	vst v63  }
0x175: {  	s10 =	simm.s32 $0x4  }
0x176: {  	_ =	swait.ge [sflag:s10], $0x3E80  }
0x177: {  	[sflag:s10] =	ssyncset.done $0x0  }
0x178: {  	s14 =	simm.s32 $0x5;
	[sflag:s10] =	ssyncadd.s32 $0xFFFFC180  }
0x179: {  	_ =	swait.ge [sflag:s14], $0x3E80  }
0x17a: {  	s18 =	rddreg [dreg:$0x8]  }
0x17b: {  	s21 =	rddreg [dreg:$0x7];
	s18 =	sadd.s32 $0x1, s18  }
0x17c: {  	p0 =	sne.s32 s18, s21  }
.Ltmp3:
0x17d: {  	_ = 	snop;
	(pc) =	sbr.rel @p0 .LBB2_1-.Ltmp3, $3  }
0x17e: {  	_ =	sdelay $0x1  }
0x17f: {  	[sflag:s14] =	ssyncset.done $0x0  }
0x180: {  	[sflag:s14] =	ssyncadd.s32 $0xFFFFC180  }
0x181: {  	_ =	sfence.sel $0x180000  }
0x182: {  	[bflag:$0x0] =	sbarrier.arrive $0xFFFF  }
0x183: {  	_ =	strace $0x90000047  }
0x184: {  	s0 =	stileid.u32;
	[bflag:$0x2] =	sbarrier.arrive $0xFFFF  }
0x185: {  	p0 =	sne.s32 s0, $0x0;
	s0 =	rddreg [dreg:$0x2]  }
0x186: {  	s0 =	sadd.s32 @!p0 $0x100000, s0  }
0x187: {  	[sflag:s0] =	ssyncadd.tile.s32 @!p0 $0x1;
	_ =	shalt  }
.Lfunc_end2:
_tile_overlayer_lowered:
.L_overlay_start_2:
0x188: {  	(tag) =	ssettag $0x2  }
0x189: {  	s0 =	rddreg [dreg:$0x0];
	s2 =	stileid.u32  }
0x18a: {  	s1 =	rddreg [dreg:$0x1];
	p0 =	sne.s32 s2, $0x0  }
0x18b: {  	s3 =	rddreg [dreg:$0x2];
	[bflag:$0x3] =	sbarrier.arrive $0xFFFF;
	s2 =	simm.s32 @!p0 $0x1C06  }
0x18c: {  	[timem:s3], [sflag:s2] =	dma.local @!p0 [hbm:s0], s1  }
0x18d: {  	s0 =	simm.s32 @!p0 $0x6  }
0x18e: {  	_ =	swait.ge @!p0 [sflag:s0], s1  }
0x18f: {  	s1 =	ssub.s32 @!p0 $0x0, s1;
	[sflag:s0] =	ssyncset.done @!p0 $0x0  }
0x190: {  	[sflag:s0] =	ssyncadd.s32 @!p0 s1  }
0x191: {  	[bflag:$0x3] =	sbarrier.arrive $0xFFFF  }
0x192: {  	_ =	shalt  }

</sc_bundles>
